<compile_context>
chip_gen: v7x
topology: tpu7x:2x2x1
jax: 0.10.2.dev20260603
libtpu: 0.0.44.dev20260713+nightly
codegen_flags: <defaults>
</compile_context>

<pallas_src>
import functools

import jax
import jax.numpy as jnp
from jax import lax
from jax.experimental import pallas as pl
from jax.experimental.pallas import tpu as pltpu
from jax.experimental.pallas import tpu_sc as plsc

NN = 10000
EE = 320000
NH = 8
HD = 16
FW = NH * HD
RB = 1000
NGB = NN // RB
NC = 2
NS = 16
WB = 32
WB2 = 128
EPC = EE // NC
NWIN = EPC // WB
NWIN2 = EPC // WB2
NNP = 10240
RPT = NNP // NS
NSL = NNP // 8
SPT = NSL // NS

_HIGHEST = lax.Precision.HIGHEST


def _tc1_body(x_ref, w1_ref, alrow_ref, arrow_ref, z_ref, meta_ref, gmax_ref):
    pid = pl.program_id(0)
    zb = jnp.dot(x_ref[...], w1_ref[...], preferred_element_type=jnp.float32,
                 precision=_HIGHEST)
    z_ref[...] = zb
    d_i = lax.broadcasted_iota(jnp.int32, (FW, 16), 0)
    j_i = lax.broadcasted_iota(jnp.int32, (FW, 16), 1)
    s0 = ((d_i // HD) == j_i).astype(jnp.float32)
    s1 = ((d_i // HD) == (j_i - NH)).astype(jnp.float32)
    meta = (jnp.dot(zb * alrow_ref[...], s0, preferred_element_type=jnp.float32,
                    precision=_HIGHEST)
            + jnp.dot(zb * arrow_ref[...], s1, preferred_element_type=jnp.float32,
                      precision=_HIGHEST))
    meta_ref[...] = meta
    bm = jnp.max(meta, axis=0, keepdims=True)

    @pl.when(pid == 0)
    def _():
        gmax_ref[...] = bm

    @pl.when(pid != 0)
    def _():
        gmax_ref[...] = jnp.maximum(gmax_ref[...], bm)


def _tc_dense1(x, w1, alrow, arrow):
    return pl.pallas_call(
        _tc1_body,
        grid=(NGB,),
        in_specs=[
            pl.BlockSpec((RB, FW), lambda i: (i, 0)),
            pl.BlockSpec((FW, FW), lambda i: (0, 0)),
            pl.BlockSpec((1, FW), lambda i: (0, 0)),
            pl.BlockSpec((1, FW), lambda i: (0, 0)),
        ],
        out_specs=[
            pl.BlockSpec((RB, FW), lambda i: (i, 0)),
            pl.BlockSpec((RB, 16), lambda i: (i, 0)),
            pl.BlockSpec((1, 16), lambda i: (0, 0)),
        ],
        out_shape=[
            jax.ShapeDtypeStruct((NN, FW), jnp.float32),
            jax.ShapeDtypeStruct((NNP, 16), jnp.float32),
            jax.ShapeDtypeStruct((1, 16), jnp.float32),
        ],
    )(x, w1, alrow, arrow)


def _sc_layer1_body(z_hbm, mslot_hbm, gm8_hbm, src_hbm, dst_hbm,
                    outp_hbm, denp_hbm,
                    outacc, denslot, idxs_v, idxd_v, idxs8_v, idxd8_v,
                    zwin, mswin, mdwin, exslot, contrib, gmb,
                    sem0, sem1, sem2):
    c = lax.axis_index("c")
    s = lax.axis_index("s")
    zv16 = jnp.zeros((16,), jnp.float32)
    lane = lax.iota(jnp.int32, 16)
    perm = (lane + 8) % 16
    msk8 = lane < NH

    def _zw(i, _):
        for k in range(FW // 16):
            exslot[i, pl.ds(k * 16, 16)] = zv16
        return 0
    lax.fori_loop(0, WB, _zw, 0)

    rowbase = s * RPT
    for k in range(RPT // WB):
        pltpu.sync_copy(exslot, outacc.at[pl.ds(rowbase + k * WB, WB)])
    slotbase = s * SPT
    for k in range(SPT // 16):
        pltpu.sync_copy(exslot.at[pl.ds(0, 16)],
                        denslot.at[pl.ds(slotbase + k * 16, 16)])

    pltpu.sync_copy(gm8_hbm, gmb)
    gvec = gmb[0, pl.ds(0, 16)]

    plsc.subcore_barrier()

    ebase = c * EPC

    def window_body(j, _):
        base = ebase + (s + j * NS) * WB
        pltpu.sync_copy(src_hbm.at[pl.ds(base, WB)], idxs_v)
        pltpu.sync_copy(dst_hbm.at[pl.ds(base, WB)], idxd_v)
        for g in range(WB // 16):
            sv = idxs_v[pl.ds(g * 16, 16)]
            dv = idxd_v[pl.ds(g * 16, 16)]
            idxs8_v[pl.ds(g * 16, 16)] = sv >> 3
            idxd8_v[pl.ds(g * 16, 16)] = dv >> 3
        cp1 = pltpu.async_copy(z_hbm.at[idxs_v], zwin, sem0)
        cp2 = pltpu.async_copy(mslot_hbm.at[idxs8_v], mswin, sem1)
        cp3 = pltpu.async_copy(mslot_hbm.at[idxd8_v], mdwin, sem2)
        cp1.wait()
        cp2.wait()
        cp3.wait()

        for g in range(WB // 16):
            soffv = (idxs_v[pl.ds(g * 16, 16)] & 7) * 16
            doffv = (idxd_v[pl.ds(g * 16, 16)] & 7) * 16

            def edge_body(i, _):
                row = jnp.full((16,), g * 16, jnp.int32) + i
                isel = jnp.full((16,), i, jnp.int32)
                so = jnp.take_along_axis(soffv, isel, axis=0,
                                         mode="promise_in_bounds")
                do = jnp.take_along_axis(doffv, isel, axis=0,
                                         mode="promise_in_bounds")
                ms = plsc.load_gather(mswin, [row, so + lane])
                md = plsc.load_gather(mdwin, [row, do + lane])
                mdp = jnp.take_along_axis(md, perm, axis=0,
                                          mode="promise_in_bounds")
                t = ms + mdp
                u = jnp.where(t >= 0.0, t, 0.2 * t)
                craw = gvec + mdp
                cl = jnp.where(craw >= 0.0, craw, 0.2 * craw)
                ex = jnp.where(msk8, jnp.exp(u - cl), 0.0)
                plsc.store_scatter(exslot, [row, do + lane], ex)
                ri = g * 16 + i
                for h in range(NH):
                    hsel = jnp.full((16,), h, jnp.int32)
                    exs = jnp.take_along_axis(ex, hsel, axis=0,
                                              mode="promise_in_bounds")
                    contrib[ri, pl.ds(h * HD, HD)] = (
                        exs * zwin[ri, pl.ds(h * HD, HD)])
                return 0

            lax.fori_loop(0, 16, edge_body, 0)

        pltpu.sync_copy(contrib, outacc.at[idxd_v], add=True)
        pltpu.sync_copy(exslot, denslot.at[idxd8_v], add=True)

        for g in range(WB // 16):
            doffv = (idxd_v[pl.ds(g * 16, 16)] & 7) * 16

            def zero_body(i, _):
                row = jnp.full((16,), g * 16, jnp.int32) + i
                isel = jnp.full((16,), i, jnp.int32)
                do = jnp.take_along_axis(doffv, isel, axis=0,
                                         mode="promise_in_bounds")
                plsc.store_scatter(exslot, [row, do + lane], zv16)
                return 0

            lax.fori_loop(0, 16, zero_body, 0)
        return 0

    ntile = (NWIN - s + NS - 1) // NS
    lax.fori_loop(0, ntile, window_body, 0)

    plsc.subcore_barrier()

    def _dump(k, _):
        r = rowbase + k * WB
        pltpu.sync_copy(outacc.at[pl.ds(r, WB)], zwin)
        pltpu.sync_copy(zwin, outp_hbm.at[pl.ds(c * NNP + r, WB)])
        return 0
    lax.fori_loop(0, RPT // WB, _dump, 0)

    def _dump2(k, _):
        r = slotbase + k * 16
        pltpu.sync_copy(denslot.at[pl.ds(r, 16)], zwin.at[pl.ds(0, 16)])
        pltpu.sync_copy(zwin.at[pl.ds(0, 16)],
                        denp_hbm.at[pl.ds(c * NSL + r, 16)])
        return 0
    lax.fori_loop(0, SPT // 16, _dump2, 0)


def _tc2_body(o0_ref, o1_ref, d0_ref, d1_ref, b1_ref, w2row_ref, al2_ref,
              ar2_ref, meta2_ref, g2_ref):
    pid = pl.program_id(0)
    den16 = d0_ref[0] + d1_ref[0]
    j_i = lax.broadcasted_iota(jnp.int32, (16, FW), 0)
    l_i = lax.broadcasted_iota(jnp.int32, (16, FW), 1)
    tmat = ((l_i // HD) == j_i).astype(jnp.float32)
    den128 = jnp.dot(den16, tmat, preferred_element_type=jnp.float32,
                     precision=_HIGHEST)
    outun = o0_ref[0] + o1_ref[0]
    h = jnp.maximum(outun / (den128 + 1e-9) + b1_ref[...], 0.0)
    z2 = jnp.sum(h * w2row_ref[...], axis=1, keepdims=True)
    al2v = al2_ref[0, 0]
    ar2v = ar2_ref[0, 0]
    li = lax.broadcasted_iota(jnp.int32, (1, 16), 1)
    sel = jnp.where(li == 0, 1.0,
                    jnp.where(li == 1, al2v, jnp.where(li == 2, ar2v, 0.0)))
    meta2 = z2 * sel
    meta2_ref[...] = meta2
    bm = jnp.max(meta2, axis=0, keepdims=True)

    @pl.when(pid == 0)
    def _():
        g2_ref[...] = bm

    @pl.when(pid != 0)
    def _():
        g2_ref[...] = jnp.maximum(g2_ref[...], bm)


def _tc_dense2(outp3, denp3, b1row, w2row, al2m, ar2m):
    return pl.pallas_call(
        _tc2_body,
        grid=(NGB,),
        in_specs=[
            pl.BlockSpec((1, RB, FW), lambda i: (0, i, 0)),
            pl.BlockSpec((1, RB, FW), lambda i: (1, i, 0)),
            pl.BlockSpec((1, RB, 16), lambda i: (0, i, 0)),
            pl.BlockSpec((1, RB, 16), lambda i: (1, i, 0)),
            pl.BlockSpec((1, FW), lambda i: (0, 0)),
            pl.BlockSpec((1, FW), lambda i: (0, 0)),
            pl.BlockSpec((1, 1), lambda i: (0, 0)),
            pl.BlockSpec((1, 1), lambda i: (0, 0)),
        ],
        out_specs=[
            pl.BlockSpec((RB, 16), lambda i: (i, 0)),
            pl.BlockSpec((1, 16), lambda i: (0, 0)),
        ],
        out_shape=[
            jax.ShapeDtypeStruct((NNP, 16), jnp.float32),
            jax.ShapeDtypeStruct((1, 16), jnp.float32),
        ],
    )(outp3, outp3, denp3, denp3, b1row, w2row, al2m, ar2m)


def _sc_layer2_body(m2slot_hbm, g2m8_hbm, src_hbm, dst_hbm, acc2p_hbm,
                    acc2, idxs_v, idxd_v, idxs8_v, idxd8_v, m2s, m2d, ctr,
                    g2b, sem0, sem1):
    c = lax.axis_index("c")
    s = lax.axis_index("s")
    zv16 = jnp.zeros((16,), jnp.float32)
    lane = lax.iota(jnp.int32, 16)

    def _zc(i, _):
        for k in range(FW // 16):
            ctr[i, pl.ds(k * 16, 16)] = zv16
        return 0
    lax.fori_loop(0, WB2, _zc, 0)

    slotbase = s * SPT
    for k in range(SPT // 16):
        pltpu.sync_copy(ctr.at[pl.ds(0, 16)],
                        acc2.at[pl.ds(slotbase + k * 16, 16)])

    pltpu.sync_copy(g2m8_hbm, g2b)
    g2row = g2b[0, pl.ds(0, 16)]
    one = jnp.full((16,), 1, jnp.int32)
    g2s = jnp.take_along_axis(g2row, one, axis=0, mode="promise_in_bounds")

    plsc.subcore_barrier()

    ebase = c * EPC

    def window_body(j, _):
        base = ebase + (s + j * NS) * WB2
        pltpu.sync_copy(src_hbm.at[pl.ds(base, WB2)], idxs_v)
        pltpu.sync_copy(dst_hbm.at[pl.ds(base, WB2)], idxd_v)
        for g in range(WB2 // 16):
            sv = idxs_v[pl.ds(g * 16, 16)]
            dv = idxd_v[pl.ds(g * 16, 16)]
            idxs8_v[pl.ds(g * 16, 16)] = sv >> 3
            idxd8_v[pl.ds(g * 16, 16)] = dv >> 3
        cp1 = pltpu.async_copy(m2slot_hbm.at[idxs8_v], m2s, sem0)
        cp2 = pltpu.async_copy(m2slot_hbm.at[idxd8_v], m2d, sem1)
        cp1.wait()
        cp2.wait()

        for g in range(WB2 // 16):
            rows = lane + g * 16
            soff = (idxs_v[pl.ds(g * 16, 16)] & 7) * 16
            doff = (idxd_v[pl.ds(g * 16, 16)] & 7) * 16
            z2v = plsc.load_gather(m2s, [rows, soff])
            el2v = plsc.load_gather(m2s, [rows, soff + 1])
            er2v = plsc.load_gather(m2d, [rows, doff + 2])
            t = el2v + er2v
            u = jnp.where(t >= 0.0, t, 0.2 * t)
            craw = g2s + er2v
            cl = jnp.where(craw >= 0.0, craw, 0.2 * craw)
            ex = jnp.exp(u - cl)
            plsc.store_scatter(ctr, [rows, doff], ex * z2v)
            plsc.store_scatter(ctr, [rows, doff + 1], ex)

        pltpu.sync_copy(ctr, acc2.at[idxd8_v], add=True)

        for g in range(WB2 // 16):
            rows = lane + g * 16
            doff = (idxd_v[pl.ds(g * 16, 16)] & 7) * 16
            plsc.store_scatter(ctr, [rows, doff], zv16)
            plsc.store_scatter(ctr, [rows, doff + 1], zv16)
        return 0

    ntile = (NWIN2 - s + NS - 1) // NS
    lax.fori_loop(0, ntile, window_body, 0)

    plsc.subcore_barrier()

    def _dump(k, _):
        r = slotbase + k * 16
        pltpu.sync_copy(acc2.at[pl.ds(r, 16)], ctr.at[pl.ds(0, 16)])
        pltpu.sync_copy(ctr.at[pl.ds(0, 16)],
                        acc2p_hbm.at[pl.ds(c * NSL + r, 16)])
        return 0
    lax.fori_loop(0, SPT // 16, _dump, 0)


@functools.lru_cache(maxsize=1)
def _sc_kernels():
    mesh = plsc.VectorSubcoreMesh(core_axis_name="c", subcore_axis_name="s",
                                  num_cores=NC, num_subcores=NS)
    params = pltpu.CompilerParams(needs_layout_passes=False)
    sc1 = pl.kernel(
        _sc_layer1_body,
        out_type=[
            jax.ShapeDtypeStruct((NC * NNP, FW), jnp.float32),
            jax.ShapeDtypeStruct((NC * NSL, FW), jnp.float32),
        ],
        mesh=mesh,
        compiler_params=params,
        scratch_types=[
            pltpu.VMEM_SHARED((NNP, FW), jnp.float32),
            pltpu.VMEM_SHARED((NSL, FW), jnp.float32),
            pltpu.VMEM((WB,), jnp.int32),
            pltpu.VMEM((WB,), jnp.int32),
            pltpu.VMEM((WB,), jnp.int32),
            pltpu.VMEM((WB,), jnp.int32),
            pltpu.VMEM((WB, FW), jnp.float32),
            pltpu.VMEM((WB, FW), jnp.float32),
            pltpu.VMEM((WB, FW), jnp.float32),
            pltpu.VMEM((WB, FW), jnp.float32),
            pltpu.VMEM((WB, FW), jnp.float32),
            pltpu.VMEM((8, FW), jnp.float32),
            pltpu.SemaphoreType.DMA,
            pltpu.SemaphoreType.DMA,
            pltpu.SemaphoreType.DMA,
        ],
    )
    sc2 = pl.kernel(
        _sc_layer2_body,
        out_type=[jax.ShapeDtypeStruct((NC * NSL, FW), jnp.float32)],
        mesh=mesh,
        compiler_params=params,
        scratch_types=[
            pltpu.VMEM_SHARED((NSL, FW), jnp.float32),
            pltpu.VMEM((WB2,), jnp.int32),
            pltpu.VMEM((WB2,), jnp.int32),
            pltpu.VMEM((WB2,), jnp.int32),
            pltpu.VMEM((WB2,), jnp.int32),
            pltpu.VMEM((WB2, FW), jnp.float32),
            pltpu.VMEM((WB2, FW), jnp.float32),
            pltpu.VMEM((WB2, FW), jnp.float32),
            pltpu.VMEM((8, FW), jnp.float32),
            pltpu.SemaphoreType.DMA,
            pltpu.SemaphoreType.DMA,
        ],
    )
    return sc1, sc2


def _tc3_body(a0_ref, a1_ref, b2_ref, out_ref):
    li = lax.broadcasted_iota(jnp.int32, (1, 16), 1)
    m0 = (li == 0).astype(jnp.float32)
    m1 = (li == 1).astype(jnp.float32)
    a = a0_ref[0] + a1_ref[0]
    num = jnp.sum(a * m0, axis=1, keepdims=True)
    den = jnp.sum(a * m1, axis=1, keepdims=True)
    r = num / (den + 1e-9) + b2_ref[0, 0]
    out_ref[...] = jax.nn.sigmoid(r)


def _tc_final(acc2p3, b2m):
    return pl.pallas_call(
        _tc3_body,
        grid=(NGB,),
        in_specs=[
            pl.BlockSpec((1, RB, 16), lambda i: (0, i, 0)),
            pl.BlockSpec((1, RB, 16), lambda i: (1, i, 0)),
            pl.BlockSpec((1, 1), lambda i: (0, 0)),
        ],
        out_specs=pl.BlockSpec((RB, 1), lambda i: (i, 0)),
        out_shape=jax.ShapeDtypeStruct((NN, 1), jnp.float32),
    )(acc2p3, acc2p3, b2m)


def kernel(features, edge_index, edge_types, W1, al1, ar1, b1, W2, al2, ar2, b2):
    del edge_types
    src = edge_index[0]
    dst = edge_index[1]
    alrow = al1.reshape(1, FW)
    arrow = ar1.reshape(1, FW)
    sc1, sc2 = _sc_kernels()

    z, meta, gmax16 = _tc_dense1(features, W1, alrow, arrow)
    mslot = meta.reshape(NSL, FW)
    gm8 = jnp.zeros((8, FW), jnp.float32).at[0, :16].set(gmax16[0])
    outp, denp = sc1(z, mslot, gm8, src, dst)

    meta2, g2 = _tc_dense2(outp.reshape(NC, NNP, FW),
                           denp.reshape(NC, NNP, 16),
                           b1.reshape(1, FW), W2.reshape(1, FW),
                           al2.reshape(1, 1), ar2.reshape(1, 1))
    m2slot = meta2.reshape(NSL, FW)
    g2m8 = jnp.zeros((8, FW), jnp.float32).at[0, :16].set(g2[0])
    (acc2p,) = sc2(m2slot, g2m8, src, dst)

    return _tc_final(acc2p.reshape(NC, NNP, 16), b2.reshape(1, 1))

# --- scband reference (transcript-rebuilt; emitter-appended) ---
"""Pipeline reference for scband-gatmodel-13804024889626 (READ-ONLY COPY).

The authoritative reference and input builder live on the scoring server;
editing this copy changes nothing except your own understanding.
"""

import jax, jax.numpy as jnp
import numpy as np

N = 10000
E = 320000
IN = 128
H1 = 8
D1 = 16
HID = H1 * D1  # 128


def gat_layer(x, edge_index, W, al, ar, b, H, D):
    n = x.shape[0]
    src = edge_index[0]
    dst = edge_index[1]
    z = (x @ W).reshape(n, H, D)
    el = jnp.sum(z * al, axis=-1)  # [N, H]
    er = jnp.sum(z * ar, axis=-1)  # [N, H]
    e = jax.nn.leaky_relu(el[src] + er[dst], negative_slope=0.2)  # [E, H]
    emax = jax.ops.segment_max(e, dst, num_segments=n)
    emax = jnp.where(jnp.isfinite(emax), emax, 0.0)
    ex = jnp.exp(e - jax.lax.stop_gradient(emax)[dst])
    denom = jax.ops.segment_sum(ex, dst, num_segments=n)
    alpha = ex / (denom[dst] + 1e-9)  # [E, H]
    out = jax.ops.segment_sum(z[src] * alpha[:, :, None], dst, num_segments=n)  # [N, H, D]
    return out + b.reshape(1, H, D)


def setup_inputs(seed: int = 0) -> dict:
    key = jax.random.key(seed)
    ks = jax.random.split(key, 12)
    features = jax.random.normal(ks[0], (N, IN), dtype=jnp.float32)
    edge_index = jax.random.randint(ks[1], (2, E), 0, N)
    edge_types = jax.random.randint(ks[2], (E,), 0, 4)
    s1 = 1.0 / np.sqrt(IN)
    W1 = jax.random.uniform(ks[3], (IN, H1 * D1), dtype=jnp.float32, minval=-s1, maxval=s1)
    al1 = jax.random.normal(ks[4], (H1, D1), dtype=jnp.float32) * 0.1
    ar1 = jax.random.normal(ks[5], (H1, D1), dtype=jnp.float32) * 0.1
    b1 = jnp.zeros((H1 * D1,), dtype=jnp.float32)
    s2 = 1.0 / np.sqrt(HID)
    W2 = jax.random.uniform(ks[6], (HID, 1), dtype=jnp.float32, minval=-s2, maxval=s2)
    al2 = jax.random.normal(ks[7], (1, 1), dtype=jnp.float32) * 0.1
    ar2 = jax.random.normal(ks[8], (1, 1), dtype=jnp.float32) * 0.1
    b2 = jnp.zeros((1,), dtype=jnp.float32)
    return {"features": features, "edge_index": edge_index, "edge_types": edge_types,
            "W1": W1, "al1": al1, "ar1": ar1, "b1": b1,
            "W2": W2, "al2": al2, "ar2": ar2, "b2": b2}


def reference(features, edge_index, edge_types, W1, al1, ar1, b1, W2, al2, ar2, b2):
    # edge_types is accepted (matching the torch forward signature) but unused,
    # exactly as in the original module.
    h = gat_layer(features, edge_index, W1, al1, ar1, b1, H1, D1)  # [N, 8, 16]
    h = h.reshape(h.shape[0], H1 * D1)
    h = jax.nn.relu(h)
    h = gat_layer(h, edge_index, W2, al2, ar2, b2, 1, 1)  # [N, 1, 1]
    h = jnp.squeeze(h, axis=1)  # [N, 1]
    return jax.nn.sigmoid(h)

if __name__ == "__main__":
    import jax
    _d = setup_inputs()
    print(jax.jit(kernel)(*tuple(_d.values())))

</pallas_src>

<mosaic_0001>
#map = affine_map<(d0, d1) -> (0, 0)>
#map1 = affine_map<(d0, d1) -> (0)>
module attributes {stable_mosaic.version = 14 : i64} {
  func.func @_sc_layer1_body(%arg0: i32, %arg1: i32, %arg2: memref<10000x128xf32, #tpu.memory_space<hbm>>, %arg3: memref<1280x128xf32, #tpu.memory_space<hbm>>, %arg4: memref<8x128xf32, #tpu.memory_space<hbm>>, %arg5: memref<320000xi32, #tpu.memory_space<hbm>>, %arg6: memref<320000xi32, #tpu.memory_space<hbm>>, %arg7: memref<20480x128xf32, #tpu.memory_space<hbm>>, %arg8: memref<2560x128xf32, #tpu.memory_space<hbm>>, %arg9: memref<10240x128xf32, #tpu.memory_space<vmem_shared>>, %arg10: memref<1280x128xf32, #tpu.memory_space<vmem_shared>>, %arg11: memref<32xi32, #tpu.memory_space<vmem>>, %arg12: memref<32xi32, #tpu.memory_space<vmem>>, %arg13: memref<32xi32, #tpu.memory_space<vmem>>, %arg14: memref<32xi32, #tpu.memory_space<vmem>>, %arg15: memref<32x128xf32, #tpu.memory_space<vmem>>, %arg16: memref<32x128xf32, #tpu.memory_space<vmem>>, %arg17: memref<32x128xf32, #tpu.memory_space<vmem>>, %arg18: memref<32x128xf32, #tpu.memory_space<vmem>>, %arg19: memref<32x128xf32, #tpu.memory_space<vmem>>, %arg20: memref<8x128xf32, #tpu.memory_space<vmem>>, %arg21: memref<!tpu.dma_semaphore, #tpu.memory_space<semaphore_mem>>, %arg22: memref<!tpu.dma_semaphore, #tpu.memory_space<semaphore_mem>>, %arg23: memref<!tpu.dma_semaphore, #tpu.memory_space<semaphore_mem>>) attributes {dimension_semantics = [#tpu.dimension_semantics<core_parallel>, #tpu.dimension_semantics<subcore_parallel>], iteration_bounds = array<i64: 2, 16>, scalar_prefetch = 0 : i64, scratch_operands = 15 : i64, tpu.core_type = #tpu.core_type<sc_vector_subcore>, window_params = [{transform_indices = #map}, {transform_indices = #map}, {transform_indices = #map}, {transform_indices = #map1}, {transform_indices = #map1}, {transform_indices = #map}, {transform_indices = #map}]} {
    %broadcast_in_dim3A = arith.constant 0.000000e+00 : f32
    %broadcast_in_dim3A_0 = vector.broadcast %broadcast_in_dim3A : f32 to vector<16xf32>
    %iota3A = tpu.iota {dimensions = array<i32: 0>} : vector<16xi32>
    %add3A = arith.constant 8 : i32
    %add3A_1 = vector.broadcast %add3A : i32 to vector<16xi32>
    %add3A_2 = arith.addi %iota3A, %add3A_1 : vector<16xi32>
    %jit3A = arith.constant 16 : i32
    %eq3A = arith.constant 0 : i32
    %eq3A_3 = arith.cmpi eq, %jit3A, %eq3A : i32
    %jit3A_4 = arith.constant 1 : i32
    %select_n3A = arith.select %eq3A_3, %jit3A_4, %jit3A : i32
    %rem3A = vector.broadcast %select_n3A : i32 to vector<16xi32>
    %rem3A_5 = arith.remsi %add3A_2, %rem3A : vector<16xi32>
    %ne3A = arith.constant 0 : i32
    %ne3A_6 = vector.broadcast %ne3A : i32 to vector<16xi32>
    %ne3A_7 = arith.cmpi ne, %rem3A_5, %ne3A_6 : vector<16xi32>
    %lt3A = arith.constant 0 : i32
    %lt3A_8 = vector.broadcast %lt3A : i32 to vector<16xi32>
    %lt3A_9 = arith.cmpi slt, %rem3A_5, %lt3A_8 : vector<16xi32>
    %lt3A_10 = arith.constant 0 : i32
    %lt3A_11 = arith.cmpi slt, %select_n3A, %lt3A_10 : i32
    %ne3A_12 = vector.broadcast %lt3A_11 : i1 to vector<16xi1>
    %ne3A_13 = vector.broadcast %ne3A_12 : vector<16xi1> to vector<16xi1>
    %ne3A_14 = arith.xori %lt3A_9, %ne3A_13 : vector<16xi1>
    %and3A = arith.andi %ne3A_14, %ne3A_7 : vector<16xi1>
    %add3A_15 = vector.broadcast %select_n3A : i32 to vector<16xi32>
    %add3A_16 = arith.addi %rem3A_5, %add3A_15 : vector<16xi32>
    %select_n3A_17 = arith.select %and3A, %add3A_16, %rem3A_5 : vector<16xi1>, vector<16xi32>
    %lt3A_18 = arith.constant 8 : i32
    %lt3A_19 = vector.broadcast %lt3A_18 : i32 to vector<16xi32>
    %lt3A_20 = arith.cmpi slt, %iota3A, %lt3A_19 : vector<16xi32>
    %scan3A = arith.constant 0 : i32
    %scan3A_21 = arith.constant 0 : i32
    %scan3A_22 = arith.constant 32 : i32
    %scan3A_23 = arith.addi %scan3A_21, %scan3A_22 : i32
    %scan3A_24 = arith.constant 1 : i32
    %scan3A_25 = scf.for %scan3A_138 = %scan3A_21 to %scan3A_23 step %scan3A_24 iter_args(%scan3A_139 = %scan3A) -> (i32)  : i32 {
      %swap3A = arith.index_cast %scan3A_138 : i32 to index
      %swap3A_140 = arith.constant 0 : index
      %swap3A_141 = tpu.vector_load %arg18[%swap3A, %swap3A_140] {strides = array<i32>} : memref<32x128xf32, #tpu.memory_space<vmem>>, vector<16xf32>,
      tpu.vector_store %arg18[%swap3A, %swap3A_140], %broadcast_in_dim3A_0 {strides = array<i32>} : memref<32x128xf32, #tpu.memory_space<vmem>>, vector<16xf32>,
      %swap3A_142 = arith.index_cast %scan3A_138 : i32 to index
      %swap3A_143 = arith.constant 16 : index
      %swap3A_144 = tpu.vector_load %arg18[%swap3A_142, %swap3A_143] {strides = array<i32>} : memref<32x128xf32, #tpu.memory_space<vmem>>, vector<16xf32>,
      tpu.vector_store %arg18[%swap3A_142, %swap3A_143], %broadcast_in_dim3A_0 {strides = array<i32>} : memref<32x128xf32, #tpu.memory_space<vmem>>, vector<16xf32>,
      %swap3A_145 = arith.index_cast %scan3A_138 : i32 to index
      %swap3A_146 = arith.constant 32 : index
      %swap3A_147 = tpu.vector_load %arg18[%swap3A_145, %swap3A_146] {strides = array<i32>} : memref<32x128xf32, #tpu.memory_space<vmem>>, vector<16xf32>,
      tpu.vector_store %arg18[%swap3A_145, %swap3A_146], %broadcast_in_dim3A_0 {strides = array<i32>} : memref<32x128xf32, #tpu.memory_space<vmem>>, vector<16xf32>,
      %swap3A_148 = arith.index_cast %scan3A_138 : i32 to index
      %swap3A_149 = arith.constant 48 : index
      %swap3A_150 = tpu.vector_load %arg18[%swap3A_148, %swap3A_149] {strides = array<i32>} : memref<32x128xf32, #tpu.memory_space<vmem>>, vector<16xf32>,
      tpu.vector_store %arg18[%swap3A_148, %swap3A_149], %broadcast_in_dim3A_0 {strides = array<i32>} : memref<32x128xf32, #tpu.memory_space<vmem>>, vector<16xf32>,
      %swap3A_151 = arith.index_cast %scan3A_138 : i32 to index
      %swap3A_152 = arith.constant 64 : index
      %swap3A_153 = tpu.vector_load %arg18[%swap3A_151, %swap3A_152] {strides = array<i32>} : memref<32x128xf32, #tpu.memory_space<vmem>>, vector<16xf32>,
      tpu.vector_store %arg18[%swap3A_151, %swap3A_152], %broadcast_in_dim3A_0 {strides = array<i32>} : memref<32x128xf32, #tpu.memory_space<vmem>>, vector<16xf32>,
      %swap3A_154 = arith.index_cast %scan3A_138 : i32 to index
      %swap3A_155 = arith.constant 80 : index
      %swap3A_156 = tpu.vector_load %arg18[%swap3A_154, %swap3A_155] {strides = array<i32>} : memref<32x128xf32, #tpu.memory_space<vmem>>, vector<16xf32>,
      tpu.vector_store %arg18[%swap3A_154, %swap3A_155], %broadcast_in_dim3A_0 {strides = array<i32>} : memref<32x128xf32, #tpu.memory_space<vmem>>, vector<16xf32>,
      %swap3A_157 = arith.index_cast %scan3A_138 : i32 to index
      %swap3A_158 = arith.constant 96 : index
      %swap3A_159 = tpu.vector_load %arg18[%swap3A_157, %swap3A_158] {strides = array<i32>} : memref<32x128xf32, #tpu.memory_space<vmem>>, vector<16xf32>,
      tpu.vector_store %arg18[%swap3A_157, %swap3A_158], %broadcast_in_dim3A_0 {strides = array<i32>} : memref<32x128xf32, #tpu.memory_space<vmem>>, vector<16xf32>,
      %swap3A_160 = arith.index_cast %scan3A_138 : i32 to index
      %swap3A_161 = arith.constant 112 : index
      %swap3A_162 = tpu.vector_load %arg18[%swap3A_160, %swap3A_161] {strides = array<i32>} : memref<32x128xf32, #tpu.memory_space<vmem>>, vector<16xf32>,
      tpu.vector_store %arg18[%swap3A_160, %swap3A_161], %broadcast_in_dim3A_0 {strides = array<i32>} : memref<32x128xf32, #tpu.memory_space<vmem>>, vector<16xf32>,
      %scan3A_163 = arith.constant 0 : i32
      scf.yield %scan3A_163 : i32
    }
    %scan3A_26 = arith.constant 32 : i32
    %mul3A = arith.constant 640 : i32
    %mul3A_27 = arith.muli %arg1, %mul3A : i32
    %add3A_28 = arith.constant 0 : i32
    %add3A_29 = arith.addi %mul3A_27, %add3A_28 : i32
    "tpu.region"() ({
      %run_scoped3A = tpu.sem_alloc : memref<!tpu.dma_semaphore, #tpu.memory_space<semaphore_mem>>
      %dma_start3A = arith.constant 0 : i32
      %dma_start3A_138 = tpu.memref_slice %arg9[%add3A_29, %dma_start3A] : memref<10240x128xf32, #tpu.memory_space<vmem_shared>> -> memref<32x128xf32, #tpu.memory_space<vmem_shared>>
      %dma_start3A_139 = arith.constant 0 : i32
      %dma_start3A_140 = tpu.memref_slice %arg9[%add3A_29, %dma_start3A_139] : memref<10240x128xf32, #tpu.memory_space<vmem_shared>> -> memref<32x128xf32, #tpu.memory_space<vmem_shared>>
      tpu.enqueue_dma source(%arg18 : memref<32x128xf32, #tpu.memory_space<vmem>>) target(%dma_start3A_140 : memref<32x128xf32, #tpu.memory_space<vmem_shared>>) target_semaphore(%run_scoped3A : memref<!tpu.dma_semaphore, #tpu.memory_space<semaphore_mem>>)
      %dma_wait3A = arith.constant 0 : i32
      %dma_wait3A_141 = tpu.memref_slice %arg9[%add3A_29, %dma_wait3A] : memref<10240x128xf32, #tpu.memory_space<vmem_shared>> -> memref<32x128xf32, #tpu.memory_space<vmem_shared>>
      %dma_wait3A_142 = arith.constant 0 : i32
      %dma_wait3A_143 = tpu.memref_slice %arg9[%add3A_29, %dma_wait3A_142] : memref<10240x128xf32, #tpu.memory_space<vmem_shared>> -> memref<32x128xf32, #tpu.memory_space<vmem_shared>>
      tpu.wait_dma2 semaphore(%run_scoped3A : memref<!tpu.dma_semaphore, #tpu.memory_space<semaphore_mem>>) src(%arg18 : memref<32x128xf32, #tpu.memory_space<vmem>>) dst(%dma_wait3A_143 : memref<32x128xf32, #tpu.memory_space<vmem_shared>>)
      tpu.yield
    }) : () -> ()
    %add3A_30 = arith.constant 32 : i32
    %add3A_31 = arith.addi %mul3A_27, %add3A_30 : i32
    "tpu.region"() ({
      %run_scoped3A = tpu.sem_alloc : memref<!tpu.dma_semaphore, #tpu.memory_space<semaphore_mem>>
      %dma_start3A = arith.constant 0 : i32
      %dma_start3A_138 = tpu.memref_slice %arg9[%add3A_31, %dma_start3A] : memref<10240x128xf32, #tpu.memory_space<vmem_shared>> -> memref<32x128xf32, #tpu.memory_space<vmem_shared>>
      %dma_start3A_139 = arith.constant 0 : i32
      %dma_start3A_140 = tpu.memref_slice %arg9[%add3A_31, %dma_start3A_139] : memref<10240x128xf32, #tpu.memory_space<vmem_shared>> -> memref<32x128xf32, #tpu.memory_space<vmem_shared>>
      tpu.enqueue_dma source(%arg18 : memref<32x128xf32, #tpu.memory_space<vmem>>) target(%dma_start3A_140 : memref<32x128xf32, #tpu.memory_space<vmem_shared>>) target_semaphore(%run_scoped3A : memref<!tpu.dma_semaphore, #tpu.memory_space<semaphore_mem>>)
      %dma_wait3A = arith.constant 0 : i32
      %dma_wait3A_141 = tpu.memref_slice %arg9[%add3A_31, %dma_wait3A] : memref<10240x128xf32, #tpu.memory_space<vmem_shared>> -> memref<32x128xf32, #tpu.memory_space<vmem_shared>>
      %dma_wait3A_142 = arith.constant 0 : i32
      %dma_wait3A_143 = tpu.memref_slice %arg9[%add3A_31, %dma_wait3A_142] : memref<10240x128xf32, #tpu.memory_space<vmem_shared>> -> memref<32x128xf32, #tpu.memory_space<vmem_shared>>
      tpu.wait_dma2 semaphore(%run_scoped3A : memref<!tpu.dma_semaphore, #tpu.memory_space<semaphore_mem>>) src(%arg18 : memref<32x128xf32, #tpu.memory_space<vmem>>) dst(%dma_wait3A_143 : memref<32x128xf32, #tpu.memory_space<vmem_shared>>)
      tpu.yield
    }) : () -> ()
    %add3A_32 = arith.constant 64 : i32
    %add3A_33 = arith.addi %mul3A_27, %add3A_32 : i32
    "tpu.region"() ({
      %run_scoped3A = tpu.sem_alloc : memref<!tpu.dma_semaphore, #tpu.memory_space<semaphore_mem>>
      %dma_start3A = arith.constant 0 : i32
      %dma_start3A_138 = tpu.memref_slice %arg9[%add3A_33, %dma_start3A] : memref<10240x128xf32, #tpu.memory_space<vmem_shared>> -> memref<32x128xf32, #tpu.memory_space<vmem_shared>>
      %dma_start3A_139 = arith.constant 0 : i32
      %dma_start3A_140 = tpu.memref_slice %arg9[%add3A_33, %dma_start3A_139] : memref<10240x128xf32, #tpu.memory_space<vmem_shared>> -> memref<32x128xf32, #tpu.memory_space<vmem_shared>>
      tpu.enqueue_dma source(%arg18 : memref<32x128xf32, #tpu.memory_space<vmem>>) target(%dma_start3A_140 : memref<32x128xf32, #tpu.memory_space<vmem_shared>>) target_semaphore(%run_scoped3A : memref<!tpu.dma_semaphore, #tpu.memory_space<semaphore_mem>>)
      %dma_wait3A = arith.constant 0 : i32
      %dma_wait3A_141 = tpu.memref_slice %arg9[%add3A_33, %dma_wait3A] : memref<10240x128xf32, #tpu.memory_space<vmem_shared>> -> memref<32x128xf32, #tpu.memory_space<vmem_shared>>
      %dma_wait3A_142 = arith.constant 0 : i32
      %dma_wait3A_143 = tpu.memref_slice %arg9[%add3A_33, %dma_wait3A_142] : memref<10240x128xf32, #tpu.memory_space<vmem_shared>> -> memref<32x128xf32, #tpu.memory_space<vmem_shared>>
      tpu.wait_dma2 semaphore(%run_scoped3A : memref<!tpu.dma_semaphore, #tpu.memory_space<semaphore_mem>>) src(%arg18 : memref<32x128xf32, #tpu.memory_space<vmem>>) dst(%dma_wait3A_143 : memref<32x128xf32, #tpu.memory_space<vmem_shared>>)
      tpu.yield
    }) : () -> ()
    %add3A_34 = arith.constant 96 : i32
    %add3A_35 = arith.addi %mul3A_27, %add3A_34 : i32
    "tpu.region"() ({
      %run_scoped3A = tpu.sem_alloc : memref<!tpu.dma_semaphore, #tpu.memory_space<semaphore_mem>>
      %dma_start3A = arith.constant 0 : i32
      %dma_start3A_138 = tpu.memref_slice %arg9[%add3A_35, %dma_start3A] : memref<10240x128xf32, #tpu.memory_space<vmem_shared>> -> memref<32x128xf32, #tpu.memory_space<vmem_shared>>
      %dma_start3A_139 = arith.constant 0 : i32
      %dma_start3A_140 = tpu.memref_slice %arg9[%add3A_35, %dma_start3A_139] : memref<10240x128xf32, #tpu.memory_space<vmem_shared>> -> memref<32x128xf32, #tpu.memory_space<vmem_shared>>
      tpu.enqueue_dma source(%arg18 : memref<32x128xf32, #tpu.memory_space<vmem>>) target(%dma_start3A_140 : memref<32x128xf32, #tpu.memory_space<vmem_shared>>) target_semaphore(%run_scoped3A : memref<!tpu.dma_semaphore, #tpu.memory_space<semaphore_mem>>)
      %dma_wait3A = arith.constant 0 : i32
      %dma_wait3A_141 = tpu.memref_slice %arg9[%add3A_35, %dma_wait3A] : memref<10240x128xf32, #tpu.memory_space<vmem_shared>> -> memref<32x128xf32, #tpu.memory_space<vmem_shared>>
      %dma_wait3A_142 = arith.constant 0 : i32
      %dma_wait3A_143 = tpu.memref_slice %arg9[%add3A_35, %dma_wait3A_142] : memref<10240x128xf32, #tpu.memory_space<vmem_shared>> -> memref<32x128xf32, #tpu.memory_space<vmem_shared>>
      tpu.wait_dma2 semaphore(%run_scoped3A : memref<!tpu.dma_semaphore, #tpu.memory_space<semaphore_mem>>) src(%arg18 : memref<32x128xf32, #tpu.memory_space<vmem>>) dst(%dma_wait3A_143 : memref<32x128xf32, #tpu.memory_space<vmem_shared>>)
      tpu.yield
    }) : () -> ()
    %add3A_36 = arith.constant 128 : i32
    %add3A_37 = arith.addi %mul3A_27, %add3A_36 : i32
    "tpu.region"() ({
      %run_scoped3A = tpu.sem_alloc : memref<!tpu.dma_semaphore, #tpu.memory_space<semaphore_mem>>
      %dma_start3A = arith.constant 0 : i32
      %dma_start3A_138 = tpu.memref_slice %arg9[%add3A_37, %dma_start3A] : memref<10240x128xf32, #tpu.memory_space<vmem_shared>> -> memref<32x128xf32, #tpu.memory_space<vmem_shared>>
      %dma_start3A_139 = arith.constant 0 : i32
      %dma_start3A_140 = tpu.memref_slice %arg9[%add3A_37, %dma_start3A_139] : memref<10240x128xf32, #tpu.memory_space<vmem_shared>> -> memref<32x128xf32, #tpu.memory_space<vmem_shared>>
      tpu.enqueue_dma source(%arg18 : memref<32x128xf32, #tpu.memory_space<vmem>>) target(%dma_start3A_140 : memref<32x128xf32, #tpu.memory_space<vmem_shared>>) target_semaphore(%run_scoped3A : memref<!tpu.dma_semaphore, #tpu.memory_space<semaphore_mem>>)
      %dma_wait3A = arith.constant 0 : i32
      %dma_wait3A_141 = tpu.memref_slice %arg9[%add3A_37, %dma_wait3A] : memref<10240x128xf32, #tpu.memory_space<vmem_shared>> -> memref<32x128xf32, #tpu.memory_space<vmem_shared>>
      %dma_wait3A_142 = arith.constant 0 : i32
      %dma_wait3A_143 = tpu.memref_slice %arg9[%add3A_37, %dma_wait3A_142] : memref<10240x128xf32, #tpu.memory_space<vmem_shared>> -> memref<32x128xf32, #tpu.memory_space<vmem_shared>>
      tpu.wait_dma2 semaphore(%run_scoped3A : memref<!tpu.dma_semaphore, #tpu.memory_space<semaphore_mem>>) src(%arg18 : memref<32x128xf32, #tpu.memory_space<vmem>>) dst(%dma_wait3A_143 : memref<32x128xf32, #tpu.memory_space<vmem_shared>>)
      tpu.yield
    }) : () -> ()
    %add3A_38 = arith.constant 160 : i32
    %add3A_39 = arith.addi %mul3A_27, %add3A_38 : i32
    "tpu.region"() ({
      %run_scoped3A = tpu.sem_alloc : memref<!tpu.dma_semaphore, #tpu.memory_space<semaphore_mem>>
      %dma_start3A = arith.constant 0 : i32
      %dma_start3A_138 = tpu.memref_slice %arg9[%add3A_39, %dma_start3A] : memref<10240x128xf32, #tpu.memory_space<vmem_shared>> -> memref<32x128xf32, #tpu.memory_space<vmem_shared>>
      %dma_start3A_139 = arith.constant 0 : i32
      %dma_start3A_140 = tpu.memref_slice %arg9[%add3A_39, %dma_start3A_139] : memref<10240x128xf32, #tpu.memory_space<vmem_shared>> -> memref<32x128xf32, #tpu.memory_space<vmem_shared>>
      tpu.enqueue_dma source(%arg18 : memref<32x128xf32, #tpu.memory_space<vmem>>) target(%dma_start3A_140 : memref<32x128xf32, #tpu.memory_space<vmem_shared>>) target_semaphore(%run_scoped3A : memref<!tpu.dma_semaphore, #tpu.memory_space<semaphore_mem>>)
      %dma_wait3A = arith.constant 0 : i32
      %dma_wait3A_141 = tpu.memref_slice %arg9[%add3A_39, %dma_wait3A] : memref<10240x128xf32, #tpu.memory_space<vmem_shared>> -> memref<32x128xf32, #tpu.memory_space<vmem_shared>>
      %dma_wait3A_142 = arith.constant 0 : i32
      %dma_wait3A_143 = tpu.memref_slice %arg9[%add3A_39, %dma_wait3A_142] : memref<10240x128xf32, #tpu.memory_space<vmem_shared>> -> memref<32x128xf32, #tpu.memory_space<vmem_shared>>
      tpu.wait_dma2 semaphore(%run_scoped3A : memref<!tpu.dma_semaphore, #tpu.memory_space<semaphore_mem>>) src(%arg18 : memref<32x128xf32, #tpu.memory_space<vmem>>) dst(%dma_wait3A_143 : memref<32x128xf32, #tpu.memory_space<vmem_shared>>)
      tpu.yield
    }) : () -> ()
    %add3A_40 = arith.constant 192 : i32
    %add3A_41 = arith.addi %mul3A_27, %add3A_40 : i32
    "tpu.region"() ({
      %run_scoped3A = tpu.sem_alloc : memref<!tpu.dma_semaphore, #tpu.memory_space<semaphore_mem>>
      %dma_start3A = arith.constant 0 : i32
      %dma_start3A_138 = tpu.memref_slice %arg9[%add3A_41, %dma_start3A] : memref<10240x128xf32, #tpu.memory_space<vmem_shared>> -> memref<32x128xf32, #tpu.memory_space<vmem_shared>>
      %dma_start3A_139 = arith.constant 0 : i32
      %dma_start3A_140 = tpu.memref_slice %arg9[%add3A_41, %dma_start3A_139] : memref<10240x128xf32, #tpu.memory_space<vmem_shared>> -> memref<32x128xf32, #tpu.memory_space<vmem_shared>>
      tpu.enqueue_dma source(%arg18 : memref<32x128xf32, #tpu.memory_space<vmem>>) target(%dma_start3A_140 : memref<32x128xf32, #tpu.memory_space<vmem_shared>>) target_semaphore(%run_scoped3A : memref<!tpu.dma_semaphore, #tpu.memory_space<semaphore_mem>>)
      %dma_wait3A = arith.constant 0 : i32
      %dma_wait3A_141 = tpu.memref_slice %arg9[%add3A_41, %dma_wait3A] : memref<10240x128xf32, #tpu.memory_space<vmem_shared>> -> memref<32x128xf32, #tpu.memory_space<vmem_shared>>
      %dma_wait3A_142 = arith.constant 0 : i32
      %dma_wait3A_143 = tpu.memref_slice %arg9[%add3A_41, %dma_wait3A_142] : memref<10240x128xf32, #tpu.memory_space<vmem_shared>> -> memref<32x128xf32, #tpu.memory_space<vmem_shared>>
      tpu.wait_dma2 semaphore(%run_scoped3A : memref<!tpu.dma_semaphore, #tpu.memory_space<semaphore_mem>>) src(%arg18 : memref<32x128xf32, #tpu.memory_space<vmem>>) dst(%dma_wait3A_143 : memref<32x128xf32, #tpu.memory_space<vmem_shared>>)
      tpu.yield
    }) : () -> ()
    %add3A_42 = arith.constant 224 : i32
    %add3A_43 = arith.addi %mul3A_27, %add3A_42 : i32
    "tpu.region"() ({
      %run_scoped3A = tpu.sem_alloc : memref<!tpu.dma_semaphore, #tpu.memory_space<semaphore_mem>>
      %dma_start3A = arith.constant 0 : i32
      %dma_start3A_138 = tpu.memref_slice %arg9[%add3A_43, %dma_start3A] : memref<10240x128xf32, #tpu.memory_space<vmem_shared>> -> memref<32x128xf32, #tpu.memory_space<vmem_shared>>
      %dma_start3A_139 = arith.constant 0 : i32
      %dma_start3A_140 = tpu.memref_slice %arg9[%add3A_43, %dma_start3A_139] : memref<10240x128xf32, #tpu.memory_space<vmem_shared>> -> memref<32x128xf32, #tpu.memory_space<vmem_shared>>
      tpu.enqueue_dma source(%arg18 : memref<32x128xf32, #tpu.memory_space<vmem>>) target(%dma_start3A_140 : memref<32x128xf32, #tpu.memory_space<vmem_shared>>) target_semaphore(%run_scoped3A : memref<!tpu.dma_semaphore, #tpu.memory_space<semaphore_mem>>)
      %dma_wait3A = arith.constant 0 : i32
      %dma_wait3A_141 = tpu.memref_slice %arg9[%add3A_43, %dma_wait3A] : memref<10240x128xf32, #tpu.memory_space<vmem_shared>> -> memref<32x128xf32, #tpu.memory_space<vmem_shared>>
      %dma_wait3A_142 = arith.constant 0 : i32
      %dma_wait3A_143 = tpu.memref_slice %arg9[%add3A_43, %dma_wait3A_142] : memref<10240x128xf32, #tpu.memory_space<vmem_shared>> -> memref<32x128xf32, #tpu.memory_space<vmem_shared>>
      tpu.wait_dma2 semaphore(%run_scoped3A : memref<!tpu.dma_semaphore, #tpu.memory_space<semaphore_mem>>) src(%arg18 : memref<32x128xf32, #tpu.memory_space<vmem>>) dst(%dma_wait3A_143 : memref<32x128xf32, #tpu.memory_space<vmem_shared>>)
      tpu.yield
    }) : () -> ()
    %add3A_44 = arith.constant 256 : i32
    %add3A_45 = arith.addi %mul3A_27, %add3A_44 : i32
    "tpu.region"() ({
      %run_scoped3A = tpu.sem_alloc : memref<!tpu.dma_semaphore, #tpu.memory_space<semaphore_mem>>
      %dma_start3A = arith.constant 0 : i32
      %dma_start3A_138 = tpu.memref_slice %arg9[%add3A_45, %dma_start3A] : memref<10240x128xf32, #tpu.memory_space<vmem_shared>> -> memref<32x128xf32, #tpu.memory_space<vmem_shared>>
      %dma_start3A_139 = arith.constant 0 : i32
      %dma_start3A_140 = tpu.memref_slice %arg9[%add3A_45, %dma_start3A_139] : memref<10240x128xf32, #tpu.memory_space<vmem_shared>> -> memref<32x128xf32, #tpu.memory_space<vmem_shared>>
      tpu.enqueue_dma source(%arg18 : memref<32x128xf32, #tpu.memory_space<vmem>>) target(%dma_start3A_140 : memref<32x128xf32, #tpu.memory_space<vmem_shared>>) target_semaphore(%run_scoped3A : memref<!tpu.dma_semaphore, #tpu.memory_space<semaphore_mem>>)
      %dma_wait3A = arith.constant 0 : i32
      %dma_wait3A_141 = tpu.memref_slice %arg9[%add3A_45, %dma_wait3A] : memref<10240x128xf32, #tpu.memory_space<vmem_shared>> -> memref<32x128xf32, #tpu.memory_space<vmem_shared>>
      %dma_wait3A_142 = arith.constant 0 : i32
      %dma_wait3A_143 = tpu.memref_slice %arg9[%add3A_45, %dma_wait3A_142] : memref<10240x128xf32, #tpu.memory_space<vmem_shared>> -> memref<32x128xf32, #tpu.memory_space<vmem_shared>>
      tpu.wait_dma2 semaphore(%run_scoped3A : memref<!tpu.dma_semaphore, #tpu.memory_space<semaphore_mem>>) src(%arg18 : memref<32x128xf32, #tpu.memory_space<vmem>>) dst(%dma_wait3A_143 : memref<32x128xf32, #tpu.memory_space<vmem_shared>>)
      tpu.yield
    }) : () -> ()
    %add3A_46 = arith.constant 288 : i32
    %add3A_47 = arith.addi %mul3A_27, %add3A_46 : i32
    "tpu.region"() ({
      %run_scoped3A = tpu.sem_alloc : memref<!tpu.dma_semaphore, #tpu.memory_space<semaphore_mem>>
      %dma_start3A = arith.constant 0 : i32
      %dma_start3A_138 = tpu.memref_slice %arg9[%add3A_47, %dma_start3A] : memref<10240x128xf32, #tpu.memory_space<vmem_shared>> -> memref<32x128xf32, #tpu.memory_space<vmem_shared>>
      %dma_start3A_139 = arith.constant 0 : i32
      %dma_start3A_140 = tpu.memref_slice %arg9[%add3A_47, %dma_start3A_139] : memref<10240x128xf32, #tpu.memory_space<vmem_shared>> -> memref<32x128xf32, #tpu.memory_space<vmem_shared>>
      tpu.enqueue_dma source(%arg18 : memref<32x128xf32, #tpu.memory_space<vmem>>) target(%dma_start3A_140 : memref<32x128xf32, #tpu.memory_space<vmem_shared>>) target_semaphore(%run_scoped3A : memref<!tpu.dma_semaphore, #tpu.memory_space<semaphore_mem>>)
      %dma_wait3A = arith.constant 0 : i32
      %dma_wait3A_141 = tpu.memref_slice %arg9[%add3A_47, %dma_wait3A] : memref<10240x128xf32, #tpu.memory_space<vmem_shared>> -> memref<32x128xf32, #tpu.memory_space<vmem_shared>>
      %dma_wait3A_142 = arith.constant 0 : i32
      %dma_wait3A_143 = tpu.memref_slice %arg9[%add3A_47, %dma_wait3A_142] : memref<10240x128xf32, #tpu.memory_space<vmem_shared>> -> memref<32x128xf32, #tpu.memory_space<vmem_shared>>
      tpu.wait_dma2 semaphore(%run_scoped3A : memref<!tpu.dma_semaphore, #tpu.memory_space<semaphore_mem>>) src(%arg18 : memref<32x128xf32, #tpu.memory_space<vmem>>) dst(%dma_wait3A_143 : memref<32x128xf32, #tpu.memory_space<vmem_shared>>)
      tpu.yield
    }) : () -> ()
    %add3A_48 = arith.constant 320 : i32
    %add3A_49 = arith.addi %mul3A_27, %add3A_48 : i32
    "tpu.region"() ({
      %run_scoped3A = tpu.sem_alloc : memref<!tpu.dma_semaphore, #tpu.memory_space<semaphore_mem>>
      %dma_start3A = arith.constant 0 : i32
      %dma_start3A_138 = tpu.memref_slice %arg9[%add3A_49, %dma_start3A] : memref<10240x128xf32, #tpu.memory_space<vmem_shared>> -> memref<32x128xf32, #tpu.memory_space<vmem_shared>>
      %dma_start3A_139 = arith.constant 0 : i32
      %dma_start3A_140 = tpu.memref_slice %arg9[%add3A_49, %dma_start3A_139] : memref<10240x128xf32, #tpu.memory_space<vmem_shared>> -> memref<32x128xf32, #tpu.memory_space<vmem_shared>>
      tpu.enqueue_dma source(%arg18 : memref<32x128xf32, #tpu.memory_space<vmem>>) target(%dma_start3A_140 : memref<32x128xf32, #tpu.memory_space<vmem_shared>>) target_semaphore(%run_scoped3A : memref<!tpu.dma_semaphore, #tpu.memory_space<semaphore_mem>>)
      %dma_wait3A = arith.constant 0 : i32
      %dma_wait3A_141 = tpu.memref_slice %arg9[%add3A_49, %dma_wait3A] : memref<10240x128xf32, #tpu.memory_space<vmem_shared>> -> memref<32x128xf32, #tpu.memory_space<vmem_shared>>
      %dma_wait3A_142 = arith.constant 0 : i32
      %dma_wait3A_143 = tpu.memref_slice %arg9[%add3A_49, %dma_wait3A_142] : memref<10240x128xf32, #tpu.memory_space<vmem_shared>> -> memref<32x128xf32, #tpu.memory_space<vmem_shared>>
      tpu.wait_dma2 semaphore(%run_scoped3A : memref<!tpu.dma_semaphore, #tpu.memory_space<semaphore_mem>>) src(%arg18 : memref<32x128xf32, #tpu.memory_space<vmem>>) dst(%dma_wait3A_143 : memref<32x128xf32, #tpu.memory_space<vmem_shared>>)
      tpu.yield
    }) : () -> ()
    %add3A_50 = arith.constant 352 : i32
    %add3A_51 = arith.addi %mul3A_27, %add3A_50 : i32
    "tpu.region"() ({
      %run_scoped3A = tpu.sem_alloc : memref<!tpu.dma_semaphore, #tpu.memory_space<semaphore_mem>>
      %dma_start3A = arith.constant 0 : i32
      %dma_start3A_138 = tpu.memref_slice %arg9[%add3A_51, %dma_start3A] : memref<10240x128xf32, #tpu.memory_space<vmem_shared>> -> memref<32x128xf32, #tpu.memory_space<vmem_shared>>
      %dma_start3A_139 = arith.constant 0 : i32
      %dma_start3A_140 = tpu.memref_slice %arg9[%add3A_51, %dma_start3A_139] : memref<10240x128xf32, #tpu.memory_space<vmem_shared>> -> memref<32x128xf32, #tpu.memory_space<vmem_shared>>
      tpu.enqueue_dma source(%arg18 : memref<32x128xf32, #tpu.memory_space<vmem>>) target(%dma_start3A_140 : memref<32x128xf32, #tpu.memory_space<vmem_shared>>) target_semaphore(%run_scoped3A : memref<!tpu.dma_semaphore, #tpu.memory_space<semaphore_mem>>)
      %dma_wait3A = arith.constant 0 : i32
      %dma_wait3A_141 = tpu.memref_slice %arg9[%add3A_51, %dma_wait3A] : memref<10240x128xf32, #tpu.memory_space<vmem_shared>> -> memref<32x128xf32, #tpu.memory_space<vmem_shared>>
      %dma_wait3A_142 = arith.constant 0 : i32
      %dma_wait3A_143 = tpu.memref_slice %arg9[%add3A_51, %dma_wait3A_142] : memref<10240x128xf32, #tpu.memory_space<vmem_shared>> -> memref<32x128xf32, #tpu.memory_space<vmem_shared>>
      tpu.wait_dma2 semaphore(%run_scoped3A : memref<!tpu.dma_semaphore, #tpu.memory_space<semaphore_mem>>) src(%arg18 : memref<32x128xf32, #tpu.memory_space<vmem>>) dst(%dma_wait3A_143 : memref<32x128xf32, #tpu.memory_space<vmem_shared>>)
      tpu.yield
    }) : () -> ()
    %add3A_52 = arith.constant 384 : i32
    %add3A_53 = arith.addi %mul3A_27, %add3A_52 : i32
    "tpu.region"() ({
      %run_scoped3A = tpu.sem_alloc : memref<!tpu.dma_semaphore, #tpu.memory_space<semaphore_mem>>
      %dma_start3A = arith.constant 0 : i32
      %dma_start3A_138 = tpu.memref_slice %arg9[%add3A_53, %dma_start3A] : memref<10240x128xf32, #tpu.memory_space<vmem_shared>> -> memref<32x128xf32, #tpu.memory_space<vmem_shared>>
      %dma_start3A_139 = arith.constant 0 : i32
      %dma_start3A_140 = tpu.memref_slice %arg9[%add3A_53, %dma_start3A_139] : memref<10240x128xf32, #tpu.memory_space<vmem_shared>> -> memref<32x128xf32, #tpu.memory_space<vmem_shared>>
      tpu.enqueue_dma source(%arg18 : memref<32x128xf32, #tpu.memory_space<vmem>>) target(%dma_start3A_140 : memref<32x128xf32, #tpu.memory_space<vmem_shared>>) target_semaphore(%run_scoped3A : memref<!tpu.dma_semaphore, #tpu.memory_space<semaphore_mem>>)
      %dma_wait3A = arith.constant 0 : i32
      %dma_wait3A_141 = tpu.memref_slice %arg9[%add3A_53, %dma_wait3A] : memref<10240x128xf32, #tpu.memory_space<vmem_shared>> -> memref<32x128xf32, #tpu.memory_space<vmem_shared>>
      %dma_wait3A_142 = arith.constant 0 : i32
      %dma_wait3A_143 = tpu.memref_slice %arg9[%add3A_53, %dma_wait3A_142] : memref<10240x128xf32, #tpu.memory_space<vmem_shared>> -> memref<32x128xf32, #tpu.memory_space<vmem_shared>>
      tpu.wait_dma2 semaphore(%run_scoped3A : memref<!tpu.dma_semaphore, #tpu.memory_space<semaphore_mem>>) src(%arg18 : memref<32x128xf32, #tpu.memory_space<vmem>>) dst(%dma_wait3A_143 : memref<32x128xf32, #tpu.memory_space<vmem_shared>>)
      tpu.yield
    }) : () -> ()
    %add3A_54 = arith.constant 416 : i32
    %add3A_55 = arith.addi %mul3A_27, %add3A_54 : i32
    "tpu.region"() ({
      %run_scoped3A = tpu.sem_alloc : memref<!tpu.dma_semaphore, #tpu.memory_space<semaphore_mem>>
      %dma_start3A = arith.constant 0 : i32
      %dma_start3A_138 = tpu.memref_slice %arg9[%add3A_55, %dma_start3A] : memref<10240x128xf32, #tpu.memory_space<vmem_shared>> -> memref<32x128xf32, #tpu.memory_space<vmem_shared>>
      %dma_start3A_139 = arith.constant 0 : i32
      %dma_start3A_140 = tpu.memref_slice %arg9[%add3A_55, %dma_start3A_139] : memref<10240x128xf32, #tpu.memory_space<vmem_shared>> -> memref<32x128xf32, #tpu.memory_space<vmem_shared>>
      tpu.enqueue_dma source(%arg18 : memref<32x128xf32, #tpu.memory_space<vmem>>) target(%dma_start3A_140 : memref<32x128xf32, #tpu.memory_space<vmem_shared>>) target_semaphore(%run_scoped3A : memref<!tpu.dma_semaphore, #tpu.memory_space<semaphore_mem>>)
      %dma_wait3A = arith.constant 0 : i32
      %dma_wait3A_141 = tpu.memref_slice %arg9[%add3A_55, %dma_wait3A] : memref<10240x128xf32, #tpu.memory_space<vmem_shared>> -> memref<32x128xf32, #tpu.memory_space<vmem_shared>>
      %dma_wait3A_142 = arith.constant 0 : i32
      %dma_wait3A_143 = tpu.memref_slice %arg9[%add3A_55, %dma_wait3A_142] : memref<10240x128xf32, #tpu.memory_space<vmem_shared>> -> memref<32x128xf32, #tpu.memory_space<vmem_shared>>
      tpu.wait_dma2 semaphore(%run_scoped3A : memref<!tpu.dma_semaphore, #tpu.memory_space<semaphore_mem>>) src(%arg18 : memref<32x128xf32, #tpu.memory_space<vmem>>) dst(%dma_wait3A_143 : memref<32x128xf32, #tpu.memory_space<vmem_shared>>)
      tpu.yield
    }) : () -> ()
    %add3A_56 = arith.constant 448 : i32
    %add3A_57 = arith.addi %mul3A_27, %add3A_56 : i32
    "tpu.region"() ({
      %run_scoped3A = tpu.sem_alloc : memref<!tpu.dma_semaphore, #tpu.memory_space<semaphore_mem>>
      %dma_start3A = arith.constant 0 : i32
      %dma_start3A_138 = tpu.memref_slice %arg9[%add3A_57, %dma_start3A] : memref<10240x128xf32, #tpu.memory_space<vmem_shared>> -> memref<32x128xf32, #tpu.memory_space<vmem_shared>>
      %dma_start3A_139 = arith.constant 0 : i32
      %dma_start3A_140 = tpu.memref_slice %arg9[%add3A_57, %dma_start3A_139] : memref<10240x128xf32, #tpu.memory_space<vmem_shared>> -> memref<32x128xf32, #tpu.memory_space<vmem_shared>>
      tpu.enqueue_dma source(%arg18 : memref<32x128xf32, #tpu.memory_space<vmem>>) target(%dma_start3A_140 : memref<32x128xf32, #tpu.memory_space<vmem_shared>>) target_semaphore(%run_scoped3A : memref<!tpu.dma_semaphore, #tpu.memory_space<semaphore_mem>>)
      %dma_wait3A = arith.constant 0 : i32
      %dma_wait3A_141 = tpu.memref_slice %arg9[%add3A_57, %dma_wait3A] : memref<10240x128xf32, #tpu.memory_space<vmem_shared>> -> memref<32x128xf32, #tpu.memory_space<vmem_shared>>
      %dma_wait3A_142 = arith.constant 0 : i32
      %dma_wait3A_143 = tpu.memref_slice %arg9[%add3A_57, %dma_wait3A_142] : memref<10240x128xf32, #tpu.memory_space<vmem_shared>> -> memref<32x128xf32, #tpu.memory_space<vmem_shared>>
      tpu.wait_dma2 semaphore(%run_scoped3A : memref<!tpu.dma_semaphore, #tpu.memory_space<semaphore_mem>>) src(%arg18 : memref<32x128xf32, #tpu.memory_space<vmem>>) dst(%dma_wait3A_143 : memref<32x128xf32, #tpu.memory_space<vmem_shared>>)
      tpu.yield
    }) : () -> ()
    %add3A_58 = arith.constant 480 : i32
    %add3A_59 = arith.addi %mul3A_27, %add3A_58 : i32
    "tpu.region"() ({
      %run_scoped3A = tpu.sem_alloc : memref<!tpu.dma_semaphore, #tpu.memory_space<semaphore_mem>>
      %dma_start3A = arith.constant 0 : i32
      %dma_start3A_138 = tpu.memref_slice %arg9[%add3A_59, %dma_start3A] : memref<10240x128xf32, #tpu.memory_space<vmem_shared>> -> memref<32x128xf32, #tpu.memory_space<vmem_shared>>
      %dma_start3A_139 = arith.constant 0 : i32
      %dma_start3A_140 = tpu.memref_slice %arg9[%add3A_59, %dma_start3A_139] : memref<10240x128xf32, #tpu.memory_space<vmem_shared>> -> memref<32x128xf32, #tpu.memory_space<vmem_shared>>
      tpu.enqueue_dma source(%arg18 : memref<32x128xf32, #tpu.memory_space<vmem>>) target(%dma_start3A_140 : memref<32x128xf32, #tpu.memory_space<vmem_shared>>) target_semaphore(%run_scoped3A : memref<!tpu.dma_semaphore, #tpu.memory_space<semaphore_mem>>)
      %dma_wait3A = arith.constant 0 : i32
      %dma_wait3A_141 = tpu.memref_slice %arg9[%add3A_59, %dma_wait3A] : memref<10240x128xf32, #tpu.memory_space<vmem_shared>> -> memref<32x128xf32, #tpu.memory_space<vmem_shared>>
      %dma_wait3A_142 = arith.constant 0 : i32
      %dma_wait3A_143 = tpu.memref_slice %arg9[%add3A_59, %dma_wait3A_142] : memref<10240x128xf32, #tpu.memory_space<vmem_shared>> -> memref<32x128xf32, #tpu.memory_space<vmem_shared>>
      tpu.wait_dma2 semaphore(%run_scoped3A : memref<!tpu.dma_semaphore, #tpu.memory_space<semaphore_mem>>) src(%arg18 : memref<32x128xf32, #tpu.memory_space<vmem>>) dst(%dma_wait3A_143 : memref<32x128xf32, #tpu.memory_space<vmem_shared>>)
      tpu.yield
    }) : () -> ()
    %add3A_60 = arith.constant 512 : i32
    %add3A_61 = arith.addi %mul3A_27, %add3A_60 : i32
    "tpu.region"() ({
      %run_scoped3A = tpu.sem_alloc : memref<!tpu.dma_semaphore, #tpu.memory_space<semaphore_mem>>
      %dma_start3A = arith.constant 0 : i32
      %dma_start3A_138 = tpu.memref_slice %arg9[%add3A_61, %dma_start3A] : memref<10240x128xf32, #tpu.memory_space<vmem_shared>> -> memref<32x128xf32, #tpu.memory_space<vmem_shared>>
      %dma_start3A_139 = arith.constant 0 : i32
      %dma_start3A_140 = tpu.memref_slice %arg9[%add3A_61, %dma_start3A_139] : memref<10240x128xf32, #tpu.memory_space<vmem_shared>> -> memref<32x128xf32, #tpu.memory_space<vmem_shared>>
      tpu.enqueue_dma source(%arg18 : memref<32x128xf32, #tpu.memory_space<vmem>>) target(%dma_start3A_140 : memref<32x128xf32, #tpu.memory_space<vmem_shared>>) target_semaphore(%run_scoped3A : memref<!tpu.dma_semaphore, #tpu.memory_space<semaphore_mem>>)
      %dma_wait3A = arith.constant 0 : i32
      %dma_wait3A_141 = tpu.memref_slice %arg9[%add3A_61, %dma_wait3A] : memref<10240x128xf32, #tpu.memory_space<vmem_shared>> -> memref<32x128xf32, #tpu.memory_space<vmem_shared>>
      %dma_wait3A_142 = arith.constant 0 : i32
      %dma_wait3A_143 = tpu.memref_slice %arg9[%add3A_61, %dma_wait3A_142] : memref<10240x128xf32, #tpu.memory_space<vmem_shared>> -> memref<32x128xf32, #tpu.memory_space<vmem_shared>>
      tpu.wait_dma2 semaphore(%run_scoped3A : memref<!tpu.dma_semaphore, #tpu.memory_space<semaphore_mem>>) src(%arg18 : memref<32x128xf32, #tpu.memory_space<vmem>>) dst(%dma_wait3A_143 : memref<32x128xf32, #tpu.memory_space<vmem_shared>>)
      tpu.yield
    }) : () -> ()
    %add3A_62 = arith.constant 544 : i32
    %add3A_63 = arith.addi %mul3A_27, %add3A_62 : i32
    "tpu.region"() ({
      %run_scoped3A = tpu.sem_alloc : memref<!tpu.dma_semaphore, #tpu.memory_space<semaphore_mem>>
      %dma_start3A = arith.constant 0 : i32
      %dma_start3A_138 = tpu.memref_slice %arg9[%add3A_63, %dma_start3A] : memref<10240x128xf32, #tpu.memory_space<vmem_shared>> -> memref<32x128xf32, #tpu.memory_space<vmem_shared>>
      %dma_start3A_139 = arith.constant 0 : i32
      %dma_start3A_140 = tpu.memref_slice %arg9[%add3A_63, %dma_start3A_139] : memref<10240x128xf32, #tpu.memory_space<vmem_shared>> -> memref<32x128xf32, #tpu.memory_space<vmem_shared>>
      tpu.enqueue_dma source(%arg18 : memref<32x128xf32, #tpu.memory_space<vmem>>) target(%dma_start3A_140 : memref<32x128xf32, #tpu.memory_space<vmem_shared>>) target_semaphore(%run_scoped3A : memref<!tpu.dma_semaphore, #tpu.memory_space<semaphore_mem>>)
      %dma_wait3A = arith.constant 0 : i32
      %dma_wait3A_141 = tpu.memref_slice %arg9[%add3A_63, %dma_wait3A] : memref<10240x128xf32, #tpu.memory_space<vmem_shared>> -> memref<32x128xf32, #tpu.memory_space<vmem_shared>>
      %dma_wait3A_142 = arith.constant 0 : i32
      %dma_wait3A_143 = tpu.memref_slice %arg9[%add3A_63, %dma_wait3A_142] : memref<10240x128xf32, #tpu.memory_space<vmem_shared>> -> memref<32x128xf32, #tpu.memory_space<vmem_shared>>
      tpu.wait_dma2 semaphore(%run_scoped3A : memref<!tpu.dma_semaphore, #tpu.memory_space<semaphore_mem>>) src(%arg18 : memref<32x128xf32, #tpu.memory_space<vmem>>) dst(%dma_wait3A_143 : memref<32x128xf32, #tpu.memory_space<vmem_shared>>)
      tpu.yield
    }) : () -> ()
    %add3A_64 = arith.constant 576 : i32
    %add3A_65 = arith.addi %mul3A_27, %add3A_64 : i32
    "tpu.region"() ({
      %run_scoped3A = tpu.sem_alloc : memref<!tpu.dma_semaphore, #tpu.memory_space<semaphore_mem>>
      %dma_start3A = arith.constant 0 : i32
      %dma_start3A_138 = tpu.memref_slice %arg9[%add3A_65, %dma_start3A] : memref<10240x128xf32, #tpu.memory_space<vmem_shared>> -> memref<32x128xf32, #tpu.memory_space<vmem_shared>>
      %dma_start3A_139 = arith.constant 0 : i32
      %dma_start3A_140 = tpu.memref_slice %arg9[%add3A_65, %dma_start3A_139] : memref<10240x128xf32, #tpu.memory_space<vmem_shared>> -> memref<32x128xf32, #tpu.memory_space<vmem_shared>>
      tpu.enqueue_dma source(%arg18 : memref<32x128xf32, #tpu.memory_space<vmem>>) target(%dma_start3A_140 : memref<32x128xf32, #tpu.memory_space<vmem_shared>>) target_semaphore(%run_scoped3A : memref<!tpu.dma_semaphore, #tpu.memory_space<semaphore_mem>>)
      %dma_wait3A = arith.constant 0 : i32
      %dma_wait3A_141 = tpu.memref_slice %arg9[%add3A_65, %dma_wait3A] : memref<10240x128xf32, #tpu.memory_space<vmem_shared>> -> memref<32x128xf32, #tpu.memory_space<vmem_shared>>
      %dma_wait3A_142 = arith.constant 0 : i32
      %dma_wait3A_143 = tpu.memref_slice %arg9[%add3A_65, %dma_wait3A_142] : memref<10240x128xf32, #tpu.memory_space<vmem_shared>> -> memref<32x128xf32, #tpu.memory_space<vmem_shared>>
      tpu.wait_dma2 semaphore(%run_scoped3A : memref<!tpu.dma_semaphore, #tpu.memory_space<semaphore_mem>>) src(%arg18 : memref<32x128xf32, #tpu.memory_space<vmem>>) dst(%dma_wait3A_143 : memref<32x128xf32, #tpu.memory_space<vmem_shared>>)
      tpu.yield
    }) : () -> ()
    %add3A_66 = arith.constant 608 : i32
    %add3A_67 = arith.addi %mul3A_27, %add3A_66 : i32
    "tpu.region"() ({
      %run_scoped3A = tpu.sem_alloc : memref<!tpu.dma_semaphore, #tpu.memory_space<semaphore_mem>>
      %dma_start3A = arith.constant 0 : i32
      %dma_start3A_138 = tpu.memref_slice %arg9[%add3A_67, %dma_start3A] : memref<10240x128xf32, #tpu.memory_space<vmem_shared>> -> memref<32x128xf32, #tpu.memory_space<vmem_shared>>
      %dma_start3A_139 = arith.constant 0 : i32
      %dma_start3A_140 = tpu.memref_slice %arg9[%add3A_67, %dma_start3A_139] : memref<10240x128xf32, #tpu.memory_space<vmem_shared>> -> memref<32x128xf32, #tpu.memory_space<vmem_shared>>
      tpu.enqueue_dma source(%arg18 : memref<32x128xf32, #tpu.memory_space<vmem>>) target(%dma_start3A_140 : memref<32x128xf32, #tpu.memory_space<vmem_shared>>) target_semaphore(%run_scoped3A : memref<!tpu.dma_semaphore, #tpu.memory_space<semaphore_mem>>)
      %dma_wait3A = arith.constant 0 : i32
      %dma_wait3A_141 = tpu.memref_slice %arg9[%add3A_67, %dma_wait3A] : memref<10240x128xf32, #tpu.memory_space<vmem_shared>> -> memref<32x128xf32, #tpu.memory_space<vmem_shared>>
      %dma_wait3A_142 = arith.constant 0 : i32
      %dma_wait3A_143 = tpu.memref_slice %arg9[%add3A_67, %dma_wait3A_142] : memref<10240x128xf32, #tpu.memory_space<vmem_shared>> -> memref<32x128xf32, #tpu.memory_space<vmem_shared>>
      tpu.wait_dma2 semaphore(%run_scoped3A : memref<!tpu.dma_semaphore, #tpu.memory_space<semaphore_mem>>) src(%arg18 : memref<32x128xf32, #tpu.memory_space<vmem>>) dst(%dma_wait3A_143 : memref<32x128xf32, #tpu.memory_space<vmem_shared>>)
      tpu.yield
    }) : () -> ()
    %mul3A_68 = arith.constant 80 : i32
    %mul3A_69 = arith.muli %arg1, %mul3A_68 : i32
    %add3A_70 = arith.constant 0 : i32
    %add3A_71 = arith.addi %mul3A_69, %add3A_70 : i32
    "tpu.region"() ({
      %run_scoped3A = tpu.sem_alloc : memref<!tpu.dma_semaphore, #tpu.memory_space<semaphore_mem>>
      %dma_start3A = arith.constant 0 : i32
      %dma_start3A_138 = arith.constant 0 : i32
      %dma_start3A_139 = tpu.memref_slice %arg18[%dma_start3A, %dma_start3A_138] : memref<32x128xf32, #tpu.memory_space<vmem>> -> memref<16x128xf32, #tpu.memory_space<vmem>>
      %dma_start3A_140 = arith.constant 0 : i32
      %dma_start3A_141 = tpu.memref_slice %arg10[%add3A_71, %dma_start3A_140] : memref<1280x128xf32, #tpu.memory_space<vmem_shared>> -> memref<16x128xf32, #tpu.memory_space<vmem_shared>>
      %dma_start3A_142 = arith.constant 0 : i32
      %dma_start3A_143 = tpu.memref_slice %arg10[%add3A_71, %dma_start3A_142] : memref<1280x128xf32, #tpu.memory_space<vmem_shared>> -> memref<16x128xf32, #tpu.memory_space<vmem_shared>>
      %dma_start3A_144 = arith.constant 0 : i32
      %dma_start3A_145 = arith.constant 0 : i32
      %dma_start3A_146 = tpu.memref_slice %arg18[%dma_start3A_144, %dma_start3A_145] : memref<32x128xf32, #tpu.memory_space<vmem>> -> memref<16x128xf32, #tpu.memory_space<vmem>>
      tpu.enqueue_dma source(%dma_start3A_146 : memref<16x128xf32, #tpu.memory_space<vmem>>) target(%dma_start3A_143 : memref<16x128xf32, #tpu.memory_space<vmem_shared>>) target_semaphore(%run_scoped3A : memref<!tpu.dma_semaphore, #tpu.memory_space<semaphore_mem>>)
      %dma_wait3A = arith.constant 0 : i32
      %dma_wait3A_147 = arith.constant 0 : i32
      %dma_wait3A_148 = tpu.memref_slice %arg18[%dma_wait3A, %dma_wait3A_147] : memref<32x128xf32, #tpu.memory_space<vmem>> -> memref<16x128xf32, #tpu.memory_space<vmem>>
      %dma_wait3A_149 = arith.constant 0 : i32
      %dma_wait3A_150 = tpu.memref_slice %arg10[%add3A_71, %dma_wait3A_149] : memref<1280x128xf32, #tpu.memory_space<vmem_shared>> -> memref<16x128xf32, #tpu.memory_space<vmem_shared>>
      %dma_wait3A_151 = arith.constant 0 : i32
      %dma_wait3A_152 = tpu.memref_slice %arg10[%add3A_71, %dma_wait3A_151] : memref<1280x128xf32, #tpu.memory_space<vmem_shared>> -> memref<16x128xf32, #tpu.memory_space<vmem_shared>>
      %dma_wait3A_153 = arith.constant 0 : i32
      %dma_wait3A_154 = arith.constant 0 : i32
      %dma_wait3A_155 = tpu.memref_slice %arg18[%dma_wait3A_153, %dma_wait3A_154] : memref<32x128xf32, #tpu.memory_space<vmem>> -> memref<16x128xf32, #tpu.memory_space<vmem>>
      tpu.wait_dma2 semaphore(%run_scoped3A : memref<!tpu.dma_semaphore, #tpu.memory_space<semaphore_mem>>) src(%dma_wait3A_155 : memref<16x128xf32, #tpu.memory_space<vmem>>) dst(%dma_wait3A_152 : memref<16x128xf32, #tpu.memory_space<vmem_shared>>)
      tpu.yield
    }) : () -> ()
    %add3A_72 = arith.constant 16 : i32
    %add3A_73 = arith.addi %mul3A_69, %add3A_72 : i32
    "tpu.region"() ({
      %run_scoped3A = tpu.sem_alloc : memref<!tpu.dma_semaphore, #tpu.memory_space<semaphore_mem>>
      %dma_start3A = arith.constant 0 : i32
      %dma_start3A_138 = arith.constant 0 : i32
      %dma_start3A_139 = tpu.memref_slice %arg18[%dma_start3A, %dma_start3A_138] : memref<32x128xf32, #tpu.memory_space<vmem>> -> memref<16x128xf32, #tpu.memory_space<vmem>>
      %dma_start3A_140 = arith.constant 0 : i32
      %dma_start3A_141 = tpu.memref_slice %arg10[%add3A_73, %dma_start3A_140] : memref<1280x128xf32, #tpu.memory_space<vmem_shared>> -> memref<16x128xf32, #tpu.memory_space<vmem_shared>>
      %dma_start3A_142 = arith.constant 0 : i32
      %dma_start3A_143 = tpu.memref_slice %arg10[%add3A_73, %dma_start3A_142] : memref<1280x128xf32, #tpu.memory_space<vmem_shared>> -> memref<16x128xf32, #tpu.memory_space<vmem_shared>>
      %dma_start3A_144 = arith.constant 0 : i32
      %dma_start3A_145 = arith.constant 0 : i32
      %dma_start3A_146 = tpu.memref_slice %arg18[%dma_start3A_144, %dma_start3A_145] : memref<32x128xf32, #tpu.memory_space<vmem>> -> memref<16x128xf32, #tpu.memory_space<vmem>>
      tpu.enqueue_dma source(%dma_start3A_146 : memref<16x128xf32, #tpu.memory_space<vmem>>) target(%dma_start3A_143 : memref<16x128xf32, #tpu.memory_space<vmem_shared>>) target_semaphore(%run_scoped3A : memref<!tpu.dma_semaphore, #tpu.memory_space<semaphore_mem>>)
      %dma_wait3A = arith.constant 0 : i32
      %dma_wait3A_147 = arith.constant 0 : i32
      %dma_wait3A_148 = tpu.memref_slice %arg18[%dma_wait3A, %dma_wait3A_147] : memref<32x128xf32, #tpu.memory_space<vmem>> -> memref<16x128xf32, #tpu.memory_space<vmem>>
      %dma_wait3A_149 = arith.constant 0 : i32
      %dma_wait3A_150 = tpu.memref_slice %arg10[%add3A_73, %dma_wait3A_149] : memref<1280x128xf32, #tpu.memory_space<vmem_shared>> -> memref<16x128xf32, #tpu.memory_space<vmem_shared>>
      %dma_wait3A_151 = arith.constant 0 : i32
      %dma_wait3A_152 = tpu.memref_slice %arg10[%add3A_73, %dma_wait3A_151] : memref<1280x128xf32, #tpu.memory_space<vmem_shared>> -> memref<16x128xf32, #tpu.memory_space<vmem_shared>>
      %dma_wait3A_153 = arith.constant 0 : i32
      %dma_wait3A_154 = arith.constant 0 : i32
      %dma_wait3A_155 = tpu.memref_slice %arg18[%dma_wait3A_153, %dma_wait3A_154] : memref<32x128xf32, #tpu.memory_space<vmem>> -> memref<16x128xf32, #tpu.memory_space<vmem>>
      tpu.wait_dma2 semaphore(%run_scoped3A : memref<!tpu.dma_semaphore, #tpu.memory_space<semaphore_mem>>) src(%dma_wait3A_155 : memref<16x128xf32, #tpu.memory_space<vmem>>) dst(%dma_wait3A_152 : memref<16x128xf32, #tpu.memory_space<vmem_shared>>)
      tpu.yield
    }) : () -> ()
    %add3A_74 = arith.constant 32 : i32
    %add3A_75 = arith.addi %mul3A_69, %add3A_74 : i32
    "tpu.region"() ({
      %run_scoped3A = tpu.sem_alloc : memref<!tpu.dma_semaphore, #tpu.memory_space<semaphore_mem>>
      %dma_start3A = arith.constant 0 : i32
      %dma_start3A_138 = arith.constant 0 : i32
      %dma_start3A_139 = tpu.memref_slice %arg18[%dma_start3A, %dma_start3A_138] : memref<32x128xf32, #tpu.memory_space<vmem>> -> memref<16x128xf32, #tpu.memory_space<vmem>>
      %dma_start3A_140 = arith.constant 0 : i32
      %dma_start3A_141 = tpu.memref_slice %arg10[%add3A_75, %dma_start3A_140] : memref<1280x128xf32, #tpu.memory_space<vmem_shared>> -> memref<16x128xf32, #tpu.memory_space<vmem_shared>>
      %dma_start3A_142 = arith.constant 0 : i32
      %dma_start3A_143 = tpu.memref_slice %arg10[%add3A_75, %dma_start3A_142] : memref<1280x128xf32, #tpu.memory_space<vmem_shared>> -> memref<16x128xf32, #tpu.memory_space<vmem_shared>>
      %dma_start3A_144 = arith.constant 0 : i32
      %dma_start3A_145 = arith.constant 0 : i32
      %dma_start3A_146 = tpu.memref_slice %arg18[%dma_start3A_144, %dma_start3A_145] : memref<32x128xf32, #tpu.memory_space<vmem>> -> memref<16x128xf32, #tpu.memory_space<vmem>>
      tpu.enqueue_dma source(%dma_start3A_146 : memref<16x128xf32, #tpu.memory_space<vmem>>) target(%dma_start3A_143 : memref<16x128xf32, #tpu.memory_space<vmem_shared>>) target_semaphore(%run_scoped3A : memref<!tpu.dma_semaphore, #tpu.memory_space<semaphore_mem>>)
      %dma_wait3A = arith.constant 0 : i32
      %dma_wait3A_147 = arith.constant 0 : i32
      %dma_wait3A_148 = tpu.memref_slice %arg18[%dma_wait3A, %dma_wait3A_147] : memref<32x128xf32, #tpu.memory_space<vmem>> -> memref<16x128xf32, #tpu.memory_space<vmem>>
      %dma_wait3A_149 = arith.constant 0 : i32
      %dma_wait3A_150 = tpu.memref_slice %arg10[%add3A_75, %dma_wait3A_149] : memref<1280x128xf32, #tpu.memory_space<vmem_shared>> -> memref<16x128xf32, #tpu.memory_space<vmem_shared>>
      %dma_wait3A_151 = arith.constant 0 : i32
      %dma_wait3A_152 = tpu.memref_slice %arg10[%add3A_75, %dma_wait3A_151] : memref<1280x128xf32, #tpu.memory_space<vmem_shared>> -> memref<16x128xf32, #tpu.memory_space<vmem_shared>>
      %dma_wait3A_153 = arith.constant 0 : i32
      %dma_wait3A_154 = arith.constant 0 : i32
      %dma_wait3A_155 = tpu.memref_slice %arg18[%dma_wait3A_153, %dma_wait3A_154] : memref<32x128xf32, #tpu.memory_space<vmem>> -> memref<16x128xf32, #tpu.memory_space<vmem>>
      tpu.wait_dma2 semaphore(%run_scoped3A : memref<!tpu.dma_semaphore, #tpu.memory_space<semaphore_mem>>) src(%dma_wait3A_155 : memref<16x128xf32, #tpu.memory_space<vmem>>) dst(%dma_wait3A_152 : memref<16x128xf32, #tpu.memory_space<vmem_shared>>)
      tpu.yield
    }) : () -> ()
    %add3A_76 = arith.constant 48 : i32
    %add3A_77 = arith.addi %mul3A_69, %add3A_76 : i32
    "tpu.region"() ({
      %run_scoped3A = tpu.sem_alloc : memref<!tpu.dma_semaphore, #tpu.memory_space<semaphore_mem>>
      %dma_start3A = arith.constant 0 : i32
      %dma_start3A_138 = arith.constant 0 : i32
      %dma_start3A_139 = tpu.memref_slice %arg18[%dma_start3A, %dma_start3A_138] : memref<32x128xf32, #tpu.memory_space<vmem>> -> memref<16x128xf32, #tpu.memory_space<vmem>>
      %dma_start3A_140 = arith.constant 0 : i32
      %dma_start3A_141 = tpu.memref_slice %arg10[%add3A_77, %dma_start3A_140] : memref<1280x128xf32, #tpu.memory_space<vmem_shared>> -> memref<16x128xf32, #tpu.memory_space<vmem_shared>>
      %dma_start3A_142 = arith.constant 0 : i32
      %dma_start3A_143 = tpu.memref_slice %arg10[%add3A_77, %dma_start3A_142] : memref<1280x128xf32, #tpu.memory_space<vmem_shared>> -> memref<16x128xf32, #tpu.memory_space<vmem_shared>>
      %dma_start3A_144 = arith.constant 0 : i32
      %dma_start3A_145 = arith.constant 0 : i32
      %dma_start3A_146 = tpu.memref_slice %arg18[%dma_start3A_144, %dma_start3A_145] : memref<32x128xf32, #tpu.memory_space<vmem>> -> memref<16x128xf32, #tpu.memory_space<vmem>>
      tpu.enqueue_dma source(%dma_start3A_146 : memref<16x128xf32, #tpu.memory_space<vmem>>) target(%dma_start3A_143 : memref<16x128xf32, #tpu.memory_space<vmem_shared>>) target_semaphore(%run_scoped3A : memref<!tpu.dma_semaphore, #tpu.memory_space<semaphore_mem>>)
      %dma_wait3A = arith.constant 0 : i32
      %dma_wait3A_147 = arith.constant 0 : i32
      %dma_wait3A_148 = tpu.memref_slice %arg18[%dma_wait3A, %dma_wait3A_147] : memref<32x128xf32, #tpu.memory_space<vmem>> -> memref<16x128xf32, #tpu.memory_space<vmem>>
      %dma_wait3A_149 = arith.constant 0 : i32
      %dma_wait3A_150 = tpu.memref_slice %arg10[%add3A_77, %dma_wait3A_149] : memref<1280x128xf32, #tpu.memory_space<vmem_shared>> -> memref<16x128xf32, #tpu.memory_space<vmem_shared>>
      %dma_wait3A_151 = arith.constant 0 : i32
      %dma_wait3A_152 = tpu.memref_slice %arg10[%add3A_77, %dma_wait3A_151] : memref<1280x128xf32, #tpu.memory_space<vmem_shared>> -> memref<16x128xf32, #tpu.memory_space<vmem_shared>>
      %dma_wait3A_153 = arith.constant 0 : i32
      %dma_wait3A_154 = arith.constant 0 : i32
      %dma_wait3A_155 = tpu.memref_slice %arg18[%dma_wait3A_153, %dma_wait3A_154] : memref<32x128xf32, #tpu.memory_space<vmem>> -> memref<16x128xf32, #tpu.memory_space<vmem>>
      tpu.wait_dma2 semaphore(%run_scoped3A : memref<!tpu.dma_semaphore, #tpu.memory_space<semaphore_mem>>) src(%dma_wait3A_155 : memref<16x128xf32, #tpu.memory_space<vmem>>) dst(%dma_wait3A_152 : memref<16x128xf32, #tpu.memory_space<vmem_shared>>)
      tpu.yield
    }) : () -> ()
    %add3A_78 = arith.constant 64 : i32
    %add3A_79 = arith.addi %mul3A_69, %add3A_78 : i32
    "tpu.region"() ({
      %run_scoped3A = tpu.sem_alloc : memref<!tpu.dma_semaphore, #tpu.memory_space<semaphore_mem>>
      %dma_start3A = arith.constant 0 : i32
      %dma_start3A_138 = arith.constant 0 : i32
      %dma_start3A_139 = tpu.memref_slice %arg18[%dma_start3A, %dma_start3A_138] : memref<32x128xf32, #tpu.memory_space<vmem>> -> memref<16x128xf32, #tpu.memory_space<vmem>>
      %dma_start3A_140 = arith.constant 0 : i32
      %dma_start3A_141 = tpu.memref_slice %arg10[%add3A_79, %dma_start3A_140] : memref<1280x128xf32, #tpu.memory_space<vmem_shared>> -> memref<16x128xf32, #tpu.memory_space<vmem_shared>>
      %dma_start3A_142 = arith.constant 0 : i32
      %dma_start3A_143 = tpu.memref_slice %arg10[%add3A_79, %dma_start3A_142] : memref<1280x128xf32, #tpu.memory_space<vmem_shared>> -> memref<16x128xf32, #tpu.memory_space<vmem_shared>>
      %dma_start3A_144 = arith.constant 0 : i32
      %dma_start3A_145 = arith.constant 0 : i32
      %dma_start3A_146 = tpu.memref_slice %arg18[%dma_start3A_144, %dma_start3A_145] : memref<32x128xf32, #tpu.memory_space<vmem>> -> memref<16x128xf32, #tpu.memory_space<vmem>>
      tpu.enqueue_dma source(%dma_start3A_146 : memref<16x128xf32, #tpu.memory_space<vmem>>) target(%dma_start3A_143 : memref<16x128xf32, #tpu.memory_space<vmem_shared>>) target_semaphore(%run_scoped3A : memref<!tpu.dma_semaphore, #tpu.memory_space<semaphore_mem>>)
      %dma_wait3A = arith.constant 0 : i32
      %dma_wait3A_147 = arith.constant 0 : i32
      %dma_wait3A_148 = tpu.memref_slice %arg18[%dma_wait3A, %dma_wait3A_147] : memref<32x128xf32, #tpu.memory_space<vmem>> -> memref<16x128xf32, #tpu.memory_space<vmem>>
      %dma_wait3A_149 = arith.constant 0 : i32
      %dma_wait3A_150 = tpu.memref_slice %arg10[%add3A_79, %dma_wait3A_149] : memref<1280x128xf32, #tpu.memory_space<vmem_shared>> -> memref<16x128xf32, #tpu.memory_space<vmem_shared>>
      %dma_wait3A_151 = arith.constant 0 : i32
      %dma_wait3A_152 = tpu.memref_slice %arg10[%add3A_79, %dma_wait3A_151] : memref<1280x128xf32, #tpu.memory_space<vmem_shared>> -> memref<16x128xf32, #tpu.memory_space<vmem_shared>>
      %dma_wait3A_153 = arith.constant 0 : i32
      %dma_wait3A_154 = arith.constant 0 : i32
      %dma_wait3A_155 = tpu.memref_slice %arg18[%dma_wait3A_153, %dma_wait3A_154] : memref<32x128xf32, #tpu.memory_space<vmem>> -> memref<16x128xf32, #tpu.memory_space<vmem>>
      tpu.wait_dma2 semaphore(%run_scoped3A : memref<!tpu.dma_semaphore, #tpu.memory_space<semaphore_mem>>) src(%dma_wait3A_155 : memref<16x128xf32, #tpu.memory_space<vmem>>) dst(%dma_wait3A_152 : memref<16x128xf32, #tpu.memory_space<vmem_shared>>)
      tpu.yield
    }) : () -> ()
    "tpu.region"() ({
      %run_scoped3A = tpu.sem_alloc : memref<!tpu.dma_semaphore, #tpu.memory_space<semaphore_mem>>
      tpu.enqueue_dma source(%arg4 : memref<8x128xf32, #tpu.memory_space<hbm>>) target(%arg20 : memref<8x128xf32, #tpu.memory_space<vmem>>) target_semaphore(%run_scoped3A : memref<!tpu.dma_semaphore, #tpu.memory_space<semaphore_mem>>)
      tpu.wait_dma2 semaphore(%run_scoped3A : memref<!tpu.dma_semaphore, #tpu.memory_space<semaphore_mem>>) src(%arg4 : memref<8x128xf32, #tpu.memory_space<hbm>>) dst(%arg20 : memref<8x128xf32, #tpu.memory_space<vmem>>)
      tpu.yield
    }) : () -> ()
    %get3A = arith.constant 0 : i32
    %get3A_80 = arith.index_cast %get3A : i32 to index
    %get3A_81 = arith.constant 0 : index
    %get3A_82 = tpu.vector_load %arg20[%get3A_80, %get3A_81] {strides = array<i32>} : memref<8x128xf32, #tpu.memory_space<vmem>>, vector<16xf32>,
    %barrier3A = arith.constant 0 : index
    tpu.barrier barrier_id(%barrier3A)
    %mul3A_83 = arith.constant 160000 : i32
    %mul3A_84 = arith.muli %arg0, %mul3A_83 : i32
    %sub3A = arith.constant 5000 : i32
    %sub3A_85 = arith.subi %sub3A, %arg1 : i32
    %add3A_86 = arith.constant 16 : i32
    %add3A_87 = arith.addi %sub3A_85, %add3A_86 : i32
    %sub3A_88 = arith.constant 1 : i32
    %sub3A_89 = arith.subi %add3A_87, %sub3A_88 : i32
    %jit3A_90 = arith.constant 16 : i32
    %div3A = arith.divsi %sub3A_89, %jit3A_90 : i32
    %sign3A = arith.constant 0 : i32
    %sign3A_91 = arith.cmpi sgt, %sub3A_89, %sign3A : i32
    %sign3A_92 = arith.extui %sign3A_91 : i1 to i32
    %sign3A_93 = arith.constant 0 : i32
    %sign3A_94 = arith.cmpi slt, %sub3A_89, %sign3A_93 : i32
    %sign3A_95 = arith.extui %sign3A_94 : i1 to i32
    %sign3A_96 = arith.subi %sign3A_92, %sign3A_95 : i32
    %sign3A_97 = arith.constant 0 : i32
    %sign3A_98 = arith.cmpi sgt, %jit3A_90, %sign3A_97 : i32
    %sign3A_99 = arith.extui %sign3A_98 : i1 to i32
    %sign3A_100 = arith.constant 0 : i32
    %sign3A_101 = arith.cmpi slt, %jit3A_90, %sign3A_100 : i32
    %sign3A_102 = arith.extui %sign3A_101 : i1 to i32
    %sign3A_103 = arith.subi %sign3A_99, %sign3A_102 : i32
    %ne3A_104 = arith.cmpi ne, %sign3A_96, %sign3A_103 : i32
    %rem3A_105 = arith.remsi %sub3A_89, %jit3A_90 : i32
    %ne3A_106 = arith.constant 0 : i32
    %ne3A_107 = arith.cmpi ne, %rem3A_105, %ne3A_106 : i32
    %and3A_108 = arith.andi %ne3A_104, %ne3A_107 : i1
    %sub3A_109 = arith.constant 1 : i32
    %sub3A_110 = arith.subi %div3A, %sub3A_109 : i32
    %select_n3A_111 = arith.select %and3A_108, %sub3A_110, %div3A : i32
    %while3A = arith.constant 0 : i32
    %while3A_112 = arith.constant 0 : i32
    %while3A_113 = arith.subi %select_n3A_111, %while3A : i32
    %while3A_114 = arith.addi %while3A, %while3A_113 : i32
    %while3A_115 = arith.constant 1 : i32
    %while3A_116 = arith.divsi %while3A_113, %while3A_115 : i32
    %while3A_117 = arith.muli %while3A_116, %while3A_115 : i32
    %while3A_118 = arith.addi %while3A, %while3A_117 : i32
    %while3A_119 = arith.constant 1 : i32
    %while3A_120 = scf.for %while3A_138 = %while3A to %while3A_118 step %while3A_119 iter_args(%while3A_139 = %while3A_112) -> (i32)  : i32 {
      %mul3A_140 = arith.constant 16 : i32
      %mul3A_141 = arith.muli %while3A_138, %mul3A_140 : i32
      %add3A_142 = arith.addi %arg1, %mul3A_141 : i32
      %mul3A_143 = arith.constant 32 : i32
      %mul3A_144 = arith.muli %add3A_142, %mul3A_143 : i32
      %add3A_145 = arith.addi %mul3A_84, %mul3A_144 : i32
      "tpu.region"() ({
        %run_scoped3A = tpu.sem_alloc : memref<!tpu.dma_semaphore, #tpu.memory_space<semaphore_mem>>
        %dma_start3A_265 = tpu.memref_slice %arg5[%add3A_145] : memref<320000xi32, #tpu.memory_space<hbm>> -> memref<32xi32, #tpu.memory_space<hbm>>
        %dma_start3A_266 = tpu.memref_slice %arg5[%add3A_145] : memref<320000xi32, #tpu.memory_space<hbm>> -> memref<32xi32, #tpu.memory_space<hbm>>
        tpu.enqueue_dma source(%dma_start3A_266 : memref<32xi32, #tpu.memory_space<hbm>>) target(%arg11 : memref<32xi32, #tpu.memory_space<vmem>>) target_semaphore(%run_scoped3A : memref<!tpu.dma_semaphore, #tpu.memory_space<semaphore_mem>>)
        %dma_wait3A_267 = tpu.memref_slice %arg5[%add3A_145] : memref<320000xi32, #tpu.memory_space<hbm>> -> memref<32xi32, #tpu.memory_space<hbm>>
        %dma_wait3A_268 = tpu.memref_slice %arg5[%add3A_145] : memref<320000xi32, #tpu.memory_space<hbm>> -> memref<32xi32, #tpu.memory_space<hbm>>
        tpu.wait_dma2 semaphore(%run_scoped3A : memref<!tpu.dma_semaphore, #tpu.memory_space<semaphore_mem>>) src(%dma_wait3A_268 : memref<32xi32, #tpu.memory_space<hbm>>) dst(%arg11 : memref<32xi32, #tpu.memory_space<vmem>>)
        tpu.yield
      }) : () -> ()
      "tpu.region"() ({
        %run_scoped3A = tpu.sem_alloc : memref<!tpu.dma_semaphore, #tpu.memory_space<semaphore_mem>>
        %dma_start3A_265 = tpu.memref_slice %arg6[%add3A_145] : memref<320000xi32, #tpu.memory_space<hbm>> -> memref<32xi32, #tpu.memory_space<hbm>>
        %dma_start3A_266 = tpu.memref_slice %arg6[%add3A_145] : memref<320000xi32, #tpu.memory_space<hbm>> -> memref<32xi32, #tpu.memory_space<hbm>>
        tpu.enqueue_dma source(%dma_start3A_266 : memref<32xi32, #tpu.memory_space<hbm>>) target(%arg12 : memref<32xi32, #tpu.memory_space<vmem>>) target_semaphore(%run_scoped3A : memref<!tpu.dma_semaphore, #tpu.memory_space<semaphore_mem>>)
        %dma_wait3A_267 = tpu.memref_slice %arg6[%add3A_145] : memref<320000xi32, #tpu.memory_space<hbm>> -> memref<32xi32, #tpu.memory_space<hbm>>
        %dma_wait3A_268 = tpu.memref_slice %arg6[%add3A_145] : memref<320000xi32, #tpu.memory_space<hbm>> -> memref<32xi32, #tpu.memory_space<hbm>>
        tpu.wait_dma2 semaphore(%run_scoped3A : memref<!tpu.dma_semaphore, #tpu.memory_space<semaphore_mem>>) src(%dma_wait3A_268 : memref<32xi32, #tpu.memory_space<hbm>>) dst(%arg12 : memref<32xi32, #tpu.memory_space<vmem>>)
        tpu.yield
      }) : () -> ()
      %get3A_146 = arith.constant 0 : index
      %get3A_147 = tpu.vector_load %arg11[%get3A_146] {strides = array<i32>} : memref<32xi32, #tpu.memory_space<vmem>>, vector<16xi32>,
      %get3A_148 = arith.constant 0 : index
      %get3A_149 = tpu.vector_load %arg12[%get3A_148] {strides = array<i32>} : memref<32xi32, #tpu.memory_space<vmem>>, vector<16xi32>,
      %shift_right_arithmetic3A = arith.constant 3 : i32
      %shift_right_arithmetic3A_150 = vector.broadcast %shift_right_arithmetic3A : i32 to vector<16xi32>
      %shift_right_arithmetic3A_151 = arith.shrsi %get3A_147, %shift_right_arithmetic3A_150 : vector<16xi32>
      %swap3A = arith.constant 0 : index
      %swap3A_152 = tpu.vector_load %arg13[%swap3A] {strides = array<i32>} : memref<32xi32, #tpu.memory_space<vmem>>, vector<16xi32>,
      tpu.vector_store %arg13[%swap3A], %shift_right_arithmetic3A_151 {strides = array<i32>} : memref<32xi32, #tpu.memory_space<vmem>>, vector<16xi32>,
      %shift_right_arithmetic3A_153 = arith.constant 3 : i32
      %shift_right_arithmetic3A_154 = vector.broadcast %shift_right_arithmetic3A_153 : i32 to vector<16xi32>
      %shift_right_arithmetic3A_155 = arith.shrsi %get3A_149, %shift_right_arithmetic3A_154 : vector<16xi32>
      %swap3A_156 = arith.constant 0 : index
      %swap3A_157 = tpu.vector_load %arg14[%swap3A_156] {strides = array<i32>} : memref<32xi32, #tpu.memory_space<vmem>>, vector<16xi32>,
      tpu.vector_store %arg14[%swap3A_156], %shift_right_arithmetic3A_155 {strides = array<i32>} : memref<32xi32, #tpu.memory_space<vmem>>, vector<16xi32>,
      %get3A_158 = arith.constant 16 : index
      %get3A_159 = tpu.vector_load %arg11[%get3A_158] {strides = array<i32>} : memref<32xi32, #tpu.memory_space<vmem>>, vector<16xi32>,
      %get3A_160 = arith.constant 16 : index
      %get3A_161 = tpu.vector_load %arg12[%get3A_160] {strides = array<i32>} : memref<32xi32, #tpu.memory_space<vmem>>, vector<16xi32>,
      %shift_right_arithmetic3A_162 = arith.constant 3 : i32
      %shift_right_arithmetic3A_163 = vector.broadcast %shift_right_arithmetic3A_162 : i32 to vector<16xi32>
      %shift_right_arithmetic3A_164 = arith.shrsi %get3A_159, %shift_right_arithmetic3A_163 : vector<16xi32>
      %swap3A_165 = arith.constant 16 : index
      %swap3A_166 = tpu.vector_load %arg13[%swap3A_165] {strides = array<i32>} : memref<32xi32, #tpu.memory_space<vmem>>, vector<16xi32>,
      tpu.vector_store %arg13[%swap3A_165], %shift_right_arithmetic3A_164 {strides = array<i32>} : memref<32xi32, #tpu.memory_space<vmem>>, vector<16xi32>,
      %shift_right_arithmetic3A_167 = arith.constant 3 : i32
      %shift_right_arithmetic3A_168 = vector.broadcast %shift_right_arithmetic3A_167 : i32 to vector<16xi32>
      %shift_right_arithmetic3A_169 = arith.shrsi %get3A_161, %shift_right_arithmetic3A_168 : vector<16xi32>
      %swap3A_170 = arith.constant 16 : index
      %swap3A_171 = tpu.vector_load %arg14[%swap3A_170] {strides = array<i32>} : memref<32xi32, #tpu.memory_space<vmem>>, vector<16xi32>,
      tpu.vector_store %arg14[%swap3A_170], %shift_right_arithmetic3A_169 {strides = array<i32>} : memref<32xi32, #tpu.memory_space<vmem>>, vector<16xi32>,
      %dma_start3A = arith.constant 0 : i32
      %dma_start3A_172 = arith.constant 0 : i32
      %dma_start3A_173 = tpu.memref_slice %arg2[%dma_start3A, %dma_start3A_172] : memref<10000x128xf32, #tpu.memory_space<hbm>> -> memref<10000x128xf32, #tpu.memory_space<hbm>>
      tpu.enqueue_indirect_dma source(%dma_start3A_173 : memref<10000x128xf32, #tpu.memory_space<hbm>>) target(%arg15 : memref<32x128xf32, #tpu.memory_space<vmem>>) offsets(%arg11 : memref<32xi32, #tpu.memory_space<vmem>>) semaphore(%arg21 : memref<!tpu.dma_semaphore, #tpu.memory_space<semaphore_mem>>)
      %dma_start3A_174 = arith.constant 0 : i32
      %dma_start3A_175 = arith.constant 0 : i32
      %dma_start3A_176 = tpu.memref_slice %arg3[%dma_start3A_174, %dma_start3A_175] : memref<1280x128xf32, #tpu.memory_space<hbm>> -> memref<1280x128xf32, #tpu.memory_space<hbm>>
      tpu.enqueue_indirect_dma source(%dma_start3A_176 : memref<1280x128xf32, #tpu.memory_space<hbm>>) target(%arg16 : memref<32x128xf32, #tpu.memory_space<vmem>>) offsets(%arg13 : memref<32xi32, #tpu.memory_space<vmem>>) semaphore(%arg22 : memref<!tpu.dma_semaphore, #tpu.memory_space<semaphore_mem>>)
      %dma_start3A_177 = arith.constant 0 : i32
      %dma_start3A_178 = arith.constant 0 : i32
      %dma_start3A_179 = tpu.memref_slice %arg3[%dma_start3A_177, %dma_start3A_178] : memref<1280x128xf32, #tpu.memory_space<hbm>> -> memref<1280x128xf32, #tpu.memory_space<hbm>>
      tpu.enqueue_indirect_dma source(%dma_start3A_179 : memref<1280x128xf32, #tpu.memory_space<hbm>>) target(%arg17 : memref<32x128xf32, #tpu.memory_space<vmem>>) offsets(%arg14 : memref<32xi32, #tpu.memory_space<vmem>>) semaphore(%arg23 : memref<!tpu.dma_semaphore, #tpu.memory_space<semaphore_mem>>)
      %dma_wait3A = arith.constant 0 : i32
      %dma_wait3A_180 = arith.constant 0 : i32
      %dma_wait3A_181 = tpu.memref_slice %arg2[%dma_wait3A, %dma_wait3A_180] : memref<10000x128xf32, #tpu.memory_space<hbm>> -> memref<10000x128xf32, #tpu.memory_space<hbm>>
      tpu.wait_indirect_dma semaphore(%arg21 : memref<!tpu.dma_semaphore, #tpu.memory_space<semaphore_mem>>) src(%dma_wait3A_181 : memref<10000x128xf32, #tpu.memory_space<hbm>>) dst(%arg15 : memref<32x128xf32, #tpu.memory_space<vmem>>)
      %dma_wait3A_182 = arith.constant 0 : i32
      %dma_wait3A_183 = arith.constant 0 : i32
      %dma_wait3A_184 = tpu.memref_slice %arg3[%dma_wait3A_182, %dma_wait3A_183] : memref<1280x128xf32, #tpu.memory_space<hbm>> -> memref<1280x128xf32, #tpu.memory_space<hbm>>
      tpu.wait_indirect_dma semaphore(%arg22 : memref<!tpu.dma_semaphore, #tpu.memory_space<semaphore_mem>>) src(%dma_wait3A_184 : memref<1280x128xf32, #tpu.memory_space<hbm>>) dst(%arg16 : memref<32x128xf32, #tpu.memory_space<vmem>>)
      %dma_wait3A_185 = arith.constant 0 : i32
      %dma_wait3A_186 = arith.constant 0 : i32
      %dma_wait3A_187 = tpu.memref_slice %arg3[%dma_wait3A_185, %dma_wait3A_186] : memref<1280x128xf32, #tpu.memory_space<hbm>> -> memref<1280x128xf32, #tpu.memory_space<hbm>>
      tpu.wait_indirect_dma semaphore(%arg23 : memref<!tpu.dma_semaphore, #tpu.memory_space<semaphore_mem>>) src(%dma_wait3A_187 : memref<1280x128xf32, #tpu.memory_space<hbm>>) dst(%arg17 : memref<32x128xf32, #tpu.memory_space<vmem>>)
      %get3A_188 = arith.constant 0 : index
      %get3A_189 = tpu.vector_load %arg11[%get3A_188] {strides = array<i32>} : memref<32xi32, #tpu.memory_space<vmem>>, vector<16xi32>,
      %and3A_190 = arith.constant 7 : i32
      %and3A_191 = vector.broadcast %and3A_190 : i32 to vector<16xi32>
      %and3A_192 = arith.andi %get3A_189, %and3A_191 : vector<16xi32>
      %mul3A_193 = arith.constant 16 : i32
      %mul3A_194 = vector.broadcast %mul3A_193 : i32 to vector<16xi32>
      %mul3A_195 = arith.muli %and3A_192, %mul3A_194 : vector<16xi32>
      %get3A_196 = arith.constant 0 : index
      %get3A_197 = tpu.vector_load %arg12[%get3A_196] {strides = array<i32>} : memref<32xi32, #tpu.memory_space<vmem>>, vector<16xi32>,
      %and3A_198 = arith.constant 7 : i32
      %and3A_199 = vector.broadcast %and3A_198 : i32 to vector<16xi32>
      %and3A_200 = arith.andi %get3A_197, %and3A_199 : vector<16xi32>
      %mul3A_201 = arith.constant 16 : i32
      %mul3A_202 = vector.broadcast %mul3A_201 : i32 to vector<16xi32>
      %mul3A_203 = arith.muli %and3A_200, %mul3A_202 : vector<16xi32>
      %scan3A_204 = arith.constant 0 : i32
      %scan3A_205 = arith.constant 0 : i32
      %scan3A_206 = arith.constant 16 : i32
      %scan3A_207 = arith.addi %scan3A_205, %scan3A_206 : i32
      %scan3A_208 = arith.constant 1 : i32
      %scan3A_209 = scf.for %scan3A_265 = %scan3A_205 to %scan3A_207 step %scan3A_208 iter_args(%scan3A_266 = %scan3A_204) -> (i32)  : i32 {
        %broadcast_in_dim3A_267 = arith.constant 0 : i32
        %broadcast_in_dim3A_268 = vector.broadcast %broadcast_in_dim3A_267 : i32 to vector<16xi32>
        %add3A_269 = vector.broadcast %scan3A_265 : i32 to vector<16xi32>
        %add3A_270 = arith.addi %broadcast_in_dim3A_268, %add3A_269 : vector<16xi32>
        %broadcast_in_dim3A_271 = vector.broadcast %scan3A_265 : i32 to vector<16xi32>
        %reshape3A = vector.shape_cast %broadcast_in_dim3A_271 : vector<16xi32> to vector<16x1xi32>
        %gather3A = vector.shape_cast %reshape3A : vector<16x1xi32> to vector<16xi32>
        %gather3A_272 = tpu.dynamic_gather %mul3A_195[%gather3A] in [0] : vector<16xi32>, vector<16xi32> -> vector<16xi32>
        %reshape3A_273 = vector.shape_cast %broadcast_in_dim3A_271 : vector<16xi32> to vector<16x1xi32>
        %gather3A_274 = vector.shape_cast %reshape3A_273 : vector<16x1xi32> to vector<16xi32>
        %gather3A_275 = tpu.dynamic_gather %mul3A_203[%gather3A_274] in [0] : vector<16xi32>, vector<16xi32> -> vector<16xi32>
        %add3A_276 = arith.addi %gather3A_272, %iota3A : vector<16xi32>
        %gather3A_277 = tpu.vector_load_idx %arg16[%add3A_270, %add3A_276] : memref<32x128xf32, #tpu.memory_space<vmem>>[vector<16xi32>, vector<16xi32>], vector<16xf32>,
        %add3A_278 = arith.addi %gather3A_275, %iota3A : vector<16xi32>
        %gather3A_279 = tpu.vector_load_idx %arg17[%add3A_270, %add3A_278] : memref<32x128xf32, #tpu.memory_space<vmem>>[vector<16xi32>, vector<16xi32>], vector<16xf32>,
        %reshape3A_280 = vector.shape_cast %select_n3A_17 : vector<16xi32> to vector<16x1xi32>
        %gather3A_281 = vector.shape_cast %reshape3A_280 : vector<16x1xi32> to vector<16xi32>
        %gather3A_282 = tpu.dynamic_gather %gather3A_279[%gather3A_281] in [0] : vector<16xf32>, vector<16xi32> -> vector<16xf32>
        %add3A_283 = arith.addf %gather3A_277, %gather3A_282 : vector<16xf32>
        %ge3A = arith.constant 0.000000e+00 : f32
        %ge3A_284 = vector.broadcast %ge3A : f32 to vector<16xf32>
        %ge3A_285 = arith.cmpf oge, %add3A_283, %ge3A_284 : vector<16xf32>
        %mul3A_286 = arith.constant 2.000000e-01 : f32
        %mul3A_287 = vector.broadcast %mul3A_286 : f32 to vector<16xf32>
        %mul3A_288 = arith.mulf %mul3A_287, %add3A_283 : vector<16xf32>
        %select_n3A_289 = arith.select %ge3A_285, %add3A_283, %mul3A_288 : vector<16xi1>, vector<16xf32>
        %add3A_290 = arith.addf %get3A_82, %gather3A_282 : vector<16xf32>
        %ge3A_291 = arith.constant 0.000000e+00 : f32
        %ge3A_292 = vector.broadcast %ge3A_291 : f32 to vector<16xf32>
        %ge3A_293 = arith.cmpf oge, %add3A_290, %ge3A_292 : vector<16xf32>
        %mul3A_294 = arith.constant 2.000000e-01 : f32
        %mul3A_295 = vector.broadcast %mul3A_294 : f32 to vector<16xf32>
        %mul3A_296 = arith.mulf %mul3A_295, %add3A_290 : vector<16xf32>
        %select_n3A_297 = arith.select %ge3A_293, %add3A_290, %mul3A_296 : vector<16xi1>, vector<16xf32>
        %sub3A_298 = arith.subf %select_n3A_289, %select_n3A_297 : vector<16xf32>
        %exp3A = math.exp %sub3A_298 : vector<16xf32>
        %jit3A_299 = arith.constant 0.000000e+00 : f32
        %broadcast_in_dim3A_300 = vector.broadcast %jit3A_299 : f32 to vector<16xf32>
        %select_n3A_301 = arith.select %lt3A_20, %exp3A, %broadcast_in_dim3A_300 : vector<16xi1>, vector<16xf32>
        %add3A_302 = arith.addi %gather3A_275, %iota3A : vector<16xi32>
        tpu.vector_store_idx %arg18[%add3A_270, %add3A_302], %select_n3A_301 : memref<32x128xf32, #tpu.memory_space<vmem>>[vector<16xi32>, vector<16xi32>], vector<16xf32>,
        %add3A_303 = arith.constant 0 : i32
        %add3A_304 = arith.addi %add3A_303, %scan3A_265 : i32
        %broadcast_in_dim3A_305 = arith.constant 0 : i32
        %broadcast_in_dim3A_306 = vector.broadcast %broadcast_in_dim3A_305 : i32 to vector<16xi32>
        %reshape3A_307 = vector.shape_cast %broadcast_in_dim3A_306 : vector<16xi32> to vector<16x1xi32>
        %gather3A_308 = vector.shape_cast %reshape3A_307 : vector<16x1xi32> to vector<16xi32>
        %gather3A_309 = tpu.dynamic_gather %select_n3A_301[%gather3A_308] in [0] : vector<16xf32>, vector<16xi32> -> vector<16xf32>
        %get3A_310 = arith.index_cast %add3A_304 : i32 to index
        %get3A_311 = arith.constant 0 : index
        %get3A_312 = tpu.vector_load %arg15[%get3A_310, %get3A_311] {strides = array<i32>} : memref<32x128xf32, #tpu.memory_space<vmem>>, vector<16xf32>,
        %mul3A_313 = arith.mulf %gather3A_309, %get3A_312 : vector<16xf32>
        %swap3A_314 = arith.index_cast %add3A_304 : i32 to index
        %swap3A_315 = arith.constant 0 : index
        %swap3A_316 = tpu.vector_load %arg19[%swap3A_314, %swap3A_315] {strides = array<i32>} : memref<32x128xf32, #tpu.memory_space<vmem>>, vector<16xf32>,
        tpu.vector_store %arg19[%swap3A_314, %swap3A_315], %mul3A_313 {strides = array<i32>} : memref<32x128xf32, #tpu.memory_space<vmem>>, vector<16xf32>,
        %broadcast_in_dim3A_317 = arith.constant 1 : i32
        %broadcast_in_dim3A_318 = vector.broadcast %broadcast_in_dim3A_317 : i32 to vector<16xi32>
        %reshape3A_319 = vector.shape_cast %broadcast_in_dim3A_318 : vector<16xi32> to vector<16x1xi32>
        %gather3A_320 = vector.shape_cast %reshape3A_319 : vector<16x1xi32> to vector<16xi32>
        %gather3A_321 = tpu.dynamic_gather %select_n3A_301[%gather3A_320] in [0] : vector<16xf32>, vector<16xi32> -> vector<16xf32>
        %get3A_322 = arith.index_cast %add3A_304 : i32 to index
        %get3A_323 = arith.constant 16 : index
        %get3A_324 = tpu.vector_load %arg15[%get3A_322, %get3A_323] {strides = array<i32>} : memref<32x128xf32, #tpu.memory_space<vmem>>, vector<16xf32>,
        %mul3A_325 = arith.mulf %gather3A_321, %get3A_324 : vector<16xf32>
        %swap3A_326 = arith.index_cast %add3A_304 : i32 to index
        %swap3A_327 = arith.constant 16 : index
        %swap3A_328 = tpu.vector_load %arg19[%swap3A_326, %swap3A_327] {strides = array<i32>} : memref<32x128xf32, #tpu.memory_space<vmem>>, vector<16xf32>,
        tpu.vector_store %arg19[%swap3A_326, %swap3A_327], %mul3A_325 {strides = array<i32>} : memref<32x128xf32, #tpu.memory_space<vmem>>, vector<16xf32>,
        %broadcast_in_dim3A_329 = arith.constant 2 : i32
        %broadcast_in_dim3A_330 = vector.broadcast %broadcast_in_dim3A_329 : i32 to vector<16xi32>
        %reshape3A_331 = vector.shape_cast %broadcast_in_dim3A_330 : vector<16xi32> to vector<16x1xi32>
        %gather3A_332 = vector.shape_cast %reshape3A_331 : vector<16x1xi32> to vector<16xi32>
        %gather3A_333 = tpu.dynamic_gather %select_n3A_301[%gather3A_332] in [0] : vector<16xf32>, vector<16xi32> -> vector<16xf32>
        %get3A_334 = arith.index_cast %add3A_304 : i32 to index
        %get3A_335 = arith.constant 32 : index
        %get3A_336 = tpu.vector_load %arg15[%get3A_334, %get3A_335] {strides = array<i32>} : memref<32x128xf32, #tpu.memory_space<vmem>>, vector<16xf32>,
        %mul3A_337 = arith.mulf %gather3A_333, %get3A_336 : vector<16xf32>
        %swap3A_338 = arith.index_cast %add3A_304 : i32 to index
        %swap3A_339 = arith.constant 32 : index
        %swap3A_340 = tpu.vector_load %arg19[%swap3A_338, %swap3A_339] {strides = array<i32>} : memref<32x128xf32, #tpu.memory_space<vmem>>, vector<16xf32>,
        tpu.vector_store %arg19[%swap3A_338, %swap3A_339], %mul3A_337 {strides = array<i32>} : memref<32x128xf32, #tpu.memory_space<vmem>>, vector<16xf32>,
        %broadcast_in_dim3A_341 = arith.constant 3 : i32
        %broadcast_in_dim3A_342 = vector.broadcast %broadcast_in_dim3A_341 : i32 to vector<16xi32>
        %reshape3A_343 = vector.shape_cast %broadcast_in_dim3A_342 : vector<16xi32> to vector<16x1xi32>
        %gather3A_344 = vector.shape_cast %reshape3A_343 : vector<16x1xi32> to vector<16xi32>
        %gather3A_345 = tpu.dynamic_gather %select_n3A_301[%gather3A_344] in [0] : vector<16xf32>, vector<16xi32> -> vector<16xf32>
        %get3A_346 = arith.index_cast %add3A_304 : i32 to index
        %get3A_347 = arith.constant 48 : index
        %get3A_348 = tpu.vector_load %arg15[%get3A_346, %get3A_347] {strides = array<i32>} : memref<32x128xf32, #tpu.memory_space<vmem>>, vector<16xf32>,
        %mul3A_349 = arith.mulf %gather3A_345, %get3A_348 : vector<16xf32>
        %swap3A_350 = arith.index_cast %add3A_304 : i32 to index
        %swap3A_351 = arith.constant 48 : index
        %swap3A_352 = tpu.vector_load %arg19[%swap3A_350, %swap3A_351] {strides = array<i32>} : memref<32x128xf32, #tpu.memory_space<vmem>>, vector<16xf32>,
        tpu.vector_store %arg19[%swap3A_350, %swap3A_351], %mul3A_349 {strides = array<i32>} : memref<32x128xf32, #tpu.memory_space<vmem>>, vector<16xf32>,
        %broadcast_in_dim3A_353 = arith.constant 4 : i32
        %broadcast_in_dim3A_354 = vector.broadcast %broadcast_in_dim3A_353 : i32 to vector<16xi32>
        %reshape3A_355 = vector.shape_cast %broadcast_in_dim3A_354 : vector<16xi32> to vector<16x1xi32>
        %gather3A_356 = vector.shape_cast %reshape3A_355 : vector<16x1xi32> to vector<16xi32>
        %gather3A_357 = tpu.dynamic_gather %select_n3A_301[%gather3A_356] in [0] : vector<16xf32>, vector<16xi32> -> vector<16xf32>
        %get3A_358 = arith.index_cast %add3A_304 : i32 to index
        %get3A_359 = arith.constant 64 : index
        %get3A_360 = tpu.vector_load %arg15[%get3A_358, %get3A_359] {strides = array<i32>} : memref<32x128xf32, #tpu.memory_space<vmem>>, vector<16xf32>,
        %mul3A_361 = arith.mulf %gather3A_357, %get3A_360 : vector<16xf32>
        %swap3A_362 = arith.index_cast %add3A_304 : i32 to index
        %swap3A_363 = arith.constant 64 : index
        %swap3A_364 = tpu.vector_load %arg19[%swap3A_362, %swap3A_363] {strides = array<i32>} : memref<32x128xf32, #tpu.memory_space<vmem>>, vector<16xf32>,
        tpu.vector_store %arg19[%swap3A_362, %swap3A_363], %mul3A_361 {strides = array<i32>} : memref<32x128xf32, #tpu.memory_space<vmem>>, vector<16xf32>,
        %broadcast_in_dim3A_365 = arith.constant 5 : i32
        %broadcast_in_dim3A_366 = vector.broadcast %broadcast_in_dim3A_365 : i32 to vector<16xi32>
        %reshape3A_367 = vector.shape_cast %broadcast_in_dim3A_366 : vector<16xi32> to vector<16x1xi32>
        %gather3A_368 = vector.shape_cast %reshape3A_367 : vector<16x1xi32> to vector<16xi32>
        %gather3A_369 = tpu.dynamic_gather %select_n3A_301[%gather3A_368] in [0] : vector<16xf32>, vector<16xi32> -> vector<16xf32>
        %get3A_370 = arith.index_cast %add3A_304 : i32 to index
        %get3A_371 = arith.constant 80 : index
        %get3A_372 = tpu.vector_load %arg15[%get3A_370, %get3A_371] {strides = array<i32>} : memref<32x128xf32, #tpu.memory_space<vmem>>, vector<16xf32>,
        %mul3A_373 = arith.mulf %gather3A_369, %get3A_372 : vector<16xf32>
        %swap3A_374 = arith.index_cast %add3A_304 : i32 to index
        %swap3A_375 = arith.constant 80 : index
        %swap3A_376 = tpu.vector_load %arg19[%swap3A_374, %swap3A_375] {strides = array<i32>} : memref<32x128xf32, #tpu.memory_space<vmem>>, vector<16xf32>,
        tpu.vector_store %arg19[%swap3A_374, %swap3A_375], %mul3A_373 {strides = array<i32>} : memref<32x128xf32, #tpu.memory_space<vmem>>, vector<16xf32>,
        %broadcast_in_dim3A_377 = arith.constant 6 : i32
        %broadcast_in_dim3A_378 = vector.broadcast %broadcast_in_dim3A_377 : i32 to vector<16xi32>
        %reshape3A_379 = vector.shape_cast %broadcast_in_dim3A_378 : vector<16xi32> to vector<16x1xi32>
        %gather3A_380 = vector.shape_cast %reshape3A_379 : vector<16x1xi32> to vector<16xi32>
        %gather3A_381 = tpu.dynamic_gather %select_n3A_301[%gather3A_380] in [0] : vector<16xf32>, vector<16xi32> -> vector<16xf32>
        %get3A_382 = arith.index_cast %add3A_304 : i32 to index
        %get3A_383 = arith.constant 96 : index
        %get3A_384 = tpu.vector_load %arg15[%get3A_382, %get3A_383] {strides = array<i32>} : memref<32x128xf32, #tpu.memory_space<vmem>>, vector<16xf32>,
        %mul3A_385 = arith.mulf %gather3A_381, %get3A_384 : vector<16xf32>
        %swap3A_386 = arith.index_cast %add3A_304 : i32 to index
        %swap3A_387 = arith.constant 96 : index
        %swap3A_388 = tpu.vector_load %arg19[%swap3A_386, %swap3A_387] {strides = array<i32>} : memref<32x128xf32, #tpu.memory_space<vmem>>, vector<16xf32>,
        tpu.vector_store %arg19[%swap3A_386, %swap3A_387], %mul3A_385 {strides = array<i32>} : memref<32x128xf32, #tpu.memory_space<vmem>>, vector<16xf32>,
        %broadcast_in_dim3A_389 = arith.constant 7 : i32
        %broadcast_in_dim3A_390 = vector.broadcast %broadcast_in_dim3A_389 : i32 to vector<16xi32>
        %reshape3A_391 = vector.shape_cast %broadcast_in_dim3A_390 : vector<16xi32> to vector<16x1xi32>
        %gather3A_392 = vector.shape_cast %reshape3A_391 : vector<16x1xi32> to vector<16xi32>
        %gather3A_393 = tpu.dynamic_gather %select_n3A_301[%gather3A_392] in [0] : vector<16xf32>, vector<16xi32> -> vector<16xf32>
        %get3A_394 = arith.index_cast %add3A_304 : i32 to index
        %get3A_395 = arith.constant 112 : index
        %get3A_396 = tpu.vector_load %arg15[%get3A_394, %get3A_395] {strides = array<i32>} : memref<32x128xf32, #tpu.memory_space<vmem>>, vector<16xf32>,
        %mul3A_397 = arith.mulf %gather3A_393, %get3A_396 : vector<16xf32>
        %swap3A_398 = arith.index_cast %add3A_304 : i32 to index
        %swap3A_399 = arith.constant 112 : index
        %swap3A_400 = tpu.vector_load %arg19[%swap3A_398, %swap3A_399] {strides = array<i32>} : memref<32x128xf32, #tpu.memory_space<vmem>>, vector<16xf32>,
        tpu.vector_store %arg19[%swap3A_398, %swap3A_399], %mul3A_397 {strides = array<i32>} : memref<32x128xf32, #tpu.memory_space<vmem>>, vector<16xf32>,
        %scan3A_401 = arith.constant 0 : i32
        scf.yield %scan3A_401 : i32
      }
      %scan3A_210 = arith.constant 16 : i32
      %get3A_211 = arith.constant 16 : index
      %get3A_212 = tpu.vector_load %arg11[%get3A_211] {strides = array<i32>} : memref<32xi32, #tpu.memory_space<vmem>>, vector<16xi32>,
      %and3A_213 = arith.constant 7 : i32
      %and3A_214 = vector.broadcast %and3A_213 : i32 to vector<16xi32>
      %and3A_215 = arith.andi %get3A_212, %and3A_214 : vector<16xi32>
      %mul3A_216 = arith.constant 16 : i32
      %mul3A_217 = vector.broadcast %mul3A_216 : i32 to vector<16xi32>
      %mul3A_218 = arith.muli %and3A_215, %mul3A_217 : vector<16xi32>
      %get3A_219 = arith.constant 16 : index
      %get3A_220 = tpu.vector_load %arg12[%get3A_219] {strides = array<i32>} : memref<32xi32, #tpu.memory_space<vmem>>, vector<16xi32>,
      %and3A_221 = arith.constant 7 : i32
      %and3A_222 = vector.broadcast %and3A_221 : i32 to vector<16xi32>
      %and3A_223 = arith.andi %get3A_220, %and3A_222 : vector<16xi32>
      %mul3A_224 = arith.constant 16 : i32
      %mul3A_225 = vector.broadcast %mul3A_224 : i32 to vector<16xi32>
      %mul3A_226 = arith.muli %and3A_223, %mul3A_225 : vector<16xi32>
      %scan3A_227 = arith.constant 0 : i32
      %scan3A_228 = arith.constant 0 : i32
      %scan3A_229 = arith.constant 16 : i32
      %scan3A_230 = arith.addi %scan3A_228, %scan3A_229 : i32
      %scan3A_231 = arith.constant 1 : i32
      %scan3A_232 = scf.for %scan3A_265 = %scan3A_228 to %scan3A_230 step %scan3A_231 iter_args(%scan3A_266 = %scan3A_227) -> (i32)  : i32 {
        %broadcast_in_dim3A_267 = arith.constant 16 : i32
        %broadcast_in_dim3A_268 = vector.broadcast %broadcast_in_dim3A_267 : i32 to vector<16xi32>
        %add3A_269 = vector.broadcast %scan3A_265 : i32 to vector<16xi32>
        %add3A_270 = arith.addi %broadcast_in_dim3A_268, %add3A_269 : vector<16xi32>
        %broadcast_in_dim3A_271 = vector.broadcast %scan3A_265 : i32 to vector<16xi32>
        %reshape3A = vector.shape_cast %broadcast_in_dim3A_271 : vector<16xi32> to vector<16x1xi32>
        %gather3A = vector.shape_cast %reshape3A : vector<16x1xi32> to vector<16xi32>
        %gather3A_272 = tpu.dynamic_gather %mul3A_218[%gather3A] in [0] : vector<16xi32>, vector<16xi32> -> vector<16xi32>
        %reshape3A_273 = vector.shape_cast %broadcast_in_dim3A_271 : vector<16xi32> to vector<16x1xi32>
        %gather3A_274 = vector.shape_cast %reshape3A_273 : vector<16x1xi32> to vector<16xi32>
        %gather3A_275 = tpu.dynamic_gather %mul3A_226[%gather3A_274] in [0] : vector<16xi32>, vector<16xi32> -> vector<16xi32>
        %add3A_276 = arith.addi %gather3A_272, %iota3A : vector<16xi32>
        %gather3A_277 = tpu.vector_load_idx %arg16[%add3A_270, %add3A_276] : memref<32x128xf32, #tpu.memory_space<vmem>>[vector<16xi32>, vector<16xi32>], vector<16xf32>,
        %add3A_278 = arith.addi %gather3A_275, %iota3A : vector<16xi32>
        %gather3A_279 = tpu.vector_load_idx %arg17[%add3A_270, %add3A_278] : memref<32x128xf32, #tpu.memory_space<vmem>>[vector<16xi32>, vector<16xi32>], vector<16xf32>,
        %reshape3A_280 = vector.shape_cast %select_n3A_17 : vector<16xi32> to vector<16x1xi32>
        %gather3A_281 = vector.shape_cast %reshape3A_280 : vector<16x1xi32> to vector<16xi32>
        %gather3A_282 = tpu.dynamic_gather %gather3A_279[%gather3A_281] in [0] : vector<16xf32>, vector<16xi32> -> vector<16xf32>
        %add3A_283 = arith.addf %gather3A_277, %gather3A_282 : vector<16xf32>
        %ge3A = arith.constant 0.000000e+00 : f32
        %ge3A_284 = vector.broadcast %ge3A : f32 to vector<16xf32>
        %ge3A_285 = arith.cmpf oge, %add3A_283, %ge3A_284 : vector<16xf32>
        %mul3A_286 = arith.constant 2.000000e-01 : f32
        %mul3A_287 = vector.broadcast %mul3A_286 : f32 to vector<16xf32>
        %mul3A_288 = arith.mulf %mul3A_287, %add3A_283 : vector<16xf32>
        %select_n3A_289 = arith.select %ge3A_285, %add3A_283, %mul3A_288 : vector<16xi1>, vector<16xf32>
        %add3A_290 = arith.addf %get3A_82, %gather3A_282 : vector<16xf32>
        %ge3A_291 = arith.constant 0.000000e+00 : f32
        %ge3A_292 = vector.broadcast %ge3A_291 : f32 to vector<16xf32>
        %ge3A_293 = arith.cmpf oge, %add3A_290, %ge3A_292 : vector<16xf32>
        %mul3A_294 = arith.constant 2.000000e-01 : f32
        %mul3A_295 = vector.broadcast %mul3A_294 : f32 to vector<16xf32>
        %mul3A_296 = arith.mulf %mul3A_295, %add3A_290 : vector<16xf32>
        %select_n3A_297 = arith.select %ge3A_293, %add3A_290, %mul3A_296 : vector<16xi1>, vector<16xf32>
        %sub3A_298 = arith.subf %select_n3A_289, %select_n3A_297 : vector<16xf32>
        %exp3A = math.exp %sub3A_298 : vector<16xf32>
        %jit3A_299 = arith.constant 0.000000e+00 : f32
        %broadcast_in_dim3A_300 = vector.broadcast %jit3A_299 : f32 to vector<16xf32>
        %select_n3A_301 = arith.select %lt3A_20, %exp3A, %broadcast_in_dim3A_300 : vector<16xi1>, vector<16xf32>
        %add3A_302 = arith.addi %gather3A_275, %iota3A : vector<16xi32>
        tpu.vector_store_idx %arg18[%add3A_270, %add3A_302], %select_n3A_301 : memref<32x128xf32, #tpu.memory_space<vmem>>[vector<16xi32>, vector<16xi32>], vector<16xf32>,
        %add3A_303 = arith.constant 16 : i32
        %add3A_304 = arith.addi %add3A_303, %scan3A_265 : i32
        %broadcast_in_dim3A_305 = arith.constant 0 : i32
        %broadcast_in_dim3A_306 = vector.broadcast %broadcast_in_dim3A_305 : i32 to vector<16xi32>
        %reshape3A_307 = vector.shape_cast %broadcast_in_dim3A_306 : vector<16xi32> to vector<16x1xi32>
        %gather3A_308 = vector.shape_cast %reshape3A_307 : vector<16x1xi32> to vector<16xi32>
        %gather3A_309 = tpu.dynamic_gather %select_n3A_301[%gather3A_308] in [0] : vector<16xf32>, vector<16xi32> -> vector<16xf32>
        %get3A_310 = arith.index_cast %add3A_304 : i32 to index
        %get3A_311 = arith.constant 0 : index
        %get3A_312 = tpu.vector_load %arg15[%get3A_310, %get3A_311] {strides = array<i32>} : memref<32x128xf32, #tpu.memory_space<vmem>>, vector<16xf32>,
        %mul3A_313 = arith.mulf %gather3A_309, %get3A_312 : vector<16xf32>
        %swap3A_314 = arith.index_cast %add3A_304 : i32 to index
        %swap3A_315 = arith.constant 0 : index
        %swap3A_316 = tpu.vector_load %arg19[%swap3A_314, %swap3A_315] {strides = array<i32>} : memref<32x128xf32, #tpu.memory_space<vmem>>, vector<16xf32>,
        tpu.vector_store %arg19[%swap3A_314, %swap3A_315], %mul3A_313 {strides = array<i32>} : memref<32x128xf32, #tpu.memory_space<vmem>>, vector<16xf32>,
        %broadcast_in_dim3A_317 = arith.constant 1 : i32
        %broadcast_in_dim3A_318 = vector.broadcast %broadcast_in_dim3A_317 : i32 to vector<16xi32>
        %reshape3A_319 = vector.shape_cast %broadcast_in_dim3A_318 : vector<16xi32> to vector<16x1xi32>
        %gather3A_320 = vector.shape_cast %reshape3A_319 : vector<16x1xi32> to vector<16xi32>
        %gather3A_321 = tpu.dynamic_gather %select_n3A_301[%gather3A_320] in [0] : vector<16xf32>, vector<16xi32> -> vector<16xf32>
        %get3A_322 = arith.index_cast %add3A_304 : i32 to index
        %get3A_323 = arith.constant 16 : index
        %get3A_324 = tpu.vector_load %arg15[%get3A_322, %get3A_323] {strides = array<i32>} : memref<32x128xf32, #tpu.memory_space<vmem>>, vector<16xf32>,
        %mul3A_325 = arith.mulf %gather3A_321, %get3A_324 : vector<16xf32>
        %swap3A_326 = arith.index_cast %add3A_304 : i32 to index
        %swap3A_327 = arith.constant 16 : index
        %swap3A_328 = tpu.vector_load %arg19[%swap3A_326, %swap3A_327] {strides = array<i32>} : memref<32x128xf32, #tpu.memory_space<vmem>>, vector<16xf32>,
        tpu.vector_store %arg19[%swap3A_326, %swap3A_327], %mul3A_325 {strides = array<i32>} : memref<32x128xf32, #tpu.memory_space<vmem>>, vector<16xf32>,
        %broadcast_in_dim3A_329 = arith.constant 2 : i32
        %broadcast_in_dim3A_330 = vector.broadcast %broadcast_in_dim3A_329 : i32 to vector<16xi32>
        %reshape3A_331 = vector.shape_cast %broadcast_in_dim3A_330 : vector<16xi32> to vector<16x1xi32>
        %gather3A_332 = vector.shape_cast %reshape3A_331 : vector<16x1xi32> to vector<16xi32>
        %gather3A_333 = tpu.dynamic_gather %select_n3A_301[%gather3A_332] in [0] : vector<16xf32>, vector<16xi32> -> vector<16xf32>
        %get3A_334 = arith.index_cast %add3A_304 : i32 to index
        %get3A_335 = arith.constant 32 : index
        %get3A_336 = tpu.vector_load %arg15[%get3A_334, %get3A_335] {strides = array<i32>} : memref<32x128xf32, #tpu.memory_space<vmem>>, vector<16xf32>,
        %mul3A_337 = arith.mulf %gather3A_333, %get3A_336 : vector<16xf32>
        %swap3A_338 = arith.index_cast %add3A_304 : i32 to index
        %swap3A_339 = arith.constant 32 : index
        %swap3A_340 = tpu.vector_load %arg19[%swap3A_338, %swap3A_339] {strides = array<i32>} : memref<32x128xf32, #tpu.memory_space<vmem>>, vector<16xf32>,
        tpu.vector_store %arg19[%swap3A_338, %swap3A_339], %mul3A_337 {strides = array<i32>} : memref<32x128xf32, #tpu.memory_space<vmem>>, vector<16xf32>,
        %broadcast_in_dim3A_341 = arith.constant 3 : i32
        %broadcast_in_dim3A_342 = vector.broadcast %broadcast_in_dim3A_341 : i32 to vector<16xi32>
        %reshape3A_343 = vector.shape_cast %broadcast_in_dim3A_342 : vector<16xi32> to vector<16x1xi32>
        %gather3A_344 = vector.shape_cast %reshape3A_343 : vector<16x1xi32> to vector<16xi32>
        %gather3A_345 = tpu.dynamic_gather %select_n3A_301[%gather3A_344] in [0] : vector<16xf32>, vector<16xi32> -> vector<16xf32>
        %get3A_346 = arith.index_cast %add3A_304 : i32 to index
        %get3A_347 = arith.constant 48 : index
        %get3A_348 = tpu.vector_load %arg15[%get3A_346, %get3A_347] {strides = array<i32>} : memref<32x128xf32, #tpu.memory_space<vmem>>, vector<16xf32>,
        %mul3A_349 = arith.mulf %gather3A_345, %get3A_348 : vector<16xf32>
        %swap3A_350 = arith.index_cast %add3A_304 : i32 to index
        %swap3A_351 = arith.constant 48 : index
        %swap3A_352 = tpu.vector_load %arg19[%swap3A_350, %swap3A_351] {strides = array<i32>} : memref<32x128xf32, #tpu.memory_space<vmem>>, vector<16xf32>,
        tpu.vector_store %arg19[%swap3A_350, %swap3A_351], %mul3A_349 {strides = array<i32>} : memref<32x128xf32, #tpu.memory_space<vmem>>, vector<16xf32>,
        %broadcast_in_dim3A_353 = arith.constant 4 : i32
        %broadcast_in_dim3A_354 = vector.broadcast %broadcast_in_dim3A_353 : i32 to vector<16xi32>
        %reshape3A_355 = vector.shape_cast %broadcast_in_dim3A_354 : vector<16xi32> to vector<16x1xi32>
        %gather3A_356 = vector.shape_cast %reshape3A_355 : vector<16x1xi32> to vector<16xi32>
        %gather3A_357 = tpu.dynamic_gather %select_n3A_301[%gather3A_356] in [0] : vector<16xf32>, vector<16xi32> -> vector<16xf32>
        %get3A_358 = arith.index_cast %add3A_304 : i32 to index
        %get3A_359 = arith.constant 64 : index
        %get3A_360 = tpu.vector_load %arg15[%get3A_358, %get3A_359] {strides = array<i32>} : memref<32x128xf32, #tpu.memory_space<vmem>>, vector<16xf32>,
        %mul3A_361 = arith.mulf %gather3A_357, %get3A_360 : vector<16xf32>
        %swap3A_362 = arith.index_cast %add3A_304 : i32 to index
        %swap3A_363 = arith.constant 64 : index
        %swap3A_364 = tpu.vector_load %arg19[%swap3A_362, %swap3A_363] {strides = array<i32>} : memref<32x128xf32, #tpu.memory_space<vmem>>, vector<16xf32>,
        tpu.vector_store %arg19[%swap3A_362, %swap3A_363], %mul3A_361 {strides = array<i32>} : memref<32x128xf32, #tpu.memory_space<vmem>>, vector<16xf32>,
        %broadcast_in_dim3A_365 = arith.constant 5 : i32
        %broadcast_in_dim3A_366 = vector.broadcast %broadcast_in_dim3A_365 : i32 to vector<16xi32>
        %reshape3A_367 = vector.shape_cast %broadcast_in_dim3A_366 : vector<16xi32> to vector<16x1xi32>
        %gather3A_368 = vector.shape_cast %reshape3A_367 : vector<16x1xi32> to vector<16xi32>
        %gather3A_369 = tpu.dynamic_gather %select_n3A_301[%gather3A_368] in [0] : vector<16xf32>, vector<16xi32> -> vector<16xf32>
        %get3A_370 = arith.index_cast %add3A_304 : i32 to index
        %get3A_371 = arith.constant 80 : index
        %get3A_372 = tpu.vector_load %arg15[%get3A_370, %get3A_371] {strides = array<i32>} : memref<32x128xf32, #tpu.memory_space<vmem>>, vector<16xf32>,
        %mul3A_373 = arith.mulf %gather3A_369, %get3A_372 : vector<16xf32>
        %swap3A_374 = arith.index_cast %add3A_304 : i32 to index
        %swap3A_375 = arith.constant 80 : index
        %swap3A_376 = tpu.vector_load %arg19[%swap3A_374, %swap3A_375] {strides = array<i32>} : memref<32x128xf32, #tpu.memory_space<vmem>>, vector<16xf32>,
        tpu.vector_store %arg19[%swap3A_374, %swap3A_375], %mul3A_373 {strides = array<i32>} : memref<32x128xf32, #tpu.memory_space<vmem>>, vector<16xf32>,
        %broadcast_in_dim3A_377 = arith.constant 6 : i32
        %broadcast_in_dim3A_378 = vector.broadcast %broadcast_in_dim3A_377 : i32 to vector<16xi32>
        %reshape3A_379 = vector.shape_cast %broadcast_in_dim3A_378 : vector<16xi32> to vector<16x1xi32>
        %gather3A_380 = vector.shape_cast %reshape3A_379 : vector<16x1xi32> to vector<16xi32>
        %gather3A_381 = tpu.dynamic_gather %select_n3A_301[%gather3A_380] in [0] : vector<16xf32>, vector<16xi32> -> vector<16xf32>
        %get3A_382 = arith.index_cast %add3A_304 : i32 to index
        %get3A_383 = arith.constant 96 : index
        %get3A_384 = tpu.vector_load %arg15[%get3A_382, %get3A_383] {strides = array<i32>} : memref<32x128xf32, #tpu.memory_space<vmem>>, vector<16xf32>,
        %mul3A_385 = arith.mulf %gather3A_381, %get3A_384 : vector<16xf32>
        %swap3A_386 = arith.index_cast %add3A_304 : i32 to index
        %swap3A_387 = arith.constant 96 : index
        %swap3A_388 = tpu.vector_load %arg19[%swap3A_386, %swap3A_387] {strides = array<i32>} : memref<32x128xf32, #tpu.memory_space<vmem>>, vector<16xf32>,
        tpu.vector_store %arg19[%swap3A_386, %swap3A_387], %mul3A_385 {strides = array<i32>} : memref<32x128xf32, #tpu.memory_space<vmem>>, vector<16xf32>,
        %broadcast_in_dim3A_389 = arith.constant 7 : i32
        %broadcast_in_dim3A_390 = vector.broadcast %broadcast_in_dim3A_389 : i32 to vector<16xi32>
        %reshape3A_391 = vector.shape_cast %broadcast_in_dim3A_390 : vector<16xi32> to vector<16x1xi32>
        %gather3A_392 = vector.shape_cast %reshape3A_391 : vector<16x1xi32> to vector<16xi32>
        %gather3A_393 = tpu.dynamic_gather %select_n3A_301[%gather3A_392] in [0] : vector<16xf32>, vector<16xi32> -> vector<16xf32>
        %get3A_394 = arith.index_cast %add3A_304 : i32 to index
        %get3A_395 = arith.constant 112 : index
        %get3A_396 = tpu.vector_load %arg15[%get3A_394, %get3A_395] {strides = array<i32>} : memref<32x128xf32, #tpu.memory_space<vmem>>, vector<16xf32>,
        %mul3A_397 = arith.mulf %gather3A_393, %get3A_396 : vector<16xf32>
        %swap3A_398 = arith.index_cast %add3A_304 : i32 to index
        %swap3A_399 = arith.constant 112 : index
        %swap3A_400 = tpu.vector_load %arg19[%swap3A_398, %swap3A_399] {strides = array<i32>} : memref<32x128xf32, #tpu.memory_space<vmem>>, vector<16xf32>,
        tpu.vector_store %arg19[%swap3A_398, %swap3A_399], %mul3A_397 {strides = array<i32>} : memref<32x128xf32, #tpu.memory_space<vmem>>, vector<16xf32>,
        %scan3A_401 = arith.constant 0 : i32
        scf.yield %scan3A_401 : i32
      }
      %scan3A_233 = arith.constant 16 : i32
      "tpu.region"() ({
        %run_scoped3A = tpu.sem_alloc : memref<!tpu.dma_semaphore, #tpu.memory_space<semaphore_mem>>
        %dma_start3A_265 = arith.constant 0 : i32
        %dma_start3A_266 = arith.constant 0 : i32
        %dma_start3A_267 = tpu.memref_slice %arg9[%dma_start3A_265, %dma_start3A_266] : memref<10240x128xf32, #tpu.memory_space<vmem_shared>> -> memref<10240x128xf32, #tpu.memory_space<vmem_shared>>
        tpu.enqueue_indirect_dma source(%arg19 : memref<32x128xf32, #tpu.memory_space<vmem>>) target(%dma_start3A_267 : memref<10240x128xf32, #tpu.memory_space<vmem_shared>>) offsets(%arg12 : memref<32xi32, #tpu.memory_space<vmem>>) semaphore(%run_scoped3A : memref<!tpu.dma_semaphore, #tpu.memory_space<semaphore_mem>>) {add = true}
        %dma_wait3A_268 = arith.constant 0 : i32
        %dma_wait3A_269 = arith.constant 0 : i32
        %dma_wait3A_270 = tpu.memref_slice %arg9[%dma_wait3A_268, %dma_wait3A_269] : memref<10240x128xf32, #tpu.memory_space<vmem_shared>> -> memref<10240x128xf32, #tpu.memory_space<vmem_shared>>
        tpu.wait_indirect_dma semaphore(%run_scoped3A : memref<!tpu.dma_semaphore, #tpu.memory_space<semaphore_mem>>) src(%arg19 : memref<32x128xf32, #tpu.memory_space<vmem>>) dst(%dma_wait3A_270 : memref<10240x128xf32, #tpu.memory_space<vmem_shared>>)
        tpu.yield
      }) : () -> ()
      "tpu.region"() ({
        %run_scoped3A = tpu.sem_alloc : memref<!tpu.dma_semaphore, #tpu.memory_space<semaphore_mem>>
        %dma_start3A_265 = arith.constant 0 : i32
        %dma_start3A_266 = arith.constant 0 : i32
        %dma_start3A_267 = tpu.memref_slice %arg10[%dma_start3A_265, %dma_start3A_266] : memref<1280x128xf32, #tpu.memory_space<vmem_shared>> -> memref<1280x128xf32, #tpu.memory_space<vmem_shared>>
        tpu.enqueue_indirect_dma source(%arg18 : memref<32x128xf32, #tpu.memory_space<vmem>>) target(%dma_start3A_267 : memref<1280x128xf32, #tpu.memory_space<vmem_shared>>) offsets(%arg14 : memref<32xi32, #tpu.memory_space<vmem>>) semaphore(%run_scoped3A : memref<!tpu.dma_semaphore, #tpu.memory_space<semaphore_mem>>) {add = true}
        %dma_wait3A_268 = arith.constant 0 : i32
        %dma_wait3A_269 = arith.constant 0 : i32
        %dma_wait3A_270 = tpu.memref_slice %arg10[%dma_wait3A_268, %dma_wait3A_269] : memref<1280x128xf32, #tpu.memory_space<vmem_shared>> -> memref<1280x128xf32, #tpu.memory_space<vmem_shared>>
        tpu.wait_indirect_dma semaphore(%run_scoped3A : memref<!tpu.dma_semaphore, #tpu.memory_space<semaphore_mem>>) src(%arg18 : memref<32x128xf32, #tpu.memory_space<vmem>>) dst(%dma_wait3A_270 : memref<1280x128xf32, #tpu.memory_space<vmem_shared>>)
        tpu.yield
      }) : () -> ()
      %get3A_234 = arith.constant 0 : index
      %get3A_235 = tpu.vector_load %arg12[%get3A_234] {strides = array<i32>} : memref<32xi32, #tpu.memory_space<vmem>>, vector<16xi32>,
      %and3A_236 = arith.constant 7 : i32
      %and3A_237 = vector.broadcast %and3A_236 : i32 to vector<16xi32>
      %and3A_238 = arith.andi %get3A_235, %and3A_237 : vector<16xi32>
      %mul3A_239 = arith.constant 16 : i32
      %mul3A_240 = vector.broadcast %mul3A_239 : i32 to vector<16xi32>
      %mul3A_241 = arith.muli %and3A_238, %mul3A_240 : vector<16xi32>
      %scan3A_242 = arith.constant 0 : i32
      %scan3A_243 = arith.constant 0 : i32
      %scan3A_244 = arith.constant 16 : i32
      %scan3A_245 = arith.addi %scan3A_243, %scan3A_244 : i32
      %scan3A_246 = arith.constant 1 : i32
      %scan3A_247 = scf.for %scan3A_265 = %scan3A_243 to %scan3A_245 step %scan3A_246 iter_args(%scan3A_266 = %scan3A_242) -> (i32)  : i32 {
        %broadcast_in_dim3A_267 = arith.constant 0 : i32
        %broadcast_in_dim3A_268 = vector.broadcast %broadcast_in_dim3A_267 : i32 to vector<16xi32>
        %add3A_269 = vector.broadcast %scan3A_265 : i32 to vector<16xi32>
        %add3A_270 = arith.addi %broadcast_in_dim3A_268, %add3A_269 : vector<16xi32>
        %broadcast_in_dim3A_271 = vector.broadcast %scan3A_265 : i32 to vector<16xi32>
        %reshape3A = vector.shape_cast %broadcast_in_dim3A_271 : vector<16xi32> to vector<16x1xi32>
        %gather3A = vector.shape_cast %reshape3A : vector<16x1xi32> to vector<16xi32>
        %gather3A_272 = tpu.dynamic_gather %mul3A_241[%gather3A] in [0] : vector<16xi32>, vector<16xi32> -> vector<16xi32>
        %add3A_273 = arith.addi %gather3A_272, %iota3A : vector<16xi32>
        tpu.vector_store_idx %arg18[%add3A_270, %add3A_273], %broadcast_in_dim3A_0 : memref<32x128xf32, #tpu.memory_space<vmem>>[vector<16xi32>, vector<16xi32>], vector<16xf32>,
        %scan3A_274 = arith.constant 0 : i32
        scf.yield %scan3A_274 : i32
      }
      %scan3A_248 = arith.constant 16 : i32
      %get3A_249 = arith.constant 16 : index
      %get3A_250 = tpu.vector_load %arg12[%get3A_249] {strides = array<i32>} : memref<32xi32, #tpu.memory_space<vmem>>, vector<16xi32>,
      %and3A_251 = arith.constant 7 : i32
      %and3A_252 = vector.broadcast %and3A_251 : i32 to vector<16xi32>
      %and3A_253 = arith.andi %get3A_250, %and3A_252 : vector<16xi32>
      %mul3A_254 = arith.constant 16 : i32
      %mul3A_255 = vector.broadcast %mul3A_254 : i32 to vector<16xi32>
      %mul3A_256 = arith.muli %and3A_253, %mul3A_255 : vector<16xi32>
      %scan3A_257 = arith.constant 0 : i32
      %scan3A_258 = arith.constant 0 : i32
      %scan3A_259 = arith.constant 16 : i32
      %scan3A_260 = arith.addi %scan3A_258, %scan3A_259 : i32
      %scan3A_261 = arith.constant 1 : i32
      %scan3A_262 = scf.for %scan3A_265 = %scan3A_258 to %scan3A_260 step %scan3A_261 iter_args(%scan3A_266 = %scan3A_257) -> (i32)  : i32 {
        %broadcast_in_dim3A_267 = arith.constant 16 : i32
        %broadcast_in_dim3A_268 = vector.broadcast %broadcast_in_dim3A_267 : i32 to vector<16xi32>
        %add3A_269 = vector.broadcast %scan3A_265 : i32 to vector<16xi32>
        %add3A_270 = arith.addi %broadcast_in_dim3A_268, %add3A_269 : vector<16xi32>
        %broadcast_in_dim3A_271 = vector.broadcast %scan3A_265 : i32 to vector<16xi32>
        %reshape3A = vector.shape_cast %broadcast_in_dim3A_271 : vector<16xi32> to vector<16x1xi32>
        %gather3A = vector.shape_cast %reshape3A : vector<16x1xi32> to vector<16xi32>
        %gather3A_272 = tpu.dynamic_gather %mul3A_256[%gather3A] in [0] : vector<16xi32>, vector<16xi32> -> vector<16xi32>
        %add3A_273 = arith.addi %gather3A_272, %iota3A : vector<16xi32>
        tpu.vector_store_idx %arg18[%add3A_270, %add3A_273], %broadcast_in_dim3A_0 : memref<32x128xf32, #tpu.memory_space<vmem>>[vector<16xi32>, vector<16xi32>], vector<16xf32>,
        %scan3A_274 = arith.constant 0 : i32
        scf.yield %scan3A_274 : i32
      }
      %scan3A_263 = arith.constant 16 : i32
      %while3A_264 = arith.constant 0 : i32
      scf.yield %while3A_264 : i32
    }
    %while3A_121 = arith.constant 1 : i32
    %while3A_122 = scf.for %while3A_138 = %while3A_118 to %while3A_114 step %while3A_121 iter_args(%while3A_139 = %while3A_120) -> (i32)  : i32 {
      %mul3A_140 = arith.constant 16 : i32
      %mul3A_141 = arith.muli %while3A_138, %mul3A_140 : i32
      %add3A_142 = arith.addi %arg1, %mul3A_141 : i32
      %mul3A_143 = arith.constant 32 : i32
      %mul3A_144 = arith.muli %add3A_142, %mul3A_143 : i32
      %add3A_145 = arith.addi %mul3A_84, %mul3A_144 : i32
      "tpu.region"() ({
        %run_scoped3A = tpu.sem_alloc : memref<!tpu.dma_semaphore, #tpu.memory_space<semaphore_mem>>
        %dma_start3A_265 = tpu.memref_slice %arg5[%add3A_145] : memref<320000xi32, #tpu.memory_space<hbm>> -> memref<32xi32, #tpu.memory_space<hbm>>
        %dma_start3A_266 = tpu.memref_slice %arg5[%add3A_145] : memref<320000xi32, #tpu.memory_space<hbm>> -> memref<32xi32, #tpu.memory_space<hbm>>
        tpu.enqueue_dma source(%dma_start3A_266 : memref<32xi32, #tpu.memory_space<hbm>>) target(%arg11 : memref<32xi32, #tpu.memory_space<vmem>>) target_semaphore(%run_scoped3A : memref<!tpu.dma_semaphore, #tpu.memory_space<semaphore_mem>>)
        %dma_wait3A_267 = tpu.memref_slice %arg5[%add3A_145] : memref<320000xi32, #tpu.memory_space<hbm>> -> memref<32xi32, #tpu.memory_space<hbm>>
        %dma_wait3A_268 = tpu.memref_slice %arg5[%add3A_145] : memref<320000xi32, #tpu.memory_space<hbm>> -> memref<32xi32, #tpu.memory_space<hbm>>
        tpu.wait_dma2 semaphore(%run_scoped3A : memref<!tpu.dma_semaphore, #tpu.memory_space<semaphore_mem>>) src(%dma_wait3A_268 : memref<32xi32, #tpu.memory_space<hbm>>) dst(%arg11 : memref<32xi32, #tpu.memory_space<vmem>>)
        tpu.yield
      }) : () -> ()
      "tpu.region"() ({
        %run_scoped3A = tpu.sem_alloc : memref<!tpu.dma_semaphore, #tpu.memory_space<semaphore_mem>>
        %dma_start3A_265 = tpu.memref_slice %arg6[%add3A_145] : memref<320000xi32, #tpu.memory_space<hbm>> -> memref<32xi32, #tpu.memory_space<hbm>>
        %dma_start3A_266 = tpu.memref_slice %arg6[%add3A_145] : memref<320000xi32, #tpu.memory_space<hbm>> -> memref<32xi32, #tpu.memory_space<hbm>>
        tpu.enqueue_dma source(%dma_start3A_266 : memref<32xi32, #tpu.memory_space<hbm>>) target(%arg12 : memref<32xi32, #tpu.memory_space<vmem>>) target_semaphore(%run_scoped3A : memref<!tpu.dma_semaphore, #tpu.memory_space<semaphore_mem>>)
        %dma_wait3A_267 = tpu.memref_slice %arg6[%add3A_145] : memref<320000xi32, #tpu.memory_space<hbm>> -> memref<32xi32, #tpu.memory_space<hbm>>
        %dma_wait3A_268 = tpu.memref_slice %arg6[%add3A_145] : memref<320000xi32, #tpu.memory_space<hbm>> -> memref<32xi32, #tpu.memory_space<hbm>>
        tpu.wait_dma2 semaphore(%run_scoped3A : memref<!tpu.dma_semaphore, #tpu.memory_space<semaphore_mem>>) src(%dma_wait3A_268 : memref<32xi32, #tpu.memory_space<hbm>>) dst(%arg12 : memref<32xi32, #tpu.memory_space<vmem>>)
        tpu.yield
      }) : () -> ()
      %get3A_146 = arith.constant 0 : index
      %get3A_147 = tpu.vector_load %arg11[%get3A_146] {strides = array<i32>} : memref<32xi32, #tpu.memory_space<vmem>>, vector<16xi32>,
      %get3A_148 = arith.constant 0 : index
      %get3A_149 = tpu.vector_load %arg12[%get3A_148] {strides = array<i32>} : memref<32xi32, #tpu.memory_space<vmem>>, vector<16xi32>,
      %shift_right_arithmetic3A = arith.constant 3 : i32
      %shift_right_arithmetic3A_150 = vector.broadcast %shift_right_arithmetic3A : i32 to vector<16xi32>
      %shift_right_arithmetic3A_151 = arith.shrsi %get3A_147, %shift_right_arithmetic3A_150 : vector<16xi32>
      %swap3A = arith.constant 0 : index
      %swap3A_152 = tpu.vector_load %arg13[%swap3A] {strides = array<i32>} : memref<32xi32, #tpu.memory_space<vmem>>, vector<16xi32>,
      tpu.vector_store %arg13[%swap3A], %shift_right_arithmetic3A_151 {strides = array<i32>} : memref<32xi32, #tpu.memory_space<vmem>>, vector<16xi32>,
      %shift_right_arithmetic3A_153 = arith.constant 3 : i32
      %shift_right_arithmetic3A_154 = vector.broadcast %shift_right_arithmetic3A_153 : i32 to vector<16xi32>
      %shift_right_arithmetic3A_155 = arith.shrsi %get3A_149, %shift_right_arithmetic3A_154 : vector<16xi32>
      %swap3A_156 = arith.constant 0 : index
      %swap3A_157 = tpu.vector_load %arg14[%swap3A_156] {strides = array<i32>} : memref<32xi32, #tpu.memory_space<vmem>>, vector<16xi32>,
      tpu.vector_store %arg14[%swap3A_156], %shift_right_arithmetic3A_155 {strides = array<i32>} : memref<32xi32, #tpu.memory_space<vmem>>, vector<16xi32>,
      %get3A_158 = arith.constant 16 : index
      %get3A_159 = tpu.vector_load %arg11[%get3A_158] {strides = array<i32>} : memref<32xi32, #tpu.memory_space<vmem>>, vector<16xi32>,
      %get3A_160 = arith.constant 16 : index
      %get3A_161 = tpu.vector_load %arg12[%get3A_160] {strides = array<i32>} : memref<32xi32, #tpu.memory_space<vmem>>, vector<16xi32>,
      %shift_right_arithmetic3A_162 = arith.constant 3 : i32
      %shift_right_arithmetic3A_163 = vector.broadcast %shift_right_arithmetic3A_162 : i32 to vector<16xi32>
      %shift_right_arithmetic3A_164 = arith.shrsi %get3A_159, %shift_right_arithmetic3A_163 : vector<16xi32>
      %swap3A_165 = arith.constant 16 : index
      %swap3A_166 = tpu.vector_load %arg13[%swap3A_165] {strides = array<i32>} : memref<32xi32, #tpu.memory_space<vmem>>, vector<16xi32>,
      tpu.vector_store %arg13[%swap3A_165], %shift_right_arithmetic3A_164 {strides = array<i32>} : memref<32xi32, #tpu.memory_space<vmem>>, vector<16xi32>,
      %shift_right_arithmetic3A_167 = arith.constant 3 : i32
      %shift_right_arithmetic3A_168 = vector.broadcast %shift_right_arithmetic3A_167 : i32 to vector<16xi32>
      %shift_right_arithmetic3A_169 = arith.shrsi %get3A_161, %shift_right_arithmetic3A_168 : vector<16xi32>
      %swap3A_170 = arith.constant 16 : index
      %swap3A_171 = tpu.vector_load %arg14[%swap3A_170] {strides = array<i32>} : memref<32xi32, #tpu.memory_space<vmem>>, vector<16xi32>,
      tpu.vector_store %arg14[%swap3A_170], %shift_right_arithmetic3A_169 {strides = array<i32>} : memref<32xi32, #tpu.memory_space<vmem>>, vector<16xi32>,
      %dma_start3A = arith.constant 0 : i32
      %dma_start3A_172 = arith.constant 0 : i32
      %dma_start3A_173 = tpu.memref_slice %arg2[%dma_start3A, %dma_start3A_172] : memref<10000x128xf32, #tpu.memory_space<hbm>> -> memref<10000x128xf32, #tpu.memory_space<hbm>>
      tpu.enqueue_indirect_dma source(%dma_start3A_173 : memref<10000x128xf32, #tpu.memory_space<hbm>>) target(%arg15 : memref<32x128xf32, #tpu.memory_space<vmem>>) offsets(%arg11 : memref<32xi32, #tpu.memory_space<vmem>>) semaphore(%arg21 : memref<!tpu.dma_semaphore, #tpu.memory_space<semaphore_mem>>)
      %dma_start3A_174 = arith.constant 0 : i32
      %dma_start3A_175 = arith.constant 0 : i32
      %dma_start3A_176 = tpu.memref_slice %arg3[%dma_start3A_174, %dma_start3A_175] : memref<1280x128xf32, #tpu.memory_space<hbm>> -> memref<1280x128xf32, #tpu.memory_space<hbm>>
      tpu.enqueue_indirect_dma source(%dma_start3A_176 : memref<1280x128xf32, #tpu.memory_space<hbm>>) target(%arg16 : memref<32x128xf32, #tpu.memory_space<vmem>>) offsets(%arg13 : memref<32xi32, #tpu.memory_space<vmem>>) semaphore(%arg22 : memref<!tpu.dma_semaphore, #tpu.memory_space<semaphore_mem>>)
      %dma_start3A_177 = arith.constant 0 : i32
      %dma_start3A_178 = arith.constant 0 : i32
      %dma_start3A_179 = tpu.memref_slice %arg3[%dma_start3A_177, %dma_start3A_178] : memref<1280x128xf32, #tpu.memory_space<hbm>> -> memref<1280x128xf32, #tpu.memory_space<hbm>>
      tpu.enqueue_indirect_dma source(%dma_start3A_179 : memref<1280x128xf32, #tpu.memory_space<hbm>>) target(%arg17 : memref<32x128xf32, #tpu.memory_space<vmem>>) offsets(%arg14 : memref<32xi32, #tpu.memory_space<vmem>>) semaphore(%arg23 : memref<!tpu.dma_semaphore, #tpu.memory_space<semaphore_mem>>)
      %dma_wait3A = arith.constant 0 : i32
      %dma_wait3A_180 = arith.constant 0 : i32
      %dma_wait3A_181 = tpu.memref_slice %arg2[%dma_wait3A, %dma_wait3A_180] : memref<10000x128xf32, #tpu.memory_space<hbm>> -> memref<10000x128xf32, #tpu.memory_space<hbm>>
      tpu.wait_indirect_dma semaphore(%arg21 : memref<!tpu.dma_semaphore, #tpu.memory_space<semaphore_mem>>) src(%dma_wait3A_181 : memref<10000x128xf32, #tpu.memory_space<hbm>>) dst(%arg15 : memref<32x128xf32, #tpu.memory_space<vmem>>)
      %dma_wait3A_182 = arith.constant 0 : i32
      %dma_wait3A_183 = arith.constant 0 : i32
      %dma_wait3A_184 = tpu.memref_slice %arg3[%dma_wait3A_182, %dma_wait3A_183] : memref<1280x128xf32, #tpu.memory_space<hbm>> -> memref<1280x128xf32, #tpu.memory_space<hbm>>
      tpu.wait_indirect_dma semaphore(%arg22 : memref<!tpu.dma_semaphore, #tpu.memory_space<semaphore_mem>>) src(%dma_wait3A_184 : memref<1280x128xf32, #tpu.memory_space<hbm>>) dst(%arg16 : memref<32x128xf32, #tpu.memory_space<vmem>>)
      %dma_wait3A_185 = arith.constant 0 : i32
      %dma_wait3A_186 = arith.constant 0 : i32
      %dma_wait3A_187 = tpu.memref_slice %arg3[%dma_wait3A_185, %dma_wait3A_186] : memref<1280x128xf32, #tpu.memory_space<hbm>> -> memref<1280x128xf32, #tpu.memory_space<hbm>>
      tpu.wait_indirect_dma semaphore(%arg23 : memref<!tpu.dma_semaphore, #tpu.memory_space<semaphore_mem>>) src(%dma_wait3A_187 : memref<1280x128xf32, #tpu.memory_space<hbm>>) dst(%arg17 : memref<32x128xf32, #tpu.memory_space<vmem>>)
      %get3A_188 = arith.constant 0 : index
      %get3A_189 = tpu.vector_load %arg11[%get3A_188] {strides = array<i32>} : memref<32xi32, #tpu.memory_space<vmem>>, vector<16xi32>,
      %and3A_190 = arith.constant 7 : i32
      %and3A_191 = vector.broadcast %and3A_190 : i32 to vector<16xi32>
      %and3A_192 = arith.andi %get3A_189, %and3A_191 : vector<16xi32>
      %mul3A_193 = arith.constant 16 : i32
      %mul3A_194 = vector.broadcast %mul3A_193 : i32 to vector<16xi32>
      %mul3A_195 = arith.muli %and3A_192, %mul3A_194 : vector<16xi32>
      %get3A_196 = arith.constant 0 : index
      %get3A_197 = tpu.vector_load %arg12[%get3A_196] {strides = array<i32>} : memref<32xi32, #tpu.memory_space<vmem>>, vector<16xi32>,
      %and3A_198 = arith.constant 7 : i32
      %and3A_199 = vector.broadcast %and3A_198 : i32 to vector<16xi32>
      %and3A_200 = arith.andi %get3A_197, %and3A_199 : vector<16xi32>
      %mul3A_201 = arith.constant 16 : i32
      %mul3A_202 = vector.broadcast %mul3A_201 : i32 to vector<16xi32>
      %mul3A_203 = arith.muli %and3A_200, %mul3A_202 : vector<16xi32>
      %scan3A_204 = arith.constant 0 : i32
      %scan3A_205 = arith.constant 0 : i32
      %scan3A_206 = arith.constant 16 : i32
      %scan3A_207 = arith.addi %scan3A_205, %scan3A_206 : i32
      %scan3A_208 = arith.constant 1 : i32
      %scan3A_209 = scf.for %scan3A_265 = %scan3A_205 to %scan3A_207 step %scan3A_208 iter_args(%scan3A_266 = %scan3A_204) -> (i32)  : i32 {
        %broadcast_in_dim3A_267 = arith.constant 0 : i32
        %broadcast_in_dim3A_268 = vector.broadcast %broadcast_in_dim3A_267 : i32 to vector<16xi32>
        %add3A_269 = vector.broadcast %scan3A_265 : i32 to vector<16xi32>
        %add3A_270 = arith.addi %broadcast_in_dim3A_268, %add3A_269 : vector<16xi32>
        %broadcast_in_dim3A_271 = vector.broadcast %scan3A_265 : i32 to vector<16xi32>
        %reshape3A = vector.shape_cast %broadcast_in_dim3A_271 : vector<16xi32> to vector<16x1xi32>
        %gather3A = vector.shape_cast %reshape3A : vector<16x1xi32> to vector<16xi32>
        %gather3A_272 = tpu.dynamic_gather %mul3A_195[%gather3A] in [0] : vector<16xi32>, vector<16xi32> -> vector<16xi32>
        %reshape3A_273 = vector.shape_cast %broadcast_in_dim3A_271 : vector<16xi32> to vector<16x1xi32>
        %gather3A_274 = vector.shape_cast %reshape3A_273 : vector<16x1xi32> to vector<16xi32>
        %gather3A_275 = tpu.dynamic_gather %mul3A_203[%gather3A_274] in [0] : vector<16xi32>, vector<16xi32> -> vector<16xi32>
        %add3A_276 = arith.addi %gather3A_272, %iota3A : vector<16xi32>
        %gather3A_277 = tpu.vector_load_idx %arg16[%add3A_270, %add3A_276] : memref<32x128xf32, #tpu.memory_space<vmem>>[vector<16xi32>, vector<16xi32>], vector<16xf32>,
        %add3A_278 = arith.addi %gather3A_275, %iota3A : vector<16xi32>
        %gather3A_279 = tpu.vector_load_idx %arg17[%add3A_270, %add3A_278] : memref<32x128xf32, #tpu.memory_space<vmem>>[vector<16xi32>, vector<16xi32>], vector<16xf32>,
        %reshape3A_280 = vector.shape_cast %select_n3A_17 : vector<16xi32> to vector<16x1xi32>
        %gather3A_281 = vector.shape_cast %reshape3A_280 : vector<16x1xi32> to vector<16xi32>
        %gather3A_282 = tpu.dynamic_gather %gather3A_279[%gather3A_281] in [0] : vector<16xf32>, vector<16xi32> -> vector<16xf32>
        %add3A_283 = arith.addf %gather3A_277, %gather3A_282 : vector<16xf32>
        %ge3A = arith.constant 0.000000e+00 : f32
        %ge3A_284 = vector.broadcast %ge3A : f32 to vector<16xf32>
        %ge3A_285 = arith.cmpf oge, %add3A_283, %ge3A_284 : vector<16xf32>
        %mul3A_286 = arith.constant 2.000000e-01 : f32
        %mul3A_287 = vector.broadcast %mul3A_286 : f32 to vector<16xf32>
        %mul3A_288 = arith.mulf %mul3A_287, %add3A_283 : vector<16xf32>
        %select_n3A_289 = arith.select %ge3A_285, %add3A_283, %mul3A_288 : vector<16xi1>, vector<16xf32>
        %add3A_290 = arith.addf %get3A_82, %gather3A_282 : vector<16xf32>
        %ge3A_291 = arith.constant 0.000000e+00 : f32
        %ge3A_292 = vector.broadcast %ge3A_291 : f32 to vector<16xf32>
        %ge3A_293 = arith.cmpf oge, %add3A_290, %ge3A_292 : vector<16xf32>
        %mul3A_294 = arith.constant 2.000000e-01 : f32
        %mul3A_295 = vector.broadcast %mul3A_294 : f32 to vector<16xf32>
        %mul3A_296 = arith.mulf %mul3A_295, %add3A_290 : vector<16xf32>
        %select_n3A_297 = arith.select %ge3A_293, %add3A_290, %mul3A_296 : vector<16xi1>, vector<16xf32>
        %sub3A_298 = arith.subf %select_n3A_289, %select_n3A_297 : vector<16xf32>
        %exp3A = math.exp %sub3A_298 : vector<16xf32>
        %jit3A_299 = arith.constant 0.000000e+00 : f32
        %broadcast_in_dim3A_300 = vector.broadcast %jit3A_299 : f32 to vector<16xf32>
        %select_n3A_301 = arith.select %lt3A_20, %exp3A, %broadcast_in_dim3A_300 : vector<16xi1>, vector<16xf32>
        %add3A_302 = arith.addi %gather3A_275, %iota3A : vector<16xi32>
        tpu.vector_store_idx %arg18[%add3A_270, %add3A_302], %select_n3A_301 : memref<32x128xf32, #tpu.memory_space<vmem>>[vector<16xi32>, vector<16xi32>], vector<16xf32>,
        %add3A_303 = arith.constant 0 : i32
        %add3A_304 = arith.addi %add3A_303, %scan3A_265 : i32
        %broadcast_in_dim3A_305 = arith.constant 0 : i32
        %broadcast_in_dim3A_306 = vector.broadcast %broadcast_in_dim3A_305 : i32 to vector<16xi32>
        %reshape3A_307 = vector.shape_cast %broadcast_in_dim3A_306 : vector<16xi32> to vector<16x1xi32>
        %gather3A_308 = vector.shape_cast %reshape3A_307 : vector<16x1xi32> to vector<16xi32>
        %gather3A_309 = tpu.dynamic_gather %select_n3A_301[%gather3A_308] in [0] : vector<16xf32>, vector<16xi32> -> vector<16xf32>
        %get3A_310 = arith.index_cast %add3A_304 : i32 to index
        %get3A_311 = arith.constant 0 : index
        %get3A_312 = tpu.vector_load %arg15[%get3A_310, %get3A_311] {strides = array<i32>} : memref<32x128xf32, #tpu.memory_space<vmem>>, vector<16xf32>,
        %mul3A_313 = arith.mulf %gather3A_309, %get3A_312 : vector<16xf32>
        %swap3A_314 = arith.index_cast %add3A_304 : i32 to index
        %swap3A_315 = arith.constant 0 : index
        %swap3A_316 = tpu.vector_load %arg19[%swap3A_314, %swap3A_315] {strides = array<i32>} : memref<32x128xf32, #tpu.memory_space<vmem>>, vector<16xf32>,
        tpu.vector_store %arg19[%swap3A_314, %swap3A_315], %mul3A_313 {strides = array<i32>} : memref<32x128xf32, #tpu.memory_space<vmem>>, vector<16xf32>,
        %broadcast_in_dim3A_317 = arith.constant 1 : i32
        %broadcast_in_dim3A_318 = vector.broadcast %broadcast_in_dim3A_317 : i32 to vector<16xi32>
        %reshape3A_319 = vector.shape_cast %broadcast_in_dim3A_318 : vector<16xi32> to vector<16x1xi32>
        %gather3A_320 = vector.shape_cast %reshape3A_319 : vector<16x1xi32> to vector<16xi32>
        %gather3A_321 = tpu.dynamic_gather %select_n3A_301[%gather3A_320] in [0] : vector<16xf32>, vector<16xi32> -> vector<16xf32>
        %get3A_322 = arith.index_cast %add3A_304 : i32 to index
        %get3A_323 = arith.constant 16 : index
        %get3A_324 = tpu.vector_load %arg15[%get3A_322, %get3A_323] {strides = array<i32>} : memref<32x128xf32, #tpu.memory_space<vmem>>, vector<16xf32>,
        %mul3A_325 = arith.mulf %gather3A_321, %get3A_324 : vector<16xf32>
        %swap3A_326 = arith.index_cast %add3A_304 : i32 to index
        %swap3A_327 = arith.constant 16 : index
        %swap3A_328 = tpu.vector_load %arg19[%swap3A_326, %swap3A_327] {strides = array<i32>} : memref<32x128xf32, #tpu.memory_space<vmem>>, vector<16xf32>,
        tpu.vector_store %arg19[%swap3A_326, %swap3A_327], %mul3A_325 {strides = array<i32>} : memref<32x128xf32, #tpu.memory_space<vmem>>, vector<16xf32>,
        %broadcast_in_dim3A_329 = arith.constant 2 : i32
        %broadcast_in_dim3A_330 = vector.broadcast %broadcast_in_dim3A_329 : i32 to vector<16xi32>
        %reshape3A_331 = vector.shape_cast %broadcast_in_dim3A_330 : vector<16xi32> to vector<16x1xi32>
        %gather3A_332 = vector.shape_cast %reshape3A_331 : vector<16x1xi32> to vector<16xi32>
        %gather3A_333 = tpu.dynamic_gather %select_n3A_301[%gather3A_332] in [0] : vector<16xf32>, vector<16xi32> -> vector<16xf32>
        %get3A_334 = arith.index_cast %add3A_304 : i32 to index
        %get3A_335 = arith.constant 32 : index
        %get3A_336 = tpu.vector_load %arg15[%get3A_334, %get3A_335] {strides = array<i32>} : memref<32x128xf32, #tpu.memory_space<vmem>>, vector<16xf32>,
        %mul3A_337 = arith.mulf %gather3A_333, %get3A_336 : vector<16xf32>
        %swap3A_338 = arith.index_cast %add3A_304 : i32 to index
        %swap3A_339 = arith.constant 32 : index
        %swap3A_340 = tpu.vector_load %arg19[%swap3A_338, %swap3A_339] {strides = array<i32>} : memref<32x128xf32, #tpu.memory_space<vmem>>, vector<16xf32>,
        tpu.vector_store %arg19[%swap3A_338, %swap3A_339], %mul3A_337 {strides = array<i32>} : memref<32x128xf32, #tpu.memory_space<vmem>>, vector<16xf32>,
        %broadcast_in_dim3A_341 = arith.constant 3 : i32
        %broadcast_in_dim3A_342 = vector.broadcast %broadcast_in_dim3A_341 : i32 to vector<16xi32>
        %reshape3A_343 = vector.shape_cast %broadcast_in_dim3A_342 : vector<16xi32> to vector<16x1xi32>
        %gather3A_344 = vector.shape_cast %reshape3A_343 : vector<16x1xi32> to vector<16xi32>
        %gather3A_345 = tpu.dynamic_gather %select_n3A_301[%gather3A_344] in [0] : vector<16xf32>, vector<16xi32> -> vector<16xf32>
        %get3A_346 = arith.index_cast %add3A_304 : i32 to index
        %get3A_347 = arith.constant 48 : index
        %get3A_348 = tpu.vector_load %arg15[%get3A_346, %get3A_347] {strides = array<i32>} : memref<32x128xf32, #tpu.memory_space<vmem>>, vector<16xf32>,
        %mul3A_349 = arith.mulf %gather3A_345, %get3A_348 : vector<16xf32>
        %swap3A_350 = arith.index_cast %add3A_304 : i32 to index
        %swap3A_351 = arith.constant 48 : index
        %swap3A_352 = tpu.vector_load %arg19[%swap3A_350, %swap3A_351] {strides = array<i32>} : memref<32x128xf32, #tpu.memory_space<vmem>>, vector<16xf32>,
        tpu.vector_store %arg19[%swap3A_350, %swap3A_351], %mul3A_349 {strides = array<i32>} : memref<32x128xf32, #tpu.memory_space<vmem>>, vector<16xf32>,
        %broadcast_in_dim3A_353 = arith.constant 4 : i32
        %broadcast_in_dim3A_354 = vector.broadcast %broadcast_in_dim3A_353 : i32 to vector<16xi32>
        %reshape3A_355 = vector.shape_cast %broadcast_in_dim3A_354 : vector<16xi32> to vector<16x1xi32>
        %gather3A_356 = vector.shape_cast %reshape3A_355 : vector<16x1xi32> to vector<16xi32>
        %gather3A_357 = tpu.dynamic_gather %select_n3A_301[%gather3A_356] in [0] : vector<16xf32>, vector<16xi32> -> vector<16xf32>
        %get3A_358 = arith.index_cast %add3A_304 : i32 to index
        %get3A_359 = arith.constant 64 : index
        %get3A_360 = tpu.vector_load %arg15[%get3A_358, %get3A_359] {strides = array<i32>} : memref<32x128xf32, #tpu.memory_space<vmem>>, vector<16xf32>,
        %mul3A_361 = arith.mulf %gather3A_357, %get3A_360 : vector<16xf32>
        %swap3A_362 = arith.index_cast %add3A_304 : i32 to index
        %swap3A_363 = arith.constant 64 : index
        %swap3A_364 = tpu.vector_load %arg19[%swap3A_362, %swap3A_363] {strides = array<i32>} : memref<32x128xf32, #tpu.memory_space<vmem>>, vector<16xf32>,
        tpu.vector_store %arg19[%swap3A_362, %swap3A_363], %mul3A_361 {strides = array<i32>} : memref<32x128xf32, #tpu.memory_space<vmem>>, vector<16xf32>,
        %broadcast_in_dim3A_365 = arith.constant 5 : i32
        %broadcast_in_dim3A_366 = vector.broadcast %broadcast_in_dim3A_365 : i32 to vector<16xi32>
        %reshape3A_367 = vector.shape_cast %broadcast_in_dim3A_366 : vector<16xi32> to vector<16x1xi32>
        %gather3A_368 = vector.shape_cast %reshape3A_367 : vector<16x1xi32> to vector<16xi32>
        %gather3A_369 = tpu.dynamic_gather %select_n3A_301[%gather3A_368] in [0] : vector<16xf32>, vector<16xi32> -> vector<16xf32>
        %get3A_370 = arith.index_cast %add3A_304 : i32 to index
        %get3A_371 = arith.constant 80 : index
        %get3A_372 = tpu.vector_load %arg15[%get3A_370, %get3A_371] {strides = array<i32>} : memref<32x128xf32, #tpu.memory_space<vmem>>, vector<16xf32>,
        %mul3A_373 = arith.mulf %gather3A_369, %get3A_372 : vector<16xf32>
        %swap3A_374 = arith.index_cast %add3A_304 : i32 to index
        %swap3A_375 = arith.constant 80 : index
        %swap3A_376 = tpu.vector_load %arg19[%swap3A_374, %swap3A_375] {strides = array<i32>} : memref<32x128xf32, #tpu.memory_space<vmem>>, vector<16xf32>,
        tpu.vector_store %arg19[%swap3A_374, %swap3A_375], %mul3A_373 {strides = array<i32>} : memref<32x128xf32, #tpu.memory_space<vmem>>, vector<16xf32>,
        %broadcast_in_dim3A_377 = arith.constant 6 : i32
        %broadcast_in_dim3A_378 = vector.broadcast %broadcast_in_dim3A_377 : i32 to vector<16xi32>
        %reshape3A_379 = vector.shape_cast %broadcast_in_dim3A_378 : vector<16xi32> to vector<16x1xi32>
        %gather3A_380 = vector.shape_cast %reshape3A_379 : vector<16x1xi32> to vector<16xi32>
        %gather3A_381 = tpu.dynamic_gather %select_n3A_301[%gather3A_380] in [0] : vector<16xf32>, vector<16xi32> -> vector<16xf32>
        %get3A_382 = arith.index_cast %add3A_304 : i32 to index
        %get3A_383 = arith.constant 96 : index
        %get3A_384 = tpu.vector_load %arg15[%get3A_382, %get3A_383] {strides = array<i32>} : memref<32x128xf32, #tpu.memory_space<vmem>>, vector<16xf32>,
        %mul3A_385 = arith.mulf %gather3A_381, %get3A_384 : vector<16xf32>
        %swap3A_386 = arith.index_cast %add3A_304 : i32 to index
        %swap3A_387 = arith.constant 96 : index
        %swap3A_388 = tpu.vector_load %arg19[%swap3A_386, %swap3A_387] {strides = array<i32>} : memref<32x128xf32, #tpu.memory_space<vmem>>, vector<16xf32>,
        tpu.vector_store %arg19[%swap3A_386, %swap3A_387], %mul3A_385 {strides = array<i32>} : memref<32x128xf32, #tpu.memory_space<vmem>>, vector<16xf32>,
        %broadcast_in_dim3A_389 = arith.constant 7 : i32
        %broadcast_in_dim3A_390 = vector.broadcast %broadcast_in_dim3A_389 : i32 to vector<16xi32>
        %reshape3A_391 = vector.shape_cast %broadcast_in_dim3A_390 : vector<16xi32> to vector<16x1xi32>
        %gather3A_392 = vector.shape_cast %reshape3A_391 : vector<16x1xi32> to vector<16xi32>
        %gather3A_393 = tpu.dynamic_gather %select_n3A_301[%gather3A_392] in [0] : vector<16xf32>, vector<16xi32> -> vector<16xf32>
        %get3A_394 = arith.index_cast %add3A_304 : i32 to index
        %get3A_395 = arith.constant 112 : index
        %get3A_396 = tpu.vector_load %arg15[%get3A_394, %get3A_395] {strides = array<i32>} : memref<32x128xf32, #tpu.memory_space<vmem>>, vector<16xf32>,
        %mul3A_397 = arith.mulf %gather3A_393, %get3A_396 : vector<16xf32>
        %swap3A_398 = arith.index_cast %add3A_304 : i32 to index
        %swap3A_399 = arith.constant 112 : index
        %swap3A_400 = tpu.vector_load %arg19[%swap3A_398, %swap3A_399] {strides = array<i32>} : memref<32x128xf32, #tpu.memory_space<vmem>>, vector<16xf32>,
        tpu.vector_store %arg19[%swap3A_398, %swap3A_399], %mul3A_397 {strides = array<i32>} : memref<32x128xf32, #tpu.memory_space<vmem>>, vector<16xf32>,
        %scan3A_401 = arith.constant 0 : i32
        scf.yield %scan3A_401 : i32
      }
      %scan3A_210 = arith.constant 16 : i32
      %get3A_211 = arith.constant 16 : index
      %get3A_212 = tpu.vector_load %arg11[%get3A_211] {strides = array<i32>} : memref<32xi32, #tpu.memory_space<vmem>>, vector<16xi32>,
      %and3A_213 = arith.constant 7 : i32
      %and3A_214 = vector.broadcast %and3A_213 : i32 to vector<16xi32>
      %and3A_215 = arith.andi %get3A_212, %and3A_214 : vector<16xi32>
      %mul3A_216 = arith.constant 16 : i32
      %mul3A_217 = vector.broadcast %mul3A_216 : i32 to vector<16xi32>
      %mul3A_218 = arith.muli %and3A_215, %mul3A_217 : vector<16xi32>
      %get3A_219 = arith.constant 16 : index
      %get3A_220 = tpu.vector_load %arg12[%get3A_219] {strides = array<i32>} : memref<32xi32, #tpu.memory_space<vmem>>, vector<16xi32>,
      %and3A_221 = arith.constant 7 : i32
      %and3A_222 = vector.broadcast %and3A_221 : i32 to vector<16xi32>
      %and3A_223 = arith.andi %get3A_220, %and3A_222 : vector<16xi32>
      %mul3A_224 = arith.constant 16 : i32
      %mul3A_225 = vector.broadcast %mul3A_224 : i32 to vector<16xi32>
      %mul3A_226 = arith.muli %and3A_223, %mul3A_225 : vector<16xi32>
      %scan3A_227 = arith.constant 0 : i32
      %scan3A_228 = arith.constant 0 : i32
      %scan3A_229 = arith.constant 16 : i32
      %scan3A_230 = arith.addi %scan3A_228, %scan3A_229 : i32
      %scan3A_231 = arith.constant 1 : i32
      %scan3A_232 = scf.for %scan3A_265 = %scan3A_228 to %scan3A_230 step %scan3A_231 iter_args(%scan3A_266 = %scan3A_227) -> (i32)  : i32 {
        %broadcast_in_dim3A_267 = arith.constant 16 : i32
        %broadcast_in_dim3A_268 = vector.broadcast %broadcast_in_dim3A_267 : i32 to vector<16xi32>
        %add3A_269 = vector.broadcast %scan3A_265 : i32 to vector<16xi32>
        %add3A_270 = arith.addi %broadcast_in_dim3A_268, %add3A_269 : vector<16xi32>
        %broadcast_in_dim3A_271 = vector.broadcast %scan3A_265 : i32 to vector<16xi32>
        %reshape3A = vector.shape_cast %broadcast_in_dim3A_271 : vector<16xi32> to vector<16x1xi32>
        %gather3A = vector.shape_cast %reshape3A : vector<16x1xi32> to vector<16xi32>
        %gather3A_272 = tpu.dynamic_gather %mul3A_218[%gather3A] in [0] : vector<16xi32>, vector<16xi32> -> vector<16xi32>
        %reshape3A_273 = vector.shape_cast %broadcast_in_dim3A_271 : vector<16xi32> to vector<16x1xi32>
        %gather3A_274 = vector.shape_cast %reshape3A_273 : vector<16x1xi32> to vector<16xi32>
        %gather3A_275 = tpu.dynamic_gather %mul3A_226[%gather3A_274] in [0] : vector<16xi32>, vector<16xi32> -> vector<16xi32>
        %add3A_276 = arith.addi %gather3A_272, %iota3A : vector<16xi32>
        %gather3A_277 = tpu.vector_load_idx %arg16[%add3A_270, %add3A_276] : memref<32x128xf32, #tpu.memory_space<vmem>>[vector<16xi32>, vector<16xi32>], vector<16xf32>,
        %add3A_278 = arith.addi %gather3A_275, %iota3A : vector<16xi32>
        %gather3A_279 = tpu.vector_load_idx %arg17[%add3A_270, %add3A_278] : memref<32x128xf32, #tpu.memory_space<vmem>>[vector<16xi32>, vector<16xi32>], vector<16xf32>,
        %reshape3A_280 = vector.shape_cast %select_n3A_17 : vector<16xi32> to vector<16x1xi32>
        %gather3A_281 = vector.shape_cast %reshape3A_280 : vector<16x1xi32> to vector<16xi32>
        %gather3A_282 = tpu.dynamic_gather %gather3A_279[%gather3A_281] in [0] : vector<16xf32>, vector<16xi32> -> vector<16xf32>
        %add3A_283 = arith.addf %gather3A_277, %gather3A_282 : vector<16xf32>
        %ge3A = arith.constant 0.000000e+00 : f32
        %ge3A_284 = vector.broadcast %ge3A : f32 to vector<16xf32>
        %ge3A_285 = arith.cmpf oge, %add3A_283, %ge3A_284 : vector<16xf32>
        %mul3A_286 = arith.constant 2.000000e-01 : f32
        %mul3A_287 = vector.broadcast %mul3A_286 : f32 to vector<16xf32>
        %mul3A_288 = arith.mulf %mul3A_287, %add3A_283 : vector<16xf32>
        %select_n3A_289 = arith.select %ge3A_285, %add3A_283, %mul3A_288 : vector<16xi1>, vector<16xf32>
        %add3A_290 = arith.addf %get3A_82, %gather3A_282 : vector<16xf32>
        %ge3A_291 = arith.constant 0.000000e+00 : f32
        %ge3A_292 = vector.broadcast %ge3A_291 : f32 to vector<16xf32>
        %ge3A_293 = arith.cmpf oge, %add3A_290, %ge3A_292 : vector<16xf32>
        %mul3A_294 = arith.constant 2.000000e-01 : f32
        %mul3A_295 = vector.broadcast %mul3A_294 : f32 to vector<16xf32>
        %mul3A_296 = arith.mulf %mul3A_295, %add3A_290 : vector<16xf32>
        %select_n3A_297 = arith.select %ge3A_293, %add3A_290, %mul3A_296 : vector<16xi1>, vector<16xf32>
        %sub3A_298 = arith.subf %select_n3A_289, %select_n3A_297 : vector<16xf32>
        %exp3A = math.exp %sub3A_298 : vector<16xf32>
        %jit3A_299 = arith.constant 0.000000e+00 : f32
        %broadcast_in_dim3A_300 = vector.broadcast %jit3A_299 : f32 to vector<16xf32>
        %select_n3A_301 = arith.select %lt3A_20, %exp3A, %broadcast_in_dim3A_300 : vector<16xi1>, vector<16xf32>
        %add3A_302 = arith.addi %gather3A_275, %iota3A : vector<16xi32>
        tpu.vector_store_idx %arg18[%add3A_270, %add3A_302], %select_n3A_301 : memref<32x128xf32, #tpu.memory_space<vmem>>[vector<16xi32>, vector<16xi32>], vector<16xf32>,
        %add3A_303 = arith.constant 16 : i32
        %add3A_304 = arith.addi %add3A_303, %scan3A_265 : i32
        %broadcast_in_dim3A_305 = arith.constant 0 : i32
        %broadcast_in_dim3A_306 = vector.broadcast %broadcast_in_dim3A_305 : i32 to vector<16xi32>
        %reshape3A_307 = vector.shape_cast %broadcast_in_dim3A_306 : vector<16xi32> to vector<16x1xi32>
        %gather3A_308 = vector.shape_cast %reshape3A_307 : vector<16x1xi32> to vector<16xi32>
        %gather3A_309 = tpu.dynamic_gather %select_n3A_301[%gather3A_308] in [0] : vector<16xf32>, vector<16xi32> -> vector<16xf32>
        %get3A_310 = arith.index_cast %add3A_304 : i32 to index
        %get3A_311 = arith.constant 0 : index
        %get3A_312 = tpu.vector_load %arg15[%get3A_310, %get3A_311] {strides = array<i32>} : memref<32x128xf32, #tpu.memory_space<vmem>>, vector<16xf32>,
        %mul3A_313 = arith.mulf %gather3A_309, %get3A_312 : vector<16xf32>
        %swap3A_314 = arith.index_cast %add3A_304 : i32 to index
        %swap3A_315 = arith.constant 0 : index
        %swap3A_316 = tpu.vector_load %arg19[%swap3A_314, %swap3A_315] {strides = array<i32>} : memref<32x128xf32, #tpu.memory_space<vmem>>, vector<16xf32>,
        tpu.vector_store %arg19[%swap3A_314, %swap3A_315], %mul3A_313 {strides = array<i32>} : memref<32x128xf32, #tpu.memory_space<vmem>>, vector<16xf32>,
        %broadcast_in_dim3A_317 = arith.constant 1 : i32
        %broadcast_in_dim3A_318 = vector.broadcast %broadcast_in_dim3A_317 : i32 to vector<16xi32>
        %reshape3A_319 = vector.shape_cast %broadcast_in_dim3A_318 : vector<16xi32> to vector<16x1xi32>
        %gather3A_320 = vector.shape_cast %reshape3A_319 : vector<16x1xi32> to vector<16xi32>
        %gather3A_321 = tpu.dynamic_gather %select_n3A_301[%gather3A_320] in [0] : vector<16xf32>, vector<16xi32> -> vector<16xf32>
        %get3A_322 = arith.index_cast %add3A_304 : i32 to index
        %get3A_323 = arith.constant 16 : index
        %get3A_324 = tpu.vector_load %arg15[%get3A_322, %get3A_323] {strides = array<i32>} : memref<32x128xf32, #tpu.memory_space<vmem>>, vector<16xf32>,
        %mul3A_325 = arith.mulf %gather3A_321, %get3A_324 : vector<16xf32>
        %swap3A_326 = arith.index_cast %add3A_304 : i32 to index
        %swap3A_327 = arith.constant 16 : index
        %swap3A_328 = tpu.vector_load %arg19[%swap3A_326, %swap3A_327] {strides = array<i32>} : memref<32x128xf32, #tpu.memory_space<vmem>>, vector<16xf32>,
        tpu.vector_store %arg19[%swap3A_326, %swap3A_327], %mul3A_325 {strides = array<i32>} : memref<32x128xf32, #tpu.memory_space<vmem>>, vector<16xf32>,
        %broadcast_in_dim3A_329 = arith.constant 2 : i32
        %broadcast_in_dim3A_330 = vector.broadcast %broadcast_in_dim3A_329 : i32 to vector<16xi32>
        %reshape3A_331 = vector.shape_cast %broadcast_in_dim3A_330 : vector<16xi32> to vector<16x1xi32>
        %gather3A_332 = vector.shape_cast %reshape3A_331 : vector<16x1xi32> to vector<16xi32>
        %gather3A_333 = tpu.dynamic_gather %select_n3A_301[%gather3A_332] in [0] : vector<16xf32>, vector<16xi32> -> vector<16xf32>
        %get3A_334 = arith.index_cast %add3A_304 : i32 to index
        %get3A_335 = arith.constant 32 : index
        %get3A_336 = tpu.vector_load %arg15[%get3A_334, %get3A_335] {strides = array<i32>} : memref<32x128xf32, #tpu.memory_space<vmem>>, vector<16xf32>,
        %mul3A_337 = arith.mulf %gather3A_333, %get3A_336 : vector<16xf32>
        %swap3A_338 = arith.index_cast %add3A_304 : i32 to index
        %swap3A_339 = arith.constant 32 : index
        %swap3A_340 = tpu.vector_load %arg19[%swap3A_338, %swap3A_339] {strides = array<i32>} : memref<32x128xf32, #tpu.memory_space<vmem>>, vector<16xf32>,
        tpu.vector_store %arg19[%swap3A_338, %swap3A_339], %mul3A_337 {strides = array<i32>} : memref<32x128xf32, #tpu.memory_space<vmem>>, vector<16xf32>,
        %broadcast_in_dim3A_341 = arith.constant 3 : i32
        %broadcast_in_dim3A_342 = vector.broadcast %broadcast_in_dim3A_341 : i32 to vector<16xi32>
        %reshape3A_343 = vector.shape_cast %broadcast_in_dim3A_342 : vector<16xi32> to vector<16x1xi32>
        %gather3A_344 = vector.shape_cast %reshape3A_343 : vector<16x1xi32> to vector<16xi32>
        %gather3A_345 = tpu.dynamic_gather %select_n3A_301[%gather3A_344] in [0] : vector<16xf32>, vector<16xi32> -> vector<16xf32>
        %get3A_346 = arith.index_cast %add3A_304 : i32 to index
        %get3A_347 = arith.constant 48 : index
        %get3A_348 = tpu.vector_load %arg15[%get3A_346, %get3A_347] {strides = array<i32>} : memref<32x128xf32, #tpu.memory_space<vmem>>, vector<16xf32>,
        %mul3A_349 = arith.mulf %gather3A_345, %get3A_348 : vector<16xf32>
        %swap3A_350 = arith.index_cast %add3A_304 : i32 to index
        %swap3A_351 = arith.constant 48 : index
        %swap3A_352 = tpu.vector_load %arg19[%swap3A_350, %swap3A_351] {strides = array<i32>} : memref<32x128xf32, #tpu.memory_space<vmem>>, vector<16xf32>,
        tpu.vector_store %arg19[%swap3A_350, %swap3A_351], %mul3A_349 {strides = array<i32>} : memref<32x128xf32, #tpu.memory_space<vmem>>, vector<16xf32>,
        %broadcast_in_dim3A_353 = arith.constant 4 : i32
        %broadcast_in_dim3A_354 = vector.broadcast %broadcast_in_dim3A_353 : i32 to vector<16xi32>
        %reshape3A_355 = vector.shape_cast %broadcast_in_dim3A_354 : vector<16xi32> to vector<16x1xi32>
        %gather3A_356 = vector.shape_cast %reshape3A_355 : vector<16x1xi32> to vector<16xi32>
        %gather3A_357 = tpu.dynamic_gather %select_n3A_301[%gather3A_356] in [0] : vector<16xf32>, vector<16xi32> -> vector<16xf32>
        %get3A_358 = arith.index_cast %add3A_304 : i32 to index
        %get3A_359 = arith.constant 64 : index
        %get3A_360 = tpu.vector_load %arg15[%get3A_358, %get3A_359] {strides = array<i32>} : memref<32x128xf32, #tpu.memory_space<vmem>>, vector<16xf32>,
        %mul3A_361 = arith.mulf %gather3A_357, %get3A_360 : vector<16xf32>
        %swap3A_362 = arith.index_cast %add3A_304 : i32 to index
        %swap3A_363 = arith.constant 64 : index
        %swap3A_364 = tpu.vector_load %arg19[%swap3A_362, %swap3A_363] {strides = array<i32>} : memref<32x128xf32, #tpu.memory_space<vmem>>, vector<16xf32>,
        tpu.vector_store %arg19[%swap3A_362, %swap3A_363], %mul3A_361 {strides = array<i32>} : memref<32x128xf32, #tpu.memory_space<vmem>>, vector<16xf32>,
        %broadcast_in_dim3A_365 = arith.constant 5 : i32
        %broadcast_in_dim3A_366 = vector.broadcast %broadcast_in_dim3A_365 : i32 to vector<16xi32>
        %reshape3A_367 = vector.shape_cast %broadcast_in_dim3A_366 : vector<16xi32> to vector<16x1xi32>
        %gather3A_368 = vector.shape_cast %reshape3A_367 : vector<16x1xi32> to vector<16xi32>
        %gather3A_369 = tpu.dynamic_gather %select_n3A_301[%gather3A_368] in [0] : vector<16xf32>, vector<16xi32> -> vector<16xf32>
        %get3A_370 = arith.index_cast %add3A_304 : i32 to index
        %get3A_371 = arith.constant 80 : index
        %get3A_372 = tpu.vector_load %arg15[%get3A_370, %get3A_371] {strides = array<i32>} : memref<32x128xf32, #tpu.memory_space<vmem>>, vector<16xf32>,
        %mul3A_373 = arith.mulf %gather3A_369, %get3A_372 : vector<16xf32>
        %swap3A_374 = arith.index_cast %add3A_304 : i32 to index
        %swap3A_375 = arith.constant 80 : index
        %swap3A_376 = tpu.vector_load %arg19[%swap3A_374, %swap3A_375] {strides = array<i32>} : memref<32x128xf32, #tpu.memory_space<vmem>>, vector<16xf32>,
        tpu.vector_store %arg19[%swap3A_374, %swap3A_375], %mul3A_373 {strides = array<i32>} : memref<32x128xf32, #tpu.memory_space<vmem>>, vector<16xf32>,
        %broadcast_in_dim3A_377 = arith.constant 6 : i32
        %broadcast_in_dim3A_378 = vector.broadcast %broadcast_in_dim3A_377 : i32 to vector<16xi32>
        %reshape3A_379 = vector.shape_cast %broadcast_in_dim3A_378 : vector<16xi32> to vector<16x1xi32>
        %gather3A_380 = vector.shape_cast %reshape3A_379 : vector<16x1xi32> to vector<16xi32>
        %gather3A_381 = tpu.dynamic_gather %select_n3A_301[%gather3A_380] in [0] : vector<16xf32>, vector<16xi32> -> vector<16xf32>
        %get3A_382 = arith.index_cast %add3A_304 : i32 to index
        %get3A_383 = arith.constant 96 : index
        %get3A_384 = tpu.vector_load %arg15[%get3A_382, %get3A_383] {strides = array<i32>} : memref<32x128xf32, #tpu.memory_space<vmem>>, vector<16xf32>,
        %mul3A_385 = arith.mulf %gather3A_381, %get3A_384 : vector<16xf32>
        %swap3A_386 = arith.index_cast %add3A_304 : i32 to index
        %swap3A_387 = arith.constant 96 : index
        %swap3A_388 = tpu.vector_load %arg19[%swap3A_386, %swap3A_387] {strides = array<i32>} : memref<32x128xf32, #tpu.memory_space<vmem>>, vector<16xf32>,
        tpu.vector_store %arg19[%swap3A_386, %swap3A_387], %mul3A_385 {strides = array<i32>} : memref<32x128xf32, #tpu.memory_space<vmem>>, vector<16xf32>,
        %broadcast_in_dim3A_389 = arith.constant 7 : i32
        %broadcast_in_dim3A_390 = vector.broadcast %broadcast_in_dim3A_389 : i32 to vector<16xi32>
        %reshape3A_391 = vector.shape_cast %broadcast_in_dim3A_390 : vector<16xi32> to vector<16x1xi32>
        %gather3A_392 = vector.shape_cast %reshape3A_391 : vector<16x1xi32> to vector<16xi32>
        %gather3A_393 = tpu.dynamic_gather %select_n3A_301[%gather3A_392] in [0] : vector<16xf32>, vector<16xi32> -> vector<16xf32>
        %get3A_394 = arith.index_cast %add3A_304 : i32 to index
        %get3A_395 = arith.constant 112 : index
        %get3A_396 = tpu.vector_load %arg15[%get3A_394, %get3A_395] {strides = array<i32>} : memref<32x128xf32, #tpu.memory_space<vmem>>, vector<16xf32>,
        %mul3A_397 = arith.mulf %gather3A_393, %get3A_396 : vector<16xf32>
        %swap3A_398 = arith.index_cast %add3A_304 : i32 to index
        %swap3A_399 = arith.constant 112 : index
        %swap3A_400 = tpu.vector_load %arg19[%swap3A_398, %swap3A_399] {strides = array<i32>} : memref<32x128xf32, #tpu.memory_space<vmem>>, vector<16xf32>,
        tpu.vector_store %arg19[%swap3A_398, %swap3A_399], %mul3A_397 {strides = array<i32>} : memref<32x128xf32, #tpu.memory_space<vmem>>, vector<16xf32>,
        %scan3A_401 = arith.constant 0 : i32
        scf.yield %scan3A_401 : i32
      }
      %scan3A_233 = arith.constant 16 : i32
      "tpu.region"() ({
        %run_scoped3A = tpu.sem_alloc : memref<!tpu.dma_semaphore, #tpu.memory_space<semaphore_mem>>
        %dma_start3A_265 = arith.constant 0 : i32
        %dma_start3A_266 = arith.constant 0 : i32
        %dma_start3A_267 = tpu.memref_slice %arg9[%dma_start3A_265, %dma_start3A_266] : memref<10240x128xf32, #tpu.memory_space<vmem_shared>> -> memref<10240x128xf32, #tpu.memory_space<vmem_shared>>
        tpu.enqueue_indirect_dma source(%arg19 : memref<32x128xf32, #tpu.memory_space<vmem>>) target(%dma_start3A_267 : memref<10240x128xf32, #tpu.memory_space<vmem_shared>>) offsets(%arg12 : memref<32xi32, #tpu.memory_space<vmem>>) semaphore(%run_scoped3A : memref<!tpu.dma_semaphore, #tpu.memory_space<semaphore_mem>>) {add = true}
        %dma_wait3A_268 = arith.constant 0 : i32
        %dma_wait3A_269 = arith.constant 0 : i32
        %dma_wait3A_270 = tpu.memref_slice %arg9[%dma_wait3A_268, %dma_wait3A_269] : memref<10240x128xf32, #tpu.memory_space<vmem_shared>> -> memref<10240x128xf32, #tpu.memory_space<vmem_shared>>
        tpu.wait_indirect_dma semaphore(%run_scoped3A : memref<!tpu.dma_semaphore, #tpu.memory_space<semaphore_mem>>) src(%arg19 : memref<32x128xf32, #tpu.memory_space<vmem>>) dst(%dma_wait3A_270 : memref<10240x128xf32, #tpu.memory_space<vmem_shared>>)
        tpu.yield
      }) : () -> ()
      "tpu.region"() ({
        %run_scoped3A = tpu.sem_alloc : memref<!tpu.dma_semaphore, #tpu.memory_space<semaphore_mem>>
        %dma_start3A_265 = arith.constant 0 : i32
        %dma_start3A_266 = arith.constant 0 : i32
        %dma_start3A_267 = tpu.memref_slice %arg10[%dma_start3A_265, %dma_start3A_266] : memref<1280x128xf32, #tpu.memory_space<vmem_shared>> -> memref<1280x128xf32, #tpu.memory_space<vmem_shared>>
        tpu.enqueue_indirect_dma source(%arg18 : memref<32x128xf32, #tpu.memory_space<vmem>>) target(%dma_start3A_267 : memref<1280x128xf32, #tpu.memory_space<vmem_shared>>) offsets(%arg14 : memref<32xi32, #tpu.memory_space<vmem>>) semaphore(%run_scoped3A : memref<!tpu.dma_semaphore, #tpu.memory_space<semaphore_mem>>) {add = true}
        %dma_wait3A_268 = arith.constant 0 : i32
        %dma_wait3A_269 = arith.constant 0 : i32
        %dma_wait3A_270 = tpu.memref_slice %arg10[%dma_wait3A_268, %dma_wait3A_269] : memref<1280x128xf32, #tpu.memory_space<vmem_shared>> -> memref<1280x128xf32, #tpu.memory_space<vmem_shared>>
        tpu.wait_indirect_dma semaphore(%run_scoped3A : memref<!tpu.dma_semaphore, #tpu.memory_space<semaphore_mem>>) src(%arg18 : memref<32x128xf32, #tpu.memory_space<vmem>>) dst(%dma_wait3A_270 : memref<1280x128xf32, #tpu.memory_space<vmem_shared>>)
        tpu.yield
      }) : () -> ()
      %get3A_234 = arith.constant 0 : index
      %get3A_235 = tpu.vector_load %arg12[%get3A_234] {strides = array<i32>} : memref<32xi32, #tpu.memory_space<vmem>>, vector<16xi32>,
      %and3A_236 = arith.constant 7 : i32
      %and3A_237 = vector.broadcast %and3A_236 : i32 to vector<16xi32>
      %and3A_238 = arith.andi %get3A_235, %and3A_237 : vector<16xi32>
      %mul3A_239 = arith.constant 16 : i32
      %mul3A_240 = vector.broadcast %mul3A_239 : i32 to vector<16xi32>
      %mul3A_241 = arith.muli %and3A_238, %mul3A_240 : vector<16xi32>
      %scan3A_242 = arith.constant 0 : i32
      %scan3A_243 = arith.constant 0 : i32
      %scan3A_244 = arith.constant 16 : i32
      %scan3A_245 = arith.addi %scan3A_243, %scan3A_244 : i32
      %scan3A_246 = arith.constant 1 : i32
      %scan3A_247 = scf.for %scan3A_265 = %scan3A_243 to %scan3A_245 step %scan3A_246 iter_args(%scan3A_266 = %scan3A_242) -> (i32)  : i32 {
        %broadcast_in_dim3A_267 = arith.constant 0 : i32
        %broadcast_in_dim3A_268 = vector.broadcast %broadcast_in_dim3A_267 : i32 to vector<16xi32>
        %add3A_269 = vector.broadcast %scan3A_265 : i32 to vector<16xi32>
        %add3A_270 = arith.addi %broadcast_in_dim3A_268, %add3A_269 : vector<16xi32>
        %broadcast_in_dim3A_271 = vector.broadcast %scan3A_265 : i32 to vector<16xi32>
        %reshape3A = vector.shape_cast %broadcast_in_dim3A_271 : vector<16xi32> to vector<16x1xi32>
        %gather3A = vector.shape_cast %reshape3A : vector<16x1xi32> to vector<16xi32>
        %gather3A_272 = tpu.dynamic_gather %mul3A_241[%gather3A] in [0] : vector<16xi32>, vector<16xi32> -> vector<16xi32>
        %add3A_273 = arith.addi %gather3A_272, %iota3A : vector<16xi32>
        tpu.vector_store_idx %arg18[%add3A_270, %add3A_273], %broadcast_in_dim3A_0 : memref<32x128xf32, #tpu.memory_space<vmem>>[vector<16xi32>, vector<16xi32>], vector<16xf32>,
        %scan3A_274 = arith.constant 0 : i32
        scf.yield %scan3A_274 : i32
      }
      %scan3A_248 = arith.constant 16 : i32
      %get3A_249 = arith.constant 16 : index
      %get3A_250 = tpu.vector_load %arg12[%get3A_249] {strides = array<i32>} : memref<32xi32, #tpu.memory_space<vmem>>, vector<16xi32>,
      %and3A_251 = arith.constant 7 : i32
      %and3A_252 = vector.broadcast %and3A_251 : i32 to vector<16xi32>
      %and3A_253 = arith.andi %get3A_250, %and3A_252 : vector<16xi32>
      %mul3A_254 = arith.constant 16 : i32
      %mul3A_255 = vector.broadcast %mul3A_254 : i32 to vector<16xi32>
      %mul3A_256 = arith.muli %and3A_253, %mul3A_255 : vector<16xi32>
      %scan3A_257 = arith.constant 0 : i32
      %scan3A_258 = arith.constant 0 : i32
      %scan3A_259 = arith.constant 16 : i32
      %scan3A_260 = arith.addi %scan3A_258, %scan3A_259 : i32
      %scan3A_261 = arith.constant 1 : i32
      %scan3A_262 = scf.for %scan3A_265 = %scan3A_258 to %scan3A_260 step %scan3A_261 iter_args(%scan3A_266 = %scan3A_257) -> (i32)  : i32 {
        %broadcast_in_dim3A_267 = arith.constant 16 : i32
        %broadcast_in_dim3A_268 = vector.broadcast %broadcast_in_dim3A_267 : i32 to vector<16xi32>
        %add3A_269 = vector.broadcast %scan3A_265 : i32 to vector<16xi32>
        %add3A_270 = arith.addi %broadcast_in_dim3A_268, %add3A_269 : vector<16xi32>
        %broadcast_in_dim3A_271 = vector.broadcast %scan3A_265 : i32 to vector<16xi32>
        %reshape3A = vector.shape_cast %broadcast_in_dim3A_271 : vector<16xi32> to vector<16x1xi32>
        %gather3A = vector.shape_cast %reshape3A : vector<16x1xi32> to vector<16xi32>
        %gather3A_272 = tpu.dynamic_gather %mul3A_256[%gather3A] in [0] : vector<16xi32>, vector<16xi32> -> vector<16xi32>
        %add3A_273 = arith.addi %gather3A_272, %iota3A : vector<16xi32>
        tpu.vector_store_idx %arg18[%add3A_270, %add3A_273], %broadcast_in_dim3A_0 : memref<32x128xf32, #tpu.memory_space<vmem>>[vector<16xi32>, vector<16xi32>], vector<16xf32>,
        %scan3A_274 = arith.constant 0 : i32
        scf.yield %scan3A_274 : i32
      }
      %scan3A_263 = arith.constant 16 : i32
      %while3A_264 = arith.constant 0 : i32
      scf.yield %while3A_264 : i32
    }
    %barrier3A_123 = arith.constant 0 : index
    tpu.barrier barrier_id(%barrier3A_123)
    %scan3A_124 = arith.constant 0 : i32
    %scan3A_125 = arith.constant 0 : i32
    %scan3A_126 = arith.constant 20 : i32
    %scan3A_127 = arith.addi %scan3A_125, %scan3A_126 : i32
    %scan3A_128 = arith.constant 1 : i32
    %scan3A_129 = scf.for %scan3A_138 = %scan3A_125 to %scan3A_127 step %scan3A_128 iter_args(%scan3A_139 = %scan3A_124) -> (i32)  : i32 {
      %mul3A_140 = arith.constant 32 : i32
      %mul3A_141 = arith.muli %scan3A_138, %mul3A_140 : i32
      %add3A_142 = arith.addi %mul3A_27, %mul3A_141 : i32
      "tpu.region"() ({
        %run_scoped3A = tpu.sem_alloc : memref<!tpu.dma_semaphore, #tpu.memory_space<semaphore_mem>>
        %dma_start3A = arith.constant 0 : i32
        %dma_start3A_147 = tpu.memref_slice %arg9[%add3A_142, %dma_start3A] : memref<10240x128xf32, #tpu.memory_space<vmem_shared>> -> memref<32x128xf32, #tpu.memory_space<vmem_shared>>
        %dma_start3A_148 = arith.constant 0 : i32
        %dma_start3A_149 = tpu.memref_slice %arg9[%add3A_142, %dma_start3A_148] : memref<10240x128xf32, #tpu.memory_space<vmem_shared>> -> memref<32x128xf32, #tpu.memory_space<vmem_shared>>
        tpu.enqueue_dma source(%dma_start3A_149 : memref<32x128xf32, #tpu.memory_space<vmem_shared>>) target(%arg15 : memref<32x128xf32, #tpu.memory_space<vmem>>) target_semaphore(%run_scoped3A : memref<!tpu.dma_semaphore, #tpu.memory_space<semaphore_mem>>)
        %dma_wait3A = arith.constant 0 : i32
        %dma_wait3A_150 = tpu.memref_slice %arg9[%add3A_142, %dma_wait3A] : memref<10240x128xf32, #tpu.memory_space<vmem_shared>> -> memref<32x128xf32, #tpu.memory_space<vmem_shared>>
        %dma_wait3A_151 = arith.constant 0 : i32
        %dma_wait3A_152 = tpu.memref_slice %arg9[%add3A_142, %dma_wait3A_151] : memref<10240x128xf32, #tpu.memory_space<vmem_shared>> -> memref<32x128xf32, #tpu.memory_space<vmem_shared>>
        tpu.wait_dma2 semaphore(%run_scoped3A : memref<!tpu.dma_semaphore, #tpu.memory_space<semaphore_mem>>) src(%dma_wait3A_152 : memref<32x128xf32, #tpu.memory_space<vmem_shared>>) dst(%arg15 : memref<32x128xf32, #tpu.memory_space<vmem>>)
        tpu.yield
      }) : () -> ()
      %mul3A_143 = arith.constant 10240 : i32
      %mul3A_144 = arith.muli %arg0, %mul3A_143 : i32
      %add3A_145 = arith.addi %mul3A_144, %add3A_142 : i32
      "tpu.region"() ({
        %run_scoped3A = tpu.sem_alloc : memref<!tpu.dma_semaphore, #tpu.memory_space<semaphore_mem>>
        %dma_start3A = arith.constant 0 : i32
        %dma_start3A_147 = tpu.memref_slice %arg7[%add3A_145, %dma_start3A] : memref<20480x128xf32, #tpu.memory_space<hbm>> -> memref<32x128xf32, #tpu.memory_space<hbm>>
        %dma_start3A_148 = arith.constant 0 : i32
        %dma_start3A_149 = tpu.memref_slice %arg7[%add3A_145, %dma_start3A_148] : memref<20480x128xf32, #tpu.memory_space<hbm>> -> memref<32x128xf32, #tpu.memory_space<hbm>>
        tpu.enqueue_dma source(%arg15 : memref<32x128xf32, #tpu.memory_space<vmem>>) target(%dma_start3A_149 : memref<32x128xf32, #tpu.memory_space<hbm>>) target_semaphore(%run_scoped3A : memref<!tpu.dma_semaphore, #tpu.memory_space<semaphore_mem>>)
        %dma_wait3A = arith.constant 0 : i32
        %dma_wait3A_150 = tpu.memref_slice %arg7[%add3A_145, %dma_wait3A] : memref<20480x128xf32, #tpu.memory_space<hbm>> -> memref<32x128xf32, #tpu.memory_space<hbm>>
        %dma_wait3A_151 = arith.constant 0 : i32
        %dma_wait3A_152 = tpu.memref_slice %arg7[%add3A_145, %dma_wait3A_151] : memref<20480x128xf32, #tpu.memory_space<hbm>> -> memref<32x128xf32, #tpu.memory_space<hbm>>
        tpu.wait_dma2 semaphore(%run_scoped3A : memref<!tpu.dma_semaphore, #tpu.memory_space<semaphore_mem>>) src(%arg15 : memref<32x128xf32, #tpu.memory_space<vmem>>) dst(%dma_wait3A_152 : memref<32x128xf32, #tpu.memory_space<hbm>>)
        tpu.yield
      }) : () -> ()
      %scan3A_146 = arith.constant 0 : i32
      scf.yield %scan3A_146 : i32
    }
    %scan3A_130 = arith.constant 20 : i32
    %scan3A_131 = arith.constant 0 : i32
    %scan3A_132 = arith.constant 0 : i32
    %scan3A_133 = arith.constant 5 : i32
    %scan3A_134 = arith.addi %scan3A_132, %scan3A_133 : i32
    %scan3A_135 = arith.constant 1 : i32
    %scan3A_136 = scf.for %scan3A_138 = %scan3A_132 to %scan3A_134 step %scan3A_135 iter_args(%scan3A_139 = %scan3A_131) -> (i32)  : i32 {
      %mul3A_140 = arith.constant 16 : i32
      %mul3A_141 = arith.muli %scan3A_138, %mul3A_140 : i32
      %add3A_142 = arith.addi %mul3A_69, %mul3A_141 : i32
      "tpu.region"() ({
        %run_scoped3A = tpu.sem_alloc : memref<!tpu.dma_semaphore, #tpu.memory_space<semaphore_mem>>
        %dma_start3A = arith.constant 0 : i32
        %dma_start3A_147 = arith.constant 0 : i32
        %dma_start3A_148 = tpu.memref_slice %arg15[%dma_start3A, %dma_start3A_147] : memref<32x128xf32, #tpu.memory_space<vmem>> -> memref<16x128xf32, #tpu.memory_space<vmem>>
        %dma_start3A_149 = arith.constant 0 : i32
        %dma_start3A_150 = tpu.memref_slice %arg10[%add3A_142, %dma_start3A_149] : memref<1280x128xf32, #tpu.memory_space<vmem_shared>> -> memref<16x128xf32, #tpu.memory_space<vmem_shared>>
        %dma_start3A_151 = arith.constant 0 : i32
        %dma_start3A_152 = arith.constant 0 : i32
        %dma_start3A_153 = tpu.memref_slice %arg15[%dma_start3A_151, %dma_start3A_152] : memref<32x128xf32, #tpu.memory_space<vmem>> -> memref<16x128xf32, #tpu.memory_space<vmem>>
        %dma_start3A_154 = arith.constant 0 : i32
        %dma_start3A_155 = tpu.memref_slice %arg10[%add3A_142, %dma_start3A_154] : memref<1280x128xf32, #tpu.memory_space<vmem_shared>> -> memref<16x128xf32, #tpu.memory_space<vmem_shared>>
        tpu.enqueue_dma source(%dma_start3A_155 : memref<16x128xf32, #tpu.memory_space<vmem_shared>>) target(%dma_start3A_153 : memref<16x128xf32, #tpu.memory_space<vmem>>) target_semaphore(%run_scoped3A : memref<!tpu.dma_semaphore, #tpu.memory_space<semaphore_mem>>)
        %dma_wait3A = arith.constant 0 : i32
        %dma_wait3A_156 = arith.constant 0 : i32
        %dma_wait3A_157 = tpu.memref_slice %arg15[%dma_wait3A, %dma_wait3A_156] : memref<32x128xf32, #tpu.memory_space<vmem>> -> memref<16x128xf32, #tpu.memory_space<vmem>>
        %dma_wait3A_158 = arith.constant 0 : i32
        %dma_wait3A_159 = tpu.memref_slice %arg10[%add3A_142, %dma_wait3A_158] : memref<1280x128xf32, #tpu.memory_space<vmem_shared>> -> memref<16x128xf32, #tpu.memory_space<vmem_shared>>
        %dma_wait3A_160 = arith.constant 0 : i32
        %dma_wait3A_161 = arith.constant 0 : i32
        %dma_wait3A_162 = tpu.memref_slice %arg15[%dma_wait3A_160, %dma_wait3A_161] : memref<32x128xf32, #tpu.memory_space<vmem>> -> memref<16x128xf32, #tpu.memory_space<vmem>>
        %dma_wait3A_163 = arith.constant 0 : i32
        %dma_wait3A_164 = tpu.memref_slice %arg10[%add3A_142, %dma_wait3A_163] : memref<1280x128xf32, #tpu.memory_space<vmem_shared>> -> memref<16x128xf32, #tpu.memory_space<vmem_shared>>
        tpu.wait_dma2 semaphore(%run_scoped3A : memref<!tpu.dma_semaphore, #tpu.memory_space<semaphore_mem>>) src(%dma_wait3A_164 : memref<16x128xf32, #tpu.memory_space<vmem_shared>>) dst(%dma_wait3A_162 : memref<16x128xf32, #tpu.memory_space<vmem>>)
        tpu.yield
      }) : () -> ()
      %mul3A_143 = arith.constant 1280 : i32
      %mul3A_144 = arith.muli %arg0, %mul3A_143 : i32
      %add3A_145 = arith.addi %mul3A_144, %add3A_142 : i32
      "tpu.region"() ({
        %run_scoped3A = tpu.sem_alloc : memref<!tpu.dma_semaphore, #tpu.memory_space<semaphore_mem>>
        %dma_start3A = arith.constant 0 : i32
        %dma_start3A_147 = arith.constant 0 : i32
        %dma_start3A_148 = tpu.memref_slice %arg15[%dma_start3A, %dma_start3A_147] : memref<32x128xf32, #tpu.memory_space<vmem>> -> memref<16x128xf32, #tpu.memory_space<vmem>>
        %dma_start3A_149 = arith.constant 0 : i32
        %dma_start3A_150 = tpu.memref_slice %arg8[%add3A_145, %dma_start3A_149] : memref<2560x128xf32, #tpu.memory_space<hbm>> -> memref<16x128xf32, #tpu.memory_space<hbm>>
        %dma_start3A_151 = arith.constant 0 : i32
        %dma_start3A_152 = tpu.memref_slice %arg8[%add3A_145, %dma_start3A_151] : memref<2560x128xf32, #tpu.memory_space<hbm>> -> memref<16x128xf32, #tpu.memory_space<hbm>>
        %dma_start3A_153 = arith.constant 0 : i32
        %dma_start3A_154 = arith.constant 0 : i32
        %dma_start3A_155 = tpu.memref_slice %arg15[%dma_start3A_153, %dma_start3A_154] : memref<32x128xf32, #tpu.memory_space<vmem>> -> memref<16x128xf32, #tpu.memory_space<vmem>>
        tpu.enqueue_dma source(%dma_start3A_155 : memref<16x128xf32, #tpu.memory_space<vmem>>) target(%dma_start3A_152 : memref<16x128xf32, #tpu.memory_space<hbm>>) target_semaphore(%run_scoped3A : memref<!tpu.dma_semaphore, #tpu.memory_space<semaphore_mem>>)
        %dma_wait3A = arith.constant 0 : i32
        %dma_wait3A_156 = arith.constant 0 : i32
        %dma_wait3A_157 = tpu.memref_slice %arg15[%dma_wait3A, %dma_wait3A_156] : memref<32x128xf32, #tpu.memory_space<vmem>> -> memref<16x128xf32, #tpu.memory_space<vmem>>
        %dma_wait3A_158 = arith.constant 0 : i32
        %dma_wait3A_159 = tpu.memref_slice %arg8[%add3A_145, %dma_wait3A_158] : memref<2560x128xf32, #tpu.memory_space<hbm>> -> memref<16x128xf32, #tpu.memory_space<hbm>>
        %dma_wait3A_160 = arith.constant 0 : i32
        %dma_wait3A_161 = tpu.memref_slice %arg8[%add3A_145, %dma_wait3A_160] : memref<2560x128xf32, #tpu.memory_space<hbm>> -> memref<16x128xf32, #tpu.memory_space<hbm>>
        %dma_wait3A_162 = arith.constant 0 : i32
        %dma_wait3A_163 = arith.constant 0 : i32
        %dma_wait3A_164 = tpu.memref_slice %arg15[%dma_wait3A_162, %dma_wait3A_163] : memref<32x128xf32, #tpu.memory_space<vmem>> -> memref<16x128xf32, #tpu.memory_space<vmem>>
        tpu.wait_dma2 semaphore(%run_scoped3A : memref<!tpu.dma_semaphore, #tpu.memory_space<semaphore_mem>>) src(%dma_wait3A_164 : memref<16x128xf32, #tpu.memory_space<vmem>>) dst(%dma_wait3A_161 : memref<16x128xf32, #tpu.memory_space<hbm>>)
        tpu.yield
      }) : () -> ()
      %scan3A_146 = arith.constant 0 : i32
      scf.yield %scan3A_146 : i32
    }
    %scan3A_137 = arith.constant 5 : i32
    return
  }
}

#map = affine_map<(d0, d1) -> (0, 0)>
#map1 = affine_map<(d0, d1) -> (0)>
module attributes {stable_mosaic.version = 14 : i64} {
  func.func @_sc_layer2_body(%arg0: i32, %arg1: i32, %arg2: memref<1280x128xf32, #tpu.memory_space<hbm>>, %arg3: memref<8x128xf32, #tpu.memory_space<hbm>>, %arg4: memref<320000xi32, #tpu.memory_space<hbm>>, %arg5: memref<320000xi32, #tpu.memory_space<hbm>>, %arg6: memref<2560x128xf32, #tpu.memory_space<hbm>>, %arg7: memref<1280x128xf32, #tpu.memory_space<vmem_shared>>, %arg8: memref<128xi32, #tpu.memory_space<vmem>>, %arg9: memref<128xi32, #tpu.memory_space<vmem>>, %arg10: memref<128xi32, #tpu.memory_space<vmem>>, %arg11: memref<128xi32, #tpu.memory_space<vmem>>, %arg12: memref<128x128xf32, #tpu.memory_space<vmem>>, %arg13: memref<128x128xf32, #tpu.memory_space<vmem>>, %arg14: memref<128x128xf32, #tpu.memory_space<vmem>>, %arg15: memref<8x128xf32, #tpu.memory_space<vmem>>, %arg16: memref<!tpu.dma_semaphore, #tpu.memory_space<semaphore_mem>>, %arg17: memref<!tpu.dma_semaphore, #tpu.memory_space<semaphore_mem>>) attributes {dimension_semantics = [#tpu.dimension_semantics<core_parallel>, #tpu.dimension_semantics<subcore_parallel>], iteration_bounds = array<i64: 2, 16>, scalar_prefetch = 0 : i64, scratch_operands = 11 : i64, tpu.core_type = #tpu.core_type<sc_vector_subcore>, window_params = [{transform_indices = #map}, {transform_indices = #map}, {transform_indices = #map1}, {transform_indices = #map1}, {transform_indices = #map}]} {
    %broadcast_in_dim3A = arith.constant 0.000000e+00 : f32
    %broadcast_in_dim3A_0 = vector.broadcast %broadcast_in_dim3A : f32 to vector<16xf32>
    %iota3A = tpu.iota {dimensions = array<i32: 0>} : vector<16xi32>
    %scan3A = arith.constant 0 : i32
    %scan3A_1 = arith.constant 0 : i32
    %scan3A_2 = arith.constant 128 : i32
    %scan3A_3 = arith.addi %scan3A_1, %scan3A_2 : i32
    %scan3A_4 = arith.constant 1 : i32
    %scan3A_5 = scf.for %scan3A_66 = %scan3A_1 to %scan3A_3 step %scan3A_4 iter_args(%scan3A_67 = %scan3A) -> (i32)  : i32 {
      %swap3A = arith.index_cast %scan3A_66 : i32 to index
      %swap3A_68 = arith.constant 0 : index
      %swap3A_69 = tpu.vector_load %arg14[%swap3A, %swap3A_68] {strides = array<i32>} : memref<128x128xf32, #tpu.memory_space<vmem>>, vector<16xf32>,
      tpu.vector_store %arg14[%swap3A, %swap3A_68], %broadcast_in_dim3A_0 {strides = array<i32>} : memref<128x128xf32, #tpu.memory_space<vmem>>, vector<16xf32>,
      %swap3A_70 = arith.index_cast %scan3A_66 : i32 to index
      %swap3A_71 = arith.constant 16 : index
      %swap3A_72 = tpu.vector_load %arg14[%swap3A_70, %swap3A_71] {strides = array<i32>} : memref<128x128xf32, #tpu.memory_space<vmem>>, vector<16xf32>,
      tpu.vector_store %arg14[%swap3A_70, %swap3A_71], %broadcast_in_dim3A_0 {strides = array<i32>} : memref<128x128xf32, #tpu.memory_space<vmem>>, vector<16xf32>,
      %swap3A_73 = arith.index_cast %scan3A_66 : i32 to index
      %swap3A_74 = arith.constant 32 : index
      %swap3A_75 = tpu.vector_load %arg14[%swap3A_73, %swap3A_74] {strides = array<i32>} : memref<128x128xf32, #tpu.memory_space<vmem>>, vector<16xf32>,
      tpu.vector_store %arg14[%swap3A_73, %swap3A_74], %broadcast_in_dim3A_0 {strides = array<i32>} : memref<128x128xf32, #tpu.memory_space<vmem>>, vector<16xf32>,
      %swap3A_76 = arith.index_cast %scan3A_66 : i32 to index
      %swap3A_77 = arith.constant 48 : index
      %swap3A_78 = tpu.vector_load %arg14[%swap3A_76, %swap3A_77] {strides = array<i32>} : memref<128x128xf32, #tpu.memory_space<vmem>>, vector<16xf32>,
      tpu.vector_store %arg14[%swap3A_76, %swap3A_77], %broadcast_in_dim3A_0 {strides = array<i32>} : memref<128x128xf32, #tpu.memory_space<vmem>>, vector<16xf32>,
      %swap3A_79 = arith.index_cast %scan3A_66 : i32 to index
      %swap3A_80 = arith.constant 64 : index
      %swap3A_81 = tpu.vector_load %arg14[%swap3A_79, %swap3A_80] {strides = array<i32>} : memref<128x128xf32, #tpu.memory_space<vmem>>, vector<16xf32>,
      tpu.vector_store %arg14[%swap3A_79, %swap3A_80], %broadcast_in_dim3A_0 {strides = array<i32>} : memref<128x128xf32, #tpu.memory_space<vmem>>, vector<16xf32>,
      %swap3A_82 = arith.index_cast %scan3A_66 : i32 to index
      %swap3A_83 = arith.constant 80 : index
      %swap3A_84 = tpu.vector_load %arg14[%swap3A_82, %swap3A_83] {strides = array<i32>} : memref<128x128xf32, #tpu.memory_space<vmem>>, vector<16xf32>,
      tpu.vector_store %arg14[%swap3A_82, %swap3A_83], %broadcast_in_dim3A_0 {strides = array<i32>} : memref<128x128xf32, #tpu.memory_space<vmem>>, vector<16xf32>,
      %swap3A_85 = arith.index_cast %scan3A_66 : i32 to index
      %swap3A_86 = arith.constant 96 : index
      %swap3A_87 = tpu.vector_load %arg14[%swap3A_85, %swap3A_86] {strides = array<i32>} : memref<128x128xf32, #tpu.memory_space<vmem>>, vector<16xf32>,
      tpu.vector_store %arg14[%swap3A_85, %swap3A_86], %broadcast_in_dim3A_0 {strides = array<i32>} : memref<128x128xf32, #tpu.memory_space<vmem>>, vector<16xf32>,
      %swap3A_88 = arith.index_cast %scan3A_66 : i32 to index
      %swap3A_89 = arith.constant 112 : index
      %swap3A_90 = tpu.vector_load %arg14[%swap3A_88, %swap3A_89] {strides = array<i32>} : memref<128x128xf32, #tpu.memory_space<vmem>>, vector<16xf32>,
      tpu.vector_store %arg14[%swap3A_88, %swap3A_89], %broadcast_in_dim3A_0 {strides = array<i32>} : memref<128x128xf32, #tpu.memory_space<vmem>>, vector<16xf32>,
      %scan3A_91 = arith.constant 0 : i32
      scf.yield %scan3A_91 : i32
    }
    %scan3A_6 = arith.constant 128 : i32
    %mul3A = arith.constant 80 : i32
    %mul3A_7 = arith.muli %arg1, %mul3A : i32
    %add3A = arith.constant 0 : i32
    %add3A_8 = arith.addi %mul3A_7, %add3A : i32
    "tpu.region"() ({
      %run_scoped3A = tpu.sem_alloc : memref<!tpu.dma_semaphore, #tpu.memory_space<semaphore_mem>>
      %dma_start3A = arith.constant 0 : i32
      %dma_start3A_66 = arith.constant 0 : i32
      %dma_start3A_67 = tpu.memref_slice %arg14[%dma_start3A, %dma_start3A_66] : memref<128x128xf32, #tpu.memory_space<vmem>> -> memref<16x128xf32, #tpu.memory_space<vmem>>
      %dma_start3A_68 = arith.constant 0 : i32
      %dma_start3A_69 = tpu.memref_slice %arg7[%add3A_8, %dma_start3A_68] : memref<1280x128xf32, #tpu.memory_space<vmem_shared>> -> memref<16x128xf32, #tpu.memory_space<vmem_shared>>
      %dma_start3A_70 = arith.constant 0 : i32
      %dma_start3A_71 = tpu.memref_slice %arg7[%add3A_8, %dma_start3A_70] : memref<1280x128xf32, #tpu.memory_space<vmem_shared>> -> memref<16x128xf32, #tpu.memory_space<vmem_shared>>
      %dma_start3A_72 = arith.constant 0 : i32
      %dma_start3A_73 = arith.constant 0 : i32
      %dma_start3A_74 = tpu.memref_slice %arg14[%dma_start3A_72, %dma_start3A_73] : memref<128x128xf32, #tpu.memory_space<vmem>> -> memref<16x128xf32, #tpu.memory_space<vmem>>
      tpu.enqueue_dma source(%dma_start3A_74 : memref<16x128xf32, #tpu.memory_space<vmem>>) target(%dma_start3A_71 : memref<16x128xf32, #tpu.memory_space<vmem_shared>>) target_semaphore(%run_scoped3A : memref<!tpu.dma_semaphore, #tpu.memory_space<semaphore_mem>>)
      %dma_wait3A = arith.constant 0 : i32
      %dma_wait3A_75 = arith.constant 0 : i32
      %dma_wait3A_76 = tpu.memref_slice %arg14[%dma_wait3A, %dma_wait3A_75] : memref<128x128xf32, #tpu.memory_space<vmem>> -> memref<16x128xf32, #tpu.memory_space<vmem>>
      %dma_wait3A_77 = arith.constant 0 : i32
      %dma_wait3A_78 = tpu.memref_slice %arg7[%add3A_8, %dma_wait3A_77] : memref<1280x128xf32, #tpu.memory_space<vmem_shared>> -> memref<16x128xf32, #tpu.memory_space<vmem_shared>>
      %dma_wait3A_79 = arith.constant 0 : i32
      %dma_wait3A_80 = tpu.memref_slice %arg7[%add3A_8, %dma_wait3A_79] : memref<1280x128xf32, #tpu.memory_space<vmem_shared>> -> memref<16x128xf32, #tpu.memory_space<vmem_shared>>
      %dma_wait3A_81 = arith.constant 0 : i32
      %dma_wait3A_82 = arith.constant 0 : i32
      %dma_wait3A_83 = tpu.memref_slice %arg14[%dma_wait3A_81, %dma_wait3A_82] : memref<128x128xf32, #tpu.memory_space<vmem>> -> memref<16x128xf32, #tpu.memory_space<vmem>>
      tpu.wait_dma2 semaphore(%run_scoped3A : memref<!tpu.dma_semaphore, #tpu.memory_space<semaphore_mem>>) src(%dma_wait3A_83 : memref<16x128xf32, #tpu.memory_space<vmem>>) dst(%dma_wait3A_80 : memref<16x128xf32, #tpu.memory_space<vmem_shared>>)
      tpu.yield
    }) : () -> ()
    %add3A_9 = arith.constant 16 : i32
    %add3A_10 = arith.addi %mul3A_7, %add3A_9 : i32
    "tpu.region"() ({
      %run_scoped3A = tpu.sem_alloc : memref<!tpu.dma_semaphore, #tpu.memory_space<semaphore_mem>>
      %dma_start3A = arith.constant 0 : i32
      %dma_start3A_66 = arith.constant 0 : i32
      %dma_start3A_67 = tpu.memref_slice %arg14[%dma_start3A, %dma_start3A_66] : memref<128x128xf32, #tpu.memory_space<vmem>> -> memref<16x128xf32, #tpu.memory_space<vmem>>
      %dma_start3A_68 = arith.constant 0 : i32
      %dma_start3A_69 = tpu.memref_slice %arg7[%add3A_10, %dma_start3A_68] : memref<1280x128xf32, #tpu.memory_space<vmem_shared>> -> memref<16x128xf32, #tpu.memory_space<vmem_shared>>
      %dma_start3A_70 = arith.constant 0 : i32
      %dma_start3A_71 = tpu.memref_slice %arg7[%add3A_10, %dma_start3A_70] : memref<1280x128xf32, #tpu.memory_space<vmem_shared>> -> memref<16x128xf32, #tpu.memory_space<vmem_shared>>
      %dma_start3A_72 = arith.constant 0 : i32
      %dma_start3A_73 = arith.constant 0 : i32
      %dma_start3A_74 = tpu.memref_slice %arg14[%dma_start3A_72, %dma_start3A_73] : memref<128x128xf32, #tpu.memory_space<vmem>> -> memref<16x128xf32, #tpu.memory_space<vmem>>
      tpu.enqueue_dma source(%dma_start3A_74 : memref<16x128xf32, #tpu.memory_space<vmem>>) target(%dma_start3A_71 : memref<16x128xf32, #tpu.memory_space<vmem_shared>>) target_semaphore(%run_scoped3A : memref<!tpu.dma_semaphore, #tpu.memory_space<semaphore_mem>>)
      %dma_wait3A = arith.constant 0 : i32
      %dma_wait3A_75 = arith.constant 0 : i32
      %dma_wait3A_76 = tpu.memref_slice %arg14[%dma_wait3A, %dma_wait3A_75] : memref<128x128xf32, #tpu.memory_space<vmem>> -> memref<16x128xf32, #tpu.memory_space<vmem>>
      %dma_wait3A_77 = arith.constant 0 : i32
      %dma_wait3A_78 = tpu.memref_slice %arg7[%add3A_10, %dma_wait3A_77] : memref<1280x128xf32, #tpu.memory_space<vmem_shared>> -> memref<16x128xf32, #tpu.memory_space<vmem_shared>>
      %dma_wait3A_79 = arith.constant 0 : i32
      %dma_wait3A_80 = tpu.memref_slice %arg7[%add3A_10, %dma_wait3A_79] : memref<1280x128xf32, #tpu.memory_space<vmem_shared>> -> memref<16x128xf32, #tpu.memory_space<vmem_shared>>
      %dma_wait3A_81 = arith.constant 0 : i32
      %dma_wait3A_82 = arith.constant 0 : i32
      %dma_wait3A_83 = tpu.memref_slice %arg14[%dma_wait3A_81, %dma_wait3A_82] : memref<128x128xf32, #tpu.memory_space<vmem>> -> memref<16x128xf32, #tpu.memory_space<vmem>>
      tpu.wait_dma2 semaphore(%run_scoped3A : memref<!tpu.dma_semaphore, #tpu.memory_space<semaphore_mem>>) src(%dma_wait3A_83 : memref<16x128xf32, #tpu.memory_space<vmem>>) dst(%dma_wait3A_80 : memref<16x128xf32, #tpu.memory_space<vmem_shared>>)
      tpu.yield
    }) : () -> ()
    %add3A_11 = arith.constant 32 : i32
    %add3A_12 = arith.addi %mul3A_7, %add3A_11 : i32
    "tpu.region"() ({
      %run_scoped3A = tpu.sem_alloc : memref<!tpu.dma_semaphore, #tpu.memory_space<semaphore_mem>>
      %dma_start3A = arith.constant 0 : i32
      %dma_start3A_66 = arith.constant 0 : i32
      %dma_start3A_67 = tpu.memref_slice %arg14[%dma_start3A, %dma_start3A_66] : memref<128x128xf32, #tpu.memory_space<vmem>> -> memref<16x128xf32, #tpu.memory_space<vmem>>
      %dma_start3A_68 = arith.constant 0 : i32
      %dma_start3A_69 = tpu.memref_slice %arg7[%add3A_12, %dma_start3A_68] : memref<1280x128xf32, #tpu.memory_space<vmem_shared>> -> memref<16x128xf32, #tpu.memory_space<vmem_shared>>
      %dma_start3A_70 = arith.constant 0 : i32
      %dma_start3A_71 = tpu.memref_slice %arg7[%add3A_12, %dma_start3A_70] : memref<1280x128xf32, #tpu.memory_space<vmem_shared>> -> memref<16x128xf32, #tpu.memory_space<vmem_shared>>
      %dma_start3A_72 = arith.constant 0 : i32
      %dma_start3A_73 = arith.constant 0 : i32
      %dma_start3A_74 = tpu.memref_slice %arg14[%dma_start3A_72, %dma_start3A_73] : memref<128x128xf32, #tpu.memory_space<vmem>> -> memref<16x128xf32, #tpu.memory_space<vmem>>
      tpu.enqueue_dma source(%dma_start3A_74 : memref<16x128xf32, #tpu.memory_space<vmem>>) target(%dma_start3A_71 : memref<16x128xf32, #tpu.memory_space<vmem_shared>>) target_semaphore(%run_scoped3A : memref<!tpu.dma_semaphore, #tpu.memory_space<semaphore_mem>>)
      %dma_wait3A = arith.constant 0 : i32
      %dma_wait3A_75 = arith.constant 0 : i32
      %dma_wait3A_76 = tpu.memref_slice %arg14[%dma_wait3A, %dma_wait3A_75] : memref<128x128xf32, #tpu.memory_space<vmem>> -> memref<16x128xf32, #tpu.memory_space<vmem>>
      %dma_wait3A_77 = arith.constant 0 : i32
      %dma_wait3A_78 = tpu.memref_slice %arg7[%add3A_12, %dma_wait3A_77] : memref<1280x128xf32, #tpu.memory_space<vmem_shared>> -> memref<16x128xf32, #tpu.memory_space<vmem_shared>>
      %dma_wait3A_79 = arith.constant 0 : i32
      %dma_wait3A_80 = tpu.memref_slice %arg7[%add3A_12, %dma_wait3A_79] : memref<1280x128xf32, #tpu.memory_space<vmem_shared>> -> memref<16x128xf32, #tpu.memory_space<vmem_shared>>
      %dma_wait3A_81 = arith.constant 0 : i32
      %dma_wait3A_82 = arith.constant 0 : i32
      %dma_wait3A_83 = tpu.memref_slice %arg14[%dma_wait3A_81, %dma_wait3A_82] : memref<128x128xf32, #tpu.memory_space<vmem>> -> memref<16x128xf32, #tpu.memory_space<vmem>>
      tpu.wait_dma2 semaphore(%run_scoped3A : memref<!tpu.dma_semaphore, #tpu.memory_space<semaphore_mem>>) src(%dma_wait3A_83 : memref<16x128xf32, #tpu.memory_space<vmem>>) dst(%dma_wait3A_80 : memref<16x128xf32, #tpu.memory_space<vmem_shared>>)
      tpu.yield
    }) : () -> ()
    %add3A_13 = arith.constant 48 : i32
    %add3A_14 = arith.addi %mul3A_7, %add3A_13 : i32
    "tpu.region"() ({
      %run_scoped3A = tpu.sem_alloc : memref<!tpu.dma_semaphore, #tpu.memory_space<semaphore_mem>>
      %dma_start3A = arith.constant 0 : i32
      %dma_start3A_66 = arith.constant 0 : i32
      %dma_start3A_67 = tpu.memref_slice %arg14[%dma_start3A, %dma_start3A_66] : memref<128x128xf32, #tpu.memory_space<vmem>> -> memref<16x128xf32, #tpu.memory_space<vmem>>
      %dma_start3A_68 = arith.constant 0 : i32
      %dma_start3A_69 = tpu.memref_slice %arg7[%add3A_14, %dma_start3A_68] : memref<1280x128xf32, #tpu.memory_space<vmem_shared>> -> memref<16x128xf32, #tpu.memory_space<vmem_shared>>
      %dma_start3A_70 = arith.constant 0 : i32
      %dma_start3A_71 = tpu.memref_slice %arg7[%add3A_14, %dma_start3A_70] : memref<1280x128xf32, #tpu.memory_space<vmem_shared>> -> memref<16x128xf32, #tpu.memory_space<vmem_shared>>
      %dma_start3A_72 = arith.constant 0 : i32
      %dma_start3A_73 = arith.constant 0 : i32
      %dma_start3A_74 = tpu.memref_slice %arg14[%dma_start3A_72, %dma_start3A_73] : memref<128x128xf32, #tpu.memory_space<vmem>> -> memref<16x128xf32, #tpu.memory_space<vmem>>
      tpu.enqueue_dma source(%dma_start3A_74 : memref<16x128xf32, #tpu.memory_space<vmem>>) target(%dma_start3A_71 : memref<16x128xf32, #tpu.memory_space<vmem_shared>>) target_semaphore(%run_scoped3A : memref<!tpu.dma_semaphore, #tpu.memory_space<semaphore_mem>>)
      %dma_wait3A = arith.constant 0 : i32
      %dma_wait3A_75 = arith.constant 0 : i32
      %dma_wait3A_76 = tpu.memref_slice %arg14[%dma_wait3A, %dma_wait3A_75] : memref<128x128xf32, #tpu.memory_space<vmem>> -> memref<16x128xf32, #tpu.memory_space<vmem>>
      %dma_wait3A_77 = arith.constant 0 : i32
      %dma_wait3A_78 = tpu.memref_slice %arg7[%add3A_14, %dma_wait3A_77] : memref<1280x128xf32, #tpu.memory_space<vmem_shared>> -> memref<16x128xf32, #tpu.memory_space<vmem_shared>>
      %dma_wait3A_79 = arith.constant 0 : i32
      %dma_wait3A_80 = tpu.memref_slice %arg7[%add3A_14, %dma_wait3A_79] : memref<1280x128xf32, #tpu.memory_space<vmem_shared>> -> memref<16x128xf32, #tpu.memory_space<vmem_shared>>
      %dma_wait3A_81 = arith.constant 0 : i32
      %dma_wait3A_82 = arith.constant 0 : i32
      %dma_wait3A_83 = tpu.memref_slice %arg14[%dma_wait3A_81, %dma_wait3A_82] : memref<128x128xf32, #tpu.memory_space<vmem>> -> memref<16x128xf32, #tpu.memory_space<vmem>>
      tpu.wait_dma2 semaphore(%run_scoped3A : memref<!tpu.dma_semaphore, #tpu.memory_space<semaphore_mem>>) src(%dma_wait3A_83 : memref<16x128xf32, #tpu.memory_space<vmem>>) dst(%dma_wait3A_80 : memref<16x128xf32, #tpu.memory_space<vmem_shared>>)
      tpu.yield
    }) : () -> ()
    %add3A_15 = arith.constant 64 : i32
    %add3A_16 = arith.addi %mul3A_7, %add3A_15 : i32
    "tpu.region"() ({
      %run_scoped3A = tpu.sem_alloc : memref<!tpu.dma_semaphore, #tpu.memory_space<semaphore_mem>>
      %dma_start3A = arith.constant 0 : i32
      %dma_start3A_66 = arith.constant 0 : i32
      %dma_start3A_67 = tpu.memref_slice %arg14[%dma_start3A, %dma_start3A_66] : memref<128x128xf32, #tpu.memory_space<vmem>> -> memref<16x128xf32, #tpu.memory_space<vmem>>
      %dma_start3A_68 = arith.constant 0 : i32
      %dma_start3A_69 = tpu.memref_slice %arg7[%add3A_16, %dma_start3A_68] : memref<1280x128xf32, #tpu.memory_space<vmem_shared>> -> memref<16x128xf32, #tpu.memory_space<vmem_shared>>
      %dma_start3A_70 = arith.constant 0 : i32
      %dma_start3A_71 = tpu.memref_slice %arg7[%add3A_16, %dma_start3A_70] : memref<1280x128xf32, #tpu.memory_space<vmem_shared>> -> memref<16x128xf32, #tpu.memory_space<vmem_shared>>
      %dma_start3A_72 = arith.constant 0 : i32
      %dma_start3A_73 = arith.constant 0 : i32
      %dma_start3A_74 = tpu.memref_slice %arg14[%dma_start3A_72, %dma_start3A_73] : memref<128x128xf32, #tpu.memory_space<vmem>> -> memref<16x128xf32, #tpu.memory_space<vmem>>
      tpu.enqueue_dma source(%dma_start3A_74 : memref<16x128xf32, #tpu.memory_space<vmem>>) target(%dma_start3A_71 : memref<16x128xf32, #tpu.memory_space<vmem_shared>>) target_semaphore(%run_scoped3A : memref<!tpu.dma_semaphore, #tpu.memory_space<semaphore_mem>>)
      %dma_wait3A = arith.constant 0 : i32
      %dma_wait3A_75 = arith.constant 0 : i32
      %dma_wait3A_76 = tpu.memref_slice %arg14[%dma_wait3A, %dma_wait3A_75] : memref<128x128xf32, #tpu.memory_space<vmem>> -> memref<16x128xf32, #tpu.memory_space<vmem>>
      %dma_wait3A_77 = arith.constant 0 : i32
      %dma_wait3A_78 = tpu.memref_slice %arg7[%add3A_16, %dma_wait3A_77] : memref<1280x128xf32, #tpu.memory_space<vmem_shared>> -> memref<16x128xf32, #tpu.memory_space<vmem_shared>>
      %dma_wait3A_79 = arith.constant 0 : i32
      %dma_wait3A_80 = tpu.memref_slice %arg7[%add3A_16, %dma_wait3A_79] : memref<1280x128xf32, #tpu.memory_space<vmem_shared>> -> memref<16x128xf32, #tpu.memory_space<vmem_shared>>
      %dma_wait3A_81 = arith.constant 0 : i32
      %dma_wait3A_82 = arith.constant 0 : i32
      %dma_wait3A_83 = tpu.memref_slice %arg14[%dma_wait3A_81, %dma_wait3A_82] : memref<128x128xf32, #tpu.memory_space<vmem>> -> memref<16x128xf32, #tpu.memory_space<vmem>>
      tpu.wait_dma2 semaphore(%run_scoped3A : memref<!tpu.dma_semaphore, #tpu.memory_space<semaphore_mem>>) src(%dma_wait3A_83 : memref<16x128xf32, #tpu.memory_space<vmem>>) dst(%dma_wait3A_80 : memref<16x128xf32, #tpu.memory_space<vmem_shared>>)
      tpu.yield
    }) : () -> ()
    "tpu.region"() ({
      %run_scoped3A = tpu.sem_alloc : memref<!tpu.dma_semaphore, #tpu.memory_space<semaphore_mem>>
      tpu.enqueue_dma source(%arg3 : memref<8x128xf32, #tpu.memory_space<hbm>>) target(%arg15 : memref<8x128xf32, #tpu.memory_space<vmem>>) target_semaphore(%run_scoped3A : memref<!tpu.dma_semaphore, #tpu.memory_space<semaphore_mem>>)
      tpu.wait_dma2 semaphore(%run_scoped3A : memref<!tpu.dma_semaphore, #tpu.memory_space<semaphore_mem>>) src(%arg3 : memref<8x128xf32, #tpu.memory_space<hbm>>) dst(%arg15 : memref<8x128xf32, #tpu.memory_space<vmem>>)
      tpu.yield
    }) : () -> ()
    %get3A = arith.constant 0 : i32
    %get3A_17 = arith.index_cast %get3A : i32 to index
    %get3A_18 = arith.constant 0 : index
    %get3A_19 = tpu.vector_load %arg15[%get3A_17, %get3A_18] {strides = array<i32>} : memref<8x128xf32, #tpu.memory_space<vmem>>, vector<16xf32>,
    %broadcast_in_dim3A_20 = arith.constant 1 : i32
    %broadcast_in_dim3A_21 = vector.broadcast %broadcast_in_dim3A_20 : i32 to vector<16xi32>
    %reshape3A = vector.shape_cast %broadcast_in_dim3A_21 : vector<16xi32> to vector<16x1xi32>
    %gather3A = vector.shape_cast %reshape3A : vector<16x1xi32> to vector<16xi32>
    %gather3A_22 = tpu.dynamic_gather %get3A_19[%gather3A] in [0] : vector<16xf32>, vector<16xi32> -> vector<16xf32>
    %barrier3A = arith.constant 0 : index
    tpu.barrier barrier_id(%barrier3A)
    %mul3A_23 = arith.constant 160000 : i32
    %mul3A_24 = arith.muli %arg0, %mul3A_23 : i32
    %sub3A = arith.constant 1250 : i32
    %sub3A_25 = arith.subi %sub3A, %arg1 : i32
    %add3A_26 = arith.constant 16 : i32
    %add3A_27 = arith.addi %sub3A_25, %add3A_26 : i32
    %sub3A_28 = arith.constant 1 : i32
    %sub3A_29 = arith.subi %add3A_27, %sub3A_28 : i32
    %jit3A = arith.constant 16 : i32
    %div3A = arith.divsi %sub3A_29, %jit3A : i32
    %sign3A = arith.constant 0 : i32
    %sign3A_30 = arith.cmpi sgt, %sub3A_29, %sign3A : i32
    %sign3A_31 = arith.extui %sign3A_30 : i1 to i32
    %sign3A_32 = arith.constant 0 : i32
    %sign3A_33 = arith.cmpi slt, %sub3A_29, %sign3A_32 : i32
    %sign3A_34 = arith.extui %sign3A_33 : i1 to i32
    %sign3A_35 = arith.subi %sign3A_31, %sign3A_34 : i32
    %sign3A_36 = arith.constant 0 : i32
    %sign3A_37 = arith.cmpi sgt, %jit3A, %sign3A_36 : i32
    %sign3A_38 = arith.extui %sign3A_37 : i1 to i32
    %sign3A_39 = arith.constant 0 : i32
    %sign3A_40 = arith.cmpi slt, %jit3A, %sign3A_39 : i32
    %sign3A_41 = arith.extui %sign3A_40 : i1 to i32
    %sign3A_42 = arith.subi %sign3A_38, %sign3A_41 : i32
    %ne3A = arith.cmpi ne, %sign3A_35, %sign3A_42 : i32
    %rem3A = arith.remsi %sub3A_29, %jit3A : i32
    %ne3A_43 = arith.constant 0 : i32
    %ne3A_44 = arith.cmpi ne, %rem3A, %ne3A_43 : i32
    %and3A = arith.andi %ne3A, %ne3A_44 : i1
    %sub3A_45 = arith.constant 1 : i32
    %sub3A_46 = arith.subi %div3A, %sub3A_45 : i32
    %select_n3A = arith.select %and3A, %sub3A_46, %div3A : i32
    %while3A = arith.constant 0 : i32
    %while3A_47 = arith.constant 0 : i32
    %while3A_48 = arith.subi %select_n3A, %while3A : i32
    %while3A_49 = arith.addi %while3A, %while3A_48 : i32
    %while3A_50 = arith.constant 1 : i32
    %while3A_51 = arith.divsi %while3A_48, %while3A_50 : i32
    %while3A_52 = arith.muli %while3A_51, %while3A_50 : i32
    %while3A_53 = arith.addi %while3A, %while3A_52 : i32
    %while3A_54 = arith.constant 1 : i32
    %while3A_55 = scf.for %while3A_66 = %while3A to %while3A_53 step %while3A_54 iter_args(%while3A_67 = %while3A_47) -> (i32)  : i32 {
      %mul3A_68 = arith.constant 16 : i32
      %mul3A_69 = arith.muli %while3A_66, %mul3A_68 : i32
      %add3A_70 = arith.addi %arg1, %mul3A_69 : i32
      %mul3A_71 = arith.constant 128 : i32
      %mul3A_72 = arith.muli %add3A_70, %mul3A_71 : i32
      %add3A_73 = arith.addi %mul3A_24, %mul3A_72 : i32
      "tpu.region"() ({
        %run_scoped3A = tpu.sem_alloc : memref<!tpu.dma_semaphore, #tpu.memory_space<semaphore_mem>>
        %dma_start3A_705 = tpu.memref_slice %arg4[%add3A_73] : memref<320000xi32, #tpu.memory_space<hbm>> -> memref<128xi32, #tpu.memory_space<hbm>>
        %dma_start3A_706 = tpu.memref_slice %arg4[%add3A_73] : memref<320000xi32, #tpu.memory_space<hbm>> -> memref<128xi32, #tpu.memory_space<hbm>>
        tpu.enqueue_dma source(%dma_start3A_706 : memref<128xi32, #tpu.memory_space<hbm>>) target(%arg8 : memref<128xi32, #tpu.memory_space<vmem>>) target_semaphore(%run_scoped3A : memref<!tpu.dma_semaphore, #tpu.memory_space<semaphore_mem>>)
        %dma_wait3A_707 = tpu.memref_slice %arg4[%add3A_73] : memref<320000xi32, #tpu.memory_space<hbm>> -> memref<128xi32, #tpu.memory_space<hbm>>
        %dma_wait3A_708 = tpu.memref_slice %arg4[%add3A_73] : memref<320000xi32, #tpu.memory_space<hbm>> -> memref<128xi32, #tpu.memory_space<hbm>>
        tpu.wait_dma2 semaphore(%run_scoped3A : memref<!tpu.dma_semaphore, #tpu.memory_space<semaphore_mem>>) src(%dma_wait3A_708 : memref<128xi32, #tpu.memory_space<hbm>>) dst(%arg8 : memref<128xi32, #tpu.memory_space<vmem>>)
        tpu.yield
      }) : () -> ()
      "tpu.region"() ({
        %run_scoped3A = tpu.sem_alloc : memref<!tpu.dma_semaphore, #tpu.memory_space<semaphore_mem>>
        %dma_start3A_705 = tpu.memref_slice %arg5[%add3A_73] : memref<320000xi32, #tpu.memory_space<hbm>> -> memref<128xi32, #tpu.memory_space<hbm>>
        %dma_start3A_706 = tpu.memref_slice %arg5[%add3A_73] : memref<320000xi32, #tpu.memory_space<hbm>> -> memref<128xi32, #tpu.memory_space<hbm>>
        tpu.enqueue_dma source(%dma_start3A_706 : memref<128xi32, #tpu.memory_space<hbm>>) target(%arg9 : memref<128xi32, #tpu.memory_space<vmem>>) target_semaphore(%run_scoped3A : memref<!tpu.dma_semaphore, #tpu.memory_space<semaphore_mem>>)
        %dma_wait3A_707 = tpu.memref_slice %arg5[%add3A_73] : memref<320000xi32, #tpu.memory_space<hbm>> -> memref<128xi32, #tpu.memory_space<hbm>>
        %dma_wait3A_708 = tpu.memref_slice %arg5[%add3A_73] : memref<320000xi32, #tpu.memory_space<hbm>> -> memref<128xi32, #tpu.memory_space<hbm>>
        tpu.wait_dma2 semaphore(%run_scoped3A : memref<!tpu.dma_semaphore, #tpu.memory_space<semaphore_mem>>) src(%dma_wait3A_708 : memref<128xi32, #tpu.memory_space<hbm>>) dst(%arg9 : memref<128xi32, #tpu.memory_space<vmem>>)
        tpu.yield
      }) : () -> ()
      %get3A_74 = arith.constant 0 : index
      %get3A_75 = tpu.vector_load %arg8[%get3A_74] {strides = array<i32>} : memref<128xi32, #tpu.memory_space<vmem>>, vector<16xi32>,
      %get3A_76 = arith.constant 0 : index
      %get3A_77 = tpu.vector_load %arg9[%get3A_76] {strides = array<i32>} : memref<128xi32, #tpu.memory_space<vmem>>, vector<16xi32>,
      %shift_right_arithmetic3A = arith.constant 3 : i32
      %shift_right_arithmetic3A_78 = vector.broadcast %shift_right_arithmetic3A : i32 to vector<16xi32>
      %shift_right_arithmetic3A_79 = arith.shrsi %get3A_75, %shift_right_arithmetic3A_78 : vector<16xi32>
      %swap3A = arith.constant 0 : index
      %swap3A_80 = tpu.vector_load %arg10[%swap3A] {strides = array<i32>} : memref<128xi32, #tpu.memory_space<vmem>>, vector<16xi32>,
      tpu.vector_store %arg10[%swap3A], %shift_right_arithmetic3A_79 {strides = array<i32>} : memref<128xi32, #tpu.memory_space<vmem>>, vector<16xi32>,
      %shift_right_arithmetic3A_81 = arith.constant 3 : i32
      %shift_right_arithmetic3A_82 = vector.broadcast %shift_right_arithmetic3A_81 : i32 to vector<16xi32>
      %shift_right_arithmetic3A_83 = arith.shrsi %get3A_77, %shift_right_arithmetic3A_82 : vector<16xi32>
      %swap3A_84 = arith.constant 0 : index
      %swap3A_85 = tpu.vector_load %arg11[%swap3A_84] {strides = array<i32>} : memref<128xi32, #tpu.memory_space<vmem>>, vector<16xi32>,
      tpu.vector_store %arg11[%swap3A_84], %shift_right_arithmetic3A_83 {strides = array<i32>} : memref<128xi32, #tpu.memory_space<vmem>>, vector<16xi32>,
      %get3A_86 = arith.constant 16 : index
      %get3A_87 = tpu.vector_load %arg8[%get3A_86] {strides = array<i32>} : memref<128xi32, #tpu.memory_space<vmem>>, vector<16xi32>,
      %get3A_88 = arith.constant 16 : index
      %get3A_89 = tpu.vector_load %arg9[%get3A_88] {strides = array<i32>} : memref<128xi32, #tpu.memory_space<vmem>>, vector<16xi32>,
      %shift_right_arithmetic3A_90 = arith.constant 3 : i32
      %shift_right_arithmetic3A_91 = vector.broadcast %shift_right_arithmetic3A_90 : i32 to vector<16xi32>
      %shift_right_arithmetic3A_92 = arith.shrsi %get3A_87, %shift_right_arithmetic3A_91 : vector<16xi32>
      %swap3A_93 = arith.constant 16 : index
      %swap3A_94 = tpu.vector_load %arg10[%swap3A_93] {strides = array<i32>} : memref<128xi32, #tpu.memory_space<vmem>>, vector<16xi32>,
      tpu.vector_store %arg10[%swap3A_93], %shift_right_arithmetic3A_92 {strides = array<i32>} : memref<128xi32, #tpu.memory_space<vmem>>, vector<16xi32>,
      %shift_right_arithmetic3A_95 = arith.constant 3 : i32
      %shift_right_arithmetic3A_96 = vector.broadcast %shift_right_arithmetic3A_95 : i32 to vector<16xi32>
      %shift_right_arithmetic3A_97 = arith.shrsi %get3A_89, %shift_right_arithmetic3A_96 : vector<16xi32>
      %swap3A_98 = arith.constant 16 : index
      %swap3A_99 = tpu.vector_load %arg11[%swap3A_98] {strides = array<i32>} : memref<128xi32, #tpu.memory_space<vmem>>, vector<16xi32>,
      tpu.vector_store %arg11[%swap3A_98], %shift_right_arithmetic3A_97 {strides = array<i32>} : memref<128xi32, #tpu.memory_space<vmem>>, vector<16xi32>,
      %get3A_100 = arith.constant 32 : index
      %get3A_101 = tpu.vector_load %arg8[%get3A_100] {strides = array<i32>} : memref<128xi32, #tpu.memory_space<vmem>>, vector<16xi32>,
      %get3A_102 = arith.constant 32 : index
      %get3A_103 = tpu.vector_load %arg9[%get3A_102] {strides = array<i32>} : memref<128xi32, #tpu.memory_space<vmem>>, vector<16xi32>,
      %shift_right_arithmetic3A_104 = arith.constant 3 : i32
      %shift_right_arithmetic3A_105 = vector.broadcast %shift_right_arithmetic3A_104 : i32 to vector<16xi32>
      %shift_right_arithmetic3A_106 = arith.shrsi %get3A_101, %shift_right_arithmetic3A_105 : vector<16xi32>
      %swap3A_107 = arith.constant 32 : index
      %swap3A_108 = tpu.vector_load %arg10[%swap3A_107] {strides = array<i32>} : memref<128xi32, #tpu.memory_space<vmem>>, vector<16xi32>,
      tpu.vector_store %arg10[%swap3A_107], %shift_right_arithmetic3A_106 {strides = array<i32>} : memref<128xi32, #tpu.memory_space<vmem>>, vector<16xi32>,
      %shift_right_arithmetic3A_109 = arith.constant 3 : i32
      %shift_right_arithmetic3A_110 = vector.broadcast %shift_right_arithmetic3A_109 : i32 to vector<16xi32>
      %shift_right_arithmetic3A_111 = arith.shrsi %get3A_103, %shift_right_arithmetic3A_110 : vector<16xi32>
      %swap3A_112 = arith.constant 32 : index
      %swap3A_113 = tpu.vector_load %arg11[%swap3A_112] {strides = array<i32>} : memref<128xi32, #tpu.memory_space<vmem>>, vector<16xi32>,
      tpu.vector_store %arg11[%swap3A_112], %shift_right_arithmetic3A_111 {strides = array<i32>} : memref<128xi32, #tpu.memory_space<vmem>>, vector<16xi32>,
      %get3A_114 = arith.constant 48 : index
      %get3A_115 = tpu.vector_load %arg8[%get3A_114] {strides = array<i32>} : memref<128xi32, #tpu.memory_space<vmem>>, vector<16xi32>,
      %get3A_116 = arith.constant 48 : index
      %get3A_117 = tpu.vector_load %arg9[%get3A_116] {strides = array<i32>} : memref<128xi32, #tpu.memory_space<vmem>>, vector<16xi32>,
      %shift_right_arithmetic3A_118 = arith.constant 3 : i32
      %shift_right_arithmetic3A_119 = vector.broadcast %shift_right_arithmetic3A_118 : i32 to vector<16xi32>
      %shift_right_arithmetic3A_120 = arith.shrsi %get3A_115, %shift_right_arithmetic3A_119 : vector<16xi32>
      %swap3A_121 = arith.constant 48 : index
      %swap3A_122 = tpu.vector_load %arg10[%swap3A_121] {strides = array<i32>} : memref<128xi32, #tpu.memory_space<vmem>>, vector<16xi32>,
      tpu.vector_store %arg10[%swap3A_121], %shift_right_arithmetic3A_120 {strides = array<i32>} : memref<128xi32, #tpu.memory_space<vmem>>, vector<16xi32>,
      %shift_right_arithmetic3A_123 = arith.constant 3 : i32
      %shift_right_arithmetic3A_124 = vector.broadcast %shift_right_arithmetic3A_123 : i32 to vector<16xi32>
      %shift_right_arithmetic3A_125 = arith.shrsi %get3A_117, %shift_right_arithmetic3A_124 : vector<16xi32>
      %swap3A_126 = arith.constant 48 : index
      %swap3A_127 = tpu.vector_load %arg11[%swap3A_126] {strides = array<i32>} : memref<128xi32, #tpu.memory_space<vmem>>, vector<16xi32>,
      tpu.vector_store %arg11[%swap3A_126], %shift_right_arithmetic3A_125 {strides = array<i32>} : memref<128xi32, #tpu.memory_space<vmem>>, vector<16xi32>,
      %get3A_128 = arith.constant 64 : index
      %get3A_129 = tpu.vector_load %arg8[%get3A_128] {strides = array<i32>} : memref<128xi32, #tpu.memory_space<vmem>>, vector<16xi32>,
      %get3A_130 = arith.constant 64 : index
      %get3A_131 = tpu.vector_load %arg9[%get3A_130] {strides = array<i32>} : memref<128xi32, #tpu.memory_space<vmem>>, vector<16xi32>,
      %shift_right_arithmetic3A_132 = arith.constant 3 : i32
      %shift_right_arithmetic3A_133 = vector.broadcast %shift_right_arithmetic3A_132 : i32 to vector<16xi32>
      %shift_right_arithmetic3A_134 = arith.shrsi %get3A_129, %shift_right_arithmetic3A_133 : vector<16xi32>
      %swap3A_135 = arith.constant 64 : index
      %swap3A_136 = tpu.vector_load %arg10[%swap3A_135] {strides = array<i32>} : memref<128xi32, #tpu.memory_space<vmem>>, vector<16xi32>,
      tpu.vector_store %arg10[%swap3A_135], %shift_right_arithmetic3A_134 {strides = array<i32>} : memref<128xi32, #tpu.memory_space<vmem>>, vector<16xi32>,
      %shift_right_arithmetic3A_137 = arith.constant 3 : i32
      %shift_right_arithmetic3A_138 = vector.broadcast %shift_right_arithmetic3A_137 : i32 to vector<16xi32>
      %shift_right_arithmetic3A_139 = arith.shrsi %get3A_131, %shift_right_arithmetic3A_138 : vector<16xi32>
      %swap3A_140 = arith.constant 64 : index
      %swap3A_141 = tpu.vector_load %arg11[%swap3A_140] {strides = array<i32>} : memref<128xi32, #tpu.memory_space<vmem>>, vector<16xi32>,
      tpu.vector_store %arg11[%swap3A_140], %shift_right_arithmetic3A_139 {strides = array<i32>} : memref<128xi32, #tpu.memory_space<vmem>>, vector<16xi32>,
      %get3A_142 = arith.constant 80 : index
      %get3A_143 = tpu.vector_load %arg8[%get3A_142] {strides = array<i32>} : memref<128xi32, #tpu.memory_space<vmem>>, vector<16xi32>,
      %get3A_144 = arith.constant 80 : index
      %get3A_145 = tpu.vector_load %arg9[%get3A_144] {strides = array<i32>} : memref<128xi32, #tpu.memory_space<vmem>>, vector<16xi32>,
      %shift_right_arithmetic3A_146 = arith.constant 3 : i32
      %shift_right_arithmetic3A_147 = vector.broadcast %shift_right_arithmetic3A_146 : i32 to vector<16xi32>
      %shift_right_arithmetic3A_148 = arith.shrsi %get3A_143, %shift_right_arithmetic3A_147 : vector<16xi32>
      %swap3A_149 = arith.constant 80 : index
      %swap3A_150 = tpu.vector_load %arg10[%swap3A_149] {strides = array<i32>} : memref<128xi32, #tpu.memory_space<vmem>>, vector<16xi32>,
      tpu.vector_store %arg10[%swap3A_149], %shift_right_arithmetic3A_148 {strides = array<i32>} : memref<128xi32, #tpu.memory_space<vmem>>, vector<16xi32>,
      %shift_right_arithmetic3A_151 = arith.constant 3 : i32
      %shift_right_arithmetic3A_152 = vector.broadcast %shift_right_arithmetic3A_151 : i32 to vector<16xi32>
      %shift_right_arithmetic3A_153 = arith.shrsi %get3A_145, %shift_right_arithmetic3A_152 : vector<16xi32>
      %swap3A_154 = arith.constant 80 : index
      %swap3A_155 = tpu.vector_load %arg11[%swap3A_154] {strides = array<i32>} : memref<128xi32, #tpu.memory_space<vmem>>, vector<16xi32>,
      tpu.vector_store %arg11[%swap3A_154], %shift_right_arithmetic3A_153 {strides = array<i32>} : memref<128xi32, #tpu.memory_space<vmem>>, vector<16xi32>,
      %get3A_156 = arith.constant 96 : index
      %get3A_157 = tpu.vector_load %arg8[%get3A_156] {strides = array<i32>} : memref<128xi32, #tpu.memory_space<vmem>>, vector<16xi32>,
      %get3A_158 = arith.constant 96 : index
      %get3A_159 = tpu.vector_load %arg9[%get3A_158] {strides = array<i32>} : memref<128xi32, #tpu.memory_space<vmem>>, vector<16xi32>,
      %shift_right_arithmetic3A_160 = arith.constant 3 : i32
      %shift_right_arithmetic3A_161 = vector.broadcast %shift_right_arithmetic3A_160 : i32 to vector<16xi32>
      %shift_right_arithmetic3A_162 = arith.shrsi %get3A_157, %shift_right_arithmetic3A_161 : vector<16xi32>
      %swap3A_163 = arith.constant 96 : index
      %swap3A_164 = tpu.vector_load %arg10[%swap3A_163] {strides = array<i32>} : memref<128xi32, #tpu.memory_space<vmem>>, vector<16xi32>,
      tpu.vector_store %arg10[%swap3A_163], %shift_right_arithmetic3A_162 {strides = array<i32>} : memref<128xi32, #tpu.memory_space<vmem>>, vector<16xi32>,
      %shift_right_arithmetic3A_165 = arith.constant 3 : i32
      %shift_right_arithmetic3A_166 = vector.broadcast %shift_right_arithmetic3A_165 : i32 to vector<16xi32>
      %shift_right_arithmetic3A_167 = arith.shrsi %get3A_159, %shift_right_arithmetic3A_166 : vector<16xi32>
      %swap3A_168 = arith.constant 96 : index
      %swap3A_169 = tpu.vector_load %arg11[%swap3A_168] {strides = array<i32>} : memref<128xi32, #tpu.memory_space<vmem>>, vector<16xi32>,
      tpu.vector_store %arg11[%swap3A_168], %shift_right_arithmetic3A_167 {strides = array<i32>} : memref<128xi32, #tpu.memory_space<vmem>>, vector<16xi32>,
      %get3A_170 = arith.constant 112 : index
      %get3A_171 = tpu.vector_load %arg8[%get3A_170] {strides = array<i32>} : memref<128xi32, #tpu.memory_space<vmem>>, vector<16xi32>,
      %get3A_172 = arith.constant 112 : index
      %get3A_173 = tpu.vector_load %arg9[%get3A_172] {strides = array<i32>} : memref<128xi32, #tpu.memory_space<vmem>>, vector<16xi32>,
      %shift_right_arithmetic3A_174 = arith.constant 3 : i32
      %shift_right_arithmetic3A_175 = vector.broadcast %shift_right_arithmetic3A_174 : i32 to vector<16xi32>
      %shift_right_arithmetic3A_176 = arith.shrsi %get3A_171, %shift_right_arithmetic3A_175 : vector<16xi32>
      %swap3A_177 = arith.constant 112 : index
      %swap3A_178 = tpu.vector_load %arg10[%swap3A_177] {strides = array<i32>} : memref<128xi32, #tpu.memory_space<vmem>>, vector<16xi32>,
      tpu.vector_store %arg10[%swap3A_177], %shift_right_arithmetic3A_176 {strides = array<i32>} : memref<128xi32, #tpu.memory_space<vmem>>, vector<16xi32>,
      %shift_right_arithmetic3A_179 = arith.constant 3 : i32
      %shift_right_arithmetic3A_180 = vector.broadcast %shift_right_arithmetic3A_179 : i32 to vector<16xi32>
      %shift_right_arithmetic3A_181 = arith.shrsi %get3A_173, %shift_right_arithmetic3A_180 : vector<16xi32>
      %swap3A_182 = arith.constant 112 : index
      %swap3A_183 = tpu.vector_load %arg11[%swap3A_182] {strides = array<i32>} : memref<128xi32, #tpu.memory_space<vmem>>, vector<16xi32>,
      tpu.vector_store %arg11[%swap3A_182], %shift_right_arithmetic3A_181 {strides = array<i32>} : memref<128xi32, #tpu.memory_space<vmem>>, vector<16xi32>,
      %dma_start3A = arith.constant 0 : i32
      %dma_start3A_184 = arith.constant 0 : i32
      %dma_start3A_185 = tpu.memref_slice %arg2[%dma_start3A, %dma_start3A_184] : memref<1280x128xf32, #tpu.memory_space<hbm>> -> memref<1280x128xf32, #tpu.memory_space<hbm>>
      tpu.enqueue_indirect_dma source(%dma_start3A_185 : memref<1280x128xf32, #tpu.memory_space<hbm>>) target(%arg12 : memref<128x128xf32, #tpu.memory_space<vmem>>) offsets(%arg10 : memref<128xi32, #tpu.memory_space<vmem>>) semaphore(%arg16 : memref<!tpu.dma_semaphore, #tpu.memory_space<semaphore_mem>>)
      %dma_start3A_186 = arith.constant 0 : i32
      %dma_start3A_187 = arith.constant 0 : i32
      %dma_start3A_188 = tpu.memref_slice %arg2[%dma_start3A_186, %dma_start3A_187] : memref<1280x128xf32, #tpu.memory_space<hbm>> -> memref<1280x128xf32, #tpu.memory_space<hbm>>
      tpu.enqueue_indirect_dma source(%dma_start3A_188 : memref<1280x128xf32, #tpu.memory_space<hbm>>) target(%arg13 : memref<128x128xf32, #tpu.memory_space<vmem>>) offsets(%arg11 : memref<128xi32, #tpu.memory_space<vmem>>) semaphore(%arg17 : memref<!tpu.dma_semaphore, #tpu.memory_space<semaphore_mem>>)
      %dma_wait3A = arith.constant 0 : i32
      %dma_wait3A_189 = arith.constant 0 : i32
      %dma_wait3A_190 = tpu.memref_slice %arg2[%dma_wait3A, %dma_wait3A_189] : memref<1280x128xf32, #tpu.memory_space<hbm>> -> memref<1280x128xf32, #tpu.memory_space<hbm>>
      tpu.wait_indirect_dma semaphore(%arg16 : memref<!tpu.dma_semaphore, #tpu.memory_space<semaphore_mem>>) src(%dma_wait3A_190 : memref<1280x128xf32, #tpu.memory_space<hbm>>) dst(%arg12 : memref<128x128xf32, #tpu.memory_space<vmem>>)
      %dma_wait3A_191 = arith.constant 0 : i32
      %dma_wait3A_192 = arith.constant 0 : i32
      %dma_wait3A_193 = tpu.memref_slice %arg2[%dma_wait3A_191, %dma_wait3A_192] : memref<1280x128xf32, #tpu.memory_space<hbm>> -> memref<1280x128xf32, #tpu.memory_space<hbm>>
      tpu.wait_indirect_dma semaphore(%arg17 : memref<!tpu.dma_semaphore, #tpu.memory_space<semaphore_mem>>) src(%dma_wait3A_193 : memref<1280x128xf32, #tpu.memory_space<hbm>>) dst(%arg13 : memref<128x128xf32, #tpu.memory_space<vmem>>)
      %add3A_194 = arith.constant 0 : i32
      %add3A_195 = vector.broadcast %add3A_194 : i32 to vector<16xi32>
      %add3A_196 = arith.addi %iota3A, %add3A_195 : vector<16xi32>
      %get3A_197 = arith.constant 0 : index
      %get3A_198 = tpu.vector_load %arg8[%get3A_197] {strides = array<i32>} : memref<128xi32, #tpu.memory_space<vmem>>, vector<16xi32>,
      %and3A_199 = arith.constant 7 : i32
      %and3A_200 = vector.broadcast %and3A_199 : i32 to vector<16xi32>
      %and3A_201 = arith.andi %get3A_198, %and3A_200 : vector<16xi32>
      %mul3A_202 = arith.constant 16 : i32
      %mul3A_203 = vector.broadcast %mul3A_202 : i32 to vector<16xi32>
      %mul3A_204 = arith.muli %and3A_201, %mul3A_203 : vector<16xi32>
      %get3A_205 = arith.constant 0 : index
      %get3A_206 = tpu.vector_load %arg9[%get3A_205] {strides = array<i32>} : memref<128xi32, #tpu.memory_space<vmem>>, vector<16xi32>,
      %and3A_207 = arith.constant 7 : i32
      %and3A_208 = vector.broadcast %and3A_207 : i32 to vector<16xi32>
      %and3A_209 = arith.andi %get3A_206, %and3A_208 : vector<16xi32>
      %mul3A_210 = arith.constant 16 : i32
      %mul3A_211 = vector.broadcast %mul3A_210 : i32 to vector<16xi32>
      %mul3A_212 = arith.muli %and3A_209, %mul3A_211 : vector<16xi32>
      %gather3A_213 = tpu.vector_load_idx %arg12[%add3A_196, %mul3A_204] : memref<128x128xf32, #tpu.memory_space<vmem>>[vector<16xi32>, vector<16xi32>], vector<16xf32>,
      %add3A_214 = arith.constant 1 : i32
      %add3A_215 = vector.broadcast %add3A_214 : i32 to vector<16xi32>
      %add3A_216 = arith.addi %mul3A_204, %add3A_215 : vector<16xi32>
      %gather3A_217 = tpu.vector_load_idx %arg12[%add3A_196, %add3A_216] : memref<128x128xf32, #tpu.memory_space<vmem>>[vector<16xi32>, vector<16xi32>], vector<16xf32>,
      %add3A_218 = arith.constant 2 : i32
      %add3A_219 = vector.broadcast %add3A_218 : i32 to vector<16xi32>
      %add3A_220 = arith.addi %mul3A_212, %add3A_219 : vector<16xi32>
      %gather3A_221 = tpu.vector_load_idx %arg13[%add3A_196, %add3A_220] : memref<128x128xf32, #tpu.memory_space<vmem>>[vector<16xi32>, vector<16xi32>], vector<16xf32>,
      %add3A_222 = arith.addf %gather3A_217, %gather3A_221 : vector<16xf32>
      %ge3A = arith.constant 0.000000e+00 : f32
      %ge3A_223 = vector.broadcast %ge3A : f32 to vector<16xf32>
      %ge3A_224 = arith.cmpf oge, %add3A_222, %ge3A_223 : vector<16xf32>
      %mul3A_225 = arith.constant 2.000000e-01 : f32
      %mul3A_226 = vector.broadcast %mul3A_225 : f32 to vector<16xf32>
      %mul3A_227 = arith.mulf %mul3A_226, %add3A_222 : vector<16xf32>
      %select_n3A_228 = arith.select %ge3A_224, %add3A_222, %mul3A_227 : vector<16xi1>, vector<16xf32>
      %add3A_229 = arith.addf %gather3A_22, %gather3A_221 : vector<16xf32>
      %ge3A_230 = arith.constant 0.000000e+00 : f32
      %ge3A_231 = vector.broadcast %ge3A_230 : f32 to vector<16xf32>
      %ge3A_232 = arith.cmpf oge, %add3A_229, %ge3A_231 : vector<16xf32>
      %mul3A_233 = arith.constant 2.000000e-01 : f32
      %mul3A_234 = vector.broadcast %mul3A_233 : f32 to vector<16xf32>
      %mul3A_235 = arith.mulf %mul3A_234, %add3A_229 : vector<16xf32>
      %select_n3A_236 = arith.select %ge3A_232, %add3A_229, %mul3A_235 : vector<16xi1>, vector<16xf32>
      %sub3A_237 = arith.subf %select_n3A_228, %select_n3A_236 : vector<16xf32>
      %exp3A = math.exp %sub3A_237 : vector<16xf32>
      %mul3A_238 = arith.mulf %exp3A, %gather3A_213 : vector<16xf32>
      tpu.vector_store_idx %arg14[%add3A_196, %mul3A_212], %mul3A_238 : memref<128x128xf32, #tpu.memory_space<vmem>>[vector<16xi32>, vector<16xi32>], vector<16xf32>,
      %add3A_239 = arith.constant 1 : i32
      %add3A_240 = vector.broadcast %add3A_239 : i32 to vector<16xi32>
      %add3A_241 = arith.addi %mul3A_212, %add3A_240 : vector<16xi32>
      tpu.vector_store_idx %arg14[%add3A_196, %add3A_241], %exp3A : memref<128x128xf32, #tpu.memory_space<vmem>>[vector<16xi32>, vector<16xi32>], vector<16xf32>,
      %add3A_242 = arith.constant 16 : i32
      %add3A_243 = vector.broadcast %add3A_242 : i32 to vector<16xi32>
      %add3A_244 = arith.addi %iota3A, %add3A_243 : vector<16xi32>
      %get3A_245 = arith.constant 16 : index
      %get3A_246 = tpu.vector_load %arg8[%get3A_245] {strides = array<i32>} : memref<128xi32, #tpu.memory_space<vmem>>, vector<16xi32>,
      %and3A_247 = arith.constant 7 : i32
      %and3A_248 = vector.broadcast %and3A_247 : i32 to vector<16xi32>
      %and3A_249 = arith.andi %get3A_246, %and3A_248 : vector<16xi32>
      %mul3A_250 = arith.constant 16 : i32
      %mul3A_251 = vector.broadcast %mul3A_250 : i32 to vector<16xi32>
      %mul3A_252 = arith.muli %and3A_249, %mul3A_251 : vector<16xi32>
      %get3A_253 = arith.constant 16 : index
      %get3A_254 = tpu.vector_load %arg9[%get3A_253] {strides = array<i32>} : memref<128xi32, #tpu.memory_space<vmem>>, vector<16xi32>,
      %and3A_255 = arith.constant 7 : i32
      %and3A_256 = vector.broadcast %and3A_255 : i32 to vector<16xi32>
      %and3A_257 = arith.andi %get3A_254, %and3A_256 : vector<16xi32>
      %mul3A_258 = arith.constant 16 : i32
      %mul3A_259 = vector.broadcast %mul3A_258 : i32 to vector<16xi32>
      %mul3A_260 = arith.muli %and3A_257, %mul3A_259 : vector<16xi32>
      %gather3A_261 = tpu.vector_load_idx %arg12[%add3A_244, %mul3A_252] : memref<128x128xf32, #tpu.memory_space<vmem>>[vector<16xi32>, vector<16xi32>], vector<16xf32>,
      %add3A_262 = arith.constant 1 : i32
      %add3A_263 = vector.broadcast %add3A_262 : i32 to vector<16xi32>
      %add3A_264 = arith.addi %mul3A_252, %add3A_263 : vector<16xi32>
      %gather3A_265 = tpu.vector_load_idx %arg12[%add3A_244, %add3A_264] : memref<128x128xf32, #tpu.memory_space<vmem>>[vector<16xi32>, vector<16xi32>], vector<16xf32>,
      %add3A_266 = arith.constant 2 : i32
      %add3A_267 = vector.broadcast %add3A_266 : i32 to vector<16xi32>
      %add3A_268 = arith.addi %mul3A_260, %add3A_267 : vector<16xi32>
      %gather3A_269 = tpu.vector_load_idx %arg13[%add3A_244, %add3A_268] : memref<128x128xf32, #tpu.memory_space<vmem>>[vector<16xi32>, vector<16xi32>], vector<16xf32>,
      %add3A_270 = arith.addf %gather3A_265, %gather3A_269 : vector<16xf32>
      %ge3A_271 = arith.constant 0.000000e+00 : f32
      %ge3A_272 = vector.broadcast %ge3A_271 : f32 to vector<16xf32>
      %ge3A_273 = arith.cmpf oge, %add3A_270, %ge3A_272 : vector<16xf32>
      %mul3A_274 = arith.constant 2.000000e-01 : f32
      %mul3A_275 = vector.broadcast %mul3A_274 : f32 to vector<16xf32>
      %mul3A_276 = arith.mulf %mul3A_275, %add3A_270 : vector<16xf32>
      %select_n3A_277 = arith.select %ge3A_273, %add3A_270, %mul3A_276 : vector<16xi1>, vector<16xf32>
      %add3A_278 = arith.addf %gather3A_22, %gather3A_269 : vector<16xf32>
      %ge3A_279 = arith.constant 0.000000e+00 : f32
      %ge3A_280 = vector.broadcast %ge3A_279 : f32 to vector<16xf32>
      %ge3A_281 = arith.cmpf oge, %add3A_278, %ge3A_280 : vector<16xf32>
      %mul3A_282 = arith.constant 2.000000e-01 : f32
      %mul3A_283 = vector.broadcast %mul3A_282 : f32 to vector<16xf32>
      %mul3A_284 = arith.mulf %mul3A_283, %add3A_278 : vector<16xf32>
      %select_n3A_285 = arith.select %ge3A_281, %add3A_278, %mul3A_284 : vector<16xi1>, vector<16xf32>
      %sub3A_286 = arith.subf %select_n3A_277, %select_n3A_285 : vector<16xf32>
      %exp3A_287 = math.exp %sub3A_286 : vector<16xf32>
      %mul3A_288 = arith.mulf %exp3A_287, %gather3A_261 : vector<16xf32>
      tpu.vector_store_idx %arg14[%add3A_244, %mul3A_260], %mul3A_288 : memref<128x128xf32, #tpu.memory_space<vmem>>[vector<16xi32>, vector<16xi32>], vector<16xf32>,
      %add3A_289 = arith.constant 1 : i32
      %add3A_290 = vector.broadcast %add3A_289 : i32 to vector<16xi32>
      %add3A_291 = arith.addi %mul3A_260, %add3A_290 : vector<16xi32>
      tpu.vector_store_idx %arg14[%add3A_244, %add3A_291], %exp3A_287 : memref<128x128xf32, #tpu.memory_space<vmem>>[vector<16xi32>, vector<16xi32>], vector<16xf32>,
      %add3A_292 = arith.constant 32 : i32
      %add3A_293 = vector.broadcast %add3A_292 : i32 to vector<16xi32>
      %add3A_294 = arith.addi %iota3A, %add3A_293 : vector<16xi32>
      %get3A_295 = arith.constant 32 : index
      %get3A_296 = tpu.vector_load %arg8[%get3A_295] {strides = array<i32>} : memref<128xi32, #tpu.memory_space<vmem>>, vector<16xi32>,
      %and3A_297 = arith.constant 7 : i32
      %and3A_298 = vector.broadcast %and3A_297 : i32 to vector<16xi32>
      %and3A_299 = arith.andi %get3A_296, %and3A_298 : vector<16xi32>
      %mul3A_300 = arith.constant 16 : i32
      %mul3A_301 = vector.broadcast %mul3A_300 : i32 to vector<16xi32>
      %mul3A_302 = arith.muli %and3A_299, %mul3A_301 : vector<16xi32>
      %get3A_303 = arith.constant 32 : index
      %get3A_304 = tpu.vector_load %arg9[%get3A_303] {strides = array<i32>} : memref<128xi32, #tpu.memory_space<vmem>>, vector<16xi32>,
      %and3A_305 = arith.constant 7 : i32
      %and3A_306 = vector.broadcast %and3A_305 : i32 to vector<16xi32>
      %and3A_307 = arith.andi %get3A_304, %and3A_306 : vector<16xi32>
      %mul3A_308 = arith.constant 16 : i32
      %mul3A_309 = vector.broadcast %mul3A_308 : i32 to vector<16xi32>
      %mul3A_310 = arith.muli %and3A_307, %mul3A_309 : vector<16xi32>
      %gather3A_311 = tpu.vector_load_idx %arg12[%add3A_294, %mul3A_302] : memref<128x128xf32, #tpu.memory_space<vmem>>[vector<16xi32>, vector<16xi32>], vector<16xf32>,
      %add3A_312 = arith.constant 1 : i32
      %add3A_313 = vector.broadcast %add3A_312 : i32 to vector<16xi32>
      %add3A_314 = arith.addi %mul3A_302, %add3A_313 : vector<16xi32>
      %gather3A_315 = tpu.vector_load_idx %arg12[%add3A_294, %add3A_314] : memref<128x128xf32, #tpu.memory_space<vmem>>[vector<16xi32>, vector<16xi32>], vector<16xf32>,
      %add3A_316 = arith.constant 2 : i32
      %add3A_317 = vector.broadcast %add3A_316 : i32 to vector<16xi32>
      %add3A_318 = arith.addi %mul3A_310, %add3A_317 : vector<16xi32>
      %gather3A_319 = tpu.vector_load_idx %arg13[%add3A_294, %add3A_318] : memref<128x128xf32, #tpu.memory_space<vmem>>[vector<16xi32>, vector<16xi32>], vector<16xf32>,
      %add3A_320 = arith.addf %gather3A_315, %gather3A_319 : vector<16xf32>
      %ge3A_321 = arith.constant 0.000000e+00 : f32
      %ge3A_322 = vector.broadcast %ge3A_321 : f32 to vector<16xf32>
      %ge3A_323 = arith.cmpf oge, %add3A_320, %ge3A_322 : vector<16xf32>
      %mul3A_324 = arith.constant 2.000000e-01 : f32
      %mul3A_325 = vector.broadcast %mul3A_324 : f32 to vector<16xf32>
      %mul3A_326 = arith.mulf %mul3A_325, %add3A_320 : vector<16xf32>
      %select_n3A_327 = arith.select %ge3A_323, %add3A_320, %mul3A_326 : vector<16xi1>, vector<16xf32>
      %add3A_328 = arith.addf %gather3A_22, %gather3A_319 : vector<16xf32>
      %ge3A_329 = arith.constant 0.000000e+00 : f32
      %ge3A_330 = vector.broadcast %ge3A_329 : f32 to vector<16xf32>
      %ge3A_331 = arith.cmpf oge, %add3A_328, %ge3A_330 : vector<16xf32>
      %mul3A_332 = arith.constant 2.000000e-01 : f32
      %mul3A_333 = vector.broadcast %mul3A_332 : f32 to vector<16xf32>
      %mul3A_334 = arith.mulf %mul3A_333, %add3A_328 : vector<16xf32>
      %select_n3A_335 = arith.select %ge3A_331, %add3A_328, %mul3A_334 : vector<16xi1>, vector<16xf32>
      %sub3A_336 = arith.subf %select_n3A_327, %select_n3A_335 : vector<16xf32>
      %exp3A_337 = math.exp %sub3A_336 : vector<16xf32>
      %mul3A_338 = arith.mulf %exp3A_337, %gather3A_311 : vector<16xf32>
      tpu.vector_store_idx %arg14[%add3A_294, %mul3A_310], %mul3A_338 : memref<128x128xf32, #tpu.memory_space<vmem>>[vector<16xi32>, vector<16xi32>], vector<16xf32>,
      %add3A_339 = arith.constant 1 : i32
      %add3A_340 = vector.broadcast %add3A_339 : i32 to vector<16xi32>
      %add3A_341 = arith.addi %mul3A_310, %add3A_340 : vector<16xi32>
      tpu.vector_store_idx %arg14[%add3A_294, %add3A_341], %exp3A_337 : memref<128x128xf32, #tpu.memory_space<vmem>>[vector<16xi32>, vector<16xi32>], vector<16xf32>,
      %add3A_342 = arith.constant 48 : i32
      %add3A_343 = vector.broadcast %add3A_342 : i32 to vector<16xi32>
      %add3A_344 = arith.addi %iota3A, %add3A_343 : vector<16xi32>
      %get3A_345 = arith.constant 48 : index
      %get3A_346 = tpu.vector_load %arg8[%get3A_345] {strides = array<i32>} : memref<128xi32, #tpu.memory_space<vmem>>, vector<16xi32>,
      %and3A_347 = arith.constant 7 : i32
      %and3A_348 = vector.broadcast %and3A_347 : i32 to vector<16xi32>
      %and3A_349 = arith.andi %get3A_346, %and3A_348 : vector<16xi32>
      %mul3A_350 = arith.constant 16 : i32
      %mul3A_351 = vector.broadcast %mul3A_350 : i32 to vector<16xi32>
      %mul3A_352 = arith.muli %and3A_349, %mul3A_351 : vector<16xi32>
      %get3A_353 = arith.constant 48 : index
      %get3A_354 = tpu.vector_load %arg9[%get3A_353] {strides = array<i32>} : memref<128xi32, #tpu.memory_space<vmem>>, vector<16xi32>,
      %and3A_355 = arith.constant 7 : i32
      %and3A_356 = vector.broadcast %and3A_355 : i32 to vector<16xi32>
      %and3A_357 = arith.andi %get3A_354, %and3A_356 : vector<16xi32>
      %mul3A_358 = arith.constant 16 : i32
      %mul3A_359 = vector.broadcast %mul3A_358 : i32 to vector<16xi32>
      %mul3A_360 = arith.muli %and3A_357, %mul3A_359 : vector<16xi32>
      %gather3A_361 = tpu.vector_load_idx %arg12[%add3A_344, %mul3A_352] : memref<128x128xf32, #tpu.memory_space<vmem>>[vector<16xi32>, vector<16xi32>], vector<16xf32>,
      %add3A_362 = arith.constant 1 : i32
      %add3A_363 = vector.broadcast %add3A_362 : i32 to vector<16xi32>
      %add3A_364 = arith.addi %mul3A_352, %add3A_363 : vector<16xi32>
      %gather3A_365 = tpu.vector_load_idx %arg12[%add3A_344, %add3A_364] : memref<128x128xf32, #tpu.memory_space<vmem>>[vector<16xi32>, vector<16xi32>], vector<16xf32>,
      %add3A_366 = arith.constant 2 : i32
      %add3A_367 = vector.broadcast %add3A_366 : i32 to vector<16xi32>
      %add3A_368 = arith.addi %mul3A_360, %add3A_367 : vector<16xi32>
      %gather3A_369 = tpu.vector_load_idx %arg13[%add3A_344, %add3A_368] : memref<128x128xf32, #tpu.memory_space<vmem>>[vector<16xi32>, vector<16xi32>], vector<16xf32>,
      %add3A_370 = arith.addf %gather3A_365, %gather3A_369 : vector<16xf32>
      %ge3A_371 = arith.constant 0.000000e+00 : f32
      %ge3A_372 = vector.broadcast %ge3A_371 : f32 to vector<16xf32>
      %ge3A_373 = arith.cmpf oge, %add3A_370, %ge3A_372 : vector<16xf32>
      %mul3A_374 = arith.constant 2.000000e-01 : f32
      %mul3A_375 = vector.broadcast %mul3A_374 : f32 to vector<16xf32>
      %mul3A_376 = arith.mulf %mul3A_375, %add3A_370 : vector<16xf32>
      %select_n3A_377 = arith.select %ge3A_373, %add3A_370, %mul3A_376 : vector<16xi1>, vector<16xf32>
      %add3A_378 = arith.addf %gather3A_22, %gather3A_369 : vector<16xf32>
      %ge3A_379 = arith.constant 0.000000e+00 : f32
      %ge3A_380 = vector.broadcast %ge3A_379 : f32 to vector<16xf32>
      %ge3A_381 = arith.cmpf oge, %add3A_378, %ge3A_380 : vector<16xf32>
      %mul3A_382 = arith.constant 2.000000e-01 : f32
      %mul3A_383 = vector.broadcast %mul3A_382 : f32 to vector<16xf32>
      %mul3A_384 = arith.mulf %mul3A_383, %add3A_378 : vector<16xf32>
      %select_n3A_385 = arith.select %ge3A_381, %add3A_378, %mul3A_384 : vector<16xi1>, vector<16xf32>
      %sub3A_386 = arith.subf %select_n3A_377, %select_n3A_385 : vector<16xf32>
      %exp3A_387 = math.exp %sub3A_386 : vector<16xf32>
      %mul3A_388 = arith.mulf %exp3A_387, %gather3A_361 : vector<16xf32>
      tpu.vector_store_idx %arg14[%add3A_344, %mul3A_360], %mul3A_388 : memref<128x128xf32, #tpu.memory_space<vmem>>[vector<16xi32>, vector<16xi32>], vector<16xf32>,
      %add3A_389 = arith.constant 1 : i32
      %add3A_390 = vector.broadcast %add3A_389 : i32 to vector<16xi32>
      %add3A_391 = arith.addi %mul3A_360, %add3A_390 : vector<16xi32>
      tpu.vector_store_idx %arg14[%add3A_344, %add3A_391], %exp3A_387 : memref<128x128xf32, #tpu.memory_space<vmem>>[vector<16xi32>, vector<16xi32>], vector<16xf32>,
      %add3A_392 = arith.constant 64 : i32
      %add3A_393 = vector.broadcast %add3A_392 : i32 to vector<16xi32>
      %add3A_394 = arith.addi %iota3A, %add3A_393 : vector<16xi32>
      %get3A_395 = arith.constant 64 : index
      %get3A_396 = tpu.vector_load %arg8[%get3A_395] {strides = array<i32>} : memref<128xi32, #tpu.memory_space<vmem>>, vector<16xi32>,
      %and3A_397 = arith.constant 7 : i32
      %and3A_398 = vector.broadcast %and3A_397 : i32 to vector<16xi32>
      %and3A_399 = arith.andi %get3A_396, %and3A_398 : vector<16xi32>
      %mul3A_400 = arith.constant 16 : i32
      %mul3A_401 = vector.broadcast %mul3A_400 : i32 to vector<16xi32>
      %mul3A_402 = arith.muli %and3A_399, %mul3A_401 : vector<16xi32>
      %get3A_403 = arith.constant 64 : index
      %get3A_404 = tpu.vector_load %arg9[%get3A_403] {strides = array<i32>} : memref<128xi32, #tpu.memory_space<vmem>>, vector<16xi32>,
      %and3A_405 = arith.constant 7 : i32
      %and3A_406 = vector.broadcast %and3A_405 : i32 to vector<16xi32>
      %and3A_407 = arith.andi %get3A_404, %and3A_406 : vector<16xi32>
      %mul3A_408 = arith.constant 16 : i32
      %mul3A_409 = vector.broadcast %mul3A_408 : i32 to vector<16xi32>
      %mul3A_410 = arith.muli %and3A_407, %mul3A_409 : vector<16xi32>
      %gather3A_411 = tpu.vector_load_idx %arg12[%add3A_394, %mul3A_402] : memref<128x128xf32, #tpu.memory_space<vmem>>[vector<16xi32>, vector<16xi32>], vector<16xf32>,
      %add3A_412 = arith.constant 1 : i32
      %add3A_413 = vector.broadcast %add3A_412 : i32 to vector<16xi32>
      %add3A_414 = arith.addi %mul3A_402, %add3A_413 : vector<16xi32>
      %gather3A_415 = tpu.vector_load_idx %arg12[%add3A_394, %add3A_414] : memref<128x128xf32, #tpu.memory_space<vmem>>[vector<16xi32>, vector<16xi32>], vector<16xf32>,
      %add3A_416 = arith.constant 2 : i32
      %add3A_417 = vector.broadcast %add3A_416 : i32 to vector<16xi32>
      %add3A_418 = arith.addi %mul3A_410, %add3A_417 : vector<16xi32>
      %gather3A_419 = tpu.vector_load_idx %arg13[%add3A_394, %add3A_418] : memref<128x128xf32, #tpu.memory_space<vmem>>[vector<16xi32>, vector<16xi32>], vector<16xf32>,
      %add3A_420 = arith.addf %gather3A_415, %gather3A_419 : vector<16xf32>
      %ge3A_421 = arith.constant 0.000000e+00 : f32
      %ge3A_422 = vector.broadcast %ge3A_421 : f32 to vector<16xf32>
      %ge3A_423 = arith.cmpf oge, %add3A_420, %ge3A_422 : vector<16xf32>
      %mul3A_424 = arith.constant 2.000000e-01 : f32
      %mul3A_425 = vector.broadcast %mul3A_424 : f32 to vector<16xf32>
      %mul3A_426 = arith.mulf %mul3A_425, %add3A_420 : vector<16xf32>
      %select_n3A_427 = arith.select %ge3A_423, %add3A_420, %mul3A_426 : vector<16xi1>, vector<16xf32>
      %add3A_428 = arith.addf %gather3A_22, %gather3A_419 : vector<16xf32>
      %ge3A_429 = arith.constant 0.000000e+00 : f32
      %ge3A_430 = vector.broadcast %ge3A_429 : f32 to vector<16xf32>
      %ge3A_431 = arith.cmpf oge, %add3A_428, %ge3A_430 : vector<16xf32>
      %mul3A_432 = arith.constant 2.000000e-01 : f32
      %mul3A_433 = vector.broadcast %mul3A_432 : f32 to vector<16xf32>
      %mul3A_434 = arith.mulf %mul3A_433, %add3A_428 : vector<16xf32>
      %select_n3A_435 = arith.select %ge3A_431, %add3A_428, %mul3A_434 : vector<16xi1>, vector<16xf32>
      %sub3A_436 = arith.subf %select_n3A_427, %select_n3A_435 : vector<16xf32>
      %exp3A_437 = math.exp %sub3A_436 : vector<16xf32>
      %mul3A_438 = arith.mulf %exp3A_437, %gather3A_411 : vector<16xf32>
      tpu.vector_store_idx %arg14[%add3A_394, %mul3A_410], %mul3A_438 : memref<128x128xf32, #tpu.memory_space<vmem>>[vector<16xi32>, vector<16xi32>], vector<16xf32>,
      %add3A_439 = arith.constant 1 : i32
      %add3A_440 = vector.broadcast %add3A_439 : i32 to vector<16xi32>
      %add3A_441 = arith.addi %mul3A_410, %add3A_440 : vector<16xi32>
      tpu.vector_store_idx %arg14[%add3A_394, %add3A_441], %exp3A_437 : memref<128x128xf32, #tpu.memory_space<vmem>>[vector<16xi32>, vector<16xi32>], vector<16xf32>,
      %add3A_442 = arith.constant 80 : i32
      %add3A_443 = vector.broadcast %add3A_442 : i32 to vector<16xi32>
      %add3A_444 = arith.addi %iota3A, %add3A_443 : vector<16xi32>
      %get3A_445 = arith.constant 80 : index
      %get3A_446 = tpu.vector_load %arg8[%get3A_445] {strides = array<i32>} : memref<128xi32, #tpu.memory_space<vmem>>, vector<16xi32>,
      %and3A_447 = arith.constant 7 : i32
      %and3A_448 = vector.broadcast %and3A_447 : i32 to vector<16xi32>
      %and3A_449 = arith.andi %get3A_446, %and3A_448 : vector<16xi32>
      %mul3A_450 = arith.constant 16 : i32
      %mul3A_451 = vector.broadcast %mul3A_450 : i32 to vector<16xi32>
      %mul3A_452 = arith.muli %and3A_449, %mul3A_451 : vector<16xi32>
      %get3A_453 = arith.constant 80 : index
      %get3A_454 = tpu.vector_load %arg9[%get3A_453] {strides = array<i32>} : memref<128xi32, #tpu.memory_space<vmem>>, vector<16xi32>,
      %and3A_455 = arith.constant 7 : i32
      %and3A_456 = vector.broadcast %and3A_455 : i32 to vector<16xi32>
      %and3A_457 = arith.andi %get3A_454, %and3A_456 : vector<16xi32>
      %mul3A_458 = arith.constant 16 : i32
      %mul3A_459 = vector.broadcast %mul3A_458 : i32 to vector<16xi32>
      %mul3A_460 = arith.muli %and3A_457, %mul3A_459 : vector<16xi32>
      %gather3A_461 = tpu.vector_load_idx %arg12[%add3A_444, %mul3A_452] : memref<128x128xf32, #tpu.memory_space<vmem>>[vector<16xi32>, vector<16xi32>], vector<16xf32>,
      %add3A_462 = arith.constant 1 : i32
      %add3A_463 = vector.broadcast %add3A_462 : i32 to vector<16xi32>
      %add3A_464 = arith.addi %mul3A_452, %add3A_463 : vector<16xi32>
      %gather3A_465 = tpu.vector_load_idx %arg12[%add3A_444, %add3A_464] : memref<128x128xf32, #tpu.memory_space<vmem>>[vector<16xi32>, vector<16xi32>], vector<16xf32>,
      %add3A_466 = arith.constant 2 : i32
      %add3A_467 = vector.broadcast %add3A_466 : i32 to vector<16xi32>
      %add3A_468 = arith.addi %mul3A_460, %add3A_467 : vector<16xi32>
      %gather3A_469 = tpu.vector_load_idx %arg13[%add3A_444, %add3A_468] : memref<128x128xf32, #tpu.memory_space<vmem>>[vector<16xi32>, vector<16xi32>], vector<16xf32>,
      %add3A_470 = arith.addf %gather3A_465, %gather3A_469 : vector<16xf32>
      %ge3A_471 = arith.constant 0.000000e+00 : f32
      %ge3A_472 = vector.broadcast %ge3A_471 : f32 to vector<16xf32>
      %ge3A_473 = arith.cmpf oge, %add3A_470, %ge3A_472 : vector<16xf32>
      %mul3A_474 = arith.constant 2.000000e-01 : f32
      %mul3A_475 = vector.broadcast %mul3A_474 : f32 to vector<16xf32>
      %mul3A_476 = arith.mulf %mul3A_475, %add3A_470 : vector<16xf32>
      %select_n3A_477 = arith.select %ge3A_473, %add3A_470, %mul3A_476 : vector<16xi1>, vector<16xf32>
      %add3A_478 = arith.addf %gather3A_22, %gather3A_469 : vector<16xf32>
      %ge3A_479 = arith.constant 0.000000e+00 : f32
      %ge3A_480 = vector.broadcast %ge3A_479 : f32 to vector<16xf32>
      %ge3A_481 = arith.cmpf oge, %add3A_478, %ge3A_480 : vector<16xf32>
      %mul3A_482 = arith.constant 2.000000e-01 : f32
      %mul3A_483 = vector.broadcast %mul3A_482 : f32 to vector<16xf32>
      %mul3A_484 = arith.mulf %mul3A_483, %add3A_478 : vector<16xf32>
      %select_n3A_485 = arith.select %ge3A_481, %add3A_478, %mul3A_484 : vector<16xi1>, vector<16xf32>
      %sub3A_486 = arith.subf %select_n3A_477, %select_n3A_485 : vector<16xf32>
      %exp3A_487 = math.exp %sub3A_486 : vector<16xf32>
      %mul3A_488 = arith.mulf %exp3A_487, %gather3A_461 : vector<16xf32>
      tpu.vector_store_idx %arg14[%add3A_444, %mul3A_460], %mul3A_488 : memref<128x128xf32, #tpu.memory_space<vmem>>[vector<16xi32>, vector<16xi32>], vector<16xf32>,
      %add3A_489 = arith.constant 1 : i32
      %add3A_490 = vector.broadcast %add3A_489 : i32 to vector<16xi32>
      %add3A_491 = arith.addi %mul3A_460, %add3A_490 : vector<16xi32>
      tpu.vector_store_idx %arg14[%add3A_444, %add3A_491], %exp3A_487 : memref<128x128xf32, #tpu.memory_space<vmem>>[vector<16xi32>, vector<16xi32>], vector<16xf32>,
      %add3A_492 = arith.constant 96 : i32
      %add3A_493 = vector.broadcast %add3A_492 : i32 to vector<16xi32>
      %add3A_494 = arith.addi %iota3A, %add3A_493 : vector<16xi32>
      %get3A_495 = arith.constant 96 : index
      %get3A_496 = tpu.vector_load %arg8[%get3A_495] {strides = array<i32>} : memref<128xi32, #tpu.memory_space<vmem>>, vector<16xi32>,
      %and3A_497 = arith.constant 7 : i32
      %and3A_498 = vector.broadcast %and3A_497 : i32 to vector<16xi32>
      %and3A_499 = arith.andi %get3A_496, %and3A_498 : vector<16xi32>
      %mul3A_500 = arith.constant 16 : i32
      %mul3A_501 = vector.broadcast %mul3A_500 : i32 to vector<16xi32>
      %mul3A_502 = arith.muli %and3A_499, %mul3A_501 : vector<16xi32>
      %get3A_503 = arith.constant 96 : index
      %get3A_504 = tpu.vector_load %arg9[%get3A_503] {strides = array<i32>} : memref<128xi32, #tpu.memory_space<vmem>>, vector<16xi32>,
      %and3A_505 = arith.constant 7 : i32
      %and3A_506 = vector.broadcast %and3A_505 : i32 to vector<16xi32>
      %and3A_507 = arith.andi %get3A_504, %and3A_506 : vector<16xi32>
      %mul3A_508 = arith.constant 16 : i32
      %mul3A_509 = vector.broadcast %mul3A_508 : i32 to vector<16xi32>
      %mul3A_510 = arith.muli %and3A_507, %mul3A_509 : vector<16xi32>
      %gather3A_511 = tpu.vector_load_idx %arg12[%add3A_494, %mul3A_502] : memref<128x128xf32, #tpu.memory_space<vmem>>[vector<16xi32>, vector<16xi32>], vector<16xf32>,
      %add3A_512 = arith.constant 1 : i32
      %add3A_513 = vector.broadcast %add3A_512 : i32 to vector<16xi32>
      %add3A_514 = arith.addi %mul3A_502, %add3A_513 : vector<16xi32>
      %gather3A_515 = tpu.vector_load_idx %arg12[%add3A_494, %add3A_514] : memref<128x128xf32, #tpu.memory_space<vmem>>[vector<16xi32>, vector<16xi32>], vector<16xf32>,
      %add3A_516 = arith.constant 2 : i32
      %add3A_517 = vector.broadcast %add3A_516 : i32 to vector<16xi32>
      %add3A_518 = arith.addi %mul3A_510, %add3A_517 : vector<16xi32>
      %gather3A_519 = tpu.vector_load_idx %arg13[%add3A_494, %add3A_518] : memref<128x128xf32, #tpu.memory_space<vmem>>[vector<16xi32>, vector<16xi32>], vector<16xf32>,
      %add3A_520 = arith.addf %gather3A_515, %gather3A_519 : vector<16xf32>
      %ge3A_521 = arith.constant 0.000000e+00 : f32
      %ge3A_522 = vector.broadcast %ge3A_521 : f32 to vector<16xf32>
      %ge3A_523 = arith.cmpf oge, %add3A_520, %ge3A_522 : vector<16xf32>
      %mul3A_524 = arith.constant 2.000000e-01 : f32
      %mul3A_525 = vector.broadcast %mul3A_524 : f32 to vector<16xf32>
      %mul3A_526 = arith.mulf %mul3A_525, %add3A_520 : vector<16xf32>
      %select_n3A_527 = arith.select %ge3A_523, %add3A_520, %mul3A_526 : vector<16xi1>, vector<16xf32>
      %add3A_528 = arith.addf %gather3A_22, %gather3A_519 : vector<16xf32>
      %ge3A_529 = arith.constant 0.000000e+00 : f32
      %ge3A_530 = vector.broadcast %ge3A_529 : f32 to vector<16xf32>
      %ge3A_531 = arith.cmpf oge, %add3A_528, %ge3A_530 : vector<16xf32>
      %mul3A_532 = arith.constant 2.000000e-01 : f32
      %mul3A_533 = vector.broadcast %mul3A_532 : f32 to vector<16xf32>
      %mul3A_534 = arith.mulf %mul3A_533, %add3A_528 : vector<16xf32>
      %select_n3A_535 = arith.select %ge3A_531, %add3A_528, %mul3A_534 : vector<16xi1>, vector<16xf32>
      %sub3A_536 = arith.subf %select_n3A_527, %select_n3A_535 : vector<16xf32>
      %exp3A_537 = math.exp %sub3A_536 : vector<16xf32>
      %mul3A_538 = arith.mulf %exp3A_537, %gather3A_511 : vector<16xf32>
      tpu.vector_store_idx %arg14[%add3A_494, %mul3A_510], %mul3A_538 : memref<128x128xf32, #tpu.memory_space<vmem>>[vector<16xi32>, vector<16xi32>], vector<16xf32>,
      %add3A_539 = arith.constant 1 : i32
      %add3A_540 = vector.broadcast %add3A_539 : i32 to vector<16xi32>
      %add3A_541 = arith.addi %mul3A_510, %add3A_540 : vector<16xi32>
      tpu.vector_store_idx %arg14[%add3A_494, %add3A_541], %exp3A_537 : memref<128x128xf32, #tpu.memory_space<vmem>>[vector<16xi32>, vector<16xi32>], vector<16xf32>,
      %add3A_542 = arith.constant 112 : i32
      %add3A_543 = vector.broadcast %add3A_542 : i32 to vector<16xi32>
      %add3A_544 = arith.addi %iota3A, %add3A_543 : vector<16xi32>
      %get3A_545 = arith.constant 112 : index
      %get3A_546 = tpu.vector_load %arg8[%get3A_545] {strides = array<i32>} : memref<128xi32, #tpu.memory_space<vmem>>, vector<16xi32>,
      %and3A_547 = arith.constant 7 : i32
      %and3A_548 = vector.broadcast %and3A_547 : i32 to vector<16xi32>
      %and3A_549 = arith.andi %get3A_546, %and3A_548 : vector<16xi32>
      %mul3A_550 = arith.constant 16 : i32
      %mul3A_551 = vector.broadcast %mul3A_550 : i32 to vector<16xi32>
      %mul3A_552 = arith.muli %and3A_549, %mul3A_551 : vector<16xi32>
      %get3A_553 = arith.constant 112 : index
      %get3A_554 = tpu.vector_load %arg9[%get3A_553] {strides = array<i32>} : memref<128xi32, #tpu.memory_space<vmem>>, vector<16xi32>,
      %and3A_555 = arith.constant 7 : i32
      %and3A_556 = vector.broadcast %and3A_555 : i32 to vector<16xi32>
      %and3A_557 = arith.andi %get3A_554, %and3A_556 : vector<16xi32>
      %mul3A_558 = arith.constant 16 : i32
      %mul3A_559 = vector.broadcast %mul3A_558 : i32 to vector<16xi32>
      %mul3A_560 = arith.muli %and3A_557, %mul3A_559 : vector<16xi32>
      %gather3A_561 = tpu.vector_load_idx %arg12[%add3A_544, %mul3A_552] : memref<128x128xf32, #tpu.memory_space<vmem>>[vector<16xi32>, vector<16xi32>], vector<16xf32>,
      %add3A_562 = arith.constant 1 : i32
      %add3A_563 = vector.broadcast %add3A_562 : i32 to vector<16xi32>
      %add3A_564 = arith.addi %mul3A_552, %add3A_563 : vector<16xi32>
      %gather3A_565 = tpu.vector_load_idx %arg12[%add3A_544, %add3A_564] : memref<128x128xf32, #tpu.memory_space<vmem>>[vector<16xi32>, vector<16xi32>], vector<16xf32>,
      %add3A_566 = arith.constant 2 : i32
      %add3A_567 = vector.broadcast %add3A_566 : i32 to vector<16xi32>
      %add3A_568 = arith.addi %mul3A_560, %add3A_567 : vector<16xi32>
      %gather3A_569 = tpu.vector_load_idx %arg13[%add3A_544, %add3A_568] : memref<128x128xf32, #tpu.memory_space<vmem>>[vector<16xi32>, vector<16xi32>], vector<16xf32>,
      %add3A_570 = arith.addf %gather3A_565, %gather3A_569 : vector<16xf32>
      %ge3A_571 = arith.constant 0.000000e+00 : f32
      %ge3A_572 = vector.broadcast %ge3A_571 : f32 to vector<16xf32>
      %ge3A_573 = arith.cmpf oge, %add3A_570, %ge3A_572 : vector<16xf32>
      %mul3A_574 = arith.constant 2.000000e-01 : f32
      %mul3A_575 = vector.broadcast %mul3A_574 : f32 to vector<16xf32>
      %mul3A_576 = arith.mulf %mul3A_575, %add3A_570 : vector<16xf32>
      %select_n3A_577 = arith.select %ge3A_573, %add3A_570, %mul3A_576 : vector<16xi1>, vector<16xf32>
      %add3A_578 = arith.addf %gather3A_22, %gather3A_569 : vector<16xf32>
      %ge3A_579 = arith.constant 0.000000e+00 : f32
      %ge3A_580 = vector.broadcast %ge3A_579 : f32 to vector<16xf32>
      %ge3A_581 = arith.cmpf oge, %add3A_578, %ge3A_580 : vector<16xf32>
      %mul3A_582 = arith.constant 2.000000e-01 : f32
      %mul3A_583 = vector.broadcast %mul3A_582 : f32 to vector<16xf32>
      %mul3A_584 = arith.mulf %mul3A_583, %add3A_578 : vector<16xf32>
      %select_n3A_585 = arith.select %ge3A_581, %add3A_578, %mul3A_584 : vector<16xi1>, vector<16xf32>
      %sub3A_586 = arith.subf %select_n3A_577, %select_n3A_585 : vector<16xf32>
      %exp3A_587 = math.exp %sub3A_586 : vector<16xf32>
      %mul3A_588 = arith.mulf %exp3A_587, %gather3A_561 : vector<16xf32>
      tpu.vector_store_idx %arg14[%add3A_544, %mul3A_560], %mul3A_588 : memref<128x128xf32, #tpu.memory_space<vmem>>[vector<16xi32>, vector<16xi32>], vector<16xf32>,
      %add3A_589 = arith.constant 1 : i32
      %add3A_590 = vector.broadcast %add3A_589 : i32 to vector<16xi32>
      %add3A_591 = arith.addi %mul3A_560, %add3A_590 : vector<16xi32>
      tpu.vector_store_idx %arg14[%add3A_544, %add3A_591], %exp3A_587 : memref<128x128xf32, #tpu.memory_space<vmem>>[vector<16xi32>, vector<16xi32>], vector<16xf32>,
      "tpu.region"() ({
        %run_scoped3A = tpu.sem_alloc : memref<!tpu.dma_semaphore, #tpu.memory_space<semaphore_mem>>
        %dma_start3A_705 = arith.constant 0 : i32
        %dma_start3A_706 = arith.constant 0 : i32
        %dma_start3A_707 = tpu.memref_slice %arg7[%dma_start3A_705, %dma_start3A_706] : memref<1280x128xf32, #tpu.memory_space<vmem_shared>> -> memref<1280x128xf32, #tpu.memory_space<vmem_shared>>
        tpu.enqueue_indirect_dma source(%arg14 : memref<128x128xf32, #tpu.memory_space<vmem>>) target(%dma_start3A_707 : memref<1280x128xf32, #tpu.memory_space<vmem_shared>>) offsets(%arg11 : memref<128xi32, #tpu.memory_space<vmem>>) semaphore(%run_scoped3A : memref<!tpu.dma_semaphore, #tpu.memory_space<semaphore_mem>>) {add = true}
        %dma_wait3A_708 = arith.constant 0 : i32
        %dma_wait3A_709 = arith.constant 0 : i32
        %dma_wait3A_710 = tpu.memref_slice %arg7[%dma_wait3A_708, %dma_wait3A_709] : memref<1280x128xf32, #tpu.memory_space<vmem_shared>> -> memref<1280x128xf32, #tpu.memory_space<vmem_shared>>
        tpu.wait_indirect_dma semaphore(%run_scoped3A : memref<!tpu.dma_semaphore, #tpu.memory_space<semaphore_mem>>) src(%arg14 : memref<128x128xf32, #tpu.memory_space<vmem>>) dst(%dma_wait3A_710 : memref<1280x128xf32, #tpu.memory_space<vmem_shared>>)
        tpu.yield
      }) : () -> ()
      %add3A_592 = arith.constant 0 : i32
      %add3A_593 = vector.broadcast %add3A_592 : i32 to vector<16xi32>
      %add3A_594 = arith.addi %iota3A, %add3A_593 : vector<16xi32>
      %get3A_595 = arith.constant 0 : index
      %get3A_596 = tpu.vector_load %arg9[%get3A_595] {strides = array<i32>} : memref<128xi32, #tpu.memory_space<vmem>>, vector<16xi32>,
      %and3A_597 = arith.constant 7 : i32
      %and3A_598 = vector.broadcast %and3A_597 : i32 to vector<16xi32>
      %and3A_599 = arith.andi %get3A_596, %and3A_598 : vector<16xi32>
      %mul3A_600 = arith.constant 16 : i32
      %mul3A_601 = vector.broadcast %mul3A_600 : i32 to vector<16xi32>
      %mul3A_602 = arith.muli %and3A_599, %mul3A_601 : vector<16xi32>
      tpu.vector_store_idx %arg14[%add3A_594, %mul3A_602], %broadcast_in_dim3A_0 : memref<128x128xf32, #tpu.memory_space<vmem>>[vector<16xi32>, vector<16xi32>], vector<16xf32>,
      %add3A_603 = arith.constant 1 : i32
      %add3A_604 = vector.broadcast %add3A_603 : i32 to vector<16xi32>
      %add3A_605 = arith.addi %mul3A_602, %add3A_604 : vector<16xi32>
      tpu.vector_store_idx %arg14[%add3A_594, %add3A_605], %broadcast_in_dim3A_0 : memref<128x128xf32, #tpu.memory_space<vmem>>[vector<16xi32>, vector<16xi32>], vector<16xf32>,
      %add3A_606 = arith.constant 16 : i32
      %add3A_607 = vector.broadcast %add3A_606 : i32 to vector<16xi32>
      %add3A_608 = arith.addi %iota3A, %add3A_607 : vector<16xi32>
      %get3A_609 = arith.constant 16 : index
      %get3A_610 = tpu.vector_load %arg9[%get3A_609] {strides = array<i32>} : memref<128xi32, #tpu.memory_space<vmem>>, vector<16xi32>,
      %and3A_611 = arith.constant 7 : i32
      %and3A_612 = vector.broadcast %and3A_611 : i32 to vector<16xi32>
      %and3A_613 = arith.andi %get3A_610, %and3A_612 : vector<16xi32>
      %mul3A_614 = arith.constant 16 : i32
      %mul3A_615 = vector.broadcast %mul3A_614 : i32 to vector<16xi32>
      %mul3A_616 = arith.muli %and3A_613, %mul3A_615 : vector<16xi32>
      tpu.vector_store_idx %arg14[%add3A_608, %mul3A_616], %broadcast_in_dim3A_0 : memref<128x128xf32, #tpu.memory_space<vmem>>[vector<16xi32>, vector<16xi32>], vector<16xf32>,
      %add3A_617 = arith.constant 1 : i32
      %add3A_618 = vector.broadcast %add3A_617 : i32 to vector<16xi32>
      %add3A_619 = arith.addi %mul3A_616, %add3A_618 : vector<16xi32>
      tpu.vector_store_idx %arg14[%add3A_608, %add3A_619], %broadcast_in_dim3A_0 : memref<128x128xf32, #tpu.memory_space<vmem>>[vector<16xi32>, vector<16xi32>], vector<16xf32>,
      %add3A_620 = arith.constant 32 : i32
      %add3A_621 = vector.broadcast %add3A_620 : i32 to vector<16xi32>
      %add3A_622 = arith.addi %iota3A, %add3A_621 : vector<16xi32>
      %get3A_623 = arith.constant 32 : index
      %get3A_624 = tpu.vector_load %arg9[%get3A_623] {strides = array<i32>} : memref<128xi32, #tpu.memory_space<vmem>>, vector<16xi32>,
      %and3A_625 = arith.constant 7 : i32
      %and3A_626 = vector.broadcast %and3A_625 : i32 to vector<16xi32>
      %and3A_627 = arith.andi %get3A_624, %and3A_626 : vector<16xi32>
      %mul3A_628 = arith.constant 16 : i32
      %mul3A_629 = vector.broadcast %mul3A_628 : i32 to vector<16xi32>
      %mul3A_630 = arith.muli %and3A_627, %mul3A_629 : vector<16xi32>
      tpu.vector_store_idx %arg14[%add3A_622, %mul3A_630], %broadcast_in_dim3A_0 : memref<128x128xf32, #tpu.memory_space<vmem>>[vector<16xi32>, vector<16xi32>], vector<16xf32>,
      %add3A_631 = arith.constant 1 : i32
      %add3A_632 = vector.broadcast %add3A_631 : i32 to vector<16xi32>
      %add3A_633 = arith.addi %mul3A_630, %add3A_632 : vector<16xi32>
      tpu.vector_store_idx %arg14[%add3A_622, %add3A_633], %broadcast_in_dim3A_0 : memref<128x128xf32, #tpu.memory_space<vmem>>[vector<16xi32>, vector<16xi32>], vector<16xf32>,
      %add3A_634 = arith.constant 48 : i32
      %add3A_635 = vector.broadcast %add3A_634 : i32 to vector<16xi32>
      %add3A_636 = arith.addi %iota3A, %add3A_635 : vector<16xi32>
      %get3A_637 = arith.constant 48 : index
      %get3A_638 = tpu.vector_load %arg9[%get3A_637] {strides = array<i32>} : memref<128xi32, #tpu.memory_space<vmem>>, vector<16xi32>,
      %and3A_639 = arith.constant 7 : i32
      %and3A_640 = vector.broadcast %and3A_639 : i32 to vector<16xi32>
      %and3A_641 = arith.andi %get3A_638, %and3A_640 : vector<16xi32>
      %mul3A_642 = arith.constant 16 : i32
      %mul3A_643 = vector.broadcast %mul3A_642 : i32 to vector<16xi32>
      %mul3A_644 = arith.muli %and3A_641, %mul3A_643 : vector<16xi32>
      tpu.vector_store_idx %arg14[%add3A_636, %mul3A_644], %broadcast_in_dim3A_0 : memref<128x128xf32, #tpu.memory_space<vmem>>[vector<16xi32>, vector<16xi32>], vector<16xf32>,
      %add3A_645 = arith.constant 1 : i32
      %add3A_646 = vector.broadcast %add3A_645 : i32 to vector<16xi32>
      %add3A_647 = arith.addi %mul3A_644, %add3A_646 : vector<16xi32>
      tpu.vector_store_idx %arg14[%add3A_636, %add3A_647], %broadcast_in_dim3A_0 : memref<128x128xf32, #tpu.memory_space<vmem>>[vector<16xi32>, vector<16xi32>], vector<16xf32>,
      %add3A_648 = arith.constant 64 : i32
      %add3A_649 = vector.broadcast %add3A_648 : i32 to vector<16xi32>
      %add3A_650 = arith.addi %iota3A, %add3A_649 : vector<16xi32>
      %get3A_651 = arith.constant 64 : index
      %get3A_652 = tpu.vector_load %arg9[%get3A_651] {strides = array<i32>} : memref<128xi32, #tpu.memory_space<vmem>>, vector<16xi32>,
      %and3A_653 = arith.constant 7 : i32
      %and3A_654 = vector.broadcast %and3A_653 : i32 to vector<16xi32>
      %and3A_655 = arith.andi %get3A_652, %and3A_654 : vector<16xi32>
      %mul3A_656 = arith.constant 16 : i32
      %mul3A_657 = vector.broadcast %mul3A_656 : i32 to vector<16xi32>
      %mul3A_658 = arith.muli %and3A_655, %mul3A_657 : vector<16xi32>
      tpu.vector_store_idx %arg14[%add3A_650, %mul3A_658], %broadcast_in_dim3A_0 : memref<128x128xf32, #tpu.memory_space<vmem>>[vector<16xi32>, vector<16xi32>], vector<16xf32>,
      %add3A_659 = arith.constant 1 : i32
      %add3A_660 = vector.broadcast %add3A_659 : i32 to vector<16xi32>
      %add3A_661 = arith.addi %mul3A_658, %add3A_660 : vector<16xi32>
      tpu.vector_store_idx %arg14[%add3A_650, %add3A_661], %broadcast_in_dim3A_0 : memref<128x128xf32, #tpu.memory_space<vmem>>[vector<16xi32>, vector<16xi32>], vector<16xf32>,
      %add3A_662 = arith.constant 80 : i32
      %add3A_663 = vector.broadcast %add3A_662 : i32 to vector<16xi32>
      %add3A_664 = arith.addi %iota3A, %add3A_663 : vector<16xi32>
      %get3A_665 = arith.constant 80 : index
      %get3A_666 = tpu.vector_load %arg9[%get3A_665] {strides = array<i32>} : memref<128xi32, #tpu.memory_space<vmem>>, vector<16xi32>,
      %and3A_667 = arith.constant 7 : i32
      %and3A_668 = vector.broadcast %and3A_667 : i32 to vector<16xi32>
      %and3A_669 = arith.andi %get3A_666, %and3A_668 : vector<16xi32>
      %mul3A_670 = arith.constant 16 : i32
      %mul3A_671 = vector.broadcast %mul3A_670 : i32 to vector<16xi32>
      %mul3A_672 = arith.muli %and3A_669, %mul3A_671 : vector<16xi32>
      tpu.vector_store_idx %arg14[%add3A_664, %mul3A_672], %broadcast_in_dim3A_0 : memref<128x128xf32, #tpu.memory_space<vmem>>[vector<16xi32>, vector<16xi32>], vector<16xf32>,
      %add3A_673 = arith.constant 1 : i32
      %add3A_674 = vector.broadcast %add3A_673 : i32 to vector<16xi32>
      %add3A_675 = arith.addi %mul3A_672, %add3A_674 : vector<16xi32>
      tpu.vector_store_idx %arg14[%add3A_664, %add3A_675], %broadcast_in_dim3A_0 : memref<128x128xf32, #tpu.memory_space<vmem>>[vector<16xi32>, vector<16xi32>], vector<16xf32>,
      %add3A_676 = arith.constant 96 : i32
      %add3A_677 = vector.broadcast %add3A_676 : i32 to vector<16xi32>
      %add3A_678 = arith.addi %iota3A, %add3A_677 : vector<16xi32>
      %get3A_679 = arith.constant 96 : index
      %get3A_680 = tpu.vector_load %arg9[%get3A_679] {strides = array<i32>} : memref<128xi32, #tpu.memory_space<vmem>>, vector<16xi32>,
      %and3A_681 = arith.constant 7 : i32
      %and3A_682 = vector.broadcast %and3A_681 : i32 to vector<16xi32>
      %and3A_683 = arith.andi %get3A_680, %and3A_682 : vector<16xi32>
      %mul3A_684 = arith.constant 16 : i32
      %mul3A_685 = vector.broadcast %mul3A_684 : i32 to vector<16xi32>
      %mul3A_686 = arith.muli %and3A_683, %mul3A_685 : vector<16xi32>
      tpu.vector_store_idx %arg14[%add3A_678, %mul3A_686], %broadcast_in_dim3A_0 : memref<128x128xf32, #tpu.memory_space<vmem>>[vector<16xi32>, vector<16xi32>], vector<16xf32>,
      %add3A_687 = arith.constant 1 : i32
      %add3A_688 = vector.broadcast %add3A_687 : i32 to vector<16xi32>
      %add3A_689 = arith.addi %mul3A_686, %add3A_688 : vector<16xi32>
      tpu.vector_store_idx %arg14[%add3A_678, %add3A_689], %broadcast_in_dim3A_0 : memref<128x128xf32, #tpu.memory_space<vmem>>[vector<16xi32>, vector<16xi32>], vector<16xf32>,
      %add3A_690 = arith.constant 112 : i32
      %add3A_691 = vector.broadcast %add3A_690 : i32 to vector<16xi32>
      %add3A_692 = arith.addi %iota3A, %add3A_691 : vector<16xi32>
      %get3A_693 = arith.constant 112 : index
      %get3A_694 = tpu.vector_load %arg9[%get3A_693] {strides = array<i32>} : memref<128xi32, #tpu.memory_space<vmem>>, vector<16xi32>,
      %and3A_695 = arith.constant 7 : i32
      %and3A_696 = vector.broadcast %and3A_695 : i32 to vector<16xi32>
      %and3A_697 = arith.andi %get3A_694, %and3A_696 : vector<16xi32>
      %mul3A_698 = arith.constant 16 : i32
      %mul3A_699 = vector.broadcast %mul3A_698 : i32 to vector<16xi32>
      %mul3A_700 = arith.muli %and3A_697, %mul3A_699 : vector<16xi32>
      tpu.vector_store_idx %arg14[%add3A_692, %mul3A_700], %broadcast_in_dim3A_0 : memref<128x128xf32, #tpu.memory_space<vmem>>[vector<16xi32>, vector<16xi32>], vector<16xf32>,
      %add3A_701 = arith.constant 1 : i32
      %add3A_702 = vector.broadcast %add3A_701 : i32 to vector<16xi32>
      %add3A_703 = arith.addi %mul3A_700, %add3A_702 : vector<16xi32>
      tpu.vector_store_idx %arg14[%add3A_692, %add3A_703], %broadcast_in_dim3A_0 : memref<128x128xf32, #tpu.memory_space<vmem>>[vector<16xi32>, vector<16xi32>], vector<16xf32>,
      %while3A_704 = arith.constant 0 : i32
      scf.yield %while3A_704 : i32
    }
    %while3A_56 = arith.constant 1 : i32
    %while3A_57 = scf.for %while3A_66 = %while3A_53 to %while3A_49 step %while3A_56 iter_args(%while3A_67 = %while3A_55) -> (i32)  : i32 {
      %mul3A_68 = arith.constant 16 : i32
      %mul3A_69 = arith.muli %while3A_66, %mul3A_68 : i32
      %add3A_70 = arith.addi %arg1, %mul3A_69 : i32
      %mul3A_71 = arith.constant 128 : i32
      %mul3A_72 = arith.muli %add3A_70, %mul3A_71 : i32
      %add3A_73 = arith.addi %mul3A_24, %mul3A_72 : i32
      "tpu.region"() ({
        %run_scoped3A = tpu.sem_alloc : memref<!tpu.dma_semaphore, #tpu.memory_space<semaphore_mem>>
        %dma_start3A_705 = tpu.memref_slice %arg4[%add3A_73] : memref<320000xi32, #tpu.memory_space<hbm>> -> memref<128xi32, #tpu.memory_space<hbm>>
        %dma_start3A_706 = tpu.memref_slice %arg4[%add3A_73] : memref<320000xi32, #tpu.memory_space<hbm>> -> memref<128xi32, #tpu.memory_space<hbm>>
        tpu.enqueue_dma source(%dma_start3A_706 : memref<128xi32, #tpu.memory_space<hbm>>) target(%arg8 : memref<128xi32, #tpu.memory_space<vmem>>) target_semaphore(%run_scoped3A : memref<!tpu.dma_semaphore, #tpu.memory_space<semaphore_mem>>)
        %dma_wait3A_707 = tpu.memref_slice %arg4[%add3A_73] : memref<320000xi32, #tpu.memory_space<hbm>> -> memref<128xi32, #tpu.memory_space<hbm>>
        %dma_wait3A_708 = tpu.memref_slice %arg4[%add3A_73] : memref<320000xi32, #tpu.memory_space<hbm>> -> memref<128xi32, #tpu.memory_space<hbm>>
        tpu.wait_dma2 semaphore(%run_scoped3A : memref<!tpu.dma_semaphore, #tpu.memory_space<semaphore_mem>>) src(%dma_wait3A_708 : memref<128xi32, #tpu.memory_space<hbm>>) dst(%arg8 : memref<128xi32, #tpu.memory_space<vmem>>)
        tpu.yield
      }) : () -> ()
      "tpu.region"() ({
        %run_scoped3A = tpu.sem_alloc : memref<!tpu.dma_semaphore, #tpu.memory_space<semaphore_mem>>
        %dma_start3A_705 = tpu.memref_slice %arg5[%add3A_73] : memref<320000xi32, #tpu.memory_space<hbm>> -> memref<128xi32, #tpu.memory_space<hbm>>
        %dma_start3A_706 = tpu.memref_slice %arg5[%add3A_73] : memref<320000xi32, #tpu.memory_space<hbm>> -> memref<128xi32, #tpu.memory_space<hbm>>
        tpu.enqueue_dma source(%dma_start3A_706 : memref<128xi32, #tpu.memory_space<hbm>>) target(%arg9 : memref<128xi32, #tpu.memory_space<vmem>>) target_semaphore(%run_scoped3A : memref<!tpu.dma_semaphore, #tpu.memory_space<semaphore_mem>>)
        %dma_wait3A_707 = tpu.memref_slice %arg5[%add3A_73] : memref<320000xi32, #tpu.memory_space<hbm>> -> memref<128xi32, #tpu.memory_space<hbm>>
        %dma_wait3A_708 = tpu.memref_slice %arg5[%add3A_73] : memref<320000xi32, #tpu.memory_space<hbm>> -> memref<128xi32, #tpu.memory_space<hbm>>
        tpu.wait_dma2 semaphore(%run_scoped3A : memref<!tpu.dma_semaphore, #tpu.memory_space<semaphore_mem>>) src(%dma_wait3A_708 : memref<128xi32, #tpu.memory_space<hbm>>) dst(%arg9 : memref<128xi32, #tpu.memory_space<vmem>>)
        tpu.yield
      }) : () -> ()
      %get3A_74 = arith.constant 0 : index
      %get3A_75 = tpu.vector_load %arg8[%get3A_74] {strides = array<i32>} : memref<128xi32, #tpu.memory_space<vmem>>, vector<16xi32>,
      %get3A_76 = arith.constant 0 : index
      %get3A_77 = tpu.vector_load %arg9[%get3A_76] {strides = array<i32>} : memref<128xi32, #tpu.memory_space<vmem>>, vector<16xi32>,
      %shift_right_arithmetic3A = arith.constant 3 : i32
      %shift_right_arithmetic3A_78 = vector.broadcast %shift_right_arithmetic3A : i32 to vector<16xi32>
      %shift_right_arithmetic3A_79 = arith.shrsi %get3A_75, %shift_right_arithmetic3A_78 : vector<16xi32>
      %swap3A = arith.constant 0 : index
      %swap3A_80 = tpu.vector_load %arg10[%swap3A] {strides = array<i32>} : memref<128xi32, #tpu.memory_space<vmem>>, vector<16xi32>,
      tpu.vector_store %arg10[%swap3A], %shift_right_arithmetic3A_79 {strides = array<i32>} : memref<128xi32, #tpu.memory_space<vmem>>, vector<16xi32>,
      %shift_right_arithmetic3A_81 = arith.constant 3 : i32
      %shift_right_arithmetic3A_82 = vector.broadcast %shift_right_arithmetic3A_81 : i32 to vector<16xi32>
      %shift_right_arithmetic3A_83 = arith.shrsi %get3A_77, %shift_right_arithmetic3A_82 : vector<16xi32>
      %swap3A_84 = arith.constant 0 : index
      %swap3A_85 = tpu.vector_load %arg11[%swap3A_84] {strides = array<i32>} : memref<128xi32, #tpu.memory_space<vmem>>, vector<16xi32>,
      tpu.vector_store %arg11[%swap3A_84], %shift_right_arithmetic3A_83 {strides = array<i32>} : memref<128xi32, #tpu.memory_space<vmem>>, vector<16xi32>,
      %get3A_86 = arith.constant 16 : index
      %get3A_87 = tpu.vector_load %arg8[%get3A_86] {strides = array<i32>} : memref<128xi32, #tpu.memory_space<vmem>>, vector<16xi32>,
      %get3A_88 = arith.constant 16 : index
      %get3A_89 = tpu.vector_load %arg9[%get3A_88] {strides = array<i32>} : memref<128xi32, #tpu.memory_space<vmem>>, vector<16xi32>,
      %shift_right_arithmetic3A_90 = arith.constant 3 : i32
      %shift_right_arithmetic3A_91 = vector.broadcast %shift_right_arithmetic3A_90 : i32 to vector<16xi32>
      %shift_right_arithmetic3A_92 = arith.shrsi %get3A_87, %shift_right_arithmetic3A_91 : vector<16xi32>
      %swap3A_93 = arith.constant 16 : index
      %swap3A_94 = tpu.vector_load %arg10[%swap3A_93] {strides = array<i32>} : memref<128xi32, #tpu.memory_space<vmem>>, vector<16xi32>,
      tpu.vector_store %arg10[%swap3A_93], %shift_right_arithmetic3A_92 {strides = array<i32>} : memref<128xi32, #tpu.memory_space<vmem>>, vector<16xi32>,
      %shift_right_arithmetic3A_95 = arith.constant 3 : i32
      %shift_right_arithmetic3A_96 = vector.broadcast %shift_right_arithmetic3A_95 : i32 to vector<16xi32>
      %shift_right_arithmetic3A_97 = arith.shrsi %get3A_89, %shift_right_arithmetic3A_96 : vector<16xi32>
      %swap3A_98 = arith.constant 16 : index
      %swap3A_99 = tpu.vector_load %arg11[%swap3A_98] {strides = array<i32>} : memref<128xi32, #tpu.memory_space<vmem>>, vector<16xi32>,
      tpu.vector_store %arg11[%swap3A_98], %shift_right_arithmetic3A_97 {strides = array<i32>} : memref<128xi32, #tpu.memory_space<vmem>>, vector<16xi32>,
      %get3A_100 = arith.constant 32 : index
      %get3A_101 = tpu.vector_load %arg8[%get3A_100] {strides = array<i32>} : memref<128xi32, #tpu.memory_space<vmem>>, vector<16xi32>,
      %get3A_102 = arith.constant 32 : index
      %get3A_103 = tpu.vector_load %arg9[%get3A_102] {strides = array<i32>} : memref<128xi32, #tpu.memory_space<vmem>>, vector<16xi32>,
      %shift_right_arithmetic3A_104 = arith.constant 3 : i32
      %shift_right_arithmetic3A_105 = vector.broadcast %shift_right_arithmetic3A_104 : i32 to vector<16xi32>
      %shift_right_arithmetic3A_106 = arith.shrsi %get3A_101, %shift_right_arithmetic3A_105 : vector<16xi32>
      %swap3A_107 = arith.constant 32 : index
      %swap3A_108 = tpu.vector_load %arg10[%swap3A_107] {strides = array<i32>} : memref<128xi32, #tpu.memory_space<vmem>>, vector<16xi32>,
      tpu.vector_store %arg10[%swap3A_107], %shift_right_arithmetic3A_106 {strides = array<i32>} : memref<128xi32, #tpu.memory_space<vmem>>, vector<16xi32>,
      %shift_right_arithmetic3A_109 = arith.constant 3 : i32
      %shift_right_arithmetic3A_110 = vector.broadcast %shift_right_arithmetic3A_109 : i32 to vector<16xi32>
      %shift_right_arithmetic3A_111 = arith.shrsi %get3A_103, %shift_right_arithmetic3A_110 : vector<16xi32>
      %swap3A_112 = arith.constant 32 : index
      %swap3A_113 = tpu.vector_load %arg11[%swap3A_112] {strides = array<i32>} : memref<128xi32, #tpu.memory_space<vmem>>, vector<16xi32>,
      tpu.vector_store %arg11[%swap3A_112], %shift_right_arithmetic3A_111 {strides = array<i32>} : memref<128xi32, #tpu.memory_space<vmem>>, vector<16xi32>,
      %get3A_114 = arith.constant 48 : index
      %get3A_115 = tpu.vector_load %arg8[%get3A_114] {strides = array<i32>} : memref<128xi32, #tpu.memory_space<vmem>>, vector<16xi32>,
      %get3A_116 = arith.constant 48 : index
      %get3A_117 = tpu.vector_load %arg9[%get3A_116] {strides = array<i32>} : memref<128xi32, #tpu.memory_space<vmem>>, vector<16xi32>,
      %shift_right_arithmetic3A_118 = arith.constant 3 : i32
      %shift_right_arithmetic3A_119 = vector.broadcast %shift_right_arithmetic3A_118 : i32 to vector<16xi32>
      %shift_right_arithmetic3A_120 = arith.shrsi %get3A_115, %shift_right_arithmetic3A_119 : vector<16xi32>
      %swap3A_121 = arith.constant 48 : index
      %swap3A_122 = tpu.vector_load %arg10[%swap3A_121] {strides = array<i32>} : memref<128xi32, #tpu.memory_space<vmem>>, vector<16xi32>,
      tpu.vector_store %arg10[%swap3A_121], %shift_right_arithmetic3A_120 {strides = array<i32>} : memref<128xi32, #tpu.memory_space<vmem>>, vector<16xi32>,
      %shift_right_arithmetic3A_123 = arith.constant 3 : i32
      %shift_right_arithmetic3A_124 = vector.broadcast %shift_right_arithmetic3A_123 : i32 to vector<16xi32>
      %shift_right_arithmetic3A_125 = arith.shrsi %get3A_117, %shift_right_arithmetic3A_124 : vector<16xi32>
      %swap3A_126 = arith.constant 48 : index
      %swap3A_127 = tpu.vector_load %arg11[%swap3A_126] {strides = array<i32>} : memref<128xi32, #tpu.memory_space<vmem>>, vector<16xi32>,
      tpu.vector_store %arg11[%swap3A_126], %shift_right_arithmetic3A_125 {strides = array<i32>} : memref<128xi32, #tpu.memory_space<vmem>>, vector<16xi32>,
      %get3A_128 = arith.constant 64 : index
      %get3A_129 = tpu.vector_load %arg8[%get3A_128] {strides = array<i32>} : memref<128xi32, #tpu.memory_space<vmem>>, vector<16xi32>,
      %get3A_130 = arith.constant 64 : index
      %get3A_131 = tpu.vector_load %arg9[%get3A_130] {strides = array<i32>} : memref<128xi32, #tpu.memory_space<vmem>>, vector<16xi32>,
      %shift_right_arithmetic3A_132 = arith.constant 3 : i32
      %shift_right_arithmetic3A_133 = vector.broadcast %shift_right_arithmetic3A_132 : i32 to vector<16xi32>
      %shift_right_arithmetic3A_134 = arith.shrsi %get3A_129, %shift_right_arithmetic3A_133 : vector<16xi32>
      %swap3A_135 = arith.constant 64 : index
      %swap3A_136 = tpu.vector_load %arg10[%swap3A_135] {strides = array<i32>} : memref<128xi32, #tpu.memory_space<vmem>>, vector<16xi32>,
      tpu.vector_store %arg10[%swap3A_135], %shift_right_arithmetic3A_134 {strides = array<i32>} : memref<128xi32, #tpu.memory_space<vmem>>, vector<16xi32>,
      %shift_right_arithmetic3A_137 = arith.constant 3 : i32
      %shift_right_arithmetic3A_138 = vector.broadcast %shift_right_arithmetic3A_137 : i32 to vector<16xi32>
      %shift_right_arithmetic3A_139 = arith.shrsi %get3A_131, %shift_right_arithmetic3A_138 : vector<16xi32>
      %swap3A_140 = arith.constant 64 : index
      %swap3A_141 = tpu.vector_load %arg11[%swap3A_140] {strides = array<i32>} : memref<128xi32, #tpu.memory_space<vmem>>, vector<16xi32>,
      tpu.vector_store %arg11[%swap3A_140], %shift_right_arithmetic3A_139 {strides = array<i32>} : memref<128xi32, #tpu.memory_space<vmem>>, vector<16xi32>,
      %get3A_142 = arith.constant 80 : index
      %get3A_143 = tpu.vector_load %arg8[%get3A_142] {strides = array<i32>} : memref<128xi32, #tpu.memory_space<vmem>>, vector<16xi32>,
      %get3A_144 = arith.constant 80 : index
      %get3A_145 = tpu.vector_load %arg9[%get3A_144] {strides = array<i32>} : memref<128xi32, #tpu.memory_space<vmem>>, vector<16xi32>,
      %shift_right_arithmetic3A_146 = arith.constant 3 : i32
      %shift_right_arithmetic3A_147 = vector.broadcast %shift_right_arithmetic3A_146 : i32 to vector<16xi32>
      %shift_right_arithmetic3A_148 = arith.shrsi %get3A_143, %shift_right_arithmetic3A_147 : vector<16xi32>
      %swap3A_149 = arith.constant 80 : index
      %swap3A_150 = tpu.vector_load %arg10[%swap3A_149] {strides = array<i32>} : memref<128xi32, #tpu.memory_space<vmem>>, vector<16xi32>,
      tpu.vector_store %arg10[%swap3A_149], %shift_right_arithmetic3A_148 {strides = array<i32>} : memref<128xi32, #tpu.memory_space<vmem>>, vector<16xi32>,
      %shift_right_arithmetic3A_151 = arith.constant 3 : i32
      %shift_right_arithmetic3A_152 = vector.broadcast %shift_right_arithmetic3A_151 : i32 to vector<16xi32>
      %shift_right_arithmetic3A_153 = arith.shrsi %get3A_145, %shift_right_arithmetic3A_152 : vector<16xi32>
      %swap3A_154 = arith.constant 80 : index
      %swap3A_155 = tpu.vector_load %arg11[%swap3A_154] {strides = array<i32>} : memref<128xi32, #tpu.memory_space<vmem>>, vector<16xi32>,
      tpu.vector_store %arg11[%swap3A_154], %shift_right_arithmetic3A_153 {strides = array<i32>} : memref<128xi32, #tpu.memory_space<vmem>>, vector<16xi32>,
      %get3A_156 = arith.constant 96 : index
      %get3A_157 = tpu.vector_load %arg8[%get3A_156] {strides = array<i32>} : memref<128xi32, #tpu.memory_space<vmem>>, vector<16xi32>,
      %get3A_158 = arith.constant 96 : index
      %get3A_159 = tpu.vector_load %arg9[%get3A_158] {strides = array<i32>} : memref<128xi32, #tpu.memory_space<vmem>>, vector<16xi32>,
      %shift_right_arithmetic3A_160 = arith.constant 3 : i32
      %shift_right_arithmetic3A_161 = vector.broadcast %shift_right_arithmetic3A_160 : i32 to vector<16xi32>
      %shift_right_arithmetic3A_162 = arith.shrsi %get3A_157, %shift_right_arithmetic3A_161 : vector<16xi32>
      %swap3A_163 = arith.constant 96 : index
      %swap3A_164 = tpu.vector_load %arg10[%swap3A_163] {strides = array<i32>} : memref<128xi32, #tpu.memory_space<vmem>>, vector<16xi32>,
      tpu.vector_store %arg10[%swap3A_163], %shift_right_arithmetic3A_162 {strides = array<i32>} : memref<128xi32, #tpu.memory_space<vmem>>, vector<16xi32>,
      %shift_right_arithmetic3A_165 = arith.constant 3 : i32
      %shift_right_arithmetic3A_166 = vector.broadcast %shift_right_arithmetic3A_165 : i32 to vector<16xi32>
      %shift_right_arithmetic3A_167 = arith.shrsi %get3A_159, %shift_right_arithmetic3A_166 : vector<16xi32>
      %swap3A_168 = arith.constant 96 : index
      %swap3A_169 = tpu.vector_load %arg11[%swap3A_168] {strides = array<i32>} : memref<128xi32, #tpu.memory_space<vmem>>, vector<16xi32>,
      tpu.vector_store %arg11[%swap3A_168], %shift_right_arithmetic3A_167 {strides = array<i32>} : memref<128xi32, #tpu.memory_space<vmem>>, vector<16xi32>,
      %get3A_170 = arith.constant 112 : index
      %get3A_171 = tpu.vector_load %arg8[%get3A_170] {strides = array<i32>} : memref<128xi32, #tpu.memory_space<vmem>>, vector<16xi32>,
      %get3A_172 = arith.constant 112 : index
      %get3A_173 = tpu.vector_load %arg9[%get3A_172] {strides = array<i32>} : memref<128xi32, #tpu.memory_space<vmem>>, vector<16xi32>,
      %shift_right_arithmetic3A_174 = arith.constant 3 : i32
      %shift_right_arithmetic3A_175 = vector.broadcast %shift_right_arithmetic3A_174 : i32 to vector<16xi32>
      %shift_right_arithmetic3A_176 = arith.shrsi %get3A_171, %shift_right_arithmetic3A_175 : vector<16xi32>
      %swap3A_177 = arith.constant 112 : index
      %swap3A_178 = tpu.vector_load %arg10[%swap3A_177] {strides = array<i32>} : memref<128xi32, #tpu.memory_space<vmem>>, vector<16xi32>,
      tpu.vector_store %arg10[%swap3A_177], %shift_right_arithmetic3A_176 {strides = array<i32>} : memref<128xi32, #tpu.memory_space<vmem>>, vector<16xi32>,
      %shift_right_arithmetic3A_179 = arith.constant 3 : i32
      %shift_right_arithmetic3A_180 = vector.broadcast %shift_right_arithmetic3A_179 : i32 to vector<16xi32>
      %shift_right_arithmetic3A_181 = arith.shrsi %get3A_173, %shift_right_arithmetic3A_180 : vector<16xi32>
      %swap3A_182 = arith.constant 112 : index
      %swap3A_183 = tpu.vector_load %arg11[%swap3A_182] {strides = array<i32>} : memref<128xi32, #tpu.memory_space<vmem>>, vector<16xi32>,
      tpu.vector_store %arg11[%swap3A_182], %shift_right_arithmetic3A_181 {strides = array<i32>} : memref<128xi32, #tpu.memory_space<vmem>>, vector<16xi32>,
      %dma_start3A = arith.constant 0 : i32
      %dma_start3A_184 = arith.constant 0 : i32
      %dma_start3A_185 = tpu.memref_slice %arg2[%dma_start3A, %dma_start3A_184] : memref<1280x128xf32, #tpu.memory_space<hbm>> -> memref<1280x128xf32, #tpu.memory_space<hbm>>
      tpu.enqueue_indirect_dma source(%dma_start3A_185 : memref<1280x128xf32, #tpu.memory_space<hbm>>) target(%arg12 : memref<128x128xf32, #tpu.memory_space<vmem>>) offsets(%arg10 : memref<128xi32, #tpu.memory_space<vmem>>) semaphore(%arg16 : memref<!tpu.dma_semaphore, #tpu.memory_space<semaphore_mem>>)
      %dma_start3A_186 = arith.constant 0 : i32
      %dma_start3A_187 = arith.constant 0 : i32
      %dma_start3A_188 = tpu.memref_slice %arg2[%dma_start3A_186, %dma_start3A_187] : memref<1280x128xf32, #tpu.memory_space<hbm>> -> memref<1280x128xf32, #tpu.memory_space<hbm>>
      tpu.enqueue_indirect_dma source(%dma_start3A_188 : memref<1280x128xf32, #tpu.memory_space<hbm>>) target(%arg13 : memref<128x128xf32, #tpu.memory_space<vmem>>) offsets(%arg11 : memref<128xi32, #tpu.memory_space<vmem>>) semaphore(%arg17 : memref<!tpu.dma_semaphore, #tpu.memory_space<semaphore_mem>>)
      %dma_wait3A = arith.constant 0 : i32
      %dma_wait3A_189 = arith.constant 0 : i32
      %dma_wait3A_190 = tpu.memref_slice %arg2[%dma_wait3A, %dma_wait3A_189] : memref<1280x128xf32, #tpu.memory_space<hbm>> -> memref<1280x128xf32, #tpu.memory_space<hbm>>
      tpu.wait_indirect_dma semaphore(%arg16 : memref<!tpu.dma_semaphore, #tpu.memory_space<semaphore_mem>>) src(%dma_wait3A_190 : memref<1280x128xf32, #tpu.memory_space<hbm>>) dst(%arg12 : memref<128x128xf32, #tpu.memory_space<vmem>>)
      %dma_wait3A_191 = arith.constant 0 : i32
      %dma_wait3A_192 = arith.constant 0 : i32
      %dma_wait3A_193 = tpu.memref_slice %arg2[%dma_wait3A_191, %dma_wait3A_192] : memref<1280x128xf32, #tpu.memory_space<hbm>> -> memref<1280x128xf32, #tpu.memory_space<hbm>>
      tpu.wait_indirect_dma semaphore(%arg17 : memref<!tpu.dma_semaphore, #tpu.memory_space<semaphore_mem>>) src(%dma_wait3A_193 : memref<1280x128xf32, #tpu.memory_space<hbm>>) dst(%arg13 : memref<128x128xf32, #tpu.memory_space<vmem>>)
      %add3A_194 = arith.constant 0 : i32
      %add3A_195 = vector.broadcast %add3A_194 : i32 to vector<16xi32>
      %add3A_196 = arith.addi %iota3A, %add3A_195 : vector<16xi32>
      %get3A_197 = arith.constant 0 : index
      %get3A_198 = tpu.vector_load %arg8[%get3A_197] {strides = array<i32>} : memref<128xi32, #tpu.memory_space<vmem>>, vector<16xi32>,
      %and3A_199 = arith.constant 7 : i32
      %and3A_200 = vector.broadcast %and3A_199 : i32 to vector<16xi32>
      %and3A_201 = arith.andi %get3A_198, %and3A_200 : vector<16xi32>
      %mul3A_202 = arith.constant 16 : i32
      %mul3A_203 = vector.broadcast %mul3A_202 : i32 to vector<16xi32>
      %mul3A_204 = arith.muli %and3A_201, %mul3A_203 : vector<16xi32>
      %get3A_205 = arith.constant 0 : index
      %get3A_206 = tpu.vector_load %arg9[%get3A_205] {strides = array<i32>} : memref<128xi32, #tpu.memory_space<vmem>>, vector<16xi32>,
      %and3A_207 = arith.constant 7 : i32
      %and3A_208 = vector.broadcast %and3A_207 : i32 to vector<16xi32>
      %and3A_209 = arith.andi %get3A_206, %and3A_208 : vector<16xi32>
      %mul3A_210 = arith.constant 16 : i32
      %mul3A_211 = vector.broadcast %mul3A_210 : i32 to vector<16xi32>
      %mul3A_212 = arith.muli %and3A_209, %mul3A_211 : vector<16xi32>
      %gather3A_213 = tpu.vector_load_idx %arg12[%add3A_196, %mul3A_204] : memref<128x128xf32, #tpu.memory_space<vmem>>[vector<16xi32>, vector<16xi32>], vector<16xf32>,
      %add3A_214 = arith.constant 1 : i32
      %add3A_215 = vector.broadcast %add3A_214 : i32 to vector<16xi32>
      %add3A_216 = arith.addi %mul3A_204, %add3A_215 : vector<16xi32>
      %gather3A_217 = tpu.vector_load_idx %arg12[%add3A_196, %add3A_216] : memref<128x128xf32, #tpu.memory_space<vmem>>[vector<16xi32>, vector<16xi32>], vector<16xf32>,
      %add3A_218 = arith.constant 2 : i32
      %add3A_219 = vector.broadcast %add3A_218 : i32 to vector<16xi32>
      %add3A_220 = arith.addi %mul3A_212, %add3A_219 : vector<16xi32>
      %gather3A_221 = tpu.vector_load_idx %arg13[%add3A_196, %add3A_220] : memref<128x128xf32, #tpu.memory_space<vmem>>[vector<16xi32>, vector<16xi32>], vector<16xf32>,
      %add3A_222 = arith.addf %gather3A_217, %gather3A_221 : vector<16xf32>
      %ge3A = arith.constant 0.000000e+00 : f32
      %ge3A_223 = vector.broadcast %ge3A : f32 to vector<16xf32>
      %ge3A_224 = arith.cmpf oge, %add3A_222, %ge3A_223 : vector<16xf32>
      %mul3A_225 = arith.constant 2.000000e-01 : f32
      %mul3A_226 = vector.broadcast %mul3A_225 : f32 to vector<16xf32>
      %mul3A_227 = arith.mulf %mul3A_226, %add3A_222 : vector<16xf32>
      %select_n3A_228 = arith.select %ge3A_224, %add3A_222, %mul3A_227 : vector<16xi1>, vector<16xf32>
      %add3A_229 = arith.addf %gather3A_22, %gather3A_221 : vector<16xf32>
      %ge3A_230 = arith.constant 0.000000e+00 : f32
      %ge3A_231 = vector.broadcast %ge3A_230 : f32 to vector<16xf32>
      %ge3A_232 = arith.cmpf oge, %add3A_229, %ge3A_231 : vector<16xf32>
      %mul3A_233 = arith.constant 2.000000e-01 : f32
      %mul3A_234 = vector.broadcast %mul3A_233 : f32 to vector<16xf32>
      %mul3A_235 = arith.mulf %mul3A_234, %add3A_229 : vector<16xf32>
      %select_n3A_236 = arith.select %ge3A_232, %add3A_229, %mul3A_235 : vector<16xi1>, vector<16xf32>
      %sub3A_237 = arith.subf %select_n3A_228, %select_n3A_236 : vector<16xf32>
      %exp3A = math.exp %sub3A_237 : vector<16xf32>
      %mul3A_238 = arith.mulf %exp3A, %gather3A_213 : vector<16xf32>
      tpu.vector_store_idx %arg14[%add3A_196, %mul3A_212], %mul3A_238 : memref<128x128xf32, #tpu.memory_space<vmem>>[vector<16xi32>, vector<16xi32>], vector<16xf32>,
      %add3A_239 = arith.constant 1 : i32
      %add3A_240 = vector.broadcast %add3A_239 : i32 to vector<16xi32>
      %add3A_241 = arith.addi %mul3A_212, %add3A_240 : vector<16xi32>
      tpu.vector_store_idx %arg14[%add3A_196, %add3A_241], %exp3A : memref<128x128xf32, #tpu.memory_space<vmem>>[vector<16xi32>, vector<16xi32>], vector<16xf32>,
      %add3A_242 = arith.constant 16 : i32
      %add3A_243 = vector.broadcast %add3A_242 : i32 to vector<16xi32>
      %add3A_244 = arith.addi %iota3A, %add3A_243 : vector<16xi32>
      %get3A_245 = arith.constant 16 : index
      %get3A_246 = tpu.vector_load %arg8[%get3A_245] {strides = array<i32>} : memref<128xi32, #tpu.memory_space<vmem>>, vector<16xi32>,
      %and3A_247 = arith.constant 7 : i32
      %and3A_248 = vector.broadcast %and3A_247 : i32 to vector<16xi32>
      %and3A_249 = arith.andi %get3A_246, %and3A_248 : vector<16xi32>
      %mul3A_250 = arith.constant 16 : i32
      %mul3A_251 = vector.broadcast %mul3A_250 : i32 to vector<16xi32>
      %mul3A_252 = arith.muli %and3A_249, %mul3A_251 : vector<16xi32>
      %get3A_253 = arith.constant 16 : index
      %get3A_254 = tpu.vector_load %arg9[%get3A_253] {strides = array<i32>} : memref<128xi32, #tpu.memory_space<vmem>>, vector<16xi32>,
      %and3A_255 = arith.constant 7 : i32
      %and3A_256 = vector.broadcast %and3A_255 : i32 to vector<16xi32>
      %and3A_257 = arith.andi %get3A_254, %and3A_256 : vector<16xi32>
      %mul3A_258 = arith.constant 16 : i32
      %mul3A_259 = vector.broadcast %mul3A_258 : i32 to vector<16xi32>
      %mul3A_260 = arith.muli %and3A_257, %mul3A_259 : vector<16xi32>
      %gather3A_261 = tpu.vector_load_idx %arg12[%add3A_244, %mul3A_252] : memref<128x128xf32, #tpu.memory_space<vmem>>[vector<16xi32>, vector<16xi32>], vector<16xf32>,
      %add3A_262 = arith.constant 1 : i32
      %add3A_263 = vector.broadcast %add3A_262 : i32 to vector<16xi32>
      %add3A_264 = arith.addi %mul3A_252, %add3A_263 : vector<16xi32>
      %gather3A_265 = tpu.vector_load_idx %arg12[%add3A_244, %add3A_264] : memref<128x128xf32, #tpu.memory_space<vmem>>[vector<16xi32>, vector<16xi32>], vector<16xf32>,
      %add3A_266 = arith.constant 2 : i32
      %add3A_267 = vector.broadcast %add3A_266 : i32 to vector<16xi32>
      %add3A_268 = arith.addi %mul3A_260, %add3A_267 : vector<16xi32>
      %gather3A_269 = tpu.vector_load_idx %arg13[%add3A_244, %add3A_268] : memref<128x128xf32, #tpu.memory_space<vmem>>[vector<16xi32>, vector<16xi32>], vector<16xf32>,
      %add3A_270 = arith.addf %gather3A_265, %gather3A_269 : vector<16xf32>
      %ge3A_271 = arith.constant 0.000000e+00 : f32
      %ge3A_272 = vector.broadcast %ge3A_271 : f32 to vector<16xf32>
      %ge3A_273 = arith.cmpf oge, %add3A_270, %ge3A_272 : vector<16xf32>
      %mul3A_274 = arith.constant 2.000000e-01 : f32
      %mul3A_275 = vector.broadcast %mul3A_274 : f32 to vector<16xf32>
      %mul3A_276 = arith.mulf %mul3A_275, %add3A_270 : vector<16xf32>
      %select_n3A_277 = arith.select %ge3A_273, %add3A_270, %mul3A_276 : vector<16xi1>, vector<16xf32>
      %add3A_278 = arith.addf %gather3A_22, %gather3A_269 : vector<16xf32>
      %ge3A_279 = arith.constant 0.000000e+00 : f32
      %ge3A_280 = vector.broadcast %ge3A_279 : f32 to vector<16xf32>
      %ge3A_281 = arith.cmpf oge, %add3A_278, %ge3A_280 : vector<16xf32>
      %mul3A_282 = arith.constant 2.000000e-01 : f32
      %mul3A_283 = vector.broadcast %mul3A_282 : f32 to vector<16xf32>
      %mul3A_284 = arith.mulf %mul3A_283, %add3A_278 : vector<16xf32>
      %select_n3A_285 = arith.select %ge3A_281, %add3A_278, %mul3A_284 : vector<16xi1>, vector<16xf32>
      %sub3A_286 = arith.subf %select_n3A_277, %select_n3A_285 : vector<16xf32>
      %exp3A_287 = math.exp %sub3A_286 : vector<16xf32>
      %mul3A_288 = arith.mulf %exp3A_287, %gather3A_261 : vector<16xf32>
      tpu.vector_store_idx %arg14[%add3A_244, %mul3A_260], %mul3A_288 : memref<128x128xf32, #tpu.memory_space<vmem>>[vector<16xi32>, vector<16xi32>], vector<16xf32>,
      %add3A_289 = arith.constant 1 : i32
      %add3A_290 = vector.broadcast %add3A_289 : i32 to vector<16xi32>
      %add3A_291 = arith.addi %mul3A_260, %add3A_290 : vector<16xi32>
      tpu.vector_store_idx %arg14[%add3A_244, %add3A_291], %exp3A_287 : memref<128x128xf32, #tpu.memory_space<vmem>>[vector<16xi32>, vector<16xi32>], vector<16xf32>,
      %add3A_292 = arith.constant 32 : i32
      %add3A_293 = vector.broadcast %add3A_292 : i32 to vector<16xi32>
      %add3A_294 = arith.addi %iota3A, %add3A_293 : vector<16xi32>
      %get3A_295 = arith.constant 32 : index
      %get3A_296 = tpu.vector_load %arg8[%get3A_295] {strides = array<i32>} : memref<128xi32, #tpu.memory_space<vmem>>, vector<16xi32>,
      %and3A_297 = arith.constant 7 : i32
      %and3A_298 = vector.broadcast %and3A_297 : i32 to vector<16xi32>
      %and3A_299 = arith.andi %get3A_296, %and3A_298 : vector<16xi32>
      %mul3A_300 = arith.constant 16 : i32
      %mul3A_301 = vector.broadcast %mul3A_300 : i32 to vector<16xi32>
      %mul3A_302 = arith.muli %and3A_299, %mul3A_301 : vector<16xi32>
      %get3A_303 = arith.constant 32 : index
      %get3A_304 = tpu.vector_load %arg9[%get3A_303] {strides = array<i32>} : memref<128xi32, #tpu.memory_space<vmem>>, vector<16xi32>,
      %and3A_305 = arith.constant 7 : i32
      %and3A_306 = vector.broadcast %and3A_305 : i32 to vector<16xi32>
      %and3A_307 = arith.andi %get3A_304, %and3A_306 : vector<16xi32>
      %mul3A_308 = arith.constant 16 : i32
      %mul3A_309 = vector.broadcast %mul3A_308 : i32 to vector<16xi32>
      %mul3A_310 = arith.muli %and3A_307, %mul3A_309 : vector<16xi32>
      %gather3A_311 = tpu.vector_load_idx %arg12[%add3A_294, %mul3A_302] : memref<128x128xf32, #tpu.memory_space<vmem>>[vector<16xi32>, vector<16xi32>], vector<16xf32>,
      %add3A_312 = arith.constant 1 : i32
      %add3A_313 = vector.broadcast %add3A_312 : i32 to vector<16xi32>
      %add3A_314 = arith.addi %mul3A_302, %add3A_313 : vector<16xi32>
      %gather3A_315 = tpu.vector_load_idx %arg12[%add3A_294, %add3A_314] : memref<128x128xf32, #tpu.memory_space<vmem>>[vector<16xi32>, vector<16xi32>], vector<16xf32>,
      %add3A_316 = arith.constant 2 : i32
      %add3A_317 = vector.broadcast %add3A_316 : i32 to vector<16xi32>
      %add3A_318 = arith.addi %mul3A_310, %add3A_317 : vector<16xi32>
      %gather3A_319 = tpu.vector_load_idx %arg13[%add3A_294, %add3A_318] : memref<128x128xf32, #tpu.memory_space<vmem>>[vector<16xi32>, vector<16xi32>], vector<16xf32>,
      %add3A_320 = arith.addf %gather3A_315, %gather3A_319 : vector<16xf32>
      %ge3A_321 = arith.constant 0.000000e+00 : f32
      %ge3A_322 = vector.broadcast %ge3A_321 : f32 to vector<16xf32>
      %ge3A_323 = arith.cmpf oge, %add3A_320, %ge3A_322 : vector<16xf32>
      %mul3A_324 = arith.constant 2.000000e-01 : f32
      %mul3A_325 = vector.broadcast %mul3A_324 : f32 to vector<16xf32>
      %mul3A_326 = arith.mulf %mul3A_325, %add3A_320 : vector<16xf32>
      %select_n3A_327 = arith.select %ge3A_323, %add3A_320, %mul3A_326 : vector<16xi1>, vector<16xf32>
      %add3A_328 = arith.addf %gather3A_22, %gather3A_319 : vector<16xf32>
      %ge3A_329 = arith.constant 0.000000e+00 : f32
      %ge3A_330 = vector.broadcast %ge3A_329 : f32 to vector<16xf32>
      %ge3A_331 = arith.cmpf oge, %add3A_328, %ge3A_330 : vector<16xf32>
      %mul3A_332 = arith.constant 2.000000e-01 : f32
      %mul3A_333 = vector.broadcast %mul3A_332 : f32 to vector<16xf32>
      %mul3A_334 = arith.mulf %mul3A_333, %add3A_328 : vector<16xf32>
      %select_n3A_335 = arith.select %ge3A_331, %add3A_328, %mul3A_334 : vector<16xi1>, vector<16xf32>
      %sub3A_336 = arith.subf %select_n3A_327, %select_n3A_335 : vector<16xf32>
      %exp3A_337 = math.exp %sub3A_336 : vector<16xf32>
      %mul3A_338 = arith.mulf %exp3A_337, %gather3A_311 : vector<16xf32>
      tpu.vector_store_idx %arg14[%add3A_294, %mul3A_310], %mul3A_338 : memref<128x128xf32, #tpu.memory_space<vmem>>[vector<16xi32>, vector<16xi32>], vector<16xf32>,
      %add3A_339 = arith.constant 1 : i32
      %add3A_340 = vector.broadcast %add3A_339 : i32 to vector<16xi32>
      %add3A_341 = arith.addi %mul3A_310, %add3A_340 : vector<16xi32>
      tpu.vector_store_idx %arg14[%add3A_294, %add3A_341], %exp3A_337 : memref<128x128xf32, #tpu.memory_space<vmem>>[vector<16xi32>, vector<16xi32>], vector<16xf32>,
      %add3A_342 = arith.constant 48 : i32
      %add3A_343 = vector.broadcast %add3A_342 : i32 to vector<16xi32>
      %add3A_344 = arith.addi %iota3A, %add3A_343 : vector<16xi32>
      %get3A_345 = arith.constant 48 : index
      %get3A_346 = tpu.vector_load %arg8[%get3A_345] {strides = array<i32>} : memref<128xi32, #tpu.memory_space<vmem>>, vector<16xi32>,
      %and3A_347 = arith.constant 7 : i32
      %and3A_348 = vector.broadcast %and3A_347 : i32 to vector<16xi32>
      %and3A_349 = arith.andi %get3A_346, %and3A_348 : vector<16xi32>
      %mul3A_350 = arith.constant 16 : i32
      %mul3A_351 = vector.broadcast %mul3A_350 : i32 to vector<16xi32>
      %mul3A_352 = arith.muli %and3A_349, %mul3A_351 : vector<16xi32>
      %get3A_353 = arith.constant 48 : index
      %get3A_354 = tpu.vector_load %arg9[%get3A_353] {strides = array<i32>} : memref<128xi32, #tpu.memory_space<vmem>>, vector<16xi32>,
      %and3A_355 = arith.constant 7 : i32
      %and3A_356 = vector.broadcast %and3A_355 : i32 to vector<16xi32>
      %and3A_357 = arith.andi %get3A_354, %and3A_356 : vector<16xi32>
      %mul3A_358 = arith.constant 16 : i32
      %mul3A_359 = vector.broadcast %mul3A_358 : i32 to vector<16xi32>
      %mul3A_360 = arith.muli %and3A_357, %mul3A_359 : vector<16xi32>
      %gather3A_361 = tpu.vector_load_idx %arg12[%add3A_344, %mul3A_352] : memref<128x128xf32, #tpu.memory_space<vmem>>[vector<16xi32>, vector<16xi32>], vector<16xf32>,
      %add3A_362 = arith.constant 1 : i32
      %add3A_363 = vector.broadcast %add3A_362 : i32 to vector<16xi32>
      %add3A_364 = arith.addi %mul3A_352, %add3A_363 : vector<16xi32>
      %gather3A_365 = tpu.vector_load_idx %arg12[%add3A_344, %add3A_364] : memref<128x128xf32, #tpu.memory_space<vmem>>[vector<16xi32>, vector<16xi32>], vector<16xf32>,
      %add3A_366 = arith.constant 2 : i32
      %add3A_367 = vector.broadcast %add3A_366 : i32 to vector<16xi32>
      %add3A_368 = arith.addi %mul3A_360, %add3A_367 : vector<16xi32>
      %gather3A_369 = tpu.vector_load_idx %arg13[%add3A_344, %add3A_368] : memref<128x128xf32, #tpu.memory_space<vmem>>[vector<16xi32>, vector<16xi32>], vector<16xf32>,
      %add3A_370 = arith.addf %gather3A_365, %gather3A_369 : vector<16xf32>
      %ge3A_371 = arith.constant 0.000000e+00 : f32
      %ge3A_372 = vector.broadcast %ge3A_371 : f32 to vector<16xf32>
      %ge3A_373 = arith.cmpf oge, %add3A_370, %ge3A_372 : vector<16xf32>
      %mul3A_374 = arith.constant 2.000000e-01 : f32
      %mul3A_375 = vector.broadcast %mul3A_374 : f32 to vector<16xf32>
      %mul3A_376 = arith.mulf %mul3A_375, %add3A_370 : vector<16xf32>
      %select_n3A_377 = arith.select %ge3A_373, %add3A_370, %mul3A_376 : vector<16xi1>, vector<16xf32>
      %add3A_378 = arith.addf %gather3A_22, %gather3A_369 : vector<16xf32>
      %ge3A_379 = arith.constant 0.000000e+00 : f32
      %ge3A_380 = vector.broadcast %ge3A_379 : f32 to vector<16xf32>
      %ge3A_381 = arith.cmpf oge, %add3A_378, %ge3A_380 : vector<16xf32>
      %mul3A_382 = arith.constant 2.000000e-01 : f32
      %mul3A_383 = vector.broadcast %mul3A_382 : f32 to vector<16xf32>
      %mul3A_384 = arith.mulf %mul3A_383, %add3A_378 : vector<16xf32>
      %select_n3A_385 = arith.select %ge3A_381, %add3A_378, %mul3A_384 : vector<16xi1>, vector<16xf32>
      %sub3A_386 = arith.subf %select_n3A_377, %select_n3A_385 : vector<16xf32>
      %exp3A_387 = math.exp %sub3A_386 : vector<16xf32>
      %mul3A_388 = arith.mulf %exp3A_387, %gather3A_361 : vector<16xf32>
      tpu.vector_store_idx %arg14[%add3A_344, %mul3A_360], %mul3A_388 : memref<128x128xf32, #tpu.memory_space<vmem>>[vector<16xi32>, vector<16xi32>], vector<16xf32>,
      %add3A_389 = arith.constant 1 : i32
      %add3A_390 = vector.broadcast %add3A_389 : i32 to vector<16xi32>
      %add3A_391 = arith.addi %mul3A_360, %add3A_390 : vector<16xi32>
      tpu.vector_store_idx %arg14[%add3A_344, %add3A_391], %exp3A_387 : memref<128x128xf32, #tpu.memory_space<vmem>>[vector<16xi32>, vector<16xi32>], vector<16xf32>,
      %add3A_392 = arith.constant 64 : i32
      %add3A_393 = vector.broadcast %add3A_392 : i32 to vector<16xi32>
      %add3A_394 = arith.addi %iota3A, %add3A_393 : vector<16xi32>
      %get3A_395 = arith.constant 64 : index
      %get3A_396 = tpu.vector_load %arg8[%get3A_395] {strides = array<i32>} : memref<128xi32, #tpu.memory_space<vmem>>, vector<16xi32>,
      %and3A_397 = arith.constant 7 : i32
      %and3A_398 = vector.broadcast %and3A_397 : i32 to vector<16xi32>
      %and3A_399 = arith.andi %get3A_396, %and3A_398 : vector<16xi32>
      %mul3A_400 = arith.constant 16 : i32
      %mul3A_401 = vector.broadcast %mul3A_400 : i32 to vector<16xi32>
      %mul3A_402 = arith.muli %and3A_399, %mul3A_401 : vector<16xi32>
      %get3A_403 = arith.constant 64 : index
      %get3A_404 = tpu.vector_load %arg9[%get3A_403] {strides = array<i32>} : memref<128xi32, #tpu.memory_space<vmem>>, vector<16xi32>,
      %and3A_405 = arith.constant 7 : i32
      %and3A_406 = vector.broadcast %and3A_405 : i32 to vector<16xi32>
      %and3A_407 = arith.andi %get3A_404, %and3A_406 : vector<16xi32>
      %mul3A_408 = arith.constant 16 : i32
      %mul3A_409 = vector.broadcast %mul3A_408 : i32 to vector<16xi32>
      %mul3A_410 = arith.muli %and3A_407, %mul3A_409 : vector<16xi32>
      %gather3A_411 = tpu.vector_load_idx %arg12[%add3A_394, %mul3A_402] : memref<128x128xf32, #tpu.memory_space<vmem>>[vector<16xi32>, vector<16xi32>], vector<16xf32>,
      %add3A_412 = arith.constant 1 : i32
      %add3A_413 = vector.broadcast %add3A_412 : i32 to vector<16xi32>
      %add3A_414 = arith.addi %mul3A_402, %add3A_413 : vector<16xi32>
      %gather3A_415 = tpu.vector_load_idx %arg12[%add3A_394, %add3A_414] : memref<128x128xf32, #tpu.memory_space<vmem>>[vector<16xi32>, vector<16xi32>], vector<16xf32>,
      %add3A_416 = arith.constant 2 : i32
      %add3A_417 = vector.broadcast %add3A_416 : i32 to vector<16xi32>
      %add3A_418 = arith.addi %mul3A_410, %add3A_417 : vector<16xi32>
      %gather3A_419 = tpu.vector_load_idx %arg13[%add3A_394, %add3A_418] : memref<128x128xf32, #tpu.memory_space<vmem>>[vector<16xi32>, vector<16xi32>], vector<16xf32>,
      %add3A_420 = arith.addf %gather3A_415, %gather3A_419 : vector<16xf32>
      %ge3A_421 = arith.constant 0.000000e+00 : f32
      %ge3A_422 = vector.broadcast %ge3A_421 : f32 to vector<16xf32>
      %ge3A_423 = arith.cmpf oge, %add3A_420, %ge3A_422 : vector<16xf32>
      %mul3A_424 = arith.constant 2.000000e-01 : f32
      %mul3A_425 = vector.broadcast %mul3A_424 : f32 to vector<16xf32>
      %mul3A_426 = arith.mulf %mul3A_425, %add3A_420 : vector<16xf32>
      %select_n3A_427 = arith.select %ge3A_423, %add3A_420, %mul3A_426 : vector<16xi1>, vector<16xf32>
      %add3A_428 = arith.addf %gather3A_22, %gather3A_419 : vector<16xf32>
      %ge3A_429 = arith.constant 0.000000e+00 : f32
      %ge3A_430 = vector.broadcast %ge3A_429 : f32 to vector<16xf32>
      %ge3A_431 = arith.cmpf oge, %add3A_428, %ge3A_430 : vector<16xf32>
      %mul3A_432 = arith.constant 2.000000e-01 : f32
      %mul3A_433 = vector.broadcast %mul3A_432 : f32 to vector<16xf32>
      %mul3A_434 = arith.mulf %mul3A_433, %add3A_428 : vector<16xf32>
      %select_n3A_435 = arith.select %ge3A_431, %add3A_428, %mul3A_434 : vector<16xi1>, vector<16xf32>
      %sub3A_436 = arith.subf %select_n3A_427, %select_n3A_435 : vector<16xf32>
      %exp3A_437 = math.exp %sub3A_436 : vector<16xf32>
      %mul3A_438 = arith.mulf %exp3A_437, %gather3A_411 : vector<16xf32>
      tpu.vector_store_idx %arg14[%add3A_394, %mul3A_410], %mul3A_438 : memref<128x128xf32, #tpu.memory_space<vmem>>[vector<16xi32>, vector<16xi32>], vector<16xf32>,
      %add3A_439 = arith.constant 1 : i32
      %add3A_440 = vector.broadcast %add3A_439 : i32 to vector<16xi32>
      %add3A_441 = arith.addi %mul3A_410, %add3A_440 : vector<16xi32>
      tpu.vector_store_idx %arg14[%add3A_394, %add3A_441], %exp3A_437 : memref<128x128xf32, #tpu.memory_space<vmem>>[vector<16xi32>, vector<16xi32>], vector<16xf32>,
      %add3A_442 = arith.constant 80 : i32
      %add3A_443 = vector.broadcast %add3A_442 : i32 to vector<16xi32>
      %add3A_444 = arith.addi %iota3A, %add3A_443 : vector<16xi32>
      %get3A_445 = arith.constant 80 : index
      %get3A_446 = tpu.vector_load %arg8[%get3A_445] {strides = array<i32>} : memref<128xi32, #tpu.memory_space<vmem>>, vector<16xi32>,
      %and3A_447 = arith.constant 7 : i32
      %and3A_448 = vector.broadcast %and3A_447 : i32 to vector<16xi32>
      %and3A_449 = arith.andi %get3A_446, %and3A_448 : vector<16xi32>
      %mul3A_450 = arith.constant 16 : i32
      %mul3A_451 = vector.broadcast %mul3A_450 : i32 to vector<16xi32>
      %mul3A_452 = arith.muli %and3A_449, %mul3A_451 : vector<16xi32>
      %get3A_453 = arith.constant 80 : index
      %get3A_454 = tpu.vector_load %arg9[%get3A_453] {strides = array<i32>} : memref<128xi32, #tpu.memory_space<vmem>>, vector<16xi32>,
      %and3A_455 = arith.constant 7 : i32
      %and3A_456 = vector.broadcast %and3A_455 : i32 to vector<16xi32>
      %and3A_457 = arith.andi %get3A_454, %and3A_456 : vector<16xi32>
      %mul3A_458 = arith.constant 16 : i32
      %mul3A_459 = vector.broadcast %mul3A_458 : i32 to vector<16xi32>
      %mul3A_460 = arith.muli %and3A_457, %mul3A_459 : vector<16xi32>
      %gather3A_461 = tpu.vector_load_idx %arg12[%add3A_444, %mul3A_452] : memref<128x128xf32, #tpu.memory_space<vmem>>[vector<16xi32>, vector<16xi32>], vector<16xf32>,
      %add3A_462 = arith.constant 1 : i32
      %add3A_463 = vector.broadcast %add3A_462 : i32 to vector<16xi32>
      %add3A_464 = arith.addi %mul3A_452, %add3A_463 : vector<16xi32>
      %gather3A_465 = tpu.vector_load_idx %arg12[%add3A_444, %add3A_464] : memref<128x128xf32, #tpu.memory_space<vmem>>[vector<16xi32>, vector<16xi32>], vector<16xf32>,
      %add3A_466 = arith.constant 2 : i32
      %add3A_467 = vector.broadcast %add3A_466 : i32 to vector<16xi32>
      %add3A_468 = arith.addi %mul3A_460, %add3A_467 : vector<16xi32>
      %gather3A_469 = tpu.vector_load_idx %arg13[%add3A_444, %add3A_468] : memref<128x128xf32, #tpu.memory_space<vmem>>[vector<16xi32>, vector<16xi32>], vector<16xf32>,
      %add3A_470 = arith.addf %gather3A_465, %gather3A_469 : vector<16xf32>
      %ge3A_471 = arith.constant 0.000000e+00 : f32
      %ge3A_472 = vector.broadcast %ge3A_471 : f32 to vector<16xf32>
      %ge3A_473 = arith.cmpf oge, %add3A_470, %ge3A_472 : vector<16xf32>
      %mul3A_474 = arith.constant 2.000000e-01 : f32
      %mul3A_475 = vector.broadcast %mul3A_474 : f32 to vector<16xf32>
      %mul3A_476 = arith.mulf %mul3A_475, %add3A_470 : vector<16xf32>
      %select_n3A_477 = arith.select %ge3A_473, %add3A_470, %mul3A_476 : vector<16xi1>, vector<16xf32>
      %add3A_478 = arith.addf %gather3A_22, %gather3A_469 : vector<16xf32>
      %ge3A_479 = arith.constant 0.000000e+00 : f32
      %ge3A_480 = vector.broadcast %ge3A_479 : f32 to vector<16xf32>
      %ge3A_481 = arith.cmpf oge, %add3A_478, %ge3A_480 : vector<16xf32>
      %mul3A_482 = arith.constant 2.000000e-01 : f32
      %mul3A_483 = vector.broadcast %mul3A_482 : f32 to vector<16xf32>
      %mul3A_484 = arith.mulf %mul3A_483, %add3A_478 : vector<16xf32>
      %select_n3A_485 = arith.select %ge3A_481, %add3A_478, %mul3A_484 : vector<16xi1>, vector<16xf32>
      %sub3A_486 = arith.subf %select_n3A_477, %select_n3A_485 : vector<16xf32>
      %exp3A_487 = math.exp %sub3A_486 : vector<16xf32>
      %mul3A_488 = arith.mulf %exp3A_487, %gather3A_461 : vector<16xf32>
      tpu.vector_store_idx %arg14[%add3A_444, %mul3A_460], %mul3A_488 : memref<128x128xf32, #tpu.memory_space<vmem>>[vector<16xi32>, vector<16xi32>], vector<16xf32>,
      %add3A_489 = arith.constant 1 : i32
      %add3A_490 = vector.broadcast %add3A_489 : i32 to vector<16xi32>
      %add3A_491 = arith.addi %mul3A_460, %add3A_490 : vector<16xi32>
      tpu.vector_store_idx %arg14[%add3A_444, %add3A_491], %exp3A_487 : memref<128x128xf32, #tpu.memory_space<vmem>>[vector<16xi32>, vector<16xi32>], vector<16xf32>,
      %add3A_492 = arith.constant 96 : i32
      %add3A_493 = vector.broadcast %add3A_492 : i32 to vector<16xi32>
      %add3A_494 = arith.addi %iota3A, %add3A_493 : vector<16xi32>
      %get3A_495 = arith.constant 96 : index
      %get3A_496 = tpu.vector_load %arg8[%get3A_495] {strides = array<i32>} : memref<128xi32, #tpu.memory_space<vmem>>, vector<16xi32>,
      %and3A_497 = arith.constant 7 : i32
      %and3A_498 = vector.broadcast %and3A_497 : i32 to vector<16xi32>
      %and3A_499 = arith.andi %get3A_496, %and3A_498 : vector<16xi32>
      %mul3A_500 = arith.constant 16 : i32
      %mul3A_501 = vector.broadcast %mul3A_500 : i32 to vector<16xi32>
      %mul3A_502 = arith.muli %and3A_499, %mul3A_501 : vector<16xi32>
      %get3A_503 = arith.constant 96 : index
      %get3A_504 = tpu.vector_load %arg9[%get3A_503] {strides = array<i32>} : memref<128xi32, #tpu.memory_space<vmem>>, vector<16xi32>,
      %and3A_505 = arith.constant 7 : i32
      %and3A_506 = vector.broadcast %and3A_505 : i32 to vector<16xi32>
      %and3A_507 = arith.andi %get3A_504, %and3A_506 : vector<16xi32>
      %mul3A_508 = arith.constant 16 : i32
      %mul3A_509 = vector.broadcast %mul3A_508 : i32 to vector<16xi32>
      %mul3A_510 = arith.muli %and3A_507, %mul3A_509 : vector<16xi32>
      %gather3A_511 = tpu.vector_load_idx %arg12[%add3A_494, %mul3A_502] : memref<128x128xf32, #tpu.memory_space<vmem>>[vector<16xi32>, vector<16xi32>], vector<16xf32>,
      %add3A_512 = arith.constant 1 : i32
      %add3A_513 = vector.broadcast %add3A_512 : i32 to vector<16xi32>
      %add3A_514 = arith.addi %mul3A_502, %add3A_513 : vector<16xi32>
      %gather3A_515 = tpu.vector_load_idx %arg12[%add3A_494, %add3A_514] : memref<128x128xf32, #tpu.memory_space<vmem>>[vector<16xi32>, vector<16xi32>], vector<16xf32>,
      %add3A_516 = arith.constant 2 : i32
      %add3A_517 = vector.broadcast %add3A_516 : i32 to vector<16xi32>
      %add3A_518 = arith.addi %mul3A_510, %add3A_517 : vector<16xi32>
      %gather3A_519 = tpu.vector_load_idx %arg13[%add3A_494, %add3A_518] : memref<128x128xf32, #tpu.memory_space<vmem>>[vector<16xi32>, vector<16xi32>], vector<16xf32>,
      %add3A_520 = arith.addf %gather3A_515, %gather3A_519 : vector<16xf32>
      %ge3A_521 = arith.constant 0.000000e+00 : f32
      %ge3A_522 = vector.broadcast %ge3A_521 : f32 to vector<16xf32>
      %ge3A_523 = arith.cmpf oge, %add3A_520, %ge3A_522 : vector<16xf32>
      %mul3A_524 = arith.constant 2.000000e-01 : f32
      %mul3A_525 = vector.broadcast %mul3A_524 : f32 to vector<16xf32>
      %mul3A_526 = arith.mulf %mul3A_525, %add3A_520 : vector<16xf32>
      %select_n3A_527 = arith.select %ge3A_523, %add3A_520, %mul3A_526 : vector<16xi1>, vector<16xf32>
      %add3A_528 = arith.addf %gather3A_22, %gather3A_519 : vector<16xf32>
      %ge3A_529 = arith.constant 0.000000e+00 : f32
      %ge3A_530 = vector.broadcast %ge3A_529 : f32 to vector<16xf32>
      %ge3A_531 = arith.cmpf oge, %add3A_528, %ge3A_530 : vector<16xf32>
      %mul3A_532 = arith.constant 2.000000e-01 : f32
      %mul3A_533 = vector.broadcast %mul3A_532 : f32 to vector<16xf32>
      %mul3A_534 = arith.mulf %mul3A_533, %add3A_528 : vector<16xf32>
      %select_n3A_535 = arith.select %ge3A_531, %add3A_528, %mul3A_534 : vector<16xi1>, vector<16xf32>
      %sub3A_536 = arith.subf %select_n3A_527, %select_n3A_535 : vector<16xf32>
      %exp3A_537 = math.exp %sub3A_536 : vector<16xf32>
      %mul3A_538 = arith.mulf %exp3A_537, %gather3A_511 : vector<16xf32>
      tpu.vector_store_idx %arg14[%add3A_494, %mul3A_510], %mul3A_538 : memref<128x128xf32, #tpu.memory_space<vmem>>[vector<16xi32>, vector<16xi32>], vector<16xf32>,
      %add3A_539 = arith.constant 1 : i32
      %add3A_540 = vector.broadcast %add3A_539 : i32 to vector<16xi32>
      %add3A_541 = arith.addi %mul3A_510, %add3A_540 : vector<16xi32>
      tpu.vector_store_idx %arg14[%add3A_494, %add3A_541], %exp3A_537 : memref<128x128xf32, #tpu.memory_space<vmem>>[vector<16xi32>, vector<16xi32>], vector<16xf32>,
      %add3A_542 = arith.constant 112 : i32
      %add3A_543 = vector.broadcast %add3A_542 : i32 to vector<16xi32>
      %add3A_544 = arith.addi %iota3A, %add3A_543 : vector<16xi32>
      %get3A_545 = arith.constant 112 : index
      %get3A_546 = tpu.vector_load %arg8[%get3A_545] {strides = array<i32>} : memref<128xi32, #tpu.memory_space<vmem>>, vector<16xi32>,
      %and3A_547 = arith.constant 7 : i32
      %and3A_548 = vector.broadcast %and3A_547 : i32 to vector<16xi32>
      %and3A_549 = arith.andi %get3A_546, %and3A_548 : vector<16xi32>
      %mul3A_550 = arith.constant 16 : i32
      %mul3A_551 = vector.broadcast %mul3A_550 : i32 to vector<16xi32>
      %mul3A_552 = arith.muli %and3A_549, %mul3A_551 : vector<16xi32>
      %get3A_553 = arith.constant 112 : index
      %get3A_554 = tpu.vector_load %arg9[%get3A_553] {strides = array<i32>} : memref<128xi32, #tpu.memory_space<vmem>>, vector<16xi32>,
      %and3A_555 = arith.constant 7 : i32
      %and3A_556 = vector.broadcast %and3A_555 : i32 to vector<16xi32>
      %and3A_557 = arith.andi %get3A_554, %and3A_556 : vector<16xi32>
      %mul3A_558 = arith.constant 16 : i32
      %mul3A_559 = vector.broadcast %mul3A_558 : i32 to vector<16xi32>
      %mul3A_560 = arith.muli %and3A_557, %mul3A_559 : vector<16xi32>
      %gather3A_561 = tpu.vector_load_idx %arg12[%add3A_544, %mul3A_552] : memref<128x128xf32, #tpu.memory_space<vmem>>[vector<16xi32>, vector<16xi32>], vector<16xf32>,
      %add3A_562 = arith.constant 1 : i32
      %add3A_563 = vector.broadcast %add3A_562 : i32 to vector<16xi32>
      %add3A_564 = arith.addi %mul3A_552, %add3A_563 : vector<16xi32>
      %gather3A_565 = tpu.vector_load_idx %arg12[%add3A_544, %add3A_564] : memref<128x128xf32, #tpu.memory_space<vmem>>[vector<16xi32>, vector<16xi32>], vector<16xf32>,
      %add3A_566 = arith.constant 2 : i32
      %add3A_567 = vector.broadcast %add3A_566 : i32 to vector<16xi32>
      %add3A_568 = arith.addi %mul3A_560, %add3A_567 : vector<16xi32>
      %gather3A_569 = tpu.vector_load_idx %arg13[%add3A_544, %add3A_568] : memref<128x128xf32, #tpu.memory_space<vmem>>[vector<16xi32>, vector<16xi32>], vector<16xf32>,
      %add3A_570 = arith.addf %gather3A_565, %gather3A_569 : vector<16xf32>
      %ge3A_571 = arith.constant 0.000000e+00 : f32
      %ge3A_572 = vector.broadcast %ge3A_571 : f32 to vector<16xf32>
      %ge3A_573 = arith.cmpf oge, %add3A_570, %ge3A_572 : vector<16xf32>
      %mul3A_574 = arith.constant 2.000000e-01 : f32
      %mul3A_575 = vector.broadcast %mul3A_574 : f32 to vector<16xf32>
      %mul3A_576 = arith.mulf %mul3A_575, %add3A_570 : vector<16xf32>
      %select_n3A_577 = arith.select %ge3A_573, %add3A_570, %mul3A_576 : vector<16xi1>, vector<16xf32>
      %add3A_578 = arith.addf %gather3A_22, %gather3A_569 : vector<16xf32>
      %ge3A_579 = arith.constant 0.000000e+00 : f32
      %ge3A_580 = vector.broadcast %ge3A_579 : f32 to vector<16xf32>
      %ge3A_581 = arith.cmpf oge, %add3A_578, %ge3A_580 : vector<16xf32>
      %mul3A_582 = arith.constant 2.000000e-01 : f32
      %mul3A_583 = vector.broadcast %mul3A_582 : f32 to vector<16xf32>
      %mul3A_584 = arith.mulf %mul3A_583, %add3A_578 : vector<16xf32>
      %select_n3A_585 = arith.select %ge3A_581, %add3A_578, %mul3A_584 : vector<16xi1>, vector<16xf32>
      %sub3A_586 = arith.subf %select_n3A_577, %select_n3A_585 : vector<16xf32>
      %exp3A_587 = math.exp %sub3A_586 : vector<16xf32>
      %mul3A_588 = arith.mulf %exp3A_587, %gather3A_561 : vector<16xf32>
      tpu.vector_store_idx %arg14[%add3A_544, %mul3A_560], %mul3A_588 : memref<128x128xf32, #tpu.memory_space<vmem>>[vector<16xi32>, vector<16xi32>], vector<16xf32>,
      %add3A_589 = arith.constant 1 : i32
      %add3A_590 = vector.broadcast %add3A_589 : i32 to vector<16xi32>
      %add3A_591 = arith.addi %mul3A_560, %add3A_590 : vector<16xi32>
      tpu.vector_store_idx %arg14[%add3A_544, %add3A_591], %exp3A_587 : memref<128x128xf32, #tpu.memory_space<vmem>>[vector<16xi32>, vector<16xi32>], vector<16xf32>,
      "tpu.region"() ({
        %run_scoped3A = tpu.sem_alloc : memref<!tpu.dma_semaphore, #tpu.memory_space<semaphore_mem>>
        %dma_start3A_705 = arith.constant 0 : i32
        %dma_start3A_706 = arith.constant 0 : i32
        %dma_start3A_707 = tpu.memref_slice %arg7[%dma_start3A_705, %dma_start3A_706] : memref<1280x128xf32, #tpu.memory_space<vmem_shared>> -> memref<1280x128xf32, #tpu.memory_space<vmem_shared>>
        tpu.enqueue_indirect_dma source(%arg14 : memref<128x128xf32, #tpu.memory_space<vmem>>) target(%dma_start3A_707 : memref<1280x128xf32, #tpu.memory_space<vmem_shared>>) offsets(%arg11 : memref<128xi32, #tpu.memory_space<vmem>>) semaphore(%run_scoped3A : memref<!tpu.dma_semaphore, #tpu.memory_space<semaphore_mem>>) {add = true}
        %dma_wait3A_708 = arith.constant 0 : i32
        %dma_wait3A_709 = arith.constant 0 : i32
        %dma_wait3A_710 = tpu.memref_slice %arg7[%dma_wait3A_708, %dma_wait3A_709] : memref<1280x128xf32, #tpu.memory_space<vmem_shared>> -> memref<1280x128xf32, #tpu.memory_space<vmem_shared>>
        tpu.wait_indirect_dma semaphore(%run_scoped3A : memref<!tpu.dma_semaphore, #tpu.memory_space<semaphore_mem>>) src(%arg14 : memref<128x128xf32, #tpu.memory_space<vmem>>) dst(%dma_wait3A_710 : memref<1280x128xf32, #tpu.memory_space<vmem_shared>>)
        tpu.yield
      }) : () -> ()
      %add3A_592 = arith.constant 0 : i32
      %add3A_593 = vector.broadcast %add3A_592 : i32 to vector<16xi32>
      %add3A_594 = arith.addi %iota3A, %add3A_593 : vector<16xi32>
      %get3A_595 = arith.constant 0 : index
      %get3A_596 = tpu.vector_load %arg9[%get3A_595] {strides = array<i32>} : memref<128xi32, #tpu.memory_space<vmem>>, vector<16xi32>,
      %and3A_597 = arith.constant 7 : i32
      %and3A_598 = vector.broadcast %and3A_597 : i32 to vector<16xi32>
      %and3A_599 = arith.andi %get3A_596, %and3A_598 : vector<16xi32>
      %mul3A_600 = arith.constant 16 : i32
      %mul3A_601 = vector.broadcast %mul3A_600 : i32 to vector<16xi32>
      %mul3A_602 = arith.muli %and3A_599, %mul3A_601 : vector<16xi32>
      tpu.vector_store_idx %arg14[%add3A_594, %mul3A_602], %broadcast_in_dim3A_0 : memref<128x128xf32, #tpu.memory_space<vmem>>[vector<16xi32>, vector<16xi32>], vector<16xf32>,
      %add3A_603 = arith.constant 1 : i32
      %add3A_604 = vector.broadcast %add3A_603 : i32 to vector<16xi32>
      %add3A_605 = arith.addi %mul3A_602, %add3A_604 : vector<16xi32>
      tpu.vector_store_idx %arg14[%add3A_594, %add3A_605], %broadcast_in_dim3A_0 : memref<128x128xf32, #tpu.memory_space<vmem>>[vector<16xi32>, vector<16xi32>], vector<16xf32>,
      %add3A_606 = arith.constant 16 : i32
      %add3A_607 = vector.broadcast %add3A_606 : i32 to vector<16xi32>
      %add3A_608 = arith.addi %iota3A, %add3A_607 : vector<16xi32>
      %get3A_609 = arith.constant 16 : index
      %get3A_610 = tpu.vector_load %arg9[%get3A_609] {strides = array<i32>} : memref<128xi32, #tpu.memory_space<vmem>>, vector<16xi32>,
      %and3A_611 = arith.constant 7 : i32
      %and3A_612 = vector.broadcast %and3A_611 : i32 to vector<16xi32>
      %and3A_613 = arith.andi %get3A_610, %and3A_612 : vector<16xi32>
      %mul3A_614 = arith.constant 16 : i32
      %mul3A_615 = vector.broadcast %mul3A_614 : i32 to vector<16xi32>
      %mul3A_616 = arith.muli %and3A_613, %mul3A_615 : vector<16xi32>
      tpu.vector_store_idx %arg14[%add3A_608, %mul3A_616], %broadcast_in_dim3A_0 : memref<128x128xf32, #tpu.memory_space<vmem>>[vector<16xi32>, vector<16xi32>], vector<16xf32>,
      %add3A_617 = arith.constant 1 : i32
      %add3A_618 = vector.broadcast %add3A_617 : i32 to vector<16xi32>
      %add3A_619 = arith.addi %mul3A_616, %add3A_618 : vector<16xi32>
      tpu.vector_store_idx %arg14[%add3A_608, %add3A_619], %broadcast_in_dim3A_0 : memref<128x128xf32, #tpu.memory_space<vmem>>[vector<16xi32>, vector<16xi32>], vector<16xf32>,
      %add3A_620 = arith.constant 32 : i32
      %add3A_621 = vector.broadcast %add3A_620 : i32 to vector<16xi32>
      %add3A_622 = arith.addi %iota3A, %add3A_621 : vector<16xi32>
      %get3A_623 = arith.constant 32 : index
      %get3A_624 = tpu.vector_load %arg9[%get3A_623] {strides = array<i32>} : memref<128xi32, #tpu.memory_space<vmem>>, vector<16xi32>,
      %and3A_625 = arith.constant 7 : i32
      %and3A_626 = vector.broadcast %and3A_625 : i32 to vector<16xi32>
      %and3A_627 = arith.andi %get3A_624, %and3A_626 : vector<16xi32>
      %mul3A_628 = arith.constant 16 : i32
      %mul3A_629 = vector.broadcast %mul3A_628 : i32 to vector<16xi32>
      %mul3A_630 = arith.muli %and3A_627, %mul3A_629 : vector<16xi32>
      tpu.vector_store_idx %arg14[%add3A_622, %mul3A_630], %broadcast_in_dim3A_0 : memref<128x128xf32, #tpu.memory_space<vmem>>[vector<16xi32>, vector<16xi32>], vector<16xf32>,
      %add3A_631 = arith.constant 1 : i32
      %add3A_632 = vector.broadcast %add3A_631 : i32 to vector<16xi32>
      %add3A_633 = arith.addi %mul3A_630, %add3A_632 : vector<16xi32>
      tpu.vector_store_idx %arg14[%add3A_622, %add3A_633], %broadcast_in_dim3A_0 : memref<128x128xf32, #tpu.memory_space<vmem>>[vector<16xi32>, vector<16xi32>], vector<16xf32>,
      %add3A_634 = arith.constant 48 : i32
      %add3A_635 = vector.broadcast %add3A_634 : i32 to vector<16xi32>
      %add3A_636 = arith.addi %iota3A, %add3A_635 : vector<16xi32>
      %get3A_637 = arith.constant 48 : index
      %get3A_638 = tpu.vector_load %arg9[%get3A_637] {strides = array<i32>} : memref<128xi32, #tpu.memory_space<vmem>>, vector<16xi32>,
      %and3A_639 = arith.constant 7 : i32
      %and3A_640 = vector.broadcast %and3A_639 : i32 to vector<16xi32>
      %and3A_641 = arith.andi %get3A_638, %and3A_640 : vector<16xi32>
      %mul3A_642 = arith.constant 16 : i32
      %mul3A_643 = vector.broadcast %mul3A_642 : i32 to vector<16xi32>
      %mul3A_644 = arith.muli %and3A_641, %mul3A_643 : vector<16xi32>
      tpu.vector_store_idx %arg14[%add3A_636, %mul3A_644], %broadcast_in_dim3A_0 : memref<128x128xf32, #tpu.memory_space<vmem>>[vector<16xi32>, vector<16xi32>], vector<16xf32>,
      %add3A_645 = arith.constant 1 : i32
      %add3A_646 = vector.broadcast %add3A_645 : i32 to vector<16xi32>
      %add3A_647 = arith.addi %mul3A_644, %add3A_646 : vector<16xi32>
      tpu.vector_store_idx %arg14[%add3A_636, %add3A_647], %broadcast_in_dim3A_0 : memref<128x128xf32, #tpu.memory_space<vmem>>[vector<16xi32>, vector<16xi32>], vector<16xf32>,
      %add3A_648 = arith.constant 64 : i32
      %add3A_649 = vector.broadcast %add3A_648 : i32 to vector<16xi32>
      %add3A_650 = arith.addi %iota3A, %add3A_649 : vector<16xi32>
      %get3A_651 = arith.constant 64 : index
      %get3A_652 = tpu.vector_load %arg9[%get3A_651] {strides = array<i32>} : memref<128xi32, #tpu.memory_space<vmem>>, vector<16xi32>,
      %and3A_653 = arith.constant 7 : i32
      %and3A_654 = vector.broadcast %and3A_653 : i32 to vector<16xi32>
      %and3A_655 = arith.andi %get3A_652, %and3A_654 : vector<16xi32>
      %mul3A_656 = arith.constant 16 : i32
      %mul3A_657 = vector.broadcast %mul3A_656 : i32 to vector<16xi32>
      %mul3A_658 = arith.muli %and3A_655, %mul3A_657 : vector<16xi32>
      tpu.vector_store_idx %arg14[%add3A_650, %mul3A_658], %broadcast_in_dim3A_0 : memref<128x128xf32, #tpu.memory_space<vmem>>[vector<16xi32>, vector<16xi32>], vector<16xf32>,
      %add3A_659 = arith.constant 1 : i32
      %add3A_660 = vector.broadcast %add3A_659 : i32 to vector<16xi32>
      %add3A_661 = arith.addi %mul3A_658, %add3A_660 : vector<16xi32>
      tpu.vector_store_idx %arg14[%add3A_650, %add3A_661], %broadcast_in_dim3A_0 : memref<128x128xf32, #tpu.memory_space<vmem>>[vector<16xi32>, vector<16xi32>], vector<16xf32>,
      %add3A_662 = arith.constant 80 : i32
      %add3A_663 = vector.broadcast %add3A_662 : i32 to vector<16xi32>
      %add3A_664 = arith.addi %iota3A, %add3A_663 : vector<16xi32>
      %get3A_665 = arith.constant 80 : index
      %get3A_666 = tpu.vector_load %arg9[%get3A_665] {strides = array<i32>} : memref<128xi32, #tpu.memory_space<vmem>>, vector<16xi32>,
      %and3A_667 = arith.constant 7 : i32
      %and3A_668 = vector.broadcast %and3A_667 : i32 to vector<16xi32>
      %and3A_669 = arith.andi %get3A_666, %and3A_668 : vector<16xi32>
      %mul3A_670 = arith.constant 16 : i32
      %mul3A_671 = vector.broadcast %mul3A_670 : i32 to vector<16xi32>
      %mul3A_672 = arith.muli %and3A_669, %mul3A_671 : vector<16xi32>
      tpu.vector_store_idx %arg14[%add3A_664, %mul3A_672], %broadcast_in_dim3A_0 : memref<128x128xf32, #tpu.memory_space<vmem>>[vector<16xi32>, vector<16xi32>], vector<16xf32>,
      %add3A_673 = arith.constant 1 : i32
      %add3A_674 = vector.broadcast %add3A_673 : i32 to vector<16xi32>
      %add3A_675 = arith.addi %mul3A_672, %add3A_674 : vector<16xi32>
      tpu.vector_store_idx %arg14[%add3A_664, %add3A_675], %broadcast_in_dim3A_0 : memref<128x128xf32, #tpu.memory_space<vmem>>[vector<16xi32>, vector<16xi32>], vector<16xf32>,
      %add3A_676 = arith.constant 96 : i32
      %add3A_677 = vector.broadcast %add3A_676 : i32 to vector<16xi32>
      %add3A_678 = arith.addi %iota3A, %add3A_677 : vector<16xi32>
      %get3A_679 = arith.constant 96 : index
      %get3A_680 = tpu.vector_load %arg9[%get3A_679] {strides = array<i32>} : memref<128xi32, #tpu.memory_space<vmem>>, vector<16xi32>,
      %and3A_681 = arith.constant 7 : i32
      %and3A_682 = vector.broadcast %and3A_681 : i32 to vector<16xi32>
      %and3A_683 = arith.andi %get3A_680, %and3A_682 : vector<16xi32>
      %mul3A_684 = arith.constant 16 : i32
      %mul3A_685 = vector.broadcast %mul3A_684 : i32 to vector<16xi32>
      %mul3A_686 = arith.muli %and3A_683, %mul3A_685 : vector<16xi32>
      tpu.vector_store_idx %arg14[%add3A_678, %mul3A_686], %broadcast_in_dim3A_0 : memref<128x128xf32, #tpu.memory_space<vmem>>[vector<16xi32>, vector<16xi32>], vector<16xf32>,
      %add3A_687 = arith.constant 1 : i32
      %add3A_688 = vector.broadcast %add3A_687 : i32 to vector<16xi32>
      %add3A_689 = arith.addi %mul3A_686, %add3A_688 : vector<16xi32>
      tpu.vector_store_idx %arg14[%add3A_678, %add3A_689], %broadcast_in_dim3A_0 : memref<128x128xf32, #tpu.memory_space<vmem>>[vector<16xi32>, vector<16xi32>], vector<16xf32>,
      %add3A_690 = arith.constant 112 : i32
      %add3A_691 = vector.broadcast %add3A_690 : i32 to vector<16xi32>
      %add3A_692 = arith.addi %iota3A, %add3A_691 : vector<16xi32>
      %get3A_693 = arith.constant 112 : index
      %get3A_694 = tpu.vector_load %arg9[%get3A_693] {strides = array<i32>} : memref<128xi32, #tpu.memory_space<vmem>>, vector<16xi32>,
      %and3A_695 = arith.constant 7 : i32
      %and3A_696 = vector.broadcast %and3A_695 : i32 to vector<16xi32>
      %and3A_697 = arith.andi %get3A_694, %and3A_696 : vector<16xi32>
      %mul3A_698 = arith.constant 16 : i32
      %mul3A_699 = vector.broadcast %mul3A_698 : i32 to vector<16xi32>
      %mul3A_700 = arith.muli %and3A_697, %mul3A_699 : vector<16xi32>
      tpu.vector_store_idx %arg14[%add3A_692, %mul3A_700], %broadcast_in_dim3A_0 : memref<128x128xf32, #tpu.memory_space<vmem>>[vector<16xi32>, vector<16xi32>], vector<16xf32>,
      %add3A_701 = arith.constant 1 : i32
      %add3A_702 = vector.broadcast %add3A_701 : i32 to vector<16xi32>
      %add3A_703 = arith.addi %mul3A_700, %add3A_702 : vector<16xi32>
      tpu.vector_store_idx %arg14[%add3A_692, %add3A_703], %broadcast_in_dim3A_0 : memref<128x128xf32, #tpu.memory_space<vmem>>[vector<16xi32>, vector<16xi32>], vector<16xf32>,
      %while3A_704 = arith.constant 0 : i32
      scf.yield %while3A_704 : i32
    }
    %barrier3A_58 = arith.constant 0 : index
    tpu.barrier barrier_id(%barrier3A_58)
    %scan3A_59 = arith.constant 0 : i32
    %scan3A_60 = arith.constant 0 : i32
    %scan3A_61 = arith.constant 5 : i32
    %scan3A_62 = arith.addi %scan3A_60, %scan3A_61 : i32
    %scan3A_63 = arith.constant 1 : i32
    %scan3A_64 = scf.for %scan3A_66 = %scan3A_60 to %scan3A_62 step %scan3A_63 iter_args(%scan3A_67 = %scan3A_59) -> (i32)  : i32 {
      %mul3A_68 = arith.constant 16 : i32
      %mul3A_69 = arith.muli %scan3A_66, %mul3A_68 : i32
      %add3A_70 = arith.addi %mul3A_7, %mul3A_69 : i32
      "tpu.region"() ({
        %run_scoped3A = tpu.sem_alloc : memref<!tpu.dma_semaphore, #tpu.memory_space<semaphore_mem>>
        %dma_start3A = arith.constant 0 : i32
        %dma_start3A_75 = arith.constant 0 : i32
        %dma_start3A_76 = tpu.memref_slice %arg14[%dma_start3A, %dma_start3A_75] : memref<128x128xf32, #tpu.memory_space<vmem>> -> memref<16x128xf32, #tpu.memory_space<vmem>>
        %dma_start3A_77 = arith.constant 0 : i32
        %dma_start3A_78 = tpu.memref_slice %arg7[%add3A_70, %dma_start3A_77] : memref<1280x128xf32, #tpu.memory_space<vmem_shared>> -> memref<16x128xf32, #tpu.memory_space<vmem_shared>>
        %dma_start3A_79 = arith.constant 0 : i32
        %dma_start3A_80 = arith.constant 0 : i32
        %dma_start3A_81 = tpu.memref_slice %arg14[%dma_start3A_79, %dma_start3A_80] : memref<128x128xf32, #tpu.memory_space<vmem>> -> memref<16x128xf32, #tpu.memory_space<vmem>>
        %dma_start3A_82 = arith.constant 0 : i32
        %dma_start3A_83 = tpu.memref_slice %arg7[%add3A_70, %dma_start3A_82] : memref<1280x128xf32, #tpu.memory_space<vmem_shared>> -> memref<16x128xf32, #tpu.memory_space<vmem_shared>>
        tpu.enqueue_dma source(%dma_start3A_83 : memref<16x128xf32, #tpu.memory_space<vmem_shared>>) target(%dma_start3A_81 : memref<16x128xf32, #tpu.memory_space<vmem>>) target_semaphore(%run_scoped3A : memref<!tpu.dma_semaphore, #tpu.memory_space<semaphore_mem>>)
        %dma_wait3A = arith.constant 0 : i32
        %dma_wait3A_84 = arith.constant 0 : i32
        %dma_wait3A_85 = tpu.memref_slice %arg14[%dma_wait3A, %dma_wait3A_84] : memref<128x128xf32, #tpu.memory_space<vmem>> -> memref<16x128xf32, #tpu.memory_space<vmem>>
        %dma_wait3A_86 = arith.constant 0 : i32
        %dma_wait3A_87 = tpu.memref_slice %arg7[%add3A_70, %dma_wait3A_86] : memref<1280x128xf32, #tpu.memory_space<vmem_shared>> -> memref<16x128xf32, #tpu.memory_space<vmem_shared>>
        %dma_wait3A_88 = arith.constant 0 : i32
        %dma_wait3A_89 = arith.constant 0 : i32
        %dma_wait3A_90 = tpu.memref_slice %arg14[%dma_wait3A_88, %dma_wait3A_89] : memref<128x128xf32, #tpu.memory_space<vmem>> -> memref<16x128xf32, #tpu.memory_space<vmem>>
        %dma_wait3A_91 = arith.constant 0 : i32
        %dma_wait3A_92 = tpu.memref_slice %arg7[%add3A_70, %dma_wait3A_91] : memref<1280x128xf32, #tpu.memory_space<vmem_shared>> -> memref<16x128xf32, #tpu.memory_space<vmem_shared>>
        tpu.wait_dma2 semaphore(%run_scoped3A : memref<!tpu.dma_semaphore, #tpu.memory_space<semaphore_mem>>) src(%dma_wait3A_92 : memref<16x128xf32, #tpu.memory_space<vmem_shared>>) dst(%dma_wait3A_90 : memref<16x128xf32, #tpu.memory_space<vmem>>)
        tpu.yield
      }) : () -> ()
      %mul3A_71 = arith.constant 1280 : i32
      %mul3A_72 = arith.muli %arg0, %mul3A_71 : i32
      %add3A_73 = arith.addi %mul3A_72, %add3A_70 : i32
      "tpu.region"() ({
        %run_scoped3A = tpu.sem_alloc : memref<!tpu.dma_semaphore, #tpu.memory_space<semaphore_mem>>
        %dma_start3A = arith.constant 0 : i32
        %dma_start3A_75 = arith.constant 0 : i32
        %dma_start3A_76 = tpu.memref_slice %arg14[%dma_start3A, %dma_start3A_75] : memref<128x128xf32, #tpu.memory_space<vmem>> -> memref<16x128xf32, #tpu.memory_space<vmem>>
        %dma_start3A_77 = arith.constant 0 : i32
        %dma_start3A_78 = tpu.memref_slice %arg6[%add3A_73, %dma_start3A_77] : memref<2560x128xf32, #tpu.memory_space<hbm>> -> memref<16x128xf32, #tpu.memory_space<hbm>>
        %dma_start3A_79 = arith.constant 0 : i32
        %dma_start3A_80 = tpu.memref_slice %arg6[%add3A_73, %dma_start3A_79] : memref<2560x128xf32, #tpu.memory_space<hbm>> -> memref<16x128xf32, #tpu.memory_space<hbm>>
        %dma_start3A_81 = arith.constant 0 : i32
        %dma_start3A_82 = arith.constant 0 : i32
        %dma_start3A_83 = tpu.memref_slice %arg14[%dma_start3A_81, %dma_start3A_82] : memref<128x128xf32, #tpu.memory_space<vmem>> -> memref<16x128xf32, #tpu.memory_space<vmem>>
        tpu.enqueue_dma source(%dma_start3A_83 : memref<16x128xf32, #tpu.memory_space<vmem>>) target(%dma_start3A_80 : memref<16x128xf32, #tpu.memory_space<hbm>>) target_semaphore(%run_scoped3A : memref<!tpu.dma_semaphore, #tpu.memory_space<semaphore_mem>>)
        %dma_wait3A = arith.constant 0 : i32
        %dma_wait3A_84 = arith.constant 0 : i32
        %dma_wait3A_85 = tpu.memref_slice %arg14[%dma_wait3A, %dma_wait3A_84] : memref<128x128xf32, #tpu.memory_space<vmem>> -> memref<16x128xf32, #tpu.memory_space<vmem>>
        %dma_wait3A_86 = arith.constant 0 : i32
        %dma_wait3A_87 = tpu.memref_slice %arg6[%add3A_73, %dma_wait3A_86] : memref<2560x128xf32, #tpu.memory_space<hbm>> -> memref<16x128xf32, #tpu.memory_space<hbm>>
        %dma_wait3A_88 = arith.constant 0 : i32
        %dma_wait3A_89 = tpu.memref_slice %arg6[%add3A_73, %dma_wait3A_88] : memref<2560x128xf32, #tpu.memory_space<hbm>> -> memref<16x128xf32, #tpu.memory_space<hbm>>
        %dma_wait3A_90 = arith.constant 0 : i32
        %dma_wait3A_91 = arith.constant 0 : i32
        %dma_wait3A_92 = tpu.memref_slice %arg14[%dma_wait3A_90, %dma_wait3A_91] : memref<128x128xf32, #tpu.memory_space<vmem>> -> memref<16x128xf32, #tpu.memory_space<vmem>>
        tpu.wait_dma2 semaphore(%run_scoped3A : memref<!tpu.dma_semaphore, #tpu.memory_space<semaphore_mem>>) src(%dma_wait3A_92 : memref<16x128xf32, #tpu.memory_space<vmem>>) dst(%dma_wait3A_89 : memref<16x128xf32, #tpu.memory_space<hbm>>)
        tpu.yield
      }) : () -> ()
      %scan3A_74 = arith.constant 0 : i32
      scf.yield %scan3A_74 : i32
    }
    %scan3A_65 = arith.constant 5 : i32
    return
  }
}

module attributes {stable_mosaic.version = 14 : i64} {
  func.func @_tc1_body(%arg0: i32, %arg1: memref<1000x128xf32, #tpu.memory_space<vmem>>, %arg2: memref<128x128xf32, #tpu.memory_space<vmem>>, %arg3: memref<1x128xf32, #tpu.memory_space<vmem>>, %arg4: memref<1x128xf32, #tpu.memory_space<vmem>>, %arg5: memref<1000x128xf32, #tpu.memory_space<vmem>>, %arg6: memref<1000x16xf32, #tpu.memory_space<vmem>>, %arg7: memref<1x16xf32, #tpu.memory_space<vmem>>) attributes {dimension_semantics = [#tpu.dimension_semantics<arbitrary>], iteration_bounds = array<i64: 10>, scalar_prefetch = 0 : i64, scratch_operands = 0 : i64, tpu.core_type = #tpu.core_type<tc>, window_params = [{transform_indices = @transform_0, window_bounds = array<i64: 1000, 128>}, {pipeline_mode = #tpu.pipeline_mode<synchronous>, transform_indices = @transform_1, window_bounds = array<i64: 128, 128>}, {pipeline_mode = #tpu.pipeline_mode<synchronous>, transform_indices = @transform_2, window_bounds = array<i64: 1, 128>}, {pipeline_mode = #tpu.pipeline_mode<synchronous>, transform_indices = @transform_3, window_bounds = array<i64: 1, 128>}, {transform_indices = @transform_4, window_bounds = array<i64: 1000, 128>}, {transform_indices = @transform_5, window_bounds = array<i64: 1000, 16>}, {pipeline_mode = #tpu.pipeline_mode<synchronous>, transform_indices = @transform_6, window_bounds = array<i64: 1, 16>}]} {
    %get3A = arith.constant 0 : index
    %get3A_0 = arith.constant 0 : index
    %get3A_1 = vector.load %arg1[%get3A, %get3A_0] : memref<1000x128xf32, #tpu.memory_space<vmem>>, vector<1000x128xf32>
    %get3A_2 = arith.constant 0 : index
    %get3A_3 = arith.constant 0 : index
    %get3A_4 = vector.load %arg2[%get3A_2, %get3A_3] : memref<128x128xf32, #tpu.memory_space<vmem>>, vector<128x128xf32>
    %dot_general3A = arith.constant dense<0.000000e+00> : vector<1000x128xf32>
    %dot_general3A_5 = tpu.matmul %get3A_1, %get3A_4, %dot_general3A {dimension_numbers = #tpu.dot_dimension_numbers<[1], [0], [0], [1], [0, 0, 1, 1], [], []>, precision = #tpu.contract_precision<fp32>, transpose_lhs_hint = false} : vector<1000x128xf32>, vector<128x128xf32>, vector<1000x128xf32> -> vector<1000x128xf32>
    %swap3A = arith.constant 0 : index
    %swap3A_6 = arith.constant 0 : index
    %swap3A_7 = vector.load %arg5[%swap3A, %swap3A_6] : memref<1000x128xf32, #tpu.memory_space<vmem>>, vector<1000x128xf32>
    tpu.vector_store %arg5[%swap3A, %swap3A_6], %dot_general3A_5 {strides = array<i32>} : memref<1000x128xf32, #tpu.memory_space<vmem>>, vector<1000x128xf32>,
    %iota3A = tpu.iota {dimensions = array<i32: 0>} : vector<128x16xi32>
    %iota3A_8 = tpu.iota {dimensions = array<i32: 1>} : vector<128x16xi32>
    %jit3A = arith.constant 16 : i32
    %div3A = vector.broadcast %jit3A : i32 to vector<128x16xi32>
    %div3A_9 = arith.divsi %iota3A, %div3A : vector<128x16xi32>
    %sign3A = arith.constant 0 : i32
    %sign3A_10 = vector.broadcast %sign3A : i32 to vector<128x16xi32>
    %sign3A_11 = arith.cmpi sgt, %iota3A, %sign3A_10 : vector<128x16xi32>
    %sign3A_12 = arith.extui %sign3A_11 : vector<128x16xi1> to vector<128x16xi32>
    %sign3A_13 = arith.constant 0 : i32
    %sign3A_14 = vector.broadcast %sign3A_13 : i32 to vector<128x16xi32>
    %sign3A_15 = arith.cmpi slt, %iota3A, %sign3A_14 : vector<128x16xi32>
    %sign3A_16 = arith.extui %sign3A_15 : vector<128x16xi1> to vector<128x16xi32>
    %sign3A_17 = arith.subi %sign3A_12, %sign3A_16 : vector<128x16xi32>
    %sign3A_18 = arith.constant 0 : i32
    %sign3A_19 = arith.cmpi sgt, %jit3A, %sign3A_18 : i32
    %sign3A_20 = arith.extui %sign3A_19 : i1 to i32
    %sign3A_21 = arith.constant 0 : i32
    %sign3A_22 = arith.cmpi slt, %jit3A, %sign3A_21 : i32
    %sign3A_23 = arith.extui %sign3A_22 : i1 to i32
    %sign3A_24 = arith.subi %sign3A_20, %sign3A_23 : i32
    %ne3A = vector.broadcast %sign3A_24 : i32 to vector<128x16xi32>
    %ne3A_25 = arith.cmpi ne, %sign3A_17, %ne3A : vector<128x16xi32>
    %rem3A = vector.broadcast %jit3A : i32 to vector<128x16xi32>
    %rem3A_26 = arith.remsi %iota3A, %rem3A : vector<128x16xi32>
    %ne3A_27 = arith.constant 0 : i32
    %ne3A_28 = vector.broadcast %ne3A_27 : i32 to vector<128x16xi32>
    %ne3A_29 = arith.cmpi ne, %rem3A_26, %ne3A_28 : vector<128x16xi32>
    %and3A = arith.andi %ne3A_25, %ne3A_29 : vector<128x16xi1>
    %sub3A = arith.constant 1 : i32
    %sub3A_30 = vector.broadcast %sub3A : i32 to vector<128x16xi32>
    %sub3A_31 = arith.subi %div3A_9, %sub3A_30 : vector<128x16xi32>
    %select_n3A = arith.select %and3A, %sub3A_31, %div3A_9 : vector<128x16xi1>, vector<128x16xi32>
    %eq3A = arith.cmpi eq, %select_n3A, %iota3A_8 : vector<128x16xi32>
    %convert_element_type3A = arith.extui %eq3A : vector<128x16xi1> to vector<128x16xi32>
    %convert_element_type3A_32 = arith.sitofp %convert_element_type3A : vector<128x16xi32> to vector<128x16xf32>
    %jit3A_33 = arith.constant 16 : i32
    %div3A_34 = vector.broadcast %jit3A_33 : i32 to vector<128x16xi32>
    %div3A_35 = arith.divsi %iota3A, %div3A_34 : vector<128x16xi32>
    %sign3A_36 = arith.constant 0 : i32
    %sign3A_37 = vector.broadcast %sign3A_36 : i32 to vector<128x16xi32>
    %sign3A_38 = arith.cmpi sgt, %iota3A, %sign3A_37 : vector<128x16xi32>
    %sign3A_39 = arith.extui %sign3A_38 : vector<128x16xi1> to vector<128x16xi32>
    %sign3A_40 = arith.constant 0 : i32
    %sign3A_41 = vector.broadcast %sign3A_40 : i32 to vector<128x16xi32>
    %sign3A_42 = arith.cmpi slt, %iota3A, %sign3A_41 : vector<128x16xi32>
    %sign3A_43 = arith.extui %sign3A_42 : vector<128x16xi1> to vector<128x16xi32>
    %sign3A_44 = arith.subi %sign3A_39, %sign3A_43 : vector<128x16xi32>
    %sign3A_45 = arith.constant 0 : i32
    %sign3A_46 = arith.cmpi sgt, %jit3A_33, %sign3A_45 : i32
    %sign3A_47 = arith.extui %sign3A_46 : i1 to i32
    %sign3A_48 = arith.constant 0 : i32
    %sign3A_49 = arith.cmpi slt, %jit3A_33, %sign3A_48 : i32
    %sign3A_50 = arith.extui %sign3A_49 : i1 to i32
    %sign3A_51 = arith.subi %sign3A_47, %sign3A_50 : i32
    %ne3A_52 = vector.broadcast %sign3A_51 : i32 to vector<128x16xi32>
    %ne3A_53 = arith.cmpi ne, %sign3A_44, %ne3A_52 : vector<128x16xi32>
    %rem3A_54 = vector.broadcast %jit3A_33 : i32 to vector<128x16xi32>
    %rem3A_55 = arith.remsi %iota3A, %rem3A_54 : vector<128x16xi32>
    %ne3A_56 = arith.constant 0 : i32
    %ne3A_57 = vector.broadcast %ne3A_56 : i32 to vector<128x16xi32>
    %ne3A_58 = arith.cmpi ne, %rem3A_55, %ne3A_57 : vector<128x16xi32>
    %and3A_59 = arith.andi %ne3A_53, %ne3A_58 : vector<128x16xi1>
    %sub3A_60 = arith.constant 1 : i32
    %sub3A_61 = vector.broadcast %sub3A_60 : i32 to vector<128x16xi32>
    %sub3A_62 = arith.subi %div3A_35, %sub3A_61 : vector<128x16xi32>
    %select_n3A_63 = arith.select %and3A_59, %sub3A_62, %div3A_35 : vector<128x16xi1>, vector<128x16xi32>
    %sub3A_64 = arith.constant 8 : i32
    %sub3A_65 = vector.broadcast %sub3A_64 : i32 to vector<128x16xi32>
    %sub3A_66 = arith.subi %iota3A_8, %sub3A_65 : vector<128x16xi32>
    %eq3A_67 = arith.cmpi eq, %select_n3A_63, %sub3A_66 : vector<128x16xi32>
    %convert_element_type3A_68 = arith.extui %eq3A_67 : vector<128x16xi1> to vector<128x16xi32>
    %convert_element_type3A_69 = arith.sitofp %convert_element_type3A_68 : vector<128x16xi32> to vector<128x16xf32>
    %get3A_70 = arith.constant 0 : index
    %get3A_71 = arith.constant 0 : index
    %get3A_72 = vector.load %arg3[%get3A_70, %get3A_71] : memref<1x128xf32, #tpu.memory_space<vmem>>, vector<1x128xf32>
    %mul3A = vector.broadcast %get3A_72 : vector<1x128xf32> to vector<1000x128xf32>
    %mul3A_73 = arith.mulf %dot_general3A_5, %mul3A : vector<1000x128xf32>
    %dot_general3A_74 = arith.constant dense<0.000000e+00> : vector<1000x16xf32>
    %dot_general3A_75 = tpu.matmul %mul3A_73, %convert_element_type3A_32, %dot_general3A_74 {dimension_numbers = #tpu.dot_dimension_numbers<[1], [0], [0], [1], [0, 0, 1, 1], [], []>, precision = #tpu.contract_precision<fp32>, transpose_lhs_hint = false} : vector<1000x128xf32>, vector<128x16xf32>, vector<1000x16xf32> -> vector<1000x16xf32>
    %get3A_76 = arith.constant 0 : index
    %get3A_77 = arith.constant 0 : index
    %get3A_78 = vector.load %arg4[%get3A_76, %get3A_77] : memref<1x128xf32, #tpu.memory_space<vmem>>, vector<1x128xf32>
    %mul3A_79 = vector.broadcast %get3A_78 : vector<1x128xf32> to vector<1000x128xf32>
    %mul3A_80 = arith.mulf %dot_general3A_5, %mul3A_79 : vector<1000x128xf32>
    %dot_general3A_81 = arith.constant dense<0.000000e+00> : vector<1000x16xf32>
    %dot_general3A_82 = tpu.matmul %mul3A_80, %convert_element_type3A_69, %dot_general3A_81 {dimension_numbers = #tpu.dot_dimension_numbers<[1], [0], [0], [1], [0, 0, 1, 1], [], []>, precision = #tpu.contract_precision<fp32>, transpose_lhs_hint = false} : vector<1000x128xf32>, vector<128x16xf32>, vector<1000x16xf32> -> vector<1000x16xf32>
    %add3A = arith.addf %dot_general3A_75, %dot_general3A_82 : vector<1000x16xf32>
    %swap3A_83 = arith.constant 0 : index
    %swap3A_84 = arith.constant 0 : index
    %swap3A_85 = vector.load %arg6[%swap3A_83, %swap3A_84] : memref<1000x16xf32, #tpu.memory_space<vmem>>, vector<1000x16xf32>
    tpu.vector_store %arg6[%swap3A_83, %swap3A_84], %add3A {strides = array<i32>} : memref<1000x16xf32, #tpu.memory_space<vmem>>, vector<1000x16xf32>,
    %reduce_max3A = arith.constant dense<0xFF800000> : vector<16xf32>
    %reduce_max3A_86 = vector.multi_reduction <maximumf>, %add3A, %reduce_max3A [0] : vector<1000x16xf32> to vector<16xf32>
    %broadcast_in_dim3A = vector.shape_cast %reduce_max3A_86 : vector<16xf32> to vector<1x16xf32>
    %eq3A_87 = arith.constant 0 : i32
    %eq3A_88 = arith.cmpi eq, %arg0, %eq3A_87 : i32
    %convert_element_type3A_89 = arith.extui %eq3A_88 : i1 to i32
    %cond3A = arith.constant 0 : i32
    %cond3A_90 = arith.cmpi ne, %convert_element_type3A_89, %cond3A : i32
    scf.if %cond3A_90 {
      %swap3A_96 = arith.constant 0 : index
      %swap3A_97 = arith.constant 0 : index
      %swap3A_98 = vector.load %arg7[%swap3A_96, %swap3A_97] : memref<1x16xf32, #tpu.memory_space<vmem>>, vector<1x16xf32>
      tpu.vector_store %arg7[%swap3A_96, %swap3A_97], %broadcast_in_dim3A {strides = array<i32>} : memref<1x16xf32, #tpu.memory_space<vmem>>, vector<1x16xf32>,
    } else {
    }
    %ne3A_91 = arith.constant 0 : i32
    %ne3A_92 = arith.cmpi ne, %arg0, %ne3A_91 : i32
    %convert_element_type3A_93 = arith.extui %ne3A_92 : i1 to i32
    %cond3A_94 = arith.constant 0 : i32
    %cond3A_95 = arith.cmpi ne, %convert_element_type3A_93, %cond3A_94 : i32
    scf.if %cond3A_95 {
      %get3A_96 = arith.constant 0 : index
      %get3A_97 = arith.constant 0 : index
      %get3A_98 = vector.load %arg7[%get3A_96, %get3A_97] : memref<1x16xf32, #tpu.memory_space<vmem>>, vector<1x16xf32>
      %max3A = arith.maximumf %get3A_98, %broadcast_in_dim3A : vector<1x16xf32>
      %swap3A_99 = arith.constant 0 : index
      %swap3A_100 = arith.constant 0 : index
      %swap3A_101 = vector.load %arg7[%swap3A_99, %swap3A_100] : memref<1x16xf32, #tpu.memory_space<vmem>>, vector<1x16xf32>
      tpu.vector_store %arg7[%swap3A_99, %swap3A_100], %max3A {strides = array<i32>} : memref<1x16xf32, #tpu.memory_space<vmem>>, vector<1x16xf32>,
    } else {
    }
    return
  }
  func.func @transform_0(%arg0: i32) -> (i32, i32) {
    %c0_i32 = arith.constant 0 : i32
    %c0_i32_0 = arith.constant 0 : i32
    return %arg0, %c0_i32 : i32, i32
  }
  func.func @transform_1(%arg0: i32) -> (i32, i32) {
    %c0_i32 = arith.constant 0 : i32
    %c0_i32_0 = arith.constant 0 : i32
    %c0_i32_1 = arith.constant 0 : i32
    return %c0_i32, %c0_i32_0 : i32, i32
  }
  func.func @transform_2(%arg0: i32) -> (i32, i32) {
    %c0_i32 = arith.constant 0 : i32
    %c0_i32_0 = arith.constant 0 : i32
    %c0_i32_1 = arith.constant 0 : i32
    return %c0_i32, %c0_i32_0 : i32, i32
  }
  func.func @transform_3(%arg0: i32) -> (i32, i32) {
    %c0_i32 = arith.constant 0 : i32
    %c0_i32_0 = arith.constant 0 : i32
    %c0_i32_1 = arith.constant 0 : i32
    return %c0_i32, %c0_i32_0 : i32, i32
  }
  func.func @transform_4(%arg0: i32) -> (i32, i32) {
    %c0_i32 = arith.constant 0 : i32
    %c0_i32_0 = arith.constant 0 : i32
    return %arg0, %c0_i32 : i32, i32
  }
  func.func @transform_5(%arg0: i32) -> (i32, i32) {
    %c0_i32 = arith.constant 0 : i32
    %c0_i32_0 = arith.constant 0 : i32
    return %arg0, %c0_i32 : i32, i32
  }
  func.func @transform_6(%arg0: i32) -> (i32, i32) {
    %c0_i32 = arith.constant 0 : i32
    %c0_i32_0 = arith.constant 0 : i32
    %c0_i32_1 = arith.constant 0 : i32
    return %c0_i32, %c0_i32_0 : i32, i32
  }
}

module attributes {stable_mosaic.version = 14 : i64} {
  func.func @_tc2_body(%arg0: i32, %arg1: memref<1x1000x128xf32, #tpu.memory_space<vmem>>, %arg2: memref<1x1000x128xf32, #tpu.memory_space<vmem>>, %arg3: memref<1x1000x16xf32, #tpu.memory_space<vmem>>, %arg4: memref<1x1000x16xf32, #tpu.memory_space<vmem>>, %arg5: memref<1x128xf32, #tpu.memory_space<vmem>>, %arg6: memref<1x128xf32, #tpu.memory_space<vmem>>, %arg7: memref<1x1xf32, #tpu.memory_space<vmem>>, %arg8: memref<1x1xf32, #tpu.memory_space<vmem>>, %arg9: memref<1000x16xf32, #tpu.memory_space<vmem>>, %arg10: memref<1x16xf32, #tpu.memory_space<vmem>>) attributes {dimension_semantics = [#tpu.dimension_semantics<arbitrary>], iteration_bounds = array<i64: 10>, scalar_prefetch = 0 : i64, scratch_operands = 0 : i64, tpu.core_type = #tpu.core_type<tc>, window_params = [{transform_indices = @transform_0, window_bounds = array<i64: 1, 1000, 128>}, {transform_indices = @transform_1, window_bounds = array<i64: 1, 1000, 128>}, {transform_indices = @transform_2, window_bounds = array<i64: 1, 1000, 16>}, {transform_indices = @transform_3, window_bounds = array<i64: 1, 1000, 16>}, {pipeline_mode = #tpu.pipeline_mode<synchronous>, transform_indices = @transform_4, window_bounds = array<i64: 1, 128>}, {pipeline_mode = #tpu.pipeline_mode<synchronous>, transform_indices = @transform_5, window_bounds = array<i64: 1, 128>}, {pipeline_mode = #tpu.pipeline_mode<synchronous>, transform_indices = @transform_6, window_bounds = array<i64: 1, 1>}, {pipeline_mode = #tpu.pipeline_mode<synchronous>, transform_indices = @transform_7, window_bounds = array<i64: 1, 1>}, {transform_indices = @transform_8, window_bounds = array<i64: 1000, 16>}, {pipeline_mode = #tpu.pipeline_mode<synchronous>, transform_indices = @transform_9, window_bounds = array<i64: 1, 16>}]} {
    %get3A = arith.constant 0 : index
    %get3A_0 = arith.constant 0 : index
    %get3A_1 = arith.constant 0 : index
    %get3A_2 = vector.load %arg3[%get3A, %get3A_0, %get3A_1] : memref<1x1000x16xf32, #tpu.memory_space<vmem>>, vector<1x1000x16xf32>
    %get3A_3 = vector.shape_cast %get3A_2 : vector<1x1000x16xf32> to vector<1000x16xf32>
    %get3A_4 = arith.constant 0 : index
    %get3A_5 = arith.constant 0 : index
    %get3A_6 = arith.constant 0 : index
    %get3A_7 = vector.load %arg4[%get3A_4, %get3A_5, %get3A_6] : memref<1x1000x16xf32, #tpu.memory_space<vmem>>, vector<1x1000x16xf32>
    %get3A_8 = vector.shape_cast %get3A_7 : vector<1x1000x16xf32> to vector<1000x16xf32>
    %add3A = arith.addf %get3A_3, %get3A_8 : vector<1000x16xf32>
    %iota3A = tpu.iota {dimensions = array<i32: 0>} : vector<16x128xi32>
    %iota3A_9 = tpu.iota {dimensions = array<i32: 1>} : vector<16x128xi32>
    %jit3A = arith.constant 16 : i32
    %div3A = vector.broadcast %jit3A : i32 to vector<16x128xi32>
    %div3A_10 = arith.divsi %iota3A_9, %div3A : vector<16x128xi32>
    %sign3A = arith.constant 0 : i32
    %sign3A_11 = vector.broadcast %sign3A : i32 to vector<16x128xi32>
    %sign3A_12 = arith.cmpi sgt, %iota3A_9, %sign3A_11 : vector<16x128xi32>
    %sign3A_13 = arith.extui %sign3A_12 : vector<16x128xi1> to vector<16x128xi32>
    %sign3A_14 = arith.constant 0 : i32
    %sign3A_15 = vector.broadcast %sign3A_14 : i32 to vector<16x128xi32>
    %sign3A_16 = arith.cmpi slt, %iota3A_9, %sign3A_15 : vector<16x128xi32>
    %sign3A_17 = arith.extui %sign3A_16 : vector<16x128xi1> to vector<16x128xi32>
    %sign3A_18 = arith.subi %sign3A_13, %sign3A_17 : vector<16x128xi32>
    %sign3A_19 = arith.constant 0 : i32
    %sign3A_20 = arith.cmpi sgt, %jit3A, %sign3A_19 : i32
    %sign3A_21 = arith.extui %sign3A_20 : i1 to i32
    %sign3A_22 = arith.constant 0 : i32
    %sign3A_23 = arith.cmpi slt, %jit3A, %sign3A_22 : i32
    %sign3A_24 = arith.extui %sign3A_23 : i1 to i32
    %sign3A_25 = arith.subi %sign3A_21, %sign3A_24 : i32
    %ne3A = vector.broadcast %sign3A_25 : i32 to vector<16x128xi32>
    %ne3A_26 = arith.cmpi ne, %sign3A_18, %ne3A : vector<16x128xi32>
    %rem3A = vector.broadcast %jit3A : i32 to vector<16x128xi32>
    %rem3A_27 = arith.remsi %iota3A_9, %rem3A : vector<16x128xi32>
    %ne3A_28 = arith.constant 0 : i32
    %ne3A_29 = vector.broadcast %ne3A_28 : i32 to vector<16x128xi32>
    %ne3A_30 = arith.cmpi ne, %rem3A_27, %ne3A_29 : vector<16x128xi32>
    %and3A = arith.andi %ne3A_26, %ne3A_30 : vector<16x128xi1>
    %sub3A = arith.constant 1 : i32
    %sub3A_31 = vector.broadcast %sub3A : i32 to vector<16x128xi32>
    %sub3A_32 = arith.subi %div3A_10, %sub3A_31 : vector<16x128xi32>
    %select_n3A = arith.select %and3A, %sub3A_32, %div3A_10 : vector<16x128xi1>, vector<16x128xi32>
    %eq3A = arith.cmpi eq, %select_n3A, %iota3A : vector<16x128xi32>
    %convert_element_type3A = arith.extui %eq3A : vector<16x128xi1> to vector<16x128xi32>
    %convert_element_type3A_33 = arith.sitofp %convert_element_type3A : vector<16x128xi32> to vector<16x128xf32>
    %dot_general3A = arith.constant dense<0.000000e+00> : vector<1000x128xf32>
    %dot_general3A_34 = tpu.matmul %add3A, %convert_element_type3A_33, %dot_general3A {dimension_numbers = #tpu.dot_dimension_numbers<[1], [0], [0], [1], [0, 0, 1, 1], [], []>, precision = #tpu.contract_precision<fp32>, transpose_lhs_hint = false} : vector<1000x16xf32>, vector<16x128xf32>, vector<1000x128xf32> -> vector<1000x128xf32>
    %get3A_35 = arith.constant 0 : index
    %get3A_36 = arith.constant 0 : index
    %get3A_37 = arith.constant 0 : index
    %get3A_38 = vector.load %arg1[%get3A_35, %get3A_36, %get3A_37] : memref<1x1000x128xf32, #tpu.memory_space<vmem>>, vector<1x1000x128xf32>
    %get3A_39 = vector.shape_cast %get3A_38 : vector<1x1000x128xf32> to vector<1000x128xf32>
    %get3A_40 = arith.constant 0 : index
    %get3A_41 = arith.constant 0 : index
    %get3A_42 = arith.constant 0 : index
    %get3A_43 = vector.load %arg2[%get3A_40, %get3A_41, %get3A_42] : memref<1x1000x128xf32, #tpu.memory_space<vmem>>, vector<1x1000x128xf32>
    %get3A_44 = vector.shape_cast %get3A_43 : vector<1x1000x128xf32> to vector<1000x128xf32>
    %add3A_45 = arith.addf %get3A_39, %get3A_44 : vector<1000x128xf32>
    %add3A_46 = arith.constant 9.99999971E-10 : f32
    %add3A_47 = vector.broadcast %add3A_46 : f32 to vector<1000x128xf32>
    %add3A_48 = arith.addf %dot_general3A_34, %add3A_47 : vector<1000x128xf32>
    %div3A_49 = arith.divf %add3A_45, %add3A_48 : vector<1000x128xf32>
    %get3A_50 = arith.constant 0 : index
    %get3A_51 = arith.constant 0 : index
    %get3A_52 = vector.load %arg5[%get3A_50, %get3A_51] : memref<1x128xf32, #tpu.memory_space<vmem>>, vector<1x128xf32>
    %add3A_53 = vector.broadcast %get3A_52 : vector<1x128xf32> to vector<1000x128xf32>
    %add3A_54 = arith.addf %div3A_49, %add3A_53 : vector<1000x128xf32>
    %max3A = arith.constant 0.000000e+00 : f32
    %max3A_55 = vector.broadcast %max3A : f32 to vector<1000x128xf32>
    %max3A_56 = arith.maximumf %add3A_54, %max3A_55 : vector<1000x128xf32>
    %get3A_57 = arith.constant 0 : index
    %get3A_58 = arith.constant 0 : index
    %get3A_59 = vector.load %arg6[%get3A_57, %get3A_58] : memref<1x128xf32, #tpu.memory_space<vmem>>, vector<1x128xf32>
    %mul3A = vector.broadcast %get3A_59 : vector<1x128xf32> to vector<1000x128xf32>
    %mul3A_60 = arith.mulf %max3A_56, %mul3A : vector<1000x128xf32>
    %reduce_sum3A = arith.constant dense<0.000000e+00> : vector<1000xf32>
    %reduce_sum3A_61 = vector.multi_reduction <add>, %mul3A_60, %reduce_sum3A [1] : vector<1000x128xf32> to vector<1000xf32>
    %broadcast_in_dim3A = vector.shape_cast %reduce_sum3A_61 : vector<1000xf32> to vector<1000x1xf32>
    %get3A_62 = arith.constant 0 : index
    %get3A_63 = arith.constant 0 : index
    %get3A_64 = vector.load %arg7[%get3A_62, %get3A_63] : memref<1x1xf32, #tpu.memory_space<vmem>>, vector<1x1xf32>
    %get3A_65 = vector.extract %get3A_64[0, 0] : f32 from vector<1x1xf32>
    %get3A_66 = arith.constant 0 : index
    %get3A_67 = arith.constant 0 : index
    %get3A_68 = vector.load %arg8[%get3A_66, %get3A_67] : memref<1x1xf32, #tpu.memory_space<vmem>>, vector<1x1xf32>
    %get3A_69 = vector.extract %get3A_68[0, 0] : f32 from vector<1x1xf32>
    %iota3A_70 = tpu.iota {dimensions = array<i32: 1>} : vector<1x16xi32>
    %eq3A_71 = arith.constant 0 : i32
    %eq3A_72 = vector.broadcast %eq3A_71 : i32 to vector<1x16xi32>
    %eq3A_73 = arith.cmpi eq, %iota3A_70, %eq3A_72 : vector<1x16xi32>
    %eq3A_74 = arith.constant 1 : i32
    %eq3A_75 = vector.broadcast %eq3A_74 : i32 to vector<1x16xi32>
    %eq3A_76 = arith.cmpi eq, %iota3A_70, %eq3A_75 : vector<1x16xi32>
    %eq3A_77 = arith.constant 2 : i32
    %eq3A_78 = vector.broadcast %eq3A_77 : i32 to vector<1x16xi32>
    %eq3A_79 = arith.cmpi eq, %iota3A_70, %eq3A_78 : vector<1x16xi32>
    %jit3A_80 = arith.constant 0.000000e+00 : f32
    %broadcast_in_dim3A_81 = vector.broadcast %get3A_69 : f32 to vector<1x16xf32>
    %broadcast_in_dim3A_82 = vector.broadcast %jit3A_80 : f32 to vector<1x16xf32>
    %select_n3A_83 = arith.select %eq3A_79, %broadcast_in_dim3A_81, %broadcast_in_dim3A_82 : vector<1x16xi1>, vector<1x16xf32>
    %broadcast_in_dim3A_84 = vector.broadcast %get3A_65 : f32 to vector<1x16xf32>
    %select_n3A_85 = arith.select %eq3A_76, %broadcast_in_dim3A_84, %select_n3A_83 : vector<1x16xi1>, vector<1x16xf32>
    %jit3A_86 = arith.constant 1.000000e+00 : f32
    %broadcast_in_dim3A_87 = vector.broadcast %jit3A_86 : f32 to vector<1x16xf32>
    %select_n3A_88 = arith.select %eq3A_73, %broadcast_in_dim3A_87, %select_n3A_85 : vector<1x16xi1>, vector<1x16xf32>
    %mul3A_89 = vector.broadcast %broadcast_in_dim3A : vector<1000x1xf32> to vector<1000x16xf32>
    %mul3A_90 = vector.broadcast %select_n3A_88 : vector<1x16xf32> to vector<1000x16xf32>
    %mul3A_91 = arith.mulf %mul3A_89, %mul3A_90 : vector<1000x16xf32>
    %swap3A = arith.constant 0 : index
    %swap3A_92 = arith.constant 0 : index
    %swap3A_93 = vector.load %arg9[%swap3A, %swap3A_92] : memref<1000x16xf32, #tpu.memory_space<vmem>>, vector<1000x16xf32>
    tpu.vector_store %arg9[%swap3A, %swap3A_92], %mul3A_91 {strides = array<i32>} : memref<1000x16xf32, #tpu.memory_space<vmem>>, vector<1000x16xf32>,
    %reduce_max3A = arith.constant dense<0xFF800000> : vector<16xf32>
    %reduce_max3A_94 = vector.multi_reduction <maximumf>, %mul3A_91, %reduce_max3A [0] : vector<1000x16xf32> to vector<16xf32>
    %broadcast_in_dim3A_95 = vector.shape_cast %reduce_max3A_94 : vector<16xf32> to vector<1x16xf32>
    %eq3A_96 = arith.constant 0 : i32
    %eq3A_97 = arith.cmpi eq, %arg0, %eq3A_96 : i32
    %convert_element_type3A_98 = arith.extui %eq3A_97 : i1 to i32
    %cond3A = arith.constant 0 : i32
    %cond3A_99 = arith.cmpi ne, %convert_element_type3A_98, %cond3A : i32
    scf.if %cond3A_99 {
      %swap3A_105 = arith.constant 0 : index
      %swap3A_106 = arith.constant 0 : index
      %swap3A_107 = vector.load %arg10[%swap3A_105, %swap3A_106] : memref<1x16xf32, #tpu.memory_space<vmem>>, vector<1x16xf32>
      tpu.vector_store %arg10[%swap3A_105, %swap3A_106], %broadcast_in_dim3A_95 {strides = array<i32>} : memref<1x16xf32, #tpu.memory_space<vmem>>, vector<1x16xf32>,
    } else {
    }
    %ne3A_100 = arith.constant 0 : i32
    %ne3A_101 = arith.cmpi ne, %arg0, %ne3A_100 : i32
    %convert_element_type3A_102 = arith.extui %ne3A_101 : i1 to i32
    %cond3A_103 = arith.constant 0 : i32
    %cond3A_104 = arith.cmpi ne, %convert_element_type3A_102, %cond3A_103 : i32
    scf.if %cond3A_104 {
      %get3A_105 = arith.constant 0 : index
      %get3A_106 = arith.constant 0 : index
      %get3A_107 = vector.load %arg10[%get3A_105, %get3A_106] : memref<1x16xf32, #tpu.memory_space<vmem>>, vector<1x16xf32>
      %max3A_108 = arith.maximumf %get3A_107, %broadcast_in_dim3A_95 : vector<1x16xf32>
      %swap3A_109 = arith.constant 0 : index
      %swap3A_110 = arith.constant 0 : index
      %swap3A_111 = vector.load %arg10[%swap3A_109, %swap3A_110] : memref<1x16xf32, #tpu.memory_space<vmem>>, vector<1x16xf32>
      tpu.vector_store %arg10[%swap3A_109, %swap3A_110], %max3A_108 {strides = array<i32>} : memref<1x16xf32, #tpu.memory_space<vmem>>, vector<1x16xf32>,
    } else {
    }
    return
  }
  func.func @transform_0(%arg0: i32) -> (i32, i32, i32) {
    %c0_i32 = arith.constant 0 : i32
    %c0_i32_0 = arith.constant 0 : i32
    %c0_i32_1 = arith.constant 0 : i32
    return %c0_i32, %arg0, %c0_i32_0 : i32, i32, i32
  }
  func.func @transform_1(%arg0: i32) -> (i32, i32, i32) {
    %c1_i32 = arith.constant 1 : i32
    %c0_i32 = arith.constant 0 : i32
    %c0_i32_0 = arith.constant 0 : i32
    return %c1_i32, %arg0, %c0_i32 : i32, i32, i32
  }
  func.func @transform_2(%arg0: i32) -> (i32, i32, i32) {
    %c0_i32 = arith.constant 0 : i32
    %c0_i32_0 = arith.constant 0 : i32
    %c0_i32_1 = arith.constant 0 : i32
    return %c0_i32, %arg0, %c0_i32_0 : i32, i32, i32
  }
  func.func @transform_3(%arg0: i32) -> (i32, i32, i32) {
    %c1_i32 = arith.constant 1 : i32
    %c0_i32 = arith.constant 0 : i32
    %c0_i32_0 = arith.constant 0 : i32
    return %c1_i32, %arg0, %c0_i32 : i32, i32, i32
  }
  func.func @transform_4(%arg0: i32) -> (i32, i32) {
    %c0_i32 = arith.constant 0 : i32
    %c0_i32_0 = arith.constant 0 : i32
    %c0_i32_1 = arith.constant 0 : i32
    return %c0_i32, %c0_i32_0 : i32, i32
  }
  func.func @transform_5(%arg0: i32) -> (i32, i32) {
    %c0_i32 = arith.constant 0 : i32
    %c0_i32_0 = arith.constant 0 : i32
    %c0_i32_1 = arith.constant 0 : i32
    return %c0_i32, %c0_i32_0 : i32, i32
  }
  func.func @transform_6(%arg0: i32) -> (i32, i32) {
    %c0_i32 = arith.constant 0 : i32
    %c0_i32_0 = arith.constant 0 : i32
    %c0_i32_1 = arith.constant 0 : i32
    return %c0_i32, %c0_i32_0 : i32, i32
  }
  func.func @transform_7(%arg0: i32) -> (i32, i32) {
    %c0_i32 = arith.constant 0 : i32
    %c0_i32_0 = arith.constant 0 : i32
    %c0_i32_1 = arith.constant 0 : i32
    return %c0_i32, %c0_i32_0 : i32, i32
  }
  func.func @transform_8(%arg0: i32) -> (i32, i32) {
    %c0_i32 = arith.constant 0 : i32
    %c0_i32_0 = arith.constant 0 : i32
    return %arg0, %c0_i32 : i32, i32
  }
  func.func @transform_9(%arg0: i32) -> (i32, i32) {
    %c0_i32 = arith.constant 0 : i32
    %c0_i32_0 = arith.constant 0 : i32
    %c0_i32_1 = arith.constant 0 : i32
    return %c0_i32, %c0_i32_0 : i32, i32
  }
}

module attributes {stable_mosaic.version = 14 : i64} {
  func.func @_tc3_body(%arg0: i32, %arg1: memref<1x1000x16xf32, #tpu.memory_space<vmem>>, %arg2: memref<1x1000x16xf32, #tpu.memory_space<vmem>>, %arg3: memref<1x1xf32, #tpu.memory_space<vmem>>, %arg4: memref<1000x1xf32, #tpu.memory_space<vmem>>) attributes {dimension_semantics = [#tpu.dimension_semantics<arbitrary>], iteration_bounds = array<i64: 10>, scalar_prefetch = 0 : i64, scratch_operands = 0 : i64, tpu.core_type = #tpu.core_type<tc>, window_params = [{transform_indices = @transform_0, window_bounds = array<i64: 1, 1000, 16>}, {transform_indices = @transform_1, window_bounds = array<i64: 1, 1000, 16>}, {pipeline_mode = #tpu.pipeline_mode<synchronous>, transform_indices = @transform_2, window_bounds = array<i64: 1, 1>}, {transform_indices = @transform_3, window_bounds = array<i64: 1000, 1>}]} {
    %iota3A = tpu.iota {dimensions = array<i32: 1>} : vector<1x16xi32>
    %eq3A = arith.constant 0 : i32
    %eq3A_0 = vector.broadcast %eq3A : i32 to vector<1x16xi32>
    %eq3A_1 = arith.cmpi eq, %iota3A, %eq3A_0 : vector<1x16xi32>
    %convert_element_type3A = arith.extui %eq3A_1 : vector<1x16xi1> to vector<1x16xi32>
    %convert_element_type3A_2 = arith.sitofp %convert_element_type3A : vector<1x16xi32> to vector<1x16xf32>
    %eq3A_3 = arith.constant 1 : i32
    %eq3A_4 = vector.broadcast %eq3A_3 : i32 to vector<1x16xi32>
    %eq3A_5 = arith.cmpi eq, %iota3A, %eq3A_4 : vector<1x16xi32>
    %convert_element_type3A_6 = arith.extui %eq3A_5 : vector<1x16xi1> to vector<1x16xi32>
    %convert_element_type3A_7 = arith.sitofp %convert_element_type3A_6 : vector<1x16xi32> to vector<1x16xf32>
    %get3A = arith.constant 0 : index
    %get3A_8 = arith.constant 0 : index
    %get3A_9 = arith.constant 0 : index
    %get3A_10 = vector.load %arg1[%get3A, %get3A_8, %get3A_9] : memref<1x1000x16xf32, #tpu.memory_space<vmem>>, vector<1x1000x16xf32>
    %get3A_11 = vector.shape_cast %get3A_10 : vector<1x1000x16xf32> to vector<1000x16xf32>
    %get3A_12 = arith.constant 0 : index
    %get3A_13 = arith.constant 0 : index
    %get3A_14 = arith.constant 0 : index
    %get3A_15 = vector.load %arg2[%get3A_12, %get3A_13, %get3A_14] : memref<1x1000x16xf32, #tpu.memory_space<vmem>>, vector<1x1000x16xf32>
    %get3A_16 = vector.shape_cast %get3A_15 : vector<1x1000x16xf32> to vector<1000x16xf32>
    %add3A = arith.addf %get3A_11, %get3A_16 : vector<1000x16xf32>
    %mul3A = vector.broadcast %convert_element_type3A_2 : vector<1x16xf32> to vector<1000x16xf32>
    %mul3A_17 = arith.mulf %add3A, %mul3A : vector<1000x16xf32>
    %reduce_sum3A = arith.constant dense<0.000000e+00> : vector<1000xf32>
    %reduce_sum3A_18 = vector.multi_reduction <add>, %mul3A_17, %reduce_sum3A [1] : vector<1000x16xf32> to vector<1000xf32>
    %broadcast_in_dim3A = vector.shape_cast %reduce_sum3A_18 : vector<1000xf32> to vector<1000x1xf32>
    %mul3A_19 = vector.broadcast %convert_element_type3A_7 : vector<1x16xf32> to vector<1000x16xf32>
    %mul3A_20 = arith.mulf %add3A, %mul3A_19 : vector<1000x16xf32>
    %reduce_sum3A_21 = arith.constant dense<0.000000e+00> : vector<1000xf32>
    %reduce_sum3A_22 = vector.multi_reduction <add>, %mul3A_20, %reduce_sum3A_21 [1] : vector<1000x16xf32> to vector<1000xf32>
    %broadcast_in_dim3A_23 = vector.shape_cast %reduce_sum3A_22 : vector<1000xf32> to vector<1000x1xf32>
    %add3A_24 = arith.constant 9.99999971E-10 : f32
    %add3A_25 = vector.broadcast %add3A_24 : f32 to vector<1000x1xf32>
    %add3A_26 = arith.addf %broadcast_in_dim3A_23, %add3A_25 : vector<1000x1xf32>
    %div3A = arith.divf %broadcast_in_dim3A, %add3A_26 : vector<1000x1xf32>
    %get3A_27 = arith.constant 0 : index
    %get3A_28 = arith.constant 0 : index
    %get3A_29 = vector.load %arg3[%get3A_27, %get3A_28] : memref<1x1xf32, #tpu.memory_space<vmem>>, vector<1x1xf32>
    %get3A_30 = vector.extract %get3A_29[0, 0] : f32 from vector<1x1xf32>
    %add3A_31 = vector.broadcast %get3A_30 : f32 to vector<1000x1xf32>
    %add3A_32 = arith.addf %div3A, %add3A_31 : vector<1000x1xf32>
    %logistic3A = arith.negf %add3A_32 : vector<1000x1xf32>
    %logistic3A_33 = math.exp %logistic3A : vector<1000x1xf32>
    %logistic3A_34 = arith.constant 1.000000e+00 : f32
    %logistic3A_35 = vector.broadcast %logistic3A_34 : f32 to vector<1000x1xf32>
    %logistic3A_36 = arith.addf %logistic3A_35, %logistic3A_33 : vector<1000x1xf32>
    %logistic3A_37 = arith.divf %logistic3A_35, %logistic3A_36 : vector<1000x1xf32>
    %swap3A = arith.constant 0 : index
    %swap3A_38 = arith.constant 0 : index
    %swap3A_39 = vector.load %arg4[%swap3A, %swap3A_38] : memref<1000x1xf32, #tpu.memory_space<vmem>>, vector<1000x1xf32>
    tpu.vector_store %arg4[%swap3A, %swap3A_38], %logistic3A_37 {strides = array<i32>} : memref<1000x1xf32, #tpu.memory_space<vmem>>, vector<1000x1xf32>,
    return
  }
  func.func @transform_0(%arg0: i32) -> (i32, i32, i32) {
    %c0_i32 = arith.constant 0 : i32
    %c0_i32_0 = arith.constant 0 : i32
    %c0_i32_1 = arith.constant 0 : i32
    return %c0_i32, %arg0, %c0_i32_0 : i32, i32, i32
  }
  func.func @transform_1(%arg0: i32) -> (i32, i32, i32) {
    %c1_i32 = arith.constant 1 : i32
    %c0_i32 = arith.constant 0 : i32
    %c0_i32_0 = arith.constant 0 : i32
    return %c1_i32, %arg0, %c0_i32 : i32, i32, i32
  }
  func.func @transform_2(%arg0: i32) -> (i32, i32) {
    %c0_i32 = arith.constant 0 : i32
    %c0_i32_0 = arith.constant 0 : i32
    %c0_i32_1 = arith.constant 0 : i32
    return %c0_i32, %c0_i32_0 : i32, i32
  }
  func.func @transform_3(%arg0: i32) -> (i32, i32) {
    %c0_i32 = arith.constant 0 : i32
    %c0_i32_0 = arith.constant 0 : i32
    return %arg0, %c0_i32 : i32, i32
  }
}

</mosaic_0001>

<sc_bundles>
// kernel: kernel.10.cloned.1.call-start
scs
__scs_entry_jumppad:
0x0: {  	(pc) =	sbr.rel $0x88, $3  }
0x1: {  	(tag) =	ssettag $0x0;
	lr =	simm.s32 $0x1  }
0x2: {  	[smem:$0x3F97] =	sst lr;
	_ =	strace $0xD0000000  }
0x3: {  	_ = 	snop  }
0x4: {  	_ = 	snop  }
0x5: {  	_ = 	snop  }
0x6: {  	_ = 	snop  }
0x7: {  	_ = 	snop  }
__scs_overlays_trampoline_lowered:
0x8: {  	[smem:$0x3FA6] =	sst s0  }
0x9: {  	[smem:$0x3FA7] =	sst s1  }
0xa: {  	[smem:$0x3FA8] =	sst s2  }
0xb: {  	[smem:$0x3FA9] =	sst s3  }
0xc: {  	[smem:$0x3FAA] =	sst s4  }
0xd: {  	[smem:$0x3FAB] =	sst s5  }
0xe: {  	[smem:$0x3FAC] =	sst s6  }
0xf: {  	[smem:$0x3FAD] =	sst s7  }
0x10: {  	[smem:$0x3FAE] =	sst s8  }
0x11: {  	[smem:$0x3FAF] =	sst s9;
	s0 =	simm.s32 @!p0 $0x0  }
0x12: {  	s1 =	sld [smem:$0x3F95];
	s0 =	simm.s32 @p0 $0x1  }
0x13: {  	[smem:$0x3FB0] =	sst s0;
	s0 =	simm.s32 @!p1 $0x0  }
0x14: {  	s2 =	sld [smem:$0x3F94];
	s0 =	simm.s32 @p1 $0x1  }
0x15: {  	[smem:$0x3FB1] =	sst s0;
	s0 =	simm.s32 @!p2 $0x0  }
0x16: {  	s3 =	sld [smem:$0x3FDB];
	s0 =	simm.s32 @p2 $0x1  }
0x17: {  	s4 =	simm.s32 $0x1BF5;
	[smem:$0x3FB3] =	sst s0  }
0x18: {  	s0 =	sld [smem:$0x3F96];
	_ =	swait.ge [sflag:s4], $0x0  }
0x19: {  	s7 =	sld [smem:$0x3F97]  }
0x1a: {  	s8 =	sadd.s32 $0xFFFFE003, lr  }
0x1b: {  	s9 =	sadd.s32 $0xFFFFFEF7, lr;
	s5 =	simm.s32 $0xFFFFFFFF;
	p2 =	slt.u32 s8, $0xFFFFF086  }
0x1c: {  	p1 =	slt.u32 s9, $0xF7A;
	s5 =	simm.s32 @!p2 $0x0  }
0x1d: {  	s5 =	simm.s32 @p1 $0x1;
	p0 =	seq.s32 s7, s2  }
0x1e: {  	s7 =	smul.u32 @!p0 $0xF7A, s2;
	p2 =	seq.s32 @!p0 s5, $0x0  }
0x1f: {  	s9 =	smul.u32 $0xF7A, s1;
	s8 =	simm.s32 @!p0 $0x1BF5;
	p2 =	por !p2, p0  }
0x20: {  	[sflag:s8] =	ssyncset.s32 @!p0 $0xFFFFF086;
	s6 =	sadd.s32 @!p0 s3, s7;
	s7 =	simm.s32 @!p0 $0x108  }
0x21: {  	s3 =	sadd.s32 s3, s9;
	s6 =	sadd.s32 @!p0 $0x88, s6;
	s7 =	simm.s32 @p2 $0x1082  }
0x22: {  	[simem:s7], [sflag:s8] =	dma.local @!p0 [hbm:s6], $0xF7A  }
0x23: {  	s9 =	sor.u32 $0xD0000000, s2;
	s6 =	simm.s32 $0x108;
	_ =	swait.ge @!p0 [sflag:s8], $0x0  }
0x24: {  	s3 =	sadd.s32 $0x88, s3;
	s6 =	simm.s32 @!p1 $0x1082;
	[sflag:s4] =	ssyncset.s32 $0xFFFFF086  }
0x25: {  	[simem:s6], [sflag:s4] =	dma.local [hbm:s3], $0xF7A  }
0x26: {  	[smem:$0x3F97] =	sst s1;
	(tag) =	ssettag s2;
	_ =	strace s9  }
0x27: {  	s1 =	sld [smem:$0x3FA7]  }
0x28: {  	s2 =	sld [smem:$0x3FA8]  }
0x29: {  	s4 =	sld [smem:$0x3FAA]  }
0x2a: {  	p0 =	seq.s32 s5, $0x0;
	s5 =	sld [smem:$0x3FAB]  }
0x2b: {  	s6 =	sld [smem:$0x3FAC]  }
0x2c: {  	s7 =	sld [smem:$0x3FAD]  }
0x2d: {  	s3 =	simm.s32 $0x108;
	s8 =	sld [smem:$0x3FAE]  }
0x2e: {  	s3 =	simm.s32 @!p0 $0x1082;
	s9 =	sld [smem:$0x3FAF]  }
0x2f: {  	lr =	sadd.s32 s0, s3;
	s0 =	sld [smem:$0x3FA6]  }
0x30: {  	s3 =	sld [smem:$0x3FA9]  }
0x31: {  	[smem:$0x3FB2] =	sst s10  }
0x32: {  	s10 =	sld [smem:$0x3FB0];
	_ =	sdelay $0x3  }
0x33: {  	p0 =	seq.s32 s10, $0x1;
	s10 =	sld [smem:$0x3FB2];
	_ =	sdelay $0x3  }
0x34: {  	[smem:$0x3FB2] =	sst s10  }
0x35: {  	s10 =	sld [smem:$0x3FB1];
	_ =	sdelay $0x3  }
0x36: {  	p1 =	seq.s32 s10, $0x1;
	s10 =	sld [smem:$0x3FB2];
	_ =	sdelay $0x3  }
0x37: {  	[smem:$0x3FB2] =	sst s10  }
0x38: {  	s10 =	sld [smem:$0x3FB3]  }
0x39: {  	_ = 	snop;
	(pc) =	sbr.ind lr, $3  }
0x3a: {  	_ = 	snop  }
0x3b: {  	_ = 	snop  }
0x3c: {  	p2 =	seq.s32 s10, $0x1;
	s10 =	sld [smem:$0x3FB2]  }
0x3d: {  	_ =	shalt  }
0x3e: {  	_ =	shalt  }
0x3f: {  	_ =	shalt  }
0x40: {  	_ =	shalt  }
0x41: {  	_ =	shalt  }
0x42: {  	_ =	shalt  }
0x43: {  	_ =	shalt  }
0x44: {  	_ =	shalt  }
0x45: {  	_ =	shalt  }
0x46: {  	_ =	shalt  }
0x47: {  	_ =	shalt  }
0x48: {  	_ =	shalt  }
0x49: {  	_ =	shalt  }
0x4a: {  	_ =	shalt  }
0x4b: {  	_ =	shalt  }
0x4c: {  	_ =	shalt  }
0x4d: {  	_ =	shalt  }
0x4e: {  	_ =	shalt  }
0x4f: {  	_ =	shalt  }
0x50: {  	_ =	shalt  }
0x51: {  	_ =	shalt  }
0x52: {  	_ =	shalt  }
0x53: {  	_ =	shalt  }
0x54: {  	_ =	shalt  }
0x55: {  	_ =	shalt  }
0x56: {  	_ =	shalt  }
0x57: {  	_ =	shalt  }
0x58: {  	_ =	shalt  }
0x59: {  	_ =	shalt  }
0x5a: {  	_ =	shalt  }
0x5b: {  	_ =	shalt  }
0x5c: {  	_ =	shalt  }
0x5d: {  	_ =	shalt  }
0x5e: {  	_ =	shalt  }
0x5f: {  	_ =	shalt  }
0x60: {  	_ =	shalt  }
0x61: {  	_ =	shalt  }
0x62: {  	_ =	shalt  }
0x63: {  	_ =	shalt  }
0x64: {  	_ =	shalt  }
0x65: {  	_ =	shalt  }
0x66: {  	_ =	shalt  }
0x67: {  	_ =	shalt  }
0x68: {  	_ =	shalt  }
0x69: {  	_ =	shalt  }
0x6a: {  	_ =	shalt  }
0x6b: {  	_ =	shalt  }
0x6c: {  	_ =	shalt  }
0x6d: {  	_ =	shalt  }
0x6e: {  	_ =	shalt  }
0x6f: {  	_ =	shalt  }
0x70: {  	_ =	shalt  }
0x71: {  	_ =	shalt  }
0x72: {  	_ =	shalt  }
0x73: {  	_ =	shalt  }
0x74: {  	_ =	shalt  }
0x75: {  	_ =	shalt  }
0x76: {  	_ =	shalt  }
0x77: {  	_ =	shalt  }
0x78: {  	_ =	shalt  }
0x79: {  	_ =	shalt  }
0x7a: {  	_ =	shalt  }
0x7b: {  	_ =	shalt  }
0x7c: {  	_ =	shalt  }
0x7d: {  	_ =	shalt  }
0x7e: {  	_ =	shalt  }
0x7f: {  	_ =	shalt  }
0x80: {  	_ =	shalt  }
0x81: {  	_ =	shalt  }
0x82: {  	_ =	shalt  }
0x83: {  	_ =	shalt  }
0x84: {  	_ =	shalt  }
0x85: {  	_ =	shalt  }
0x86: {  	_ =	shalt  }
0x87: {  	_ =	shalt  }
.Lfunc_end0:
.L_simem_size_0:
called_computation.1_lowered:
.L_overlay_start_0:
0x88: {  	s2 =	sld [smem:$0x3FD9]  }
0x89: {  	s3 =	sld [smem:$0x3FFE];
	_ =	sdelay $0x1  }
0x8a: {  	s1 =	srdreg.scid  }
0x8b: {  	s0 =	sand.u32 $0x1, s1  }
0x8c: {  	s17 =	sshll.u32 s0, $0xA;
	s2 =	sadd.s32 s3, s2  }
0x8d: {  	s2 =	sadd.s32 s2, s17  }
0x8e: {  	[smem:$0x3FBE] =	sst s2  }
0x8f: {  	_ = 	snop  }
0x90: {  	s2 =	sld [smem:$0x3FD0];
	(tm) =	ssettm $0x1  }
0x91: {  	s18 =	sld [smem:$0x3FFB];
	_ =	sdelay $0x3  }
0x92: {  	_ =	strace s18  }
0x93: {  	s3 =	sld [smem:$0x3FFC];
	_ =	sdelay $0x3  }
0x94: {  	_ =	strace s3  }
0x95: {  	s3 =	sld [smem:$0x3FFD];
	_ =	sdelay $0x3  }
0x96: {  	_ =	strace s3  }
0x97: {  	_ =	strace $0x8FFFFFFF  }
0x98: {  	s19 =	sld [smem:$0x3FDB];
	_ =	sdelay $0x1  }
0x99: {  	s4 =	simm.s32 $_scs_section_size  }
0x9a: {  	s5 =	simm.s32 $_size__tile_overlayer_lowered;
	s6 =	simm.s32 $_tile_overlayer_lowered  }
0x9b: {  	s22 =	simm.s32 $0x1BFF;
	s21 =	sshll.u32 s6, $0x1;
	s3 =	sadd.s32 s4, s19  }
0x9c: {  	s7 =	simm.s32 $0x0;
	s20 =	sshll.u32 s5, $0x1;
	s5 =	sadd.s32 s21, s3  }
0x9d: {  	[timem:s7], [sflag:s22] =	dma.local [hbm:s5], s20  }
0x9e: {  	_ =	swait.ge [sflag:s22], s20  }
0x9f: {  	s4 =	ssub.s32 $0x0, s20;
	[sflag:s22] =	ssyncset.done $0x0  }
0xa0: {  	[sflag:s22] =	ssyncadd.s32 s4;
	_ =	sdelay $0x1  }
0xa1: {  	s23 =	simm.s32 $0x1B8B  }
0xa2: {  	_ =	swait.ge [sflag:s23], $0x1  }
0xa3: {  	[sflag:s23] =	ssyncset.done $0x0  }
0xa4: {  	s25 =	simm.s32 $0x1B8E;
	s24 =	sld [smem:$0x3FFE];
	[sflag:s23] =	ssyncadd.s32 $0xFFFFFFFF  }
0xa5: {  	s26 =	simm.s32 $execute0_lowered;
	[smem:$0x3FD2] =	sst s25  }
0xa6: {  	s5 =	sshll.u32 s26, $0x1;
	_ =	strace $0x80000049;
	[dreg:$0x1] =	wrdreg $0xFFFFFFFF  }
0xa7: {  	s28 =	simm.s32 $_size_execute0_lowered;
	s3 =	sadd.s32 s3, s5;
	[dreg:$0x0] =	wrdreg $0x0  }
0xa8: {  	s5 =	sshll.u32 s28, $0x1;
	[dreg:$0x2] =	wrdreg s3  }
0xa9: {  	[dreg:$0x3] =	wrdreg s5  }
0xaa: {  	[dreg:$0x4] =	wrdreg $0xC0  }
0xab: {  	_ =	task [dreg:s7], $0x5FFFF  }
0xac: {  	[dreg:$0x1] =	wrdreg $0xFFFFFFFF  }
0xad: {  	[dreg:$0x0] =	wrdreg $0x60  }
0xae: {  	[dreg:$0x2] =	wrdreg s24  }
0xaf: {  	[dreg:$0x3] =	wrdreg s2  }
0xb0: {  	[dreg:$0x4] =	wrdreg $0x0  }
0xb1: {  	[dreg:$0x5] =	wrdreg $0x9  }
0xb2: {  	_ =	task.clear_ibuf [dreg:s7], $0x6FFFF;
	_ =	strace $0x90000049  }
0xb3: {  	s29 =	simm.s32 $0x9;
	_ =	strace $0x8000004B  }
0xb4: {  	_ =	swait.ge [sflag:s29], $0x1  }
0xb5: {  	[sflag:s29] =	ssyncadd.s32 $0xFFFFFFFF  }
0xb6: {  	_ =	strace $0x9000004B  }
0xb7: {  	_ =	sfence  }
0xb8: {  	s30 =	sld [smem:$0x0];
	_ =	sdelay $0x2  }
0xb9: {  	s31 =	sshll.u32 s1, $0xD;
	s1 =	sshrl.u32 s1, $0x2  }
0xba: {  	s3 =	sand.u32 $0x4000, s31;
	s1 =	sadd.s32 s1, s30  }
0xbb: {  	s0 =	sor.u32 s3, s0;
	s1 =	sshll.u32 s1, $0x11  }
0xbc: {  	s0 =	sor.u32 s1, s0  }
0xbd: {  	s0 =	sadd.s32 $0x8F2B, s0  }
0xbe: {  	[sflag:s0] =	ssyncadd.remote.s32 $0x1  }
0xbf: {  	_ =	sfence.sel $0xFFFF  }
0xc0: {  	[dreg:$0x0] =	wrdreg $0xFFFFFFFF;
	(pc) =	sbr.abs _section_cstart, $3  }
0xc1: {  	[dreg:$0x1] =	wrdreg $0xFFFFFFFF  }
0xc2: {  	_ =	task.clear_ibuf [dreg:s7], $0x2FFFF;
	_ =	strace $0x9FFFFFFF  }
0xc3: {  	(tm) =	ssettm $0x7FFFFFFF  }
tec
execute0_lowered:
.L_overlay_start_1:
0x0: {  	(tag) =	ssettag $0x1  }
0x1: {  	s0 =	rddreg [dreg:$0x0];
	s1 =	srdreg.scid  }
0x2: {  	s10 =	stileid.u32;
	s3 =	rddreg [dreg:$0x2]  }
0x3: {  	s4 =	simm.s32 $0x0;
	s28 =	simm.s32 $0x2800;
	s29 =	simm.s32 $0x2880  }
0x4: {  	s30 =	simm.s32 $0x80;
	s31 =	simm.s32 $0x2900;
	s6 =	smul.u32 $0xA000, s10  }
0x5: {  	s1 =	sand.u32 $0x1, s1;
	s5 =	sshll.u32 s10, $0x7;
	s9 =	smul.u32 $0x50, s10  }
0x6: {  	[smem:$0x7FF] =	sst s4;
	s13 =	ssub.s32 $0x4F1, s10;
	s2 =	smul.u32 $0x27100, s1  }
0x7: {  	_ =	strace $0x8000004A;
	s7 =	ssub.s32 $0x2, s1;
	s1 =	smul.u32 $0x500, s1  }
0x8: {  	s6 =	sshrl.u32 s6, $0x2;
	s8 =	sshrl.u32 s7, $0x1;
	s17 =	sadd.s32 $0x10, s9  }
0x9: {  	s20 =	sadd.s32 $0x20, s9;
	s23 =	sadd.s32 $0x30, s9;
	s2 =	sadd.s32 s5, s2  }
0xa: {  	s5 =	sadd.s32 $0x1600, s0;
	s6 =	sadd.s32 s6, s3;
	s7 =	ssub.s32 s7, s8  }
0xb: {  	s15 =	sadd.s32 s1, s9;
	s18 =	sshll.u32 s17, $0x7;
	s8 =	sadd.s32 s1, s17  }
0xc: {  	s21 =	sshll.u32 s20, $0x7;
	s24 =	sshll.u32 s23, $0x7;
	s9 =	sadd.s32 $0x40, s9  }
0xd: {  	s25 =	sadd.s32 s1, s23;
	s2 =	sshrl.u32 s2, $0x3;
	s26 =	sadd.s32 $0x800, s6  }
0xe: {  	s11 =	sadd.s32 $0x1000, s6;
	s12 =	sadd.s32 $0x1800, s6;
	s14 =	sadd.s32 $0x2000, s6  }
0xf: {  	s7 =	smax.u32 s7, $0x1;
	s16 =	sshll.u32 s15, $0x4;
	[dreg:$0x4] =	wrdreg s26  }
0x10: {  	v0 =	vlaneseq.u32;
	s19 =	sshll.u32 s8, $0x4;
	s8 =	sadd.s32 s1, s20;
	[dreg:$0x5] =	wrdreg s11  }
0x11: {  	v0 =	vmul.u32 $0x80, v0;
	s1 =	sadd.s32 s1, s9;
	s2 =	sadd.s32 s2, s0;
	[dreg:$0x6] =	wrdreg s12  }
0x12: {  	v1 =	vimm.f32 $0.0e+00;
	s0 =	sadd.s32 $0x6600, s0;
	[dreg:$0x7] =	wrdreg s14;
	s12 =	sshrl.u32 s13, $0x4  }
0x13: {  	v2 =	vimm.s32 $0x1;
	v3 =	vor.u32 $0x1, v0;
	v4 =	vor.u32 $0x2, v0;
	[dreg:$0x8] =	wrdreg s7;
	s14 =	sadd.s32 s18, s3;
	s22 =	sshll.u32 s8, $0x4  }
0x14: {  	v5 =	vor.u32 $0x800, v0;
	v6 =	vor.u32 $0x801, v0;
	v7 =	vor.u32 $0x802, v0;
	s18 =	sadd.s32 s24, s3;
	s7 =	sshll.u32 s25, $0x4;
	s26 =	sshll.u32 s9, $0x7  }
0x15: {  	v8 =	vor.u32 $0x1000, v0;
	v9 =	vor.u32 $0x1001, v0;
	v10 =	vor.u32 $0x1002, v0;
	s1 =	sshll.u32 s1, $0x4;
	s24 =	simm.s32 $0xAA00;
	s25 =	simm.s32 $0x3  }
0x16: {  	v11 =	vor.u32 $0x1800, v0;
	v12 =	vor.u32 $0x1801, v0;
	v13 =	vor.u32 $0x1802, v0;
	s8 =	simm.s32 $0x0;
	s13 =	sadd.s32 s0, s16;
	s15 =	sadd.s32 s0, s19  }
0x17: {  	v14 =	vor.u32 $0x2000, v0;
	v15 =	vor.u32 $0x2001, v0;
	v16 =	vor.u32 $0x2002, v0;
	s16 =	sadd.s32 s21, s3;
	s17 =	sadd.s32 s0, s22;
	s19 =	sadd.s32 s0, s7  }
0x18: {  	v17 =	vor.u32 $0x2800, v0;
	v18 =	vor.u32 $0x2801, v0;
	v19 =	vor.u32 $0x2802, v0;
	s20 =	sadd.s32 s26, s3;
	s21 =	sadd.s32 s0, s1;
	s10 =	sadd.s32 $0x2D800, s2  }
0x19: {  	v20 =	vor.u32 $0x3000, v0;
	v21 =	vor.u32 $0x3001, v0;
	v22 =	vor.u32 $0x3002, v0;
	s9 =	sadd.s32 $0x37600, s2;
	s1 =	simm.s32 $0x2A00;
	s0 =	simm.s32 $0x2980  }
0x1a: {  	v23 =	vor.u32 $0x3800, v0;
	v24 =	vor.u32 $0x3801, v0;
	v25 =	vor.u32 $0x3802, v0;
	s2 =	simm.s32 $0x6A00;
	s26 =	simm.s32 $0x1;
	s7 =	simm.s32 $0x2  }
.LBB2_1:
0x1b: {  	s11 =	simm.s32 $0x0;
	s22 =	simm.s32 $0x200  }
.LBB2_2:
0x1c: {  	p0 =	sne.s32 s22, $0xFE00;
	[tilespmem:s11+$0xAA70] =	vst v1  }
0x1d: {  	[tilespmem:s11+$0xAA00] =	vst v1  }
0x1e: {  	[tilespmem:s11+$0xAA10] =	vst v1  }
.Ltmp0:
0x1f: {  	[tilespmem:s11+$0xAA20] =	vst v1;
	(pc) =	sbr.rel @p0 .LBB2_2-.Ltmp0, $4  }
0x20: {  	[tilespmem:s11+$0xAA30] =	vst v1  }
0x21: {  	[tilespmem:s11+$0xAA40] =	vst v1  }
0x22: {  	[tilespmem:s11+$0xAA50] =	vst v1  }
0x23: {  	[tilespmem:s11+$0xAA60] =	vst v1;
	s11 =	sshra.s32 s22, $0x2;
	s22 =	sadd.s32 $0x200, s22  }
0x24: {  	[tilespmem:s11+$0xAA70] =	vst v1  }
0x25: {  	[tilespmem:s11+$0xAA00] =	vst v1  }
0x26: {  	[tilespmem:s11+$0xAA10] =	vst v1  }
0x27: {  	[tilespmem:s11+$0xAA20] =	vst v1  }
0x28: {  	[tilespmem:s11+$0xAA30] =	vst v1  }
0x29: {  	[tilespmem:s11+$0xAA40] =	vst v1  }
0x2a: {  	[tilespmem:s11+$0xAA50] =	vst v1  }
0x2b: {  	[tilespmem:s11+$0xAA60] =	vst v1  }
0x2c: {  	[spmem:s6] =	stream.linear.scatter [tilespmem:s24], [sflag:$0x3], $0x800, $0x38;
	[tilespmem:$0xEE00] =	vst v63  }
0x2d: {  	_ =	swait.ge [sflag:s25], $0x800  }
0x2e: {  	[sflag:s25] =	ssyncset.done $0x0  }
0x2f: {  	s23 =	rddreg [dreg:$0x4];
	[sflag:s25] =	ssyncadd.s32 $0xFFFFF800  }
0x30: {  	[spmem:s23] =	stream.linear.scatter [tilespmem:s24], [sflag:$0x3], $0x800, $0x38;
	[tilespmem:$0xEE00] =	vst v63  }
0x31: {  	_ =	swait.ge [sflag:s25], $0x800  }
0x32: {  	[sflag:s25] =	ssyncset.done $0x0  }
0x33: {  	s22 =	rddreg [dreg:$0x5];
	[sflag:s25] =	ssyncadd.s32 $0xFFFFF800  }
0x34: {  	[spmem:s22] =	stream.linear.scatter [tilespmem:s24], [sflag:$0x3], $0x800, $0x38;
	[tilespmem:$0xEE00] =	vst v63  }
0x35: {  	_ =	swait.ge [sflag:s25], $0x800  }
0x36: {  	[sflag:s25] =	ssyncset.done $0x0  }
0x37: {  	s23 =	rddreg [dreg:$0x6];
	[sflag:s25] =	ssyncadd.s32 $0xFFFFF800  }
0x38: {  	[spmem:s23] =	stream.linear.scatter [tilespmem:s24], [sflag:$0x3], $0x800, $0x38;
	[tilespmem:$0xEE00] =	vst v63  }
0x39: {  	_ =	swait.ge [sflag:s25], $0x800  }
0x3a: {  	[sflag:s25] =	ssyncset.done $0x0  }
0x3b: {  	s22 =	rddreg [dreg:$0x7];
	[sflag:s25] =	ssyncadd.s32 $0xFFFFF800  }
0x3c: {  	[spmem:s22] =	stream.linear.scatter [tilespmem:s24], [sflag:$0x3], $0x800, $0x38;
	[tilespmem:$0xEE00] =	vst v63  }
0x3d: {  	_ =	swait.ge [sflag:s25], $0x800  }
0x3e: {  	[sflag:s25] =	ssyncset.done $0x0  }
0x3f: {  	[sflag:s25] =	ssyncadd.s32 $0xFFFFF800  }
0x40: {  	s22 =	simm.s32 $0xEA00;
	s23 =	rddreg [dreg:$0x1]  }
0x41: {  	[tilespmem:s22], [sflag:$0x3] =	stream.linear.gather [hbm4b:s23+s4], $0x400, $0x38;
	[tilespmem:$0xEE00] =	vst v63  }
0x42: {  	_ =	swait.ge [sflag:s25], $0x400  }
0x43: {  	[sflag:s25] =	ssyncset.done $0x0  }
0x44: {  	[sflag:s25] =	ssyncadd.s32 $0xFFFFFC00  }
0x45: {  	v26 =	vld [tilespmem:$0xEA00];
	_ =	sdelay $0x3  }
0x46: {  	s11 =	smov.u32 s12  }
0x47: {  	s23 =	smov.u32 s9;
	s22 =	smov.u32 s10;
	[bflag:$0x0] =	sbarrier.arrive $0xFFFF;
	v26 =	vperm.xlane v26, v2  }
.LBB2_4:
0x48: {  	[tilespmem:s28], [sflag:$0x3] =	stream.linear.gather [hbm4b:s23+s4], $0x80, $0x38;
	[tilespmem:$0xEE00] =	vst v63  }
0x49: {  	_ =	swait.ge [sflag:s25], $0x80  }
0x4a: {  	[sflag:s25] =	ssyncset.done $0x0  }
0x4b: {  	[sflag:s25] =	ssyncadd.s32 $0xFFFFFF80  }
0x4c: {  	[tilespmem:s29], [sflag:$0x3] =	stream.linear.gather [hbm4b:s22+s4], $0x80, $0x38;
	[tilespmem:$0xEE00] =	vst v63  }
0x4d: {  	_ =	swait.ge [sflag:s25], $0x80  }
0x4e: {  	[sflag:s25] =	ssyncset.done $0x0  }
0x4f: {  	[sflag:s25] =	ssyncadd.s32 $0xFFFFFF80  }
0x50: {  	v27 =	vld [tilespmem:$0x2800]  }
0x51: {  	v28 =	vld [tilespmem:$0x2880]  }
0x52: {  	v29 =	vld [tilespmem:$0x2810]  }
0x53: {  	v30 =	vld [tilespmem:$0x2890]  }
0x54: {  	v31 =	vld [tilespmem:$0x2820]  }
0x55: {  	v32 =	vld [tilespmem:$0x28A0];
	v27 =	vshra.s32 v27, $0x3  }
0x56: {  	v54 =	vld [tilespmem:$0x2830];
	[tilespmem:$0x2900] =	vst v27;
	v27 =	vshra.s32 v28, $0x3  }
0x57: {  	v55 =	vld [tilespmem:$0x28B0];
	[tilespmem:$0x2980] =	vst v27;
	v27 =	vshra.s32 v29, $0x3  }
0x58: {  	v56 =	vld [tilespmem:$0x2840];
	[tilespmem:$0x2910] =	vst v27;
	v27 =	vshra.s32 v30, $0x3  }
0x59: {  	v57 =	vld [tilespmem:$0x28C0];
	[tilespmem:$0x2990] =	vst v27;
	v27 =	vshra.s32 v31, $0x3  }
0x5a: {  	v58 =	vld [tilespmem:$0x2850];
	[tilespmem:$0x2920] =	vst v27;
	v27 =	vshra.s32 v32, $0x3  }
0x5b: {  	v59 =	vld [tilespmem:$0x28D0];
	[tilespmem:$0x29A0] =	vst v27;
	v27 =	vshra.s32 v54, $0x3  }
0x5c: {  	v60 =	vld [tilespmem:$0x2860];
	[tilespmem:$0x2930] =	vst v27;
	v27 =	vshra.s32 v55, $0x3  }
0x5d: {  	v61 =	vld [tilespmem:$0x28E0];
	[tilespmem:$0x29B0] =	vst v27;
	v27 =	vshra.s32 v56, $0x3  }
0x5e: {  	v62 =	vld [tilespmem:$0x2870];
	[tilespmem:$0x2940] =	vst v27;
	v27 =	vshra.s32 v57, $0x3  }
0x5f: {  	v63 =	vld [tilespmem:$0x28F0];
	[tilespmem:$0x29C0] =	vst v27;
	v27 =	vshra.s32 v58, $0x3  }
0x60: {  	[tilespmem:$0x2950] =	vst v27;
	v27 =	vshra.s32 v59, $0x3  }
0x61: {  	[tilespmem:$0x29D0] =	vst v27;
	v27 =	vshra.s32 v60, $0x3  }
0x62: {  	[tilespmem:$0x2960] =	vst v27;
	v27 =	vshra.s32 v61, $0x3  }
0x63: {  	[tilespmem:$0x29E0] =	vst v27;
	v27 =	vshra.s32 v62, $0x3  }
0x64: {  	[tilespmem:$0x2970] =	vst v27;
	v27 =	vshra.s32 v63, $0x3  }
0x65: {  	[tilespmem:$0x29F0] =	vst v27  }
0x66: {  	[tilespmem:s1], [sflag:$0x1] =	stream.indirect.gather [hbm4b:s5+s30], $0x80, s31, s30, $0xb8;
	[tilespmem:$0xEE00] =	vst v63  }
0x67: {  	_ = 	snop  }
0x68: {  	[tilespmem:s2], [sflag:$0x2] =	stream.indirect.gather [hbm4b:s5+s30], $0x80, s0, s30, $0xb8;
	[tilespmem:$0xEE00] =	vst v63  }
0x69: {  	_ =	swait.ge [sflag:s26], $0x4000  }
0x6a: {  	[sflag:s26] =	ssyncset.done $0x0  }
0x6b: {  	[sflag:s26] =	ssyncadd.s32 $0xFFFFC000  }
0x6c: {  	_ =	swait.ge [sflag:s7], $0x4000  }
0x6d: {  	[sflag:s7] =	ssyncset.done $0x0  }
0x6e: {  	[sflag:s7] =	ssyncadd.s32 $0xFFFFC000  }
0x6f: {  	v27 =	vld [tilespmem:$0x2800]  }
0x70: {  	v35 =	vld [tilespmem:$0x2880];
	_ =	sdelay $0x3  }
0x71: {  	v27 =	vshll.u32 v27, $0x4  }
0x72: {  	v28 =	vshll.u32 v35, $0x4;
	v27 =	vand.u32 $0x70, v27  }
0x73: {  	v28 =	vand.u32 $0x70, v28;
	v36 =	vor.u32 v3, v27  }
0x74: {  	v37 =	vor.u32 v4, v28;
	_ =	sdelay $0x3  }
0x75: {  	v29 =	vld.idx.msk [tilespmem:v36+s1+$0x0], $0xffff  }
0x76: {  	v30 =	vld.idx.msk [tilespmem:v37+s2+$0x0], $0xffff;
	_ =	sdelay $0x4  }
0x77: {  	v29 =	vadd.f32 v30, v29;
	v30 =	vadd.f32 v30, v26;
	_ =	sdelay $0x1  }
0x78: {  	v38 =	vmul.f32 $2.000000030e-01, v29;
	v39 =	vmul.f32 $2.000000030e-01, v30  }
0x79: {  	vm0 =	vge.f32 v29, $0.0e+00;
	vm1 =	vge.f32 v30, $0.0e+00  }
0x7a: {  	v29 =	vsel vm0, v29, v38;
	v30 =	vsel vm1, v30, v39  }
0x7b: {  	v29 =	vsub.f32 v29, v30;
	_ =	sdelay $0x1  }
0x7c: {  	v29 =	vmul.f32 $1.442695020e+00, v29;
	_ =	sdelay $0x1  }
0x7d: {  	v27 =	vor.u32 v0, v27;
	(erf) = vpow2.f32 v29;
	_ =	sdelay $0x4  }
0x7e: {  	v27 =	vld.idx.msk [tilespmem:v27+s1+$0x0], $0xffff;
	_ =	sdelay $0x1  }
0x7f: {  	v40 =	vor.u32 v0, v28  }
0x80: {  	v28 =	vor.u32 v3, v28  }
0x81: {  	v41 =	vpop (erf)  }
0x82: {  	v27 =	vmul.f32 v41, v27;
	_ =	sdelay $0x1  }
0x83: {  	[tilespmem:v40+s24+$0x0] =	vst.idx.msk $0xffff, v27  }
0x84: {  	[tilespmem:v28+s24+$0x0] =	vst.idx.msk $0xffff, v41  }
0x85: {  	v27 =	vld [tilespmem:$0x2810]  }
0x86: {  	v28 =	vld [tilespmem:$0x2890];
	_ =	sdelay $0x3  }
0x87: {  	v27 =	vshll.u32 v27, $0x4  }
0x88: {  	v28 =	vshll.u32 v28, $0x4;
	v27 =	vand.u32 $0x70, v27  }
0x89: {  	v28 =	vand.u32 $0x70, v28;
	v42 =	vor.u32 v6, v27  }
0x8a: {  	v43 =	vor.u32 v7, v28;
	_ =	sdelay $0x3  }
0x8b: {  	v29 =	vld.idx.msk [tilespmem:v42+s1+$0x0], $0xffff  }
0x8c: {  	v30 =	vld.idx.msk [tilespmem:v43+s2+$0x0], $0xffff;
	_ =	sdelay $0x4  }
0x8d: {  	v29 =	vadd.f32 v30, v29;
	v30 =	vadd.f32 v30, v26;
	_ =	sdelay $0x1  }
0x8e: {  	v44 =	vmul.f32 $2.000000030e-01, v29;
	v45 =	vmul.f32 $2.000000030e-01, v30  }
0x8f: {  	vm14 =	vge.f32 v29, $0.0e+00;
	vm15 =	vge.f32 v30, $0.0e+00  }
0x90: {  	v29 =	vsel vm14, v29, v44;
	v30 =	vsel vm15, v30, v45  }
0x91: {  	v29 =	vsub.f32 v29, v30;
	_ =	sdelay $0x1  }
0x92: {  	v29 =	vmul.f32 $1.442695020e+00, v29;
	_ =	sdelay $0x1  }
0x93: {  	v27 =	vor.u32 v5, v27;
	(erf) = vpow2.f32 v29;
	_ =	sdelay $0x4  }
0x94: {  	v27 =	vld.idx.msk [tilespmem:v27+s1+$0x0], $0xffff;
	_ =	sdelay $0x1  }
0x95: {  	v46 =	vor.u32 v5, v28  }
0x96: {  	v28 =	vor.u32 v6, v28  }
0x97: {  	v47 =	vpop (erf)  }
0x98: {  	v27 =	vmul.f32 v47, v27;
	_ =	sdelay $0x1  }
0x99: {  	[tilespmem:v46+s24+$0x0] =	vst.idx.msk $0xffff, v27  }
0x9a: {  	[tilespmem:v28+s24+$0x0] =	vst.idx.msk $0xffff, v47  }
0x9b: {  	v27 =	vld [tilespmem:$0x2820]  }
0x9c: {  	v28 =	vld [tilespmem:$0x28A0];
	_ =	sdelay $0x3  }
0x9d: {  	v27 =	vshll.u32 v27, $0x4  }
0x9e: {  	v28 =	vshll.u32 v28, $0x4;
	v27 =	vand.u32 $0x70, v27  }
0x9f: {  	v28 =	vand.u32 $0x70, v28;
	v48 =	vor.u32 v9, v27  }
0xa0: {  	v49 =	vor.u32 v10, v28;
	_ =	sdelay $0x3  }
0xa1: {  	v29 =	vld.idx.msk [tilespmem:v48+s1+$0x0], $0xffff  }
0xa2: {  	v30 =	vld.idx.msk [tilespmem:v49+s2+$0x0], $0xffff;
	_ =	sdelay $0x4  }
0xa3: {  	v29 =	vadd.f32 v30, v29;
	v30 =	vadd.f32 v30, v26;
	_ =	sdelay $0x1  }
0xa4: {  	v50 =	vmul.f32 $2.000000030e-01, v29;
	v51 =	vmul.f32 $2.000000030e-01, v30  }
0xa5: {  	vm4 =	vge.f32 v29, $0.0e+00;
	vm5 =	vge.f32 v30, $0.0e+00  }
0xa6: {  	v29 =	vsel vm4, v29, v50;
	v30 =	vsel vm5, v30, v51  }
0xa7: {  	v29 =	vsub.f32 v29, v30;
	_ =	sdelay $0x1  }
0xa8: {  	v29 =	vmul.f32 $1.442695020e+00, v29;
	_ =	sdelay $0x1  }
0xa9: {  	v27 =	vor.u32 v8, v27;
	(erf) = vpow2.f32 v29;
	_ =	sdelay $0x4  }
0xaa: {  	v27 =	vld.idx.msk [tilespmem:v27+s1+$0x0], $0xffff;
	_ =	sdelay $0x1  }
0xab: {  	v52 =	vor.u32 v8, v28  }
0xac: {  	v28 =	vor.u32 v9, v28  }
0xad: {  	v53 =	vpop (erf)  }
0xae: {  	v27 =	vmul.f32 v53, v27;
	_ =	sdelay $0x1  }
0xaf: {  	[tilespmem:v52+s24+$0x0] =	vst.idx.msk $0xffff, v27  }
0xb0: {  	[tilespmem:v28+s24+$0x0] =	vst.idx.msk $0xffff, v53  }
0xb1: {  	v27 =	vld [tilespmem:$0x2830]  }
0xb2: {  	v28 =	vld [tilespmem:$0x28B0];
	_ =	sdelay $0x3  }
0xb3: {  	v27 =	vshll.u32 v27, $0x4  }
0xb4: {  	v28 =	vshll.u32 v28, $0x4;
	v27 =	vand.u32 $0x70, v27  }
0xb5: {  	v28 =	vand.u32 $0x70, v28;
	v54 =	vor.u32 v12, v27  }
0xb6: {  	v55 =	vor.u32 v13, v28;
	_ =	sdelay $0x3  }
0xb7: {  	v29 =	vld.idx.msk [tilespmem:v54+s1+$0x0], $0xffff  }
0xb8: {  	v30 =	vld.idx.msk [tilespmem:v55+s2+$0x0], $0xffff;
	_ =	sdelay $0x4  }
0xb9: {  	v29 =	vadd.f32 v30, v29;
	v30 =	vadd.f32 v30, v26;
	_ =	sdelay $0x1  }
0xba: {  	v56 =	vmul.f32 $2.000000030e-01, v29;
	v57 =	vmul.f32 $2.000000030e-01, v30  }
0xbb: {  	vm6 =	vge.f32 v29, $0.0e+00;
	vm7 =	vge.f32 v30, $0.0e+00  }
0xbc: {  	v29 =	vsel vm6, v29, v56;
	v30 =	vsel vm7, v30, v57  }
0xbd: {  	v29 =	vsub.f32 v29, v30;
	_ =	sdelay $0x1  }
0xbe: {  	v29 =	vmul.f32 $1.442695020e+00, v29;
	_ =	sdelay $0x1  }
0xbf: {  	v27 =	vor.u32 v11, v27;
	(erf) = vpow2.f32 v29;
	_ =	sdelay $0x4  }
0xc0: {  	v27 =	vld.idx.msk [tilespmem:v27+s1+$0x0], $0xffff;
	_ =	sdelay $0x1  }
0xc1: {  	v58 =	vor.u32 v11, v28  }
0xc2: {  	v28 =	vor.u32 v12, v28  }
0xc3: {  	v59 =	vpop (erf)  }
0xc4: {  	v27 =	vmul.f32 v59, v27;
	_ =	sdelay $0x1  }
0xc5: {  	[tilespmem:v58+s24+$0x0] =	vst.idx.msk $0xffff, v27  }
0xc6: {  	[tilespmem:v28+s24+$0x0] =	vst.idx.msk $0xffff, v59  }
0xc7: {  	v27 =	vld [tilespmem:$0x2840]  }
0xc8: {  	v28 =	vld [tilespmem:$0x28C0];
	_ =	sdelay $0x3  }
0xc9: {  	v27 =	vshll.u32 v27, $0x4  }
0xca: {  	v28 =	vshll.u32 v28, $0x4;
	v27 =	vand.u32 $0x70, v27  }
0xcb: {  	v28 =	vand.u32 $0x70, v28;
	v60 =	vor.u32 v15, v27  }
0xcc: {  	v61 =	vor.u32 v16, v28;
	_ =	sdelay $0x3  }
0xcd: {  	v29 =	vld.idx.msk [tilespmem:v60+s1+$0x0], $0xffff  }
0xce: {  	v30 =	vld.idx.msk [tilespmem:v61+s2+$0x0], $0xffff;
	_ =	sdelay $0x4  }
0xcf: {  	v29 =	vadd.f32 v30, v29;
	v30 =	vadd.f32 v30, v26;
	_ =	sdelay $0x1  }
0xd0: {  	v62 =	vmul.f32 $2.000000030e-01, v29;
	v63 =	vmul.f32 $2.000000030e-01, v30  }
0xd1: {  	vm8 =	vge.f32 v29, $0.0e+00;
	vm9 =	vge.f32 v30, $0.0e+00  }
0xd2: {  	v29 =	vsel vm8, v29, v62;
	v30 =	vsel vm9, v30, v63  }
0xd3: {  	v29 =	vsub.f32 v29, v30;
	_ =	sdelay $0x1  }
0xd4: {  	v29 =	vmul.f32 $1.442695020e+00, v29;
	_ =	sdelay $0x1  }
0xd5: {  	v27 =	vor.u32 v14, v27;
	(erf) = vpow2.f32 v29;
	_ =	sdelay $0x4  }
0xd6: {  	v27 =	vld.idx.msk [tilespmem:v27+s1+$0x0], $0xffff;
	_ =	sdelay $0x1  }
0xd7: {  	v36 =	vor.u32 v14, v28  }
0xd8: {  	v28 =	vor.u32 v15, v28  }
0xd9: {  	v37 =	vpop (erf)  }
0xda: {  	v27 =	vmul.f32 v37, v27;
	_ =	sdelay $0x1  }
0xdb: {  	[tilespmem:v36+s24+$0x0] =	vst.idx.msk $0xffff, v27  }
0xdc: {  	[tilespmem:v28+s24+$0x0] =	vst.idx.msk $0xffff, v37  }
0xdd: {  	v27 =	vld [tilespmem:$0x2850]  }
0xde: {  	v28 =	vld [tilespmem:$0x28D0];
	_ =	sdelay $0x3  }
0xdf: {  	v27 =	vshll.u32 v27, $0x4  }
0xe0: {  	v28 =	vshll.u32 v28, $0x4;
	v27 =	vand.u32 $0x70, v27  }
0xe1: {  	v28 =	vand.u32 $0x70, v28;
	v38 =	vor.u32 v18, v27  }
0xe2: {  	v39 =	vor.u32 v19, v28;
	_ =	sdelay $0x3  }
0xe3: {  	v29 =	vld.idx.msk [tilespmem:v38+s1+$0x0], $0xffff  }
0xe4: {  	v30 =	vld.idx.msk [tilespmem:v39+s2+$0x0], $0xffff;
	_ =	sdelay $0x4  }
0xe5: {  	v29 =	vadd.f32 v30, v29;
	v30 =	vadd.f32 v30, v26;
	_ =	sdelay $0x1  }
0xe6: {  	v40 =	vmul.f32 $2.000000030e-01, v29;
	v41 =	vmul.f32 $2.000000030e-01, v30  }
0xe7: {  	vm10 =	vge.f32 v29, $0.0e+00;
	vm11 =	vge.f32 v30, $0.0e+00  }
0xe8: {  	v29 =	vsel vm10, v29, v40;
	v30 =	vsel vm11, v30, v41  }
0xe9: {  	v29 =	vsub.f32 v29, v30;
	_ =	sdelay $0x1  }
0xea: {  	v29 =	vmul.f32 $1.442695020e+00, v29;
	_ =	sdelay $0x1  }
0xeb: {  	v27 =	vor.u32 v17, v27;
	(erf) = vpow2.f32 v29;
	_ =	sdelay $0x4  }
0xec: {  	v27 =	vld.idx.msk [tilespmem:v27+s1+$0x0], $0xffff;
	_ =	sdelay $0x1  }
0xed: {  	v42 =	vor.u32 v17, v28  }
0xee: {  	v28 =	vor.u32 v18, v28  }
0xef: {  	v43 =	vpop (erf)  }
0xf0: {  	v27 =	vmul.f32 v43, v27;
	_ =	sdelay $0x1  }
0xf1: {  	[tilespmem:v42+s24+$0x0] =	vst.idx.msk $0xffff, v27  }
0xf2: {  	[tilespmem:v28+s24+$0x0] =	vst.idx.msk $0xffff, v43  }
0xf3: {  	v27 =	vld [tilespmem:$0x2860]  }
0xf4: {  	v28 =	vld [tilespmem:$0x28E0];
	_ =	sdelay $0x3  }
0xf5: {  	v27 =	vshll.u32 v27, $0x4  }
0xf6: {  	v28 =	vshll.u32 v28, $0x4;
	v27 =	vand.u32 $0x70, v27  }
0xf7: {  	v28 =	vand.u32 $0x70, v28;
	v44 =	vor.u32 v21, v27  }
0xf8: {  	v45 =	vor.u32 v22, v28;
	_ =	sdelay $0x3  }
0xf9: {  	v29 =	vld.idx.msk [tilespmem:v44+s1+$0x0], $0xffff  }
0xfa: {  	v30 =	vld.idx.msk [tilespmem:v45+s2+$0x0], $0xffff;
	_ =	sdelay $0x4  }
0xfb: {  	v29 =	vadd.f32 v30, v29;
	v30 =	vadd.f32 v30, v26;
	_ =	sdelay $0x1  }
0xfc: {  	v46 =	vmul.f32 $2.000000030e-01, v29;
	v47 =	vmul.f32 $2.000000030e-01, v30  }
0xfd: {  	vm12 =	vge.f32 v29, $0.0e+00;
	vm13 =	vge.f32 v30, $0.0e+00  }
0xfe: {  	v29 =	vsel vm12, v29, v46;
	v30 =	vsel vm13, v30, v47  }
0xff: {  	v29 =	vsub.f32 v29, v30;
	_ =	sdelay $0x1  }
0x100: {  	v29 =	vmul.f32 $1.442695020e+00, v29;
	_ =	sdelay $0x1  }
0x101: {  	v27 =	vor.u32 v20, v27;
	(erf) = vpow2.f32 v29;
	_ =	sdelay $0x4  }
0x102: {  	v27 =	vld.idx.msk [tilespmem:v27+s1+$0x0], $0xffff;
	_ =	sdelay $0x1  }
0x103: {  	v48 =	vor.u32 v20, v28  }
0x104: {  	v28 =	vor.u32 v21, v28  }
0x105: {  	v49 =	vpop (erf)  }
0x106: {  	v27 =	vmul.f32 v49, v27;
	_ =	sdelay $0x1  }
0x107: {  	[tilespmem:v48+s24+$0x0] =	vst.idx.msk $0xffff, v27  }
0x108: {  	[tilespmem:v28+s24+$0x0] =	vst.idx.msk $0xffff, v49  }
0x109: {  	v27 =	vld [tilespmem:$0x2870]  }
0x10a: {  	v28 =	vld [tilespmem:$0x28F0];
	_ =	sdelay $0x3  }
0x10b: {  	v27 =	vshll.u32 v27, $0x4  }
0x10c: {  	v28 =	vshll.u32 v28, $0x4;
	v27 =	vand.u32 $0x70, v27  }
0x10d: {  	v28 =	vand.u32 $0x70, v28;
	v50 =	vor.u32 v24, v27  }
0x10e: {  	v51 =	vor.u32 v25, v28;
	_ =	sdelay $0x3  }
0x10f: {  	v29 =	vld.idx.msk [tilespmem:v50+s1+$0x0], $0xffff  }
0x110: {  	v30 =	vld.idx.msk [tilespmem:v51+s2+$0x0], $0xffff;
	_ =	sdelay $0x4  }
0x111: {  	v29 =	vadd.f32 v30, v29;
	v30 =	vadd.f32 v30, v26;
	_ =	sdelay $0x1  }
0x112: {  	v52 =	vmul.f32 $2.000000030e-01, v29;
	v53 =	vmul.f32 $2.000000030e-01, v30  }
0x113: {  	vm14 =	vge.f32 v29, $0.0e+00;
	vm15 =	vge.f32 v30, $0.0e+00  }
0x114: {  	v29 =	vsel vm14, v29, v52;
	v30 =	vsel vm15, v30, v53  }
0x115: {  	v29 =	vsub.f32 v29, v30;
	_ =	sdelay $0x1  }
0x116: {  	v29 =	vmul.f32 $1.442695020e+00, v29;
	_ =	sdelay $0x1  }
0x117: {  	v27 =	vor.u32 v23, v27;
	(erf) = vpow2.f32 v29;
	_ =	sdelay $0x4  }
0x118: {  	v27 =	vld.idx.msk [tilespmem:v27+s1+$0x0], $0xffff;
	_ =	sdelay $0x1  }
0x119: {  	v54 =	vor.u32 v23, v28  }
0x11a: {  	v28 =	vor.u32 v24, v28  }
0x11b: {  	v55 =	vpop (erf)  }
0x11c: {  	v27 =	vmul.f32 v55, v27;
	_ =	sdelay $0x1  }
0x11d: {  	[tilespmem:v54+s24+$0x0] =	vst.idx.msk $0xffff, v27  }
0x11e: {  	[tilespmem:v28+s24+$0x0] =	vst.idx.msk $0xffff, v55  }
0x11f: {  	[spmem:s3] =	stream.indirect.scatter.add.f32 [tilespmem:s24], [sflag:$0x3], $0x80, s0, s30, $0xb8;
	[tilespmem:$0xEE00] =	vst v63  }
0x120: {  	_ =	swait.ge [sflag:s25], $0x4000  }
0x121: {  	[sflag:s25] =	ssyncset.done $0x0  }
0x122: {  	[sflag:s25] =	ssyncadd.s32 $0xFFFFC000  }
0x123: {  	v27 =	vld [tilespmem:$0x2880];
	_ =	sdelay $0x4  }
0x124: {  	v27 =	vshll.u32 v27, $0x4  }
0x125: {  	v27 =	vand.u32 $0x70, v27  }
0x126: {  	v56 =	vor.u32 v0, v27  }
0x127: {  	v27 =	vor.u32 v3, v27;
	_ =	sdelay $0x3  }
0x128: {  	[tilespmem:v56+s24+$0x0] =	vst.idx.msk $0xffff, v1  }
0x129: {  	[tilespmem:v27+s24+$0x0] =	vst.idx.msk $0xffff, v1  }
0x12a: {  	v27 =	vld [tilespmem:$0x2890];
	_ =	sdelay $0x4  }
0x12b: {  	v27 =	vshll.u32 v27, $0x4  }
0x12c: {  	v27 =	vand.u32 $0x70, v27  }
0x12d: {  	v57 =	vor.u32 v5, v27  }
0x12e: {  	v27 =	vor.u32 v6, v27;
	_ =	sdelay $0x3  }
0x12f: {  	[tilespmem:v57+s24+$0x0] =	vst.idx.msk $0xffff, v1  }
0x130: {  	[tilespmem:v27+s24+$0x0] =	vst.idx.msk $0xffff, v1  }
0x131: {  	v27 =	vld [tilespmem:$0x28A0];
	_ =	sdelay $0x4  }
0x132: {  	v27 =	vshll.u32 v27, $0x4  }
0x133: {  	v27 =	vand.u32 $0x70, v27  }
0x134: {  	v58 =	vor.u32 v8, v27  }
0x135: {  	v27 =	vor.u32 v9, v27;
	_ =	sdelay $0x3  }
0x136: {  	[tilespmem:v58+s24+$0x0] =	vst.idx.msk $0xffff, v1  }
0x137: {  	[tilespmem:v27+s24+$0x0] =	vst.idx.msk $0xffff, v1  }
0x138: {  	v27 =	vld [tilespmem:$0x28B0];
	_ =	sdelay $0x4  }
0x139: {  	v27 =	vshll.u32 v27, $0x4  }
0x13a: {  	v27 =	vand.u32 $0x70, v27  }
0x13b: {  	v59 =	vor.u32 v11, v27  }
0x13c: {  	v27 =	vor.u32 v12, v27;
	_ =	sdelay $0x3  }
0x13d: {  	[tilespmem:v59+s24+$0x0] =	vst.idx.msk $0xffff, v1  }
0x13e: {  	[tilespmem:v27+s24+$0x0] =	vst.idx.msk $0xffff, v1  }
0x13f: {  	v27 =	vld [tilespmem:$0x28C0];
	_ =	sdelay $0x4  }
0x140: {  	v27 =	vshll.u32 v27, $0x4  }
0x141: {  	v27 =	vand.u32 $0x70, v27  }
0x142: {  	v60 =	vor.u32 v14, v27  }
0x143: {  	v27 =	vor.u32 v15, v27;
	_ =	sdelay $0x3  }
0x144: {  	[tilespmem:v60+s24+$0x0] =	vst.idx.msk $0xffff, v1  }
0x145: {  	[tilespmem:v27+s24+$0x0] =	vst.idx.msk $0xffff, v1  }
0x146: {  	v27 =	vld [tilespmem:$0x28D0];
	_ =	sdelay $0x4  }
0x147: {  	v27 =	vshll.u32 v27, $0x4  }
0x148: {  	v27 =	vand.u32 $0x70, v27  }
0x149: {  	v61 =	vor.u32 v17, v27  }
0x14a: {  	v27 =	vor.u32 v18, v27;
	_ =	sdelay $0x3  }
0x14b: {  	[tilespmem:v61+s24+$0x0] =	vst.idx.msk $0xffff, v1  }
0x14c: {  	[tilespmem:v27+s24+$0x0] =	vst.idx.msk $0xffff, v1  }
0x14d: {  	v27 =	vld [tilespmem:$0x28E0];
	_ =	sdelay $0x4  }
0x14e: {  	v27 =	vshll.u32 v27, $0x4  }
0x14f: {  	v27 =	vand.u32 $0x70, v27  }
0x150: {  	v62 =	vor.u32 v20, v27  }
0x151: {  	v27 =	vor.u32 v21, v27;
	_ =	sdelay $0x3  }
0x152: {  	[tilespmem:v62+s24+$0x0] =	vst.idx.msk $0xffff, v1  }
0x153: {  	[tilespmem:v27+s24+$0x0] =	vst.idx.msk $0xffff, v1  }
0x154: {  	v27 =	vld [tilespmem:$0x28F0];
	_ =	sdelay $0x4  }
0x155: {  	v27 =	vshll.u32 v27, $0x4  }
0x156: {  	v27 =	vand.u32 $0x70, v27  }
0x157: {  	v63 =	vor.u32 v23, v27  }
0x158: {  	p0 =	sne.s32 s11, $0x1;
	v27 =	vor.u32 v24, v27  }
.Ltmp1:
0x159: {  	_ = 	snop;
	(pc) =	sbr.rel @p0 .LBB2_4-.Ltmp1, $3  }
0x15a: {  	_ =	sdelay $0x1  }
0x15b: {  	[tilespmem:v63+s24+$0x0] =	vst.idx.msk $0xffff, v1  }
0x15c: {  	s23 =	sadd.s32 $0x100, s23;
	s11 =	sadd.s32 $0xFFFFFFFF, s11;
	s22 =	sadd.s32 $0x100, s22;
	[tilespmem:v27+s24+$0x0] =	vst.idx.msk $0xffff, v1  }
0x15d: {  	[bflag:$0x0] =	sbarrier.arrive $0xFFFF  }
0x15e: {  	[tilespmem:s24], [sflag:$0x3] =	stream.linear.gather [spmem:s6], $0x800, $0x38;
	[tilespmem:$0xEE00] =	vst v63  }
0x15f: {  	_ =	swait.ge [sflag:s25], $0x800  }
0x160: {  	[sflag:s25] =	ssyncset.done $0x0  }
0x161: {  	[sflag:s25] =	ssyncadd.s32 $0xFFFFF800  }
0x162: {  	[hbm4b:s13+s4] =	stream.linear.scatter [tilespmem:s24], [sflag:$0x3], $0x800, $0x38;
	[tilespmem:$0xEE00] =	vst v63  }
0x163: {  	_ =	swait.ge [sflag:s25], $0x800  }
0x164: {  	[sflag:s25] =	ssyncset.done $0x0  }
0x165: {  	[sflag:s25] =	ssyncadd.s32 $0xFFFFF800  }
0x166: {  	[tilespmem:s24], [sflag:$0x3] =	stream.linear.gather [spmem:s14], $0x800, $0x38;
	[tilespmem:$0xEE00] =	vst v63  }
0x167: {  	_ =	swait.ge [sflag:s25], $0x800  }
0x168: {  	[sflag:s25] =	ssyncset.done $0x0  }
0x169: {  	[sflag:s25] =	ssyncadd.s32 $0xFFFFF800  }
0x16a: {  	[hbm4b:s15+s4] =	stream.linear.scatter [tilespmem:s24], [sflag:$0x3], $0x800, $0x38;
	[tilespmem:$0xEE00] =	vst v63  }
0x16b: {  	_ =	swait.ge [sflag:s25], $0x800  }
0x16c: {  	[sflag:s25] =	ssyncset.done $0x0  }
0x16d: {  	[sflag:s25] =	ssyncadd.s32 $0xFFFFF800  }
0x16e: {  	[tilespmem:s24], [sflag:$0x3] =	stream.linear.gather [spmem:s16], $0x800, $0x38;
	[tilespmem:$0xEE00] =	vst v63  }
0x16f: {  	_ =	swait.ge [sflag:s25], $0x800  }
0x170: {  	[sflag:s25] =	ssyncset.done $0x0  }
0x171: {  	[sflag:s25] =	ssyncadd.s32 $0xFFFFF800  }
0x172: {  	[hbm4b:s17+s4] =	stream.linear.scatter [tilespmem:s24], [sflag:$0x3], $0x800, $0x38;
	[tilespmem:$0xEE00] =	vst v63  }
0x173: {  	_ =	swait.ge [sflag:s25], $0x800  }
0x174: {  	[sflag:s25] =	ssyncset.done $0x0  }
0x175: {  	[sflag:s25] =	ssyncadd.s32 $0xFFFFF800  }
0x176: {  	[tilespmem:s24], [sflag:$0x3] =	stream.linear.gather [spmem:s18], $0x800, $0x38;
	[tilespmem:$0xEE00] =	vst v63  }
0x177: {  	_ =	swait.ge [sflag:s25], $0x800  }
0x178: {  	[sflag:s25] =	ssyncset.done $0x0  }
0x179: {  	[sflag:s25] =	ssyncadd.s32 $0xFFFFF800  }
0x17a: {  	[hbm4b:s19+s4] =	stream.linear.scatter [tilespmem:s24], [sflag:$0x3], $0x800, $0x38;
	[tilespmem:$0xEE00] =	vst v63  }
0x17b: {  	_ =	swait.ge [sflag:s25], $0x800  }
0x17c: {  	[sflag:s25] =	ssyncset.done $0x0  }
0x17d: {  	[sflag:s25] =	ssyncadd.s32 $0xFFFFF800  }
0x17e: {  	[tilespmem:s24], [sflag:$0x3] =	stream.linear.gather [spmem:s20], $0x800, $0x38;
	[tilespmem:$0xEE00] =	vst v63  }
0x17f: {  	_ =	swait.ge [sflag:s25], $0x800  }
0x180: {  	[sflag:s25] =	ssyncset.done $0x0  }
0x181: {  	[sflag:s25] =	ssyncadd.s32 $0xFFFFF800  }
0x182: {  	[hbm4b:s21+s4] =	stream.linear.scatter [tilespmem:s24], [sflag:$0x3], $0x800, $0x38;
	[tilespmem:$0xEE00] =	vst v63  }
0x183: {  	_ =	swait.ge [sflag:s25], $0x800  }
0x184: {  	s8 =	sadd.s32 $0x1, s8;
	s11 =	rddreg [dreg:$0x8]  }
0x185: {  	p0 =	sne.s32 s8, s11  }
.Ltmp2:
0x186: {  	_ = 	snop;
	(pc) =	sbr.rel @p0 .LBB2_1-.Ltmp2, $3  }
0x187: {  	_ =	sdelay $0x1  }
0x188: {  	[sflag:s25] =	ssyncset.done $0x0  }
0x189: {  	[sflag:s25] =	ssyncadd.s32 $0xFFFFF800  }
0x18a: {  	_ =	sfence.sel $0x180000  }
0x18b: {  	[bflag:$0x0] =	sbarrier.arrive $0xFFFF  }
0x18c: {  	_ =	strace $0x9000004A  }
0x18d: {  	s0 =	stileid.u32;
	[bflag:$0x2] =	sbarrier.arrive $0xFFFF  }
0x18e: {  	p0 =	sne.s32 s0, $0x0;
	s0 =	rddreg [dreg:$0x3]  }
0x18f: {  	s0 =	sadd.s32 @!p0 $0x100000, s0  }
0x190: {  	[sflag:s0] =	ssyncadd.tile.s32 @!p0 $0x1;
	_ =	shalt  }
.Lfunc_end2:
_tile_overlayer_lowered:
.L_overlay_start_2:
0x191: {  	(tag) =	ssettag $0x2  }
0x192: {  	s0 =	rddreg [dreg:$0x0];
	s2 =	stileid.u32  }
0x193: {  	s1 =	rddreg [dreg:$0x1];
	p0 =	sne.s32 s2, $0x0  }
0x194: {  	s3 =	rddreg [dreg:$0x2];
	[bflag:$0x3] =	sbarrier.arrive $0xFFFF;
	s2 =	simm.s32 @!p0 $0x1C03  }
0x195: {  	[timem:s3], [sflag:s2] =	dma.local @!p0 [hbm:s0], s1  }
0x196: {  	s0 =	simm.s32 @!p0 $0x3  }
0x197: {  	_ =	swait.ge @!p0 [sflag:s0], s1  }
0x198: {  	s1 =	ssub.s32 @!p0 $0x0, s1;
	[sflag:s0] =	ssyncset.done @!p0 $0x0  }
0x199: {  	[sflag:s0] =	ssyncadd.s32 @!p0 s1  }
0x19a: {  	[bflag:$0x3] =	sbarrier.arrive $0xFFFF  }
0x19b: {  	_ =	shalt  }

// kernel: kernel.7.cloned.1.call-start
scs
__scs_entry_jumppad:
0x0: {  	(pc) =	sbr.rel $0x88, $3  }
0x1: {  	(tag) =	ssettag $0x0;
	lr =	simm.s32 $0x1  }
0x2: {  	[smem:$0x3F97] =	sst lr;
	_ =	strace $0xD0000000  }
0x3: {  	_ = 	snop  }
0x4: {  	_ = 	snop  }
0x5: {  	_ = 	snop  }
0x6: {  	_ = 	snop  }
0x7: {  	_ = 	snop  }
__scs_overlays_trampoline_lowered:
0x8: {  	[smem:$0x3FA6] =	sst s0  }
0x9: {  	[smem:$0x3FA7] =	sst s1  }
0xa: {  	[smem:$0x3FA8] =	sst s2  }
0xb: {  	[smem:$0x3FA9] =	sst s3  }
0xc: {  	[smem:$0x3FAA] =	sst s4  }
0xd: {  	[smem:$0x3FAB] =	sst s5  }
0xe: {  	[smem:$0x3FAC] =	sst s6  }
0xf: {  	[smem:$0x3FAD] =	sst s7  }
0x10: {  	[smem:$0x3FAE] =	sst s8  }
0x11: {  	[smem:$0x3FAF] =	sst s9;
	s0 =	simm.s32 @!p0 $0x0  }
0x12: {  	s1 =	sld [smem:$0x3F95];
	s0 =	simm.s32 @p0 $0x1  }
0x13: {  	[smem:$0x3FB0] =	sst s0;
	s0 =	simm.s32 @!p1 $0x0  }
0x14: {  	s2 =	sld [smem:$0x3F94];
	s0 =	simm.s32 @p1 $0x1  }
0x15: {  	[smem:$0x3FB1] =	sst s0;
	s0 =	simm.s32 @!p2 $0x0  }
0x16: {  	s3 =	sld [smem:$0x3FDB];
	s0 =	simm.s32 @p2 $0x1  }
0x17: {  	s4 =	simm.s32 $0x1BF5;
	[smem:$0x3FB3] =	sst s0  }
0x18: {  	s0 =	sld [smem:$0x3F96];
	_ =	swait.ge [sflag:s4], $0x0  }
0x19: {  	s7 =	sld [smem:$0x3F97]  }
0x1a: {  	s8 =	sadd.s32 $0xFFFFE003, lr  }
0x1b: {  	s9 =	sadd.s32 $0xFFFFFEF7, lr;
	s5 =	simm.s32 $0xFFFFFFFF;
	p2 =	slt.u32 s8, $0xFFFFF086  }
0x1c: {  	p1 =	slt.u32 s9, $0xF7A;
	s5 =	simm.s32 @!p2 $0x0  }
0x1d: {  	s5 =	simm.s32 @p1 $0x1;
	p0 =	seq.s32 s7, s2  }
0x1e: {  	s7 =	smul.u32 @!p0 $0xF7A, s2;
	p2 =	seq.s32 @!p0 s5, $0x0  }
0x1f: {  	s9 =	smul.u32 $0xF7A, s1;
	s8 =	simm.s32 @!p0 $0x1BF5;
	p2 =	por !p2, p0  }
0x20: {  	[sflag:s8] =	ssyncset.s32 @!p0 $0xFFFFF086;
	s6 =	sadd.s32 @!p0 s3, s7;
	s7 =	simm.s32 @!p0 $0x108  }
0x21: {  	s3 =	sadd.s32 s3, s9;
	s6 =	sadd.s32 @!p0 $0x88, s6;
	s7 =	simm.s32 @p2 $0x1082  }
0x22: {  	[simem:s7], [sflag:s8] =	dma.local @!p0 [hbm:s6], $0xF7A  }
0x23: {  	s9 =	sor.u32 $0xD0000000, s2;
	s6 =	simm.s32 $0x108;
	_ =	swait.ge @!p0 [sflag:s8], $0x0  }
0x24: {  	s3 =	sadd.s32 $0x88, s3;
	s6 =	simm.s32 @!p1 $0x1082;
	[sflag:s4] =	ssyncset.s32 $0xFFFFF086  }
0x25: {  	[simem:s6], [sflag:s4] =	dma.local [hbm:s3], $0xF7A  }
0x26: {  	[smem:$0x3F97] =	sst s1;
	(tag) =	ssettag s2;
	_ =	strace s9  }
0x27: {  	s1 =	sld [smem:$0x3FA7]  }
0x28: {  	s2 =	sld [smem:$0x3FA8]  }
0x29: {  	s4 =	sld [smem:$0x3FAA]  }
0x2a: {  	p0 =	seq.s32 s5, $0x0;
	s5 =	sld [smem:$0x3FAB]  }
0x2b: {  	s6 =	sld [smem:$0x3FAC]  }
0x2c: {  	s7 =	sld [smem:$0x3FAD]  }
0x2d: {  	s3 =	simm.s32 $0x108;
	s8 =	sld [smem:$0x3FAE]  }
0x2e: {  	s3 =	simm.s32 @!p0 $0x1082;
	s9 =	sld [smem:$0x3FAF]  }
0x2f: {  	lr =	sadd.s32 s0, s3;
	s0 =	sld [smem:$0x3FA6]  }
0x30: {  	s3 =	sld [smem:$0x3FA9]  }
0x31: {  	[smem:$0x3FB2] =	sst s10  }
0x32: {  	s10 =	sld [smem:$0x3FB0];
	_ =	sdelay $0x3  }
0x33: {  	p0 =	seq.s32 s10, $0x1;
	s10 =	sld [smem:$0x3FB2];
	_ =	sdelay $0x3  }
0x34: {  	[smem:$0x3FB2] =	sst s10  }
0x35: {  	s10 =	sld [smem:$0x3FB1];
	_ =	sdelay $0x3  }
0x36: {  	p1 =	seq.s32 s10, $0x1;
	s10 =	sld [smem:$0x3FB2];
	_ =	sdelay $0x3  }
0x37: {  	[smem:$0x3FB2] =	sst s10  }
0x38: {  	s10 =	sld [smem:$0x3FB3]  }
0x39: {  	_ = 	snop;
	(pc) =	sbr.ind lr, $3  }
0x3a: {  	_ = 	snop  }
0x3b: {  	_ = 	snop  }
0x3c: {  	p2 =	seq.s32 s10, $0x1;
	s10 =	sld [smem:$0x3FB2]  }
0x3d: {  	_ =	shalt  }
0x3e: {  	_ =	shalt  }
0x3f: {  	_ =	shalt  }
0x40: {  	_ =	shalt  }
0x41: {  	_ =	shalt  }
0x42: {  	_ =	shalt  }
0x43: {  	_ =	shalt  }
0x44: {  	_ =	shalt  }
0x45: {  	_ =	shalt  }
0x46: {  	_ =	shalt  }
0x47: {  	_ =	shalt  }
0x48: {  	_ =	shalt  }
0x49: {  	_ =	shalt  }
0x4a: {  	_ =	shalt  }
0x4b: {  	_ =	shalt  }
0x4c: {  	_ =	shalt  }
0x4d: {  	_ =	shalt  }
0x4e: {  	_ =	shalt  }
0x4f: {  	_ =	shalt  }
0x50: {  	_ =	shalt  }
0x51: {  	_ =	shalt  }
0x52: {  	_ =	shalt  }
0x53: {  	_ =	shalt  }
0x54: {  	_ =	shalt  }
0x55: {  	_ =	shalt  }
0x56: {  	_ =	shalt  }
0x57: {  	_ =	shalt  }
0x58: {  	_ =	shalt  }
0x59: {  	_ =	shalt  }
0x5a: {  	_ =	shalt  }
0x5b: {  	_ =	shalt  }
0x5c: {  	_ =	shalt  }
0x5d: {  	_ =	shalt  }
0x5e: {  	_ =	shalt  }
0x5f: {  	_ =	shalt  }
0x60: {  	_ =	shalt  }
0x61: {  	_ =	shalt  }
0x62: {  	_ =	shalt  }
0x63: {  	_ =	shalt  }
0x64: {  	_ =	shalt  }
0x65: {  	_ =	shalt  }
0x66: {  	_ =	shalt  }
0x67: {  	_ =	shalt  }
0x68: {  	_ =	shalt  }
0x69: {  	_ =	shalt  }
0x6a: {  	_ =	shalt  }
0x6b: {  	_ =	shalt  }
0x6c: {  	_ =	shalt  }
0x6d: {  	_ =	shalt  }
0x6e: {  	_ =	shalt  }
0x6f: {  	_ =	shalt  }
0x70: {  	_ =	shalt  }
0x71: {  	_ =	shalt  }
0x72: {  	_ =	shalt  }
0x73: {  	_ =	shalt  }
0x74: {  	_ =	shalt  }
0x75: {  	_ =	shalt  }
0x76: {  	_ =	shalt  }
0x77: {  	_ =	shalt  }
0x78: {  	_ =	shalt  }
0x79: {  	_ =	shalt  }
0x7a: {  	_ =	shalt  }
0x7b: {  	_ =	shalt  }
0x7c: {  	_ =	shalt  }
0x7d: {  	_ =	shalt  }
0x7e: {  	_ =	shalt  }
0x7f: {  	_ =	shalt  }
0x80: {  	_ =	shalt  }
0x81: {  	_ =	shalt  }
0x82: {  	_ =	shalt  }
0x83: {  	_ =	shalt  }
0x84: {  	_ =	shalt  }
0x85: {  	_ =	shalt  }
0x86: {  	_ =	shalt  }
0x87: {  	_ =	shalt  }
.Lfunc_end0:
.L_simem_size_0:
called_computation_lowered:
.L_overlay_start_0:
0x88: {  	s2 =	sld [smem:$0x3FD9]  }
0x89: {  	s3 =	sld [smem:$0x3FFE];
	_ =	sdelay $0x1  }
0x8a: {  	s1 =	srdreg.scid  }
0x8b: {  	s0 =	sand.u32 $0x1, s1  }
0x8c: {  	s17 =	sshll.u32 s0, $0xA;
	s2 =	sadd.s32 s3, s2  }
0x8d: {  	s2 =	sadd.s32 s2, s17  }
0x8e: {  	[smem:$0x3FBE] =	sst s2  }
0x8f: {  	_ = 	snop  }
0x90: {  	s2 =	sld [smem:$0x3FD0];
	(tm) =	ssettm $0x1  }
0x91: {  	s18 =	sld [smem:$0x3FFB];
	_ =	sdelay $0x3  }
0x92: {  	_ =	strace s18  }
0x93: {  	s3 =	sld [smem:$0x3FFC];
	_ =	sdelay $0x3  }
0x94: {  	_ =	strace s3  }
0x95: {  	s3 =	sld [smem:$0x3FFD];
	_ =	sdelay $0x3  }
0x96: {  	_ =	strace s3  }
0x97: {  	_ =	strace $0x8FFFFFFF  }
0x98: {  	s19 =	sld [smem:$0x3FDB];
	_ =	sdelay $0x1  }
0x99: {  	s4 =	simm.s32 $_scs_section_size  }
0x9a: {  	s5 =	simm.s32 $_size__tile_overlayer_lowered;
	s6 =	simm.s32 $_tile_overlayer_lowered  }
0x9b: {  	s22 =	simm.s32 $0x1BFF;
	s21 =	sshll.u32 s6, $0x1;
	s3 =	sadd.s32 s4, s19  }
0x9c: {  	s7 =	simm.s32 $0x0;
	s20 =	sshll.u32 s5, $0x1;
	s5 =	sadd.s32 s21, s3  }
0x9d: {  	[timem:s7], [sflag:s22] =	dma.local [hbm:s5], s20  }
0x9e: {  	_ =	swait.ge [sflag:s22], s20  }
0x9f: {  	s4 =	ssub.s32 $0x0, s20;
	[sflag:s22] =	ssyncset.done $0x0  }
0xa0: {  	[sflag:s22] =	ssyncadd.s32 s4;
	_ =	sdelay $0x1  }
0xa1: {  	s23 =	simm.s32 $0x1B8B  }
0xa2: {  	_ =	swait.ge [sflag:s23], $0x1  }
0xa3: {  	[sflag:s23] =	ssyncset.done $0x0  }
0xa4: {  	s25 =	simm.s32 $0x1B8E;
	s24 =	sld [smem:$0x3FFE];
	[sflag:s23] =	ssyncadd.s32 $0xFFFFFFFF  }
0xa5: {  	s26 =	simm.s32 $execute0_lowered;
	[smem:$0x3FD2] =	sst s25  }
0xa6: {  	s5 =	sshll.u32 s26, $0x1;
	_ =	strace $0x80000046;
	[dreg:$0x1] =	wrdreg $0xFFFFFFFF  }
0xa7: {  	s28 =	simm.s32 $_size_execute0_lowered;
	s3 =	sadd.s32 s3, s5;
	[dreg:$0x0] =	wrdreg $0x0  }
0xa8: {  	s5 =	sshll.u32 s28, $0x1;
	[dreg:$0x2] =	wrdreg s3  }
0xa9: {  	[dreg:$0x3] =	wrdreg s5  }
0xaa: {  	[dreg:$0x4] =	wrdreg $0xC0  }
0xab: {  	_ =	task [dreg:s7], $0x5FFFF  }
0xac: {  	[dreg:$0x1] =	wrdreg $0xFFFFFFFF  }
0xad: {  	[dreg:$0x0] =	wrdreg $0x60  }
0xae: {  	[dreg:$0x2] =	wrdreg s24  }
0xaf: {  	[dreg:$0x3] =	wrdreg s2  }
0xb0: {  	[dreg:$0x4] =	wrdreg $0x0  }
0xb1: {  	[dreg:$0x5] =	wrdreg $0x140000  }
0xb2: {  	[dreg:$0x6] =	wrdreg $0x9  }
0xb3: {  	_ =	task.clear_ibuf [dreg:s7], $0x7FFFF;
	_ =	strace $0x90000046  }
0xb4: {  	s29 =	simm.s32 $0x9;
	_ =	strace $0x80000048  }
0xb5: {  	_ =	swait.ge [sflag:s29], $0x1  }
0xb6: {  	[sflag:s29] =	ssyncadd.s32 $0xFFFFFFFF  }
0xb7: {  	_ =	strace $0x90000048  }
0xb8: {  	_ =	sfence  }
0xb9: {  	s30 =	sld [smem:$0x0];
	_ =	sdelay $0x2  }
0xba: {  	s31 =	sshll.u32 s1, $0xD;
	s1 =	sshrl.u32 s1, $0x2  }
0xbb: {  	s3 =	sand.u32 $0x4000, s31;
	s1 =	sadd.s32 s1, s30  }
0xbc: {  	s0 =	sor.u32 s3, s0;
	s1 =	sshll.u32 s1, $0x11  }
0xbd: {  	s0 =	sor.u32 s1, s0  }
0xbe: {  	s0 =	sadd.s32 $0x8F2B, s0  }
0xbf: {  	[sflag:s0] =	ssyncadd.remote.s32 $0x1  }
0xc0: {  	_ =	sfence.sel $0xFFFF  }
0xc1: {  	[dreg:$0x0] =	wrdreg $0xFFFFFFFF;
	(pc) =	sbr.abs _section_cstart, $3  }
0xc2: {  	[dreg:$0x1] =	wrdreg $0xFFFFFFFF  }
0xc3: {  	_ =	task.clear_ibuf [dreg:s7], $0x2FFFF;
	_ =	strace $0x9FFFFFFF  }
0xc4: {  	(tm) =	ssettm $0x7FFFFFFF  }
0xc5: {  	_ =	shalt  }
tec
execute0_lowered:
.L_overlay_start_1:
0x0: {  	(tag) =	ssettag $0x1  }
0x1: {  	s0 =	rddreg [dreg:$0x0]  }
0x2: {  	s2 =	rddreg [dreg:$0x2];
	s19 =	stileid.u32  }
0x3: {  	s3 =	rddreg [dreg:$0x3];
	s10 =	smul.u32 $0x50000, s19  }
0x4: {  	s4 =	simm.s32 $0x0;
	s1 =	srdreg.scid;
	s12 =	smul.u32 $0x50, s19  }
0x5: {  	[smem:$0x7FF] =	sst s4;
	s14 =	smul.u32 $0xA000, s19  }
0x6: {  	s6 =	sadd.s32 $0x1600, s0;
	s1 =	sand.u32 $0x1, s1;
	s22 =	smul.u32 $0x2800, s19  }
0x7: {  	s7 =	sadd.s32 $0x28800, s0;
	s8 =	sadd.s32 $0x37600, s0;
	s5 =	smul.u32 $0x28000, s1  }
0x8: {  	s9 =	sadd.s32 $0x2D800, s0;
	s25 =	sshll.u32 s19, $0x5;
	s15 =	smul.u32 $0x500, s1  }
0x9: {  	_ =	strace $0x80000047;
	s11 =	ssub.s32 $0x2, s1;
	s1 =	smul.u32 $0x27100, s1  }
0xa: {  	s13 =	sshrl.u32 s11, $0x1;
	s10 =	sshrl.u32 s10, $0x2;
	s23 =	sshrl.u32 s14, $0x2  }
0xb: {  	s16 =	sadd.s32 $0x10, s12;
	s5 =	sadd.s32 s5, s0;
	s0 =	sadd.s32 $0x41400, s0  }
0xc: {  	s13 =	ssub.s32 s11, s13;
	s24 =	sadd.s32 s10, s2;
	s26 =	sadd.s32 s15, s12  }
0xd: {  	s11 =	sadd.s32 s25, s1;
	s23 =	sadd.s32 s23, s3;
	[dreg:$0x5] =	wrdreg s24  }
0xe: {  	s29 =	sadd.s32 s15, s16;
	s25 =	sadd.s32 $0x1000, s24;
	[dreg:$0xc] =	wrdreg s23  }
0xf: {  	s28 =	sshll.u32 s26, $0x4;
	s10 =	smax.u32 s13, $0x1;
	[dreg:$0xb] =	wrdreg s25  }
0x10: {  	s26 =	sadd.s32 s22, s5;
	s22 =	sadd.s32 $0x4000, s24;
	[dreg:$0xd] =	wrdreg s10  }
0x11: {  	s17 =	sshll.u32 s29, $0x4;
	s5 =	sadd.s32 $0x9000, s24;
	[dreg:$0x14] =	wrdreg s22  }
0x12: {  	s29 =	sshll.u32 s16, $0x7;
	s1 =	sadd.s32 s0, s28;
	[dreg:$0x19] =	wrdreg s5  }
0x13: {  	s14 =	sadd.s32 $0x20, s12;
	s13 =	sadd.s32 s29, s3;
	[dreg:$0x6] =	wrdreg s1  }
0x14: {  	s25 =	sadd.s32 $0x4B400, s26;
	s26 =	sadd.s32 $0x5000, s24;
	[dreg:$0xe] =	wrdreg s13  }
0x15: {  	s18 =	sadd.s32 s15, s14;
	s29 =	sadd.s32 $0x7000, s24;
	[dreg:$0x15] =	wrdreg s26  }
0x16: {  	s28 =	ssub.s32 $0x1397, s19;
	s10 =	sadd.s32 $0xA000, s24;
	[dreg:$0x17] =	wrdreg s29  }
0x17: {  	s22 =	sadd.s32 $0x800, s23;
	s1 =	sadd.s32 s0, s17;
	[dreg:$0x1a] =	wrdreg s10  }
0x18: {  	s17 =	sadd.s32 $0x30, s12;
	s12 =	sadd.s32 $0x40, s12;
	[smem:$0x7FA] =	sst s22  }
0x19: {  	s19 =	sshrl.u32 s28, $0x4;
	s28 =	sadd.s32 $0x6000, s24;
	[dreg:$0x7] =	wrdreg s1  }
0x1a: {  	s13 =	sadd.s32 $0xC000, s24;
	s26 =	sadd.s32 $0x1000, s23;
	[dreg:$0x16] =	wrdreg s28  }
0x1b: {  	s29 =	sadd.s32 $0x2000, s23;
	s1 =	sshll.u32 s18, $0x4;
	[dreg:$0x1c] =	wrdreg s13  }
0x1c: {  	s18 =	sadd.s32 s15, s17;
	s15 =	sadd.s32 s15, s12;
	[smem:$0x7FB] =	sst s26  }
0x1d: {  	s16 =	sshll.u32 s12, $0x7;
	s12 =	sadd.s32 $0xB000, s24;
	[smem:$0x7FD] =	sst s29  }
0x1e: {  	s28 =	sadd.s32 $0x1800, s23;
	[dreg:$0x1b] =	wrdreg s12  }
0x1f: {  	s1 =	sadd.s32 s0, s1;
	[smem:$0x7FC] =	sst s28  }
0x20: {  	s20 =	sshll.u32 s18, $0x4;
	s18 =	sadd.s32 s16, s3;
	[dreg:$0x8] =	wrdreg s1  }
0x21: {  	s16 =	sadd.s32 $0xF000, s24;
	[dreg:$0x11] =	wrdreg s18  }
0x22: {  	s21 =	sshll.u32 s15, $0x4;
	s1 =	sadd.s32 s0, s20;
	[dreg:$0x1f] =	wrdreg s16  }
0x23: {  	s15 =	sshll.u32 s17, $0x7;
	s0 =	sadd.s32 s0, s21;
	[dreg:$0x9] =	wrdreg s1  }
0x24: {  	s30 =	simm.s32 $0x19A00;
	s17 =	sadd.s32 s15, s3;
	[dreg:$0xa] =	wrdreg s0  }
0x25: {  	s31 =	simm.s32 $0x4;
	s20 =	sadd.s32 $0x2000, s24;
	[dreg:$0x10] =	wrdreg s17  }
0x26: {  	s14 =	sshll.u32 s14, $0x7;
	s21 =	sadd.s32 $0x3000, s24;
	[dreg:$0x12] =	wrdreg s20  }
0x27: {  	s5 =	simm.s32 $0x16880;
	s15 =	sadd.s32 $0xE000, s24;
	[dreg:$0x13] =	wrdreg s21  }
0x28: {  	s22 =	simm.s32 $0x1AA00;
	s18 =	sadd.s32 $0x11000, s24;
	[dreg:$0x1e] =	wrdreg s15  }
0x29: {  	s13 =	simm.s32 $0x16900;
	s1 =	sadd.s32 s14, s3;
	[smem:$0x7F7] =	sst s18  }
0x2a: {  	v0 =	vimm.s32 $0xFEDCBA98;
	s12 =	simm.s32 $0x16A00;
	s14 =	sadd.s32 $0xD000, s24;
	[dreg:$0xf] =	wrdreg s1  }
0x2b: {  	v1 =	vimm.s32 $0x76543210;
	v2 =	vimm.s32 $0x7;
	v0 =	vunpack.c.l.s4.s8 v0;
	s16 =	simm.s32 $0x18A00;
	s17 =	sadd.s32 $0x10000, s24;
	[dreg:$0x1d] =	wrdreg s14  }
0x2c: {  	vm0 =	vmmov $0xff;
	v5 =	vimm.s32 $0x1;
	v1 =	vunpack.c.l.s4.s8 v1;
	s20 =	sadd.s32 $0x12000, s24;
	s21 =	sadd.s32 $0x13000, s24;
	[smem:$0x7F6] =	sst s17  }
0x2d: {  	v6 =	vimm.s32 $0x2;
	v7 =	vimm.s32 $0x3;
	v3 =	vunpack.c.0.s8.s32 v0;
	s0 =	simm.s32 $0x16800;
	s15 =	simm.s32 $0x16980;
	[smem:$0x7F8] =	sst s20  }
0x2e: {  	v8 =	vimm.s32 $0x4;
	v9 =	vimm.s32 $0x5;
	v4 =	vunpack.c.0.s8.s32 v1;
	s18 =	simm.s32 $0x0;
	s1 =	sadd.s32 $0x8000, s24;
	[smem:$0x7F9] =	sst s21  }
0x2f: {  	v10 =	vimm.s32 $0x6;
	v0 =	vimm.f32 $0.0e+00;
	v3 =	vand.u32 $0xF, v3;
	s14 =	simm.s32 $0x17A00;
	s17 =	simm.s32 $0x1;
	s20 =	simm.s32 $0x2  }
0x30: {  	v1 =	vlaneseq.u32;
	v3 =	vcombine.low v3, v4;
	v4 =	vimm.s32 $0x0;
	s21 =	simm.s32 $0x3;
	[dreg:$0x18] =	wrdreg s1;
	s1 =	simm.s32 $0x20  }
.LBB2_1:
0x31: {  	[smem:$0x7F5] =	sst s18;
	s10 =	simm.s32 $0x0;
	s18 =	simm.s32 $0x200  }
.LBB2_2:
0x32: {  	p0 =	sne.s32 s18, $0x3E00;
	[tilespmem:s10+$0x19A70] =	vst v0  }
0x33: {  	[tilespmem:s10+$0x19A00] =	vst v0  }
0x34: {  	[tilespmem:s10+$0x19A10] =	vst v0  }
.Ltmp0:
0x35: {  	[tilespmem:s10+$0x19A20] =	vst v0;
	(pc) =	sbr.rel @p0 .LBB2_2-.Ltmp0, $4  }
0x36: {  	[tilespmem:s10+$0x19A30] =	vst v0  }
0x37: {  	[tilespmem:s10+$0x19A40] =	vst v0  }
0x38: {  	[tilespmem:s10+$0x19A50] =	vst v0  }
0x39: {  	[tilespmem:s10+$0x19A60] =	vst v0;
	s10 =	sshra.s32 s18, $0x2;
	s18 =	sadd.s32 $0x200, s18  }
0x3a: {  	[tilespmem:s10+$0x19A70] =	vst v0  }
0x3b: {  	[tilespmem:s10+$0x19A00] =	vst v0  }
0x3c: {  	[tilespmem:s10+$0x19A10] =	vst v0  }
0x3d: {  	[tilespmem:s10+$0x19A20] =	vst v0  }
0x3e: {  	[tilespmem:s10+$0x19A30] =	vst v0  }
0x3f: {  	[tilespmem:s10+$0x19A40] =	vst v0  }
0x40: {  	[tilespmem:s10+$0x19A50] =	vst v0  }
0x41: {  	[tilespmem:s10+$0x19A60] =	vst v0  }
0x42: {  	[spmem:s24] =	stream.linear.scatter [tilespmem:s30], [sflag:$0x4], $0x1000, $0x38;
	[tilespmem:$0x1BE00] =	vst v63  }
0x43: {  	_ =	swait.ge [sflag:s31], $0x1000  }
0x44: {  	[sflag:s31] =	ssyncset.done $0x0  }
0x45: {  	s26 =	rddreg [dreg:$0xb];
	[sflag:s31] =	ssyncadd.s32 $0xFFFFF000  }
0x46: {  	[spmem:s26] =	stream.linear.scatter [tilespmem:s30], [sflag:$0x4], $0x1000, $0x38;
	[tilespmem:$0x1BE00] =	vst v63  }
0x47: {  	_ =	swait.ge [sflag:s31], $0x1000  }
0x48: {  	[sflag:s31] =	ssyncset.done $0x0  }
0x49: {  	s28 =	rddreg [dreg:$0x12];
	[sflag:s31] =	ssyncadd.s32 $0xFFFFF000  }
0x4a: {  	[spmem:s28] =	stream.linear.scatter [tilespmem:s30], [sflag:$0x4], $0x1000, $0x38;
	[tilespmem:$0x1BE00] =	vst v63  }
0x4b: {  	_ =	swait.ge [sflag:s31], $0x1000  }
0x4c: {  	[sflag:s31] =	ssyncset.done $0x0  }
0x4d: {  	s29 =	rddreg [dreg:$0x13];
	[sflag:s31] =	ssyncadd.s32 $0xFFFFF000  }
0x4e: {  	[spmem:s29] =	stream.linear.scatter [tilespmem:s30], [sflag:$0x4], $0x1000, $0x38;
	[tilespmem:$0x1BE00] =	vst v63  }
0x4f: {  	_ =	swait.ge [sflag:s31], $0x1000  }
0x50: {  	[sflag:s31] =	ssyncset.done $0x0  }
0x51: {  	s18 =	rddreg [dreg:$0x14];
	[sflag:s31] =	ssyncadd.s32 $0xFFFFF000  }
0x52: {  	[spmem:s18] =	stream.linear.scatter [tilespmem:s30], [sflag:$0x4], $0x1000, $0x38;
	[tilespmem:$0x1BE00] =	vst v63  }
0x53: {  	_ =	swait.ge [sflag:s31], $0x1000  }
0x54: {  	[sflag:s31] =	ssyncset.done $0x0  }
0x55: {  	s24 =	rddreg [dreg:$0x15];
	[sflag:s31] =	ssyncadd.s32 $0xFFFFF000  }
0x56: {  	[spmem:s24] =	stream.linear.scatter [tilespmem:s30], [sflag:$0x4], $0x1000, $0x38;
	[tilespmem:$0x1BE00] =	vst v63  }
0x57: {  	_ =	swait.ge [sflag:s31], $0x1000  }
0x58: {  	[sflag:s31] =	ssyncset.done $0x0  }
0x59: {  	s26 =	rddreg [dreg:$0x16];
	[sflag:s31] =	ssyncadd.s32 $0xFFFFF000  }
0x5a: {  	[spmem:s26] =	stream.linear.scatter [tilespmem:s30], [sflag:$0x4], $0x1000, $0x38;
	[tilespmem:$0x1BE00] =	vst v63  }
0x5b: {  	_ =	swait.ge [sflag:s31], $0x1000  }
0x5c: {  	[sflag:s31] =	ssyncset.done $0x0  }
0x5d: {  	s28 =	rddreg [dreg:$0x17];
	[sflag:s31] =	ssyncadd.s32 $0xFFFFF000  }
0x5e: {  	[spmem:s28] =	stream.linear.scatter [tilespmem:s30], [sflag:$0x4], $0x1000, $0x38;
	[tilespmem:$0x1BE00] =	vst v63  }
0x5f: {  	_ =	swait.ge [sflag:s31], $0x1000  }
0x60: {  	[sflag:s31] =	ssyncset.done $0x0  }
0x61: {  	s29 =	rddreg [dreg:$0x18];
	[sflag:s31] =	ssyncadd.s32 $0xFFFFF000  }
0x62: {  	[spmem:s29] =	stream.linear.scatter [tilespmem:s30], [sflag:$0x4], $0x1000, $0x38;
	[tilespmem:$0x1BE00] =	vst v63  }
0x63: {  	_ =	swait.ge [sflag:s31], $0x1000  }
0x64: {  	[sflag:s31] =	ssyncset.done $0x0  }
0x65: {  	s18 =	rddreg [dreg:$0x19];
	[sflag:s31] =	ssyncadd.s32 $0xFFFFF000  }
0x66: {  	[spmem:s18] =	stream.linear.scatter [tilespmem:s30], [sflag:$0x4], $0x1000, $0x38;
	[tilespmem:$0x1BE00] =	vst v63  }
0x67: {  	_ =	swait.ge [sflag:s31], $0x1000  }
0x68: {  	[sflag:s31] =	ssyncset.done $0x0  }
0x69: {  	s24 =	rddreg [dreg:$0x1a];
	[sflag:s31] =	ssyncadd.s32 $0xFFFFF000  }
0x6a: {  	[spmem:s24] =	stream.linear.scatter [tilespmem:s30], [sflag:$0x4], $0x1000, $0x38;
	[tilespmem:$0x1BE00] =	vst v63  }
0x6b: {  	_ =	swait.ge [sflag:s31], $0x1000  }
0x6c: {  	[sflag:s31] =	ssyncset.done $0x0  }
0x6d: {  	s26 =	rddreg [dreg:$0x1b];
	[sflag:s31] =	ssyncadd.s32 $0xFFFFF000  }
0x6e: {  	[spmem:s26] =	stream.linear.scatter [tilespmem:s30], [sflag:$0x4], $0x1000, $0x38;
	[tilespmem:$0x1BE00] =	vst v63  }
0x6f: {  	_ =	swait.ge [sflag:s31], $0x1000  }
0x70: {  	[sflag:s31] =	ssyncset.done $0x0  }
0x71: {  	s28 =	rddreg [dreg:$0x1c];
	[sflag:s31] =	ssyncadd.s32 $0xFFFFF000  }
0x72: {  	[spmem:s28] =	stream.linear.scatter [tilespmem:s30], [sflag:$0x4], $0x1000, $0x38;
	[tilespmem:$0x1BE00] =	vst v63  }
0x73: {  	_ =	swait.ge [sflag:s31], $0x1000  }
0x74: {  	[sflag:s31] =	ssyncset.done $0x0  }
0x75: {  	s29 =	rddreg [dreg:$0x1d];
	[sflag:s31] =	ssyncadd.s32 $0xFFFFF000  }
0x76: {  	[spmem:s29] =	stream.linear.scatter [tilespmem:s30], [sflag:$0x4], $0x1000, $0x38;
	[tilespmem:$0x1BE00] =	vst v63  }
0x77: {  	_ =	swait.ge [sflag:s31], $0x1000  }
0x78: {  	[sflag:s31] =	ssyncset.done $0x0  }
0x79: {  	s18 =	rddreg [dreg:$0x1e];
	[sflag:s31] =	ssyncadd.s32 $0xFFFFF000  }
0x7a: {  	[spmem:s18] =	stream.linear.scatter [tilespmem:s30], [sflag:$0x4], $0x1000, $0x38;
	[tilespmem:$0x1BE00] =	vst v63  }
0x7b: {  	_ =	swait.ge [sflag:s31], $0x1000  }
0x7c: {  	[sflag:s31] =	ssyncset.done $0x0  }
0x7d: {  	s24 =	rddreg [dreg:$0x1f];
	[sflag:s31] =	ssyncadd.s32 $0xFFFFF000  }
0x7e: {  	[spmem:s24] =	stream.linear.scatter [tilespmem:s30], [sflag:$0x4], $0x1000, $0x38;
	[tilespmem:$0x1BE00] =	vst v63  }
0x7f: {  	_ =	swait.ge [sflag:s31], $0x1000  }
0x80: {  	s26 =	sld [smem:$0x7F6]  }
0x81: {  	[sflag:s31] =	ssyncset.done $0x0  }
0x82: {  	[sflag:s31] =	ssyncadd.s32 $0xFFFFF000  }
0x83: {  	[spmem:s26] =	stream.linear.scatter [tilespmem:s30], [sflag:$0x4], $0x1000, $0x38;
	[tilespmem:$0x1BE00] =	vst v63  }
0x84: {  	_ =	swait.ge [sflag:s31], $0x1000  }
0x85: {  	s28 =	sld [smem:$0x7F7]  }
0x86: {  	[sflag:s31] =	ssyncset.done $0x0  }
0x87: {  	[sflag:s31] =	ssyncadd.s32 $0xFFFFF000  }
0x88: {  	[spmem:s28] =	stream.linear.scatter [tilespmem:s30], [sflag:$0x4], $0x1000, $0x38;
	[tilespmem:$0x1BE00] =	vst v63  }
0x89: {  	_ =	swait.ge [sflag:s31], $0x1000  }
0x8a: {  	s29 =	sld [smem:$0x7F8]  }
0x8b: {  	[sflag:s31] =	ssyncset.done $0x0  }
0x8c: {  	[sflag:s31] =	ssyncadd.s32 $0xFFFFF000  }
0x8d: {  	[spmem:s29] =	stream.linear.scatter [tilespmem:s30], [sflag:$0x4], $0x1000, $0x38;
	[tilespmem:$0x1BE00] =	vst v63  }
0x8e: {  	_ =	swait.ge [sflag:s31], $0x1000  }
0x8f: {  	s18 =	sld [smem:$0x7F9]  }
0x90: {  	[sflag:s31] =	ssyncset.done $0x0  }
0x91: {  	[sflag:s31] =	ssyncadd.s32 $0xFFFFF000  }
0x92: {  	[spmem:s18] =	stream.linear.scatter [tilespmem:s30], [sflag:$0x4], $0x1000, $0x38;
	[tilespmem:$0x1BE00] =	vst v63  }
0x93: {  	_ =	swait.ge [sflag:s31], $0x1000  }
0x94: {  	[sflag:s31] =	ssyncset.done $0x0  }
0x95: {  	[sflag:s31] =	ssyncadd.s32 $0xFFFFF000  }
0x96: {  	[spmem:s23] =	stream.linear.scatter [tilespmem:s30], [sflag:$0x4], $0x800, $0x38;
	[tilespmem:$0x1BE00] =	vst v63  }
0x97: {  	_ =	swait.ge [sflag:s31], $0x800  }
0x98: {  	s23 =	sld [smem:$0x7FA]  }
0x99: {  	[sflag:s31] =	ssyncset.done $0x0  }
0x9a: {  	[sflag:s31] =	ssyncadd.s32 $0xFFFFF800  }
0x9b: {  	[spmem:s23] =	stream.linear.scatter [tilespmem:s30], [sflag:$0x4], $0x800, $0x38;
	[tilespmem:$0x1BE00] =	vst v63  }
0x9c: {  	_ =	swait.ge [sflag:s31], $0x800  }
0x9d: {  	s24 =	sld [smem:$0x7FB]  }
0x9e: {  	[sflag:s31] =	ssyncset.done $0x0  }
0x9f: {  	[sflag:s31] =	ssyncadd.s32 $0xFFFFF800  }
0xa0: {  	[spmem:s24] =	stream.linear.scatter [tilespmem:s30], [sflag:$0x4], $0x800, $0x38;
	[tilespmem:$0x1BE00] =	vst v63  }
0xa1: {  	_ =	swait.ge [sflag:s31], $0x800  }
0xa2: {  	s26 =	sld [smem:$0x7FC]  }
0xa3: {  	[sflag:s31] =	ssyncset.done $0x0  }
0xa4: {  	[sflag:s31] =	ssyncadd.s32 $0xFFFFF800  }
0xa5: {  	[spmem:s26] =	stream.linear.scatter [tilespmem:s30], [sflag:$0x4], $0x800, $0x38;
	[tilespmem:$0x1BE00] =	vst v63  }
0xa6: {  	_ =	swait.ge [sflag:s31], $0x800  }
0xa7: {  	s28 =	sld [smem:$0x7FD]  }
0xa8: {  	[sflag:s31] =	ssyncset.done $0x0  }
0xa9: {  	[sflag:s31] =	ssyncadd.s32 $0xFFFFF800  }
0xaa: {  	[spmem:s28] =	stream.linear.scatter [tilespmem:s30], [sflag:$0x4], $0x800, $0x38;
	[tilespmem:$0x1BE00] =	vst v63  }
0xab: {  	_ =	swait.ge [sflag:s31], $0x800  }
0xac: {  	[sflag:s31] =	ssyncset.done $0x0  }
0xad: {  	[sflag:s31] =	ssyncadd.s32 $0xFFFFF800  }
0xae: {  	s18 =	simm.s32 $0x1BA00;
	s24 =	simm.s32 $0x0;
	s29 =	rddreg [dreg:$0x1]  }
0xaf: {  	[tilespmem:s18], [sflag:$0x4] =	stream.linear.gather [hbm4b:s29+s24], $0x400, $0x38;
	[tilespmem:$0x1BE00] =	vst v63  }
0xb0: {  	_ =	swait.ge [sflag:s31], $0x400  }
0xb1: {  	[sflag:s31] =	ssyncset.done $0x0  }
0xb2: {  	[sflag:s31] =	ssyncadd.s32 $0xFFFFFC00  }
0xb3: {  	s26 =	simm.s32 $0x0;
	v11 =	vld [tilespmem:$0x1BA00];
	[bflag:$0x0] =	sbarrier.arrive $0xFFFF  }
.LBB2_4:
0xb4: {  	s10 =	sshll.u32 s26, $0x9  }
0xb5: {  	s10 =	sadd.s32 s10, s11  }
0xb6: {  	s10 =	sshrl.u32 s10, $0x3  }
0xb7: {  	s18 =	sadd.s32 s8, s10  }
0xb8: {  	[tilespmem:s0], [sflag:$0x4] =	stream.linear.gather [hbm4b:s18+s24], $0x20, $0x38;
	[tilespmem:$0x1BE00] =	vst v63  }
0xb9: {  	_ =	swait.ge [sflag:s31], $0x20  }
0xba: {  	[sflag:s31] =	ssyncset.done $0x0  }
0xbb: {  	s10 =	sadd.s32 s9, s10;
	[sflag:s31] =	ssyncadd.s32 $0xFFFFFFE0  }
0xbc: {  	[tilespmem:s5], [sflag:$0x4] =	stream.linear.gather [hbm4b:s10+s24], $0x20, $0x38;
	[tilespmem:$0x1BE00] =	vst v63  }
0xbd: {  	_ =	swait.ge [sflag:s31], $0x20  }
0xbe: {  	[sflag:s31] =	ssyncset.done $0x0  }
0xbf: {  	[sflag:s31] =	ssyncadd.s32 $0xFFFFFFE0  }
0xc0: {  	v12 =	vld [tilespmem:$0x16800]  }
0xc1: {  	v13 =	vld [tilespmem:$0x16880]  }
0xc2: {  	v14 =	vld [tilespmem:$0x16810]  }
0xc3: {  	v15 =	vld [tilespmem:$0x16890];
	_ =	sdelay $0x1  }
0xc4: {  	v12 =	vshra.s32 v12, $0x3  }
0xc5: {  	[tilespmem:$0x16900] =	vst v12;
	v12 =	vshra.s32 v13, $0x3  }
0xc6: {  	[tilespmem:$0x16980] =	vst v12;
	v12 =	vshra.s32 v14, $0x3  }
0xc7: {  	[tilespmem:$0x16910] =	vst v12;
	v12 =	vshra.s32 v15, $0x3  }
0xc8: {  	[tilespmem:$0x16990] =	vst v12  }
0xc9: {  	[tilespmem:s12], [sflag:$0x1] =	stream.indirect.gather [hbm4b:s6+s1], $0x80, s0, s1, $0xb8;
	[tilespmem:$0x1BE00] =	vst v63  }
0xca: {  	_ = 	snop  }
0xcb: {  	[tilespmem:s14], [sflag:$0x2] =	stream.indirect.gather [hbm4b:s7+s1], $0x80, s13, s1, $0xb8;
	[tilespmem:$0x1BE00] =	vst v63  }
0xcc: {  	_ = 	snop  }
0xcd: {  	[tilespmem:s16], [sflag:$0x3] =	stream.indirect.gather [hbm4b:s7+s1], $0x80, s15, s1, $0xb8;
	[tilespmem:$0x1BE00] =	vst v63  }
0xce: {  	_ =	swait.ge [sflag:s17], $0x1000  }
0xcf: {  	[sflag:s17] =	ssyncset.done $0x0  }
0xd0: {  	[sflag:s17] =	ssyncadd.s32 $0xFFFFF000  }
0xd1: {  	_ =	swait.ge [sflag:s20], $0x1000  }
0xd2: {  	[sflag:s20] =	ssyncset.done $0x0  }
0xd3: {  	[sflag:s20] =	ssyncadd.s32 $0xFFFFF000  }
0xd4: {  	_ =	swait.ge [sflag:s21], $0x1000  }
0xd5: {  	[sflag:s21] =	ssyncset.done $0x0  }
0xd6: {  	[sflag:s21] =	ssyncadd.s32 $0xFFFFF000  }
0xd7: {  	v12 =	vld [tilespmem:$0x16880];
	_ =	sdelay $0x1  }
0xd8: {  	v13 =	vld [tilespmem:$0x16800];
	_ =	sdelay $0x2  }
0xd9: {  	v12 =	vshll.u32 v12, $0x4  }
0xda: {  	v14 =	vmov s24;
	v12 =	vand.u32 $0x70, v12  }
0xdb: {  	v13 =	vshll.u32 v13, $0x4;
	v15 =	vperm.xlane v12, v14  }
0xdc: {  	v13 =	vand.u32 $0x70, v13  }
0xdd: {  	v16 =	vperm.xlane v13, v14;
	v15 =	vadd.s32 v1, v15  }
0xde: {  	v14 =	vshll.u32 v14, $0x7;
	v17 =	vand.u32 $0xFFFFFF80, v15  }
0xdf: {  	v16 =	vadd.s32 v1, v16;
	v15 =	vand.u32 $0x7F, v15;
	v17 =	vadd.s32 v14, v17  }
0xe0: {  	v18 =	vand.u32 $0xFFFFFF80, v16;
	v15 =	vor.u32 v15, v17  }
0xe1: {  	v16 =	vand.u32 $0x7F, v16;
	v14 =	vadd.s32 v14, v18  }
0xe2: {  	v14 =	vor.u32 v16, v14;
	_ =	sdelay $0x2  }
0xe3: {  	v16 =	vld.idx.msk [tilespmem:v15+s16+$0x0], $0xffff;
	_ =	sdelay $0x1  }
0xe4: {  	v14 =	vld.idx.msk [tilespmem:v14+s14+$0x0], $0xffff;
	_ =	sdelay $0x2  }
0xe5: {  	v16 =	vperm.xlane v16, v3;
	_ =	sdelay $0x1  }
0xe6: {  	v14 =	vadd.f32 v16, v14;
	v16 =	vadd.f32 v16, v11;
	_ =	sdelay $0x1  }
0xe7: {  	v17 =	vmul.f32 $2.000000030e-01, v14;
	v18 =	vmul.f32 $2.000000030e-01, v16  }
0xe8: {  	vm1 =	vge.f32 v14, $0.0e+00;
	vm2 =	vge.f32 v16, $0.0e+00  }
0xe9: {  	v14 =	vsel vm1, v14, v17;
	v16 =	vsel vm2, v16, v18  }
0xea: {  	v14 =	vsub.f32 v14, v16;
	_ =	sdelay $0x1  }
0xeb: {  	v14 =	vmul.f32 $1.442695020e+00, v14;
	_ =	sdelay $0x1  }
0xec: {  	(erf) = vpow2.f32 v14;
	_ =	sdelay $0x8  }
0xed: {  	v14 =	vpop (erf)  }
0xee: {  	v14 =	vnsel vm0, $0x0, v14  }
0xef: {  	s29 =	simm.s32 $0x16A40;
	[tilespmem:v15+s30+$0x0] =	vst.idx.msk $0xffff, v14  }
0xf0: {  	v15 =	vld [tilespmem:s29+$0xFFFFFFC0];
	_ =	sdelay $0x2  }
0xf1: {  	v16 =	vperm.xlane v14, v4;
	_ =	sdelay $0x1  }
0xf2: {  	v15 =	vmul.f32 v15, v16  }
0xf3: {  	s28 =	simm.s32 $0x1AA40  }
0xf4: {  	[tilespmem:s28+$0xFFFFFFC0] =	vst v15  }
0xf5: {  	v15 =	vld [tilespmem:s29+$0xFFFFFFD0];
	_ =	sdelay $0x2  }
0xf6: {  	v16 =	vperm.xlane v14, v5;
	_ =	sdelay $0x1  }
0xf7: {  	v15 =	vmul.f32 v15, v16;
	_ =	sdelay $0x1  }
0xf8: {  	[tilespmem:s28+$0xFFFFFFD0] =	vst v15  }
0xf9: {  	v15 =	vld [tilespmem:s29+$0xFFFFFFE0];
	_ =	sdelay $0x2  }
0xfa: {  	v16 =	vperm.xlane v14, v6;
	_ =	sdelay $0x1  }
0xfb: {  	v15 =	vmul.f32 v15, v16;
	_ =	sdelay $0x1  }
0xfc: {  	[tilespmem:s28+$0xFFFFFFE0] =	vst v15  }
0xfd: {  	v15 =	vld [tilespmem:s29+$0xFFFFFFF0];
	_ =	sdelay $0x2  }
0xfe: {  	v16 =	vperm.xlane v14, v7;
	_ =	sdelay $0x1  }
0xff: {  	v15 =	vmul.f32 v15, v16;
	_ =	sdelay $0x1  }
0x100: {  	[tilespmem:s28+$0xFFFFFFF0] =	vst v15  }
0x101: {  	v15 =	vld [tilespmem:s29+$0x0];
	_ =	sdelay $0x2  }
0x102: {  	v16 =	vperm.xlane v14, v8;
	_ =	sdelay $0x1  }
0x103: {  	v15 =	vmul.f32 v15, v16;
	_ =	sdelay $0x1  }
0x104: {  	[tilespmem:s28+$0x0] =	vst v15  }
0x105: {  	v15 =	vld [tilespmem:s29+$0x10];
	_ =	sdelay $0x2  }
0x106: {  	v16 =	vperm.xlane v14, v9;
	_ =	sdelay $0x1  }
0x107: {  	v15 =	vmul.f32 v15, v16;
	_ =	sdelay $0x1  }
0x108: {  	[tilespmem:s28+$0x10] =	vst v15  }
0x109: {  	v15 =	vld [tilespmem:s29+$0x20];
	_ =	sdelay $0x2  }
0x10a: {  	v16 =	vperm.xlane v14, v10;
	_ =	sdelay $0x1  }
0x10b: {  	s23 =	simm.s32 $0x1;
	v15 =	vmul.f32 v15, v16  }
0x10c: {  	v16 =	vmov s23  }
0x10d: {  	v17 =	vperm.xlane v13, v16;
	[tilespmem:s28+$0x20] =	vst v15;
	v15 =	vperm.xlane v12, v16  }
0x10e: {  	v21 =	vperm.xlane v14, v2  }
0x10f: {  	v16 =	vshll.u32 v16, $0x7;
	v18 =	vld [tilespmem:s29+$0x30];
	v17 =	vadd.s32 v1, v17;
	v15 =	vadd.s32 v1, v15  }
0x110: {  	v19 =	vand.u32 $0xFFFFFF80, v17;
	v17 =	vand.u32 $0x7F, v17;
	v20 =	vand.u32 $0xFFFFFF80, v15  }
0x111: {  	v14 =	vadd.s32 v16, v19;
	v19 =	vand.u32 $0x7F, v15;
	v16 =	vadd.s32 v16, v20  }
0x112: {  	v15 =	vor.u32 v17, v14;
	v14 =	vor.u32 v19, v16;
	_ =	sdelay $0x1  }
0x113: {  	s18 =	simm.s32 $0x2;
	v16 =	vmul.f32 v18, v21  }
.LBB2_5:
0x114: {  	s29 =	sadd.s32 $0x80, s29  }
0x115: {  	s10 =	smov.u32 s18;
	s23 =	sadd.s32 $0x1, s18;
	[tilespmem:s28+$0x30] =	vst v16;
	s28 =	sadd.s32 $0x80, s28  }
0x116: {  	p0 =	sne.s32 s18, $0xF;
	v16 =	vld.idx.msk [tilespmem:v14+s16+$0x0], $0xffff;
	_ =	sdelay $0x1  }
0x117: {  	v15 =	vld.idx.msk [tilespmem:v15+s14+$0x0], $0xffff;
	_ =	sdelay $0x3  }
0x118: {  	v16 =	vperm.xlane v16, v3;
	_ =	sdelay $0x1  }
0x119: {  	v15 =	vadd.f32 v16, v15;
	v16 =	vadd.f32 v16, v11;
	_ =	sdelay $0x1  }
0x11a: {  	v17 =	vmul.f32 $2.000000030e-01, v15;
	v18 =	vmul.f32 $2.000000030e-01, v16  }
0x11b: {  	vm1 =	vge.f32 v15, $0.0e+00;
	vm2 =	vge.f32 v16, $0.0e+00  }
0x11c: {  	v15 =	vsel vm1, v15, v17;
	v16 =	vsel vm2, v16, v18  }
0x11d: {  	v15 =	vsub.f32 v15, v16;
	_ =	sdelay $0x1  }
0x11e: {  	v15 =	vmul.f32 $1.442695020e+00, v15;
	_ =	sdelay $0x1  }
0x11f: {  	(erf) = vpow2.f32 v15;
	_ =	sdelay $0x8  }
0x120: {  	v15 =	vpop (erf)  }
0x121: {  	v16 =	vnsel vm0, $0x0, v15  }
0x122: {  	[tilespmem:v14+s30+$0x0] =	vst.idx.msk $0xffff, v16  }
0x123: {  	v14 =	vld [tilespmem:s29+$0xFFFFFFC0];
	_ =	sdelay $0x2  }
0x124: {  	v15 =	vperm.xlane v16, v4;
	_ =	sdelay $0x1  }
0x125: {  	v14 =	vmul.f32 v14, v15;
	_ =	sdelay $0x1  }
0x126: {  	[tilespmem:s28+$0xFFFFFFC0] =	vst v14  }
0x127: {  	v14 =	vld [tilespmem:s29+$0xFFFFFFD0];
	_ =	sdelay $0x2  }
0x128: {  	v15 =	vperm.xlane v16, v5;
	_ =	sdelay $0x1  }
0x129: {  	v14 =	vmul.f32 v14, v15;
	_ =	sdelay $0x1  }
0x12a: {  	[tilespmem:s28+$0xFFFFFFD0] =	vst v14  }
0x12b: {  	v14 =	vld [tilespmem:s29+$0xFFFFFFE0];
	_ =	sdelay $0x2  }
0x12c: {  	v15 =	vperm.xlane v16, v6;
	_ =	sdelay $0x1  }
0x12d: {  	v14 =	vmul.f32 v14, v15;
	_ =	sdelay $0x1  }
0x12e: {  	[tilespmem:s28+$0xFFFFFFE0] =	vst v14  }
0x12f: {  	v14 =	vld [tilespmem:s29+$0xFFFFFFF0];
	_ =	sdelay $0x2  }
0x130: {  	v15 =	vperm.xlane v16, v7;
	_ =	sdelay $0x1  }
0x131: {  	v14 =	vmul.f32 v14, v15;
	_ =	sdelay $0x1  }
0x132: {  	[tilespmem:s28+$0xFFFFFFF0] =	vst v14  }
0x133: {  	v14 =	vld [tilespmem:s29+$0x0];
	_ =	sdelay $0x2  }
0x134: {  	v15 =	vperm.xlane v16, v8;
	_ =	sdelay $0x1  }
0x135: {  	v14 =	vmul.f32 v14, v15;
	_ =	sdelay $0x1  }
0x136: {  	[tilespmem:s28+$0x0] =	vst v14  }
0x137: {  	v14 =	vld [tilespmem:s29+$0x10];
	_ =	sdelay $0x2  }
0x138: {  	v15 =	vperm.xlane v16, v9;
	_ =	sdelay $0x1  }
0x139: {  	v14 =	vmul.f32 v14, v15;
	_ =	sdelay $0x1  }
0x13a: {  	[tilespmem:s28+$0x10] =	vst v14  }
0x13b: {  	v14 =	vld [tilespmem:s29+$0x20];
	_ =	sdelay $0x2  }
0x13c: {  	v15 =	vperm.xlane v16, v10;
	_ =	sdelay $0x1  }
0x13d: {  	v17 =	vmov s10;
	v14 =	vmul.f32 v14, v15  }
0x13e: {  	v18 =	vperm.xlane v12, v17;
	v15 =	vperm.xlane v13, v17  }
0x13f: {  	[tilespmem:s28+$0x20] =	vst v14  }
0x140: {  	v14 =	vadd.s32 v1, v15;
	v15 =	vshll.u32 v17, $0x7;
	v17 =	vadd.s32 v1, v18;
	v18 =	vld [tilespmem:s29+$0x30]  }
.Ltmp1:
0x141: {  	v19 =	vand.u32 $0xFFFFFF80, v14;
	v14 =	vand.u32 $0x7F, v14;
	v20 =	vand.u32 $0xFFFFFF80, v17;
	(pc) =	sbr.rel @p0 .LBB2_5-.Ltmp1, $3  }
0x142: {  	v17 =	vand.u32 $0x7F, v17;
	v19 =	vadd.s32 v15, v19;
	v20 =	vadd.s32 v15, v20  }
0x143: {  	v16 =	vperm.xlane v16, v2;
	v15 =	vor.u32 v14, v19;
	v14 =	vor.u32 v17, v20;
	_ =	sdelay $0x1  }
0x144: {  	s18 =	smov.u32 s23;
	v16 =	vmul.f32 v18, v16  }
0x145: {  	_ =	sdelay $0x2  }
0x146: {  	[tilespmem:s28+$0x30] =	vst v16  }
0x147: {  	v12 =	vld.idx.msk [tilespmem:v14+s16+$0x0], $0xffff;
	_ =	sdelay $0x1  }
0x148: {  	v13 =	vld.idx.msk [tilespmem:v15+s14+$0x0], $0xffff;
	_ =	sdelay $0x2  }
0x149: {  	v12 =	vperm.xlane v12, v3;
	_ =	sdelay $0x1  }
0x14a: {  	v13 =	vadd.f32 v12, v13;
	v12 =	vadd.f32 v12, v11;
	_ =	sdelay $0x1  }
0x14b: {  	v15 =	vmul.f32 $2.000000030e-01, v13;
	v16 =	vmul.f32 $2.000000030e-01, v12  }
0x14c: {  	vm1 =	vge.f32 v13, $0.0e+00;
	vm2 =	vge.f32 v12, $0.0e+00  }
0x14d: {  	v13 =	vsel vm1, v13, v15;
	v12 =	vsel vm2, v12, v16  }
0x14e: {  	v12 =	vsub.f32 v13, v12;
	_ =	sdelay $0x1  }
0x14f: {  	v12 =	vmul.f32 $1.442695020e+00, v12;
	_ =	sdelay $0x1  }
0x150: {  	(erf) = vpow2.f32 v12;
	_ =	sdelay $0x8  }
0x151: {  	v12 =	vpop (erf)  }
0x152: {  	v12 =	vnsel vm0, $0x0, v12  }
0x153: {  	s10 =	sadd.s32 $0x80, s29;
	[tilespmem:v14+s30+$0x0] =	vst.idx.msk $0xffff, v12  }
0x154: {  	v13 =	vld [tilespmem:s10+$0xFFFFFFC0];
	_ =	sdelay $0x2  }
0x155: {  	v14 =	vperm.xlane v12, v4;
	_ =	sdelay $0x1  }
0x156: {  	v13 =	vmul.f32 v13, v14  }
0x157: {  	s18 =	sadd.s32 $0x80, s28  }
0x158: {  	[tilespmem:s18+$0xFFFFFFC0] =	vst v13  }
0x159: {  	v13 =	vld [tilespmem:s10+$0xFFFFFFD0];
	_ =	sdelay $0x2  }
0x15a: {  	v14 =	vperm.xlane v12, v5;
	_ =	sdelay $0x1  }
0x15b: {  	v13 =	vmul.f32 v13, v14;
	_ =	sdelay $0x1  }
0x15c: {  	[tilespmem:s18+$0xFFFFFFD0] =	vst v13  }
0x15d: {  	v13 =	vld [tilespmem:s10+$0xFFFFFFE0];
	_ =	sdelay $0x2  }
0x15e: {  	v14 =	vperm.xlane v12, v6;
	_ =	sdelay $0x1  }
0x15f: {  	v13 =	vmul.f32 v13, v14;
	_ =	sdelay $0x1  }
0x160: {  	[tilespmem:s18+$0xFFFFFFE0] =	vst v13  }
0x161: {  	v13 =	vld [tilespmem:s10+$0xFFFFFFF0];
	_ =	sdelay $0x2  }
0x162: {  	v14 =	vperm.xlane v12, v7;
	_ =	sdelay $0x1  }
0x163: {  	v13 =	vmul.f32 v13, v14;
	_ =	sdelay $0x1  }
0x164: {  	[tilespmem:s18+$0xFFFFFFF0] =	vst v13  }
0x165: {  	v13 =	vld [tilespmem:s10+$0x0];
	_ =	sdelay $0x2  }
0x166: {  	v14 =	vperm.xlane v12, v8;
	_ =	sdelay $0x1  }
0x167: {  	v13 =	vmul.f32 v13, v14;
	_ =	sdelay $0x1  }
0x168: {  	[tilespmem:s18+$0x0] =	vst v13  }
0x169: {  	v13 =	vld [tilespmem:s10+$0x10];
	_ =	sdelay $0x2  }
0x16a: {  	v14 =	vperm.xlane v12, v9;
	_ =	sdelay $0x1  }
0x16b: {  	v13 =	vmul.f32 v13, v14;
	_ =	sdelay $0x1  }
0x16c: {  	[tilespmem:s18+$0x10] =	vst v13  }
0x16d: {  	v13 =	vld [tilespmem:s10+$0x20];
	_ =	sdelay $0x2  }
0x16e: {  	v14 =	vperm.xlane v12, v10;
	_ =	sdelay $0x1  }
0x16f: {  	v13 =	vmul.f32 v13, v14;
	_ =	sdelay $0x1  }
0x170: {  	[tilespmem:s18+$0x20] =	vst v13  }
0x171: {  	v13 =	vld [tilespmem:s10+$0x30];
	_ =	sdelay $0x2  }
0x172: {  	v12 =	vperm.xlane v12, v2;
	_ =	sdelay $0x1  }
0x173: {  	v12 =	vmul.f32 v13, v12;
	_ =	sdelay $0x1  }
0x174: {  	[tilespmem:s18+$0x30] =	vst v12  }
0x175: {  	v12 =	vld [tilespmem:$0x16890];
	_ =	sdelay $0x1  }
0x176: {  	v13 =	vld [tilespmem:$0x16810];
	_ =	sdelay $0x2  }
0x177: {  	s18 =	simm.s32 $0x0;
	v12 =	vshll.u32 v12, $0x4  }
0x178: {  	v14 =	vmov s18;
	v12 =	vand.u32 $0x70, v12  }
0x179: {  	v13 =	vshll.u32 v13, $0x4;
	v15 =	vperm.xlane v12, v14  }
0x17a: {  	v13 =	vand.u32 $0x70, v13  }
0x17b: {  	v16 =	vperm.xlane v13, v14;
	v14 =	vshll.u32 v14, $0x7;
	v15 =	vadd.s32 v1, v15  }
0x17c: {  	v14 =	vadd.s32 $0x800, v14;
	v17 =	vand.u32 $0xFFFFFF80, v15  }
0x17d: {  	v16 =	vadd.s32 v1, v16;
	v15 =	vand.u32 $0x7F, v15;
	v17 =	vadd.s32 v14, v17  }
0x17e: {  	v18 =	vand.u32 $0xFFFFFF80, v16;
	v15 =	vor.u32 v15, v17  }
0x17f: {  	v16 =	vand.u32 $0x7F, v16;
	v14 =	vadd.s32 v14, v18  }
0x180: {  	v14 =	vor.u32 v16, v14;
	_ =	sdelay $0x2  }
0x181: {  	v16 =	vld.idx.msk [tilespmem:v15+s16+$0x0], $0xffff;
	_ =	sdelay $0x1  }
0x182: {  	v14 =	vld.idx.msk [tilespmem:v14+s14+$0x0], $0xffff;
	_ =	sdelay $0x2  }
0x183: {  	v16 =	vperm.xlane v16, v3;
	_ =	sdelay $0x1  }
0x184: {  	v14 =	vadd.f32 v16, v14;
	v16 =	vadd.f32 v16, v11;
	_ =	sdelay $0x1  }
0x185: {  	v17 =	vmul.f32 $2.000000030e-01, v14;
	v18 =	vmul.f32 $2.000000030e-01, v16  }
0x186: {  	vm1 =	vge.f32 v14, $0.0e+00;
	vm2 =	vge.f32 v16, $0.0e+00  }
0x187: {  	v14 =	vsel vm1, v14, v17;
	v16 =	vsel vm2, v16, v18  }
0x188: {  	v14 =	vsub.f32 v14, v16;
	_ =	sdelay $0x1  }
0x189: {  	v14 =	vmul.f32 $1.442695020e+00, v14;
	_ =	sdelay $0x1  }
0x18a: {  	(erf) = vpow2.f32 v14;
	_ =	sdelay $0x8  }
0x18b: {  	v14 =	vpop (erf)  }
0x18c: {  	v14 =	vnsel vm0, $0x0, v14  }
0x18d: {  	s29 =	simm.s32 $0x17270;
	[tilespmem:v15+s30+$0x0] =	vst.idx.msk $0xffff, v14  }
0x18e: {  	v15 =	vld [tilespmem:s29+$0xFFFFFF90];
	_ =	sdelay $0x2  }
0x18f: {  	v16 =	vperm.xlane v14, v4;
	_ =	sdelay $0x1  }
0x190: {  	v15 =	vmul.f32 v15, v16  }
0x191: {  	s28 =	simm.s32 $0x1B270  }
0x192: {  	[tilespmem:s28+$0xFFFFFF90] =	vst v15  }
0x193: {  	v15 =	vld [tilespmem:s29+$0xFFFFFFA0];
	_ =	sdelay $0x2  }
0x194: {  	v16 =	vperm.xlane v14, v5;
	_ =	sdelay $0x1  }
0x195: {  	v15 =	vmul.f32 v15, v16;
	_ =	sdelay $0x1  }
0x196: {  	[tilespmem:s28+$0xFFFFFFA0] =	vst v15  }
0x197: {  	v15 =	vld [tilespmem:s29+$0xFFFFFFB0];
	_ =	sdelay $0x2  }
0x198: {  	v16 =	vperm.xlane v14, v6;
	_ =	sdelay $0x1  }
0x199: {  	v15 =	vmul.f32 v15, v16;
	_ =	sdelay $0x1  }
0x19a: {  	[tilespmem:s28+$0xFFFFFFB0] =	vst v15  }
0x19b: {  	v15 =	vld [tilespmem:s29+$0xFFFFFFC0];
	_ =	sdelay $0x2  }
0x19c: {  	v16 =	vperm.xlane v14, v7;
	_ =	sdelay $0x1  }
0x19d: {  	v15 =	vmul.f32 v15, v16;
	_ =	sdelay $0x1  }
0x19e: {  	[tilespmem:s28+$0xFFFFFFC0] =	vst v15  }
0x19f: {  	v15 =	vld [tilespmem:s29+$0xFFFFFFD0];
	_ =	sdelay $0x2  }
0x1a0: {  	v16 =	vperm.xlane v14, v8;
	_ =	sdelay $0x1  }
0x1a1: {  	v15 =	vmul.f32 v15, v16;
	_ =	sdelay $0x1  }
0x1a2: {  	[tilespmem:s28+$0xFFFFFFD0] =	vst v15  }
0x1a3: {  	v15 =	vld [tilespmem:s29+$0xFFFFFFE0];
	_ =	sdelay $0x2  }
0x1a4: {  	v16 =	vperm.xlane v14, v9;
	_ =	sdelay $0x1  }
0x1a5: {  	v15 =	vmul.f32 v15, v16;
	_ =	sdelay $0x1  }
0x1a6: {  	[tilespmem:s28+$0xFFFFFFE0] =	vst v15  }
0x1a7: {  	v15 =	vld [tilespmem:s29+$0xFFFFFFF0];
	_ =	sdelay $0x2  }
0x1a8: {  	v16 =	vperm.xlane v14, v10;
	_ =	sdelay $0x1  }
0x1a9: {  	s23 =	simm.s32 $0x1;
	v15 =	vmul.f32 v15, v16  }
0x1aa: {  	v16 =	vmov s23  }
0x1ab: {  	[tilespmem:s28+$0xFFFFFFF0] =	vst v15;
	v15 =	vperm.xlane v12, v16;
	_ =	sdelay $0x1  }
0x1ac: {  	v17 =	vperm.xlane v13, v16;
	v16 =	vshll.u32 v16, $0x7;
	v18 =	vld [tilespmem:s29+$0x0];
	v15 =	vadd.s32 v1, v15  }
0x1ad: {  	v21 =	vperm.xlane v14, v2;
	v16 =	vadd.s32 $0x800, v16;
	v20 =	vand.u32 $0xFFFFFF80, v15  }
0x1ae: {  	v17 =	vadd.s32 v1, v17;
	v14 =	vand.u32 $0x7F, v15;
	v15 =	vadd.s32 v16, v20  }
0x1af: {  	v19 =	vand.u32 $0xFFFFFF80, v17;
	v14 =	vor.u32 v14, v15  }
0x1b0: {  	v19 =	vadd.s32 v16, v19;
	v16 =	vand.u32 $0x7F, v17  }
0x1b1: {  	s23 =	simm.s32 $0x2;
	v15 =	vor.u32 v16, v19;
	v16 =	vmul.f32 v18, v21  }
.LBB2_7:
0x1b2: {  	s29 =	sadd.s32 $0x80, s29  }
0x1b3: {  	s10 =	smov.u32 s23;
	s18 =	sadd.s32 $0x1, s23;
	[tilespmem:s28+$0x0] =	vst v16;
	s28 =	sadd.s32 $0x80, s28  }
0x1b4: {  	p0 =	sne.s32 s23, $0xF;
	v16 =	vld.idx.msk [tilespmem:v14+s16+$0x0], $0xffff;
	_ =	sdelay $0x1  }
0x1b5: {  	v15 =	vld.idx.msk [tilespmem:v15+s14+$0x0], $0xffff;
	_ =	sdelay $0x3  }
0x1b6: {  	v16 =	vperm.xlane v16, v3;
	_ =	sdelay $0x1  }
0x1b7: {  	v15 =	vadd.f32 v16, v15;
	v16 =	vadd.f32 v16, v11;
	_ =	sdelay $0x1  }
0x1b8: {  	v17 =	vmul.f32 $2.000000030e-01, v15;
	v18 =	vmul.f32 $2.000000030e-01, v16  }
0x1b9: {  	vm1 =	vge.f32 v15, $0.0e+00;
	vm2 =	vge.f32 v16, $0.0e+00  }
0x1ba: {  	v15 =	vsel vm1, v15, v17;
	v16 =	vsel vm2, v16, v18  }
0x1bb: {  	v15 =	vsub.f32 v15, v16;
	_ =	sdelay $0x1  }
0x1bc: {  	v15 =	vmul.f32 $1.442695020e+00, v15;
	_ =	sdelay $0x1  }
0x1bd: {  	(erf) = vpow2.f32 v15;
	_ =	sdelay $0x8  }
0x1be: {  	v15 =	vpop (erf)  }
0x1bf: {  	v15 =	vnsel vm0, $0x0, v15  }
0x1c0: {  	[tilespmem:v14+s30+$0x0] =	vst.idx.msk $0xffff, v15  }
0x1c1: {  	v14 =	vld [tilespmem:s29+$0xFFFFFF90];
	_ =	sdelay $0x2  }
0x1c2: {  	v16 =	vperm.xlane v15, v4;
	_ =	sdelay $0x1  }
0x1c3: {  	v14 =	vmul.f32 v14, v16;
	_ =	sdelay $0x1  }
0x1c4: {  	[tilespmem:s28+$0xFFFFFF90] =	vst v14  }
0x1c5: {  	v14 =	vld [tilespmem:s29+$0xFFFFFFA0];
	_ =	sdelay $0x2  }
0x1c6: {  	v16 =	vperm.xlane v15, v5;
	_ =	sdelay $0x1  }
0x1c7: {  	v14 =	vmul.f32 v14, v16;
	_ =	sdelay $0x1  }
0x1c8: {  	[tilespmem:s28+$0xFFFFFFA0] =	vst v14  }
0x1c9: {  	v14 =	vld [tilespmem:s29+$0xFFFFFFB0];
	_ =	sdelay $0x2  }
0x1ca: {  	v16 =	vperm.xlane v15, v6;
	_ =	sdelay $0x1  }
0x1cb: {  	v14 =	vmul.f32 v14, v16;
	_ =	sdelay $0x1  }
0x1cc: {  	[tilespmem:s28+$0xFFFFFFB0] =	vst v14  }
0x1cd: {  	v14 =	vld [tilespmem:s29+$0xFFFFFFC0];
	_ =	sdelay $0x2  }
0x1ce: {  	v16 =	vperm.xlane v15, v7;
	_ =	sdelay $0x1  }
0x1cf: {  	v14 =	vmul.f32 v14, v16;
	_ =	sdelay $0x1  }
0x1d0: {  	[tilespmem:s28+$0xFFFFFFC0] =	vst v14  }
0x1d1: {  	v14 =	vld [tilespmem:s29+$0xFFFFFFD0];
	_ =	sdelay $0x2  }
0x1d2: {  	v16 =	vperm.xlane v15, v8;
	_ =	sdelay $0x1  }
0x1d3: {  	v14 =	vmul.f32 v14, v16;
	_ =	sdelay $0x1  }
0x1d4: {  	[tilespmem:s28+$0xFFFFFFD0] =	vst v14  }
0x1d5: {  	v14 =	vld [tilespmem:s29+$0xFFFFFFE0];
	_ =	sdelay $0x2  }
0x1d6: {  	v16 =	vperm.xlane v15, v9;
	_ =	sdelay $0x1  }
0x1d7: {  	v14 =	vmul.f32 v14, v16;
	_ =	sdelay $0x1  }
0x1d8: {  	[tilespmem:s28+$0xFFFFFFE0] =	vst v14  }
0x1d9: {  	v14 =	vld [tilespmem:s29+$0xFFFFFFF0];
	_ =	sdelay $0x2  }
0x1da: {  	v16 =	vperm.xlane v15, v10;
	_ =	sdelay $0x1  }
0x1db: {  	v17 =	vmov s10;
	v14 =	vmul.f32 v14, v16  }
0x1dc: {  	v18 =	vperm.xlane v12, v17;
	v16 =	vperm.xlane v13, v17;
	v17 =	vshll.u32 v17, $0x7  }
0x1dd: {  	[tilespmem:s28+$0xFFFFFFF0] =	vst v14  }
0x1de: {  	v14 =	vadd.s32 v1, v16;
	v16 =	vadd.s32 v1, v18;
	v18 =	vld [tilespmem:s29+$0x0]  }
.Ltmp2:
0x1df: {  	v17 =	vadd.s32 $0x800, v17;
	v19 =	vand.u32 $0xFFFFFF80, v14;
	v20 =	vand.u32 $0xFFFFFF80, v16;
	(pc) =	sbr.rel @p0 .LBB2_7-.Ltmp2, $4  }
0x1e0: {  	v16 =	vand.u32 $0x7F, v16;
	v19 =	vadd.s32 v17, v19;
	v17 =	vadd.s32 v17, v20  }
0x1e1: {  	v20 =	vand.u32 $0x7F, v14;
	v14 =	vor.u32 v16, v17;
	v16 =	vperm.xlane v15, v2  }
0x1e2: {  	v15 =	vor.u32 v20, v19  }
0x1e3: {  	s23 =	smov.u32 s18;
	v16 =	vmul.f32 v18, v16  }
0x1e4: {  	_ =	sdelay $0x2  }
0x1e5: {  	[tilespmem:s28+$0x0] =	vst v16  }
0x1e6: {  	v12 =	vld.idx.msk [tilespmem:v14+s16+$0x0], $0xffff;
	_ =	sdelay $0x1  }
0x1e7: {  	v13 =	vld.idx.msk [tilespmem:v15+s14+$0x0], $0xffff;
	_ =	sdelay $0x2  }
0x1e8: {  	v12 =	vperm.xlane v12, v3;
	_ =	sdelay $0x1  }
0x1e9: {  	v13 =	vadd.f32 v12, v13;
	v12 =	vadd.f32 v12, v11;
	_ =	sdelay $0x1  }
0x1ea: {  	v15 =	vmul.f32 $2.000000030e-01, v13;
	v62 =	vmul.f32 $2.000000030e-01, v12  }
0x1eb: {  	vm1 =	vge.f32 v13, $0.0e+00;
	vm2 =	vge.f32 v12, $0.0e+00  }
0x1ec: {  	v13 =	vsel vm1, v13, v15;
	v12 =	vsel vm2, v12, v62  }
0x1ed: {  	v12 =	vsub.f32 v13, v12;
	_ =	sdelay $0x1  }
0x1ee: {  	v12 =	vmul.f32 $1.442695020e+00, v12;
	_ =	sdelay $0x1  }
0x1ef: {  	(erf) = vpow2.f32 v12;
	_ =	sdelay $0x8  }
0x1f0: {  	v12 =	vpop (erf)  }
0x1f1: {  	v12 =	vnsel vm0, $0x0, v12  }
0x1f2: {  	s10 =	sadd.s32 $0x80, s29;
	[tilespmem:v14+s30+$0x0] =	vst.idx.msk $0xffff, v12  }
0x1f3: {  	v13 =	vld [tilespmem:s10+$0xFFFFFF90];
	_ =	sdelay $0x2  }
0x1f4: {  	v14 =	vperm.xlane v12, v4;
	_ =	sdelay $0x1  }
0x1f5: {  	v13 =	vmul.f32 v13, v14  }
0x1f6: {  	s18 =	sadd.s32 $0x80, s28  }
0x1f7: {  	[tilespmem:s18+$0xFFFFFF90] =	vst v13  }
0x1f8: {  	v13 =	vld [tilespmem:s10+$0xFFFFFFA0];
	_ =	sdelay $0x2  }
0x1f9: {  	v14 =	vperm.xlane v12, v5;
	_ =	sdelay $0x1  }
0x1fa: {  	v13 =	vmul.f32 v13, v14;
	_ =	sdelay $0x1  }
0x1fb: {  	[tilespmem:s18+$0xFFFFFFA0] =	vst v13  }
0x1fc: {  	v13 =	vld [tilespmem:s10+$0xFFFFFFB0];
	_ =	sdelay $0x2  }
0x1fd: {  	v14 =	vperm.xlane v12, v6;
	_ =	sdelay $0x1  }
0x1fe: {  	v13 =	vmul.f32 v13, v14;
	_ =	sdelay $0x1  }
0x1ff: {  	[tilespmem:s18+$0xFFFFFFB0] =	vst v13  }
0x200: {  	v13 =	vld [tilespmem:s10+$0xFFFFFFC0];
	_ =	sdelay $0x2  }
0x201: {  	v14 =	vperm.xlane v12, v7;
	_ =	sdelay $0x1  }
0x202: {  	v13 =	vmul.f32 v13, v14;
	_ =	sdelay $0x1  }
0x203: {  	[tilespmem:s18+$0xFFFFFFC0] =	vst v13  }
0x204: {  	v13 =	vld [tilespmem:s10+$0xFFFFFFD0];
	_ =	sdelay $0x2  }
0x205: {  	v14 =	vperm.xlane v12, v8;
	_ =	sdelay $0x1  }
0x206: {  	v13 =	vmul.f32 v13, v14;
	_ =	sdelay $0x1  }
0x207: {  	[tilespmem:s18+$0xFFFFFFD0] =	vst v13  }
0x208: {  	v13 =	vld [tilespmem:s10+$0xFFFFFFE0];
	_ =	sdelay $0x2  }
0x209: {  	v14 =	vperm.xlane v12, v9;
	_ =	sdelay $0x1  }
0x20a: {  	v13 =	vmul.f32 v13, v14;
	_ =	sdelay $0x1  }
0x20b: {  	[tilespmem:s18+$0xFFFFFFE0] =	vst v13  }
0x20c: {  	v13 =	vld [tilespmem:s10+$0xFFFFFFF0];
	_ =	sdelay $0x2  }
0x20d: {  	v14 =	vperm.xlane v12, v10;
	_ =	sdelay $0x1  }
0x20e: {  	v13 =	vmul.f32 v13, v14;
	_ =	sdelay $0x1  }
0x20f: {  	[tilespmem:s18+$0xFFFFFFF0] =	vst v13  }
0x210: {  	v13 =	vld [tilespmem:s10+$0x0];
	_ =	sdelay $0x2  }
0x211: {  	v12 =	vperm.xlane v12, v2;
	_ =	sdelay $0x1  }
0x212: {  	v12 =	vmul.f32 v13, v12;
	_ =	sdelay $0x1  }
0x213: {  	[tilespmem:s18+$0x0] =	vst v12  }
0x214: {  	[spmem:s2] =	stream.indirect.scatter.add.f32 [tilespmem:s22], [sflag:$0x4], $0x80, s5, s1, $0xb8;
	[tilespmem:$0x1BE00] =	vst v63  }
0x215: {  	_ =	swait.ge [sflag:s31], $0x1000  }
0x216: {  	[sflag:s31] =	ssyncset.done $0x0  }
0x217: {  	[sflag:s31] =	ssyncadd.s32 $0xFFFFF000  }
0x218: {  	[spmem:s3] =	stream.indirect.scatter.add.f32 [tilespmem:s30], [sflag:$0x4], $0x80, s15, s1, $0xb8;
	[tilespmem:$0x1BE00] =	vst v63  }
0x219: {  	_ =	swait.ge [sflag:s31], $0x1000  }
0x21a: {  	[sflag:s31] =	ssyncset.done $0x0  }
0x21b: {  	[sflag:s31] =	ssyncadd.s32 $0xFFFFF000  }
0x21c: {  	v12 =	vld [tilespmem:$0x16880];
	_ =	sdelay $0x4  }
0x21d: {  	s29 =	simm.s32 $0x0;
	v12 =	vshll.u32 v12, $0x4  }
0x21e: {  	v13 =	vmov s29;
	v12 =	vand.u32 $0x70, v12  }
0x21f: {  	v14 =	vperm.xlane v12, v13;
	_ =	sdelay $0x1  }
0x220: {  	v14 =	vadd.s32 v1, v14  }
0x221: {  	v63 =	vshll.u32 v13, $0x7;
	v15 =	vand.u32 $0xFFFFFF80, v14  }
0x222: {  	s10 =	simm.s32 $0x1;
	v13 =	vand.u32 $0x7F, v14;
	v14 =	vadd.s32 v63, v15  }
.LBB2_9:
0x223: {  	v15 =	vmov s10;
	p0 =	sne.s32 s10, $0xF;
	s10 =	sadd.s32 $0x1, s10;
	v16 =	vor.u32 v13, v14  }
.Ltmp3:
0x224: {  	v13 =	vperm.xlane v12, v15;
	(pc) =	sbr.rel @p0 .LBB2_9-.Ltmp3, $4  }
0x225: {  	_ = 	snop  }
0x226: {  	v13 =	vadd.s32 v1, v13  }
0x227: {  	v15 =	vshll.u32 v15, $0x7;
	v14 =	vand.u32 $0xFFFFFF80, v13  }
0x228: {  	v13 =	vand.u32 $0x7F, v13;
	v14 =	vadd.s32 v15, v14;
	[tilespmem:v16+s30+$0x0] =	vst.idx.msk $0xffff, v0  }
0x229: {  	v12 =	vor.u32 v13, v14;
	_ =	sdelay $0x4  }
0x22a: {  	[tilespmem:v12+s30+$0x0] =	vst.idx.msk $0xffff, v0  }
0x22b: {  	v12 =	vld [tilespmem:$0x16890];
	_ =	sdelay $0x4  }
0x22c: {  	s10 =	simm.s32 $0x0;
	v12 =	vshll.u32 v12, $0x4  }
0x22d: {  	v13 =	vmov s10;
	v12 =	vand.u32 $0x70, v12  }
0x22e: {  	v14 =	vperm.xlane v12, v13;
	_ =	sdelay $0x1  }
0x22f: {  	v14 =	vadd.s32 v1, v14  }
0x230: {  	v13 =	vshll.u32 v13, $0x7;
	v17 =	vand.u32 $0xFFFFFF80, v14  }
0x231: {  	s29 =	simm.s32 $0x1;
	v14 =	vand.u32 $0x7F, v14;
	v13 =	vadd.s32 v17, v13  }
0x232: {  	v15 =	vmov s29;
	v13 =	vor.u32 v14, v13  }
0x233: {  	v16 =	vperm.xlane v12, v15;
	v13 =	vadd.s32 $0x800, v13;
	_ =	sdelay $0x1  }
0x234: {  	v16 =	vadd.s32 v1, v16  }
0x235: {  	v15 =	vshll.u32 v15, $0x7;
	v17 =	vand.u32 $0xFFFFFF80, v16  }
0x236: {  	s10 =	simm.s32 $0x2;
	v14 =	vand.u32 $0x7F, v16;
	v15 =	vadd.s32 v17, v15  }
.LBB2_11:
0x237: {  	v16 =	vmov s10;
	p0 =	sne.s32 s10, $0xF;
	s10 =	sadd.s32 $0x1, s10;
	v14 =	vor.u32 v14, v15;
	[tilespmem:v13+s30+$0x0] =	vst.idx.msk $0xffff, v0  }
.Ltmp4:
0x238: {  	v15 =	vperm.xlane v12, v16;
	v13 =	vadd.s32 $0x800, v14;
	(pc) =	sbr.rel @p0 .LBB2_11-.Ltmp4, $4  }
0x239: {  	_ = 	snop  }
0x23a: {  	v14 =	vadd.s32 v1, v15  }
0x23b: {  	v16 =	vshll.u32 v16, $0x7;
	v15 =	vand.u32 $0xFFFFFF80, v14  }
0x23c: {  	v14 =	vand.u32 $0x7F, v14;
	v15 =	vadd.s32 v15, v16  }
0x23d: {  	v12 =	vor.u32 v14, v15;
	s26 =	sadd.s32 $0x1, s26  }
0x23e: {  	v12 =	vadd.s32 $0x800, v12;
	p0 =	sne.s32 s26, s19  }
.Ltmp5:
0x23f: {  	_ = 	snop;
	(pc) =	sbr.rel @p0 .LBB2_4-.Ltmp5, $3  }
0x240: {  	_ =	sdelay $0x1  }
0x241: {  	[tilespmem:v13+s30+$0x0] =	vst.idx.msk $0xffff, v0  }
0x242: {  	[tilespmem:v12+s30+$0x0] =	vst.idx.msk $0xffff, v0  }
0x243: {  	[bflag:$0x0] =	sbarrier.arrive $0xFFFF  }
0x244: {  	s24 =	rddreg [dreg:$0x5]  }
0x245: {  	[tilespmem:s12], [sflag:$0x4] =	stream.linear.gather [spmem:s24], $0x1000, $0x38;
	[tilespmem:$0x1BE00] =	vst v63  }
0x246: {  	_ =	swait.ge [sflag:s31], $0x1000  }
0x247: {  	[sflag:s31] =	ssyncset.done $0x0  }
0x248: {  	s10 =	sadd.s32 $0x0, s25;
	[sflag:s31] =	ssyncadd.s32 $0xFFFFF000  }
0x249: {  	[hbm4b:s10+s4] =	stream.linear.scatter [tilespmem:s12], [sflag:$0x4], $0x1000, $0x38;
	[tilespmem:$0x1BE00] =	vst v63  }
0x24a: {  	_ =	swait.ge [sflag:s31], $0x1000  }
0x24b: {  	s18 =	smov.u32 s24;
	s10 =	simm.s32 $0x200;
	[sflag:s31] =	ssyncset.done $0x0  }
.LBB2_14:
0x24c: {  	p0 =	sne.s32 s10, $0x2600;
	[sflag:s31] =	ssyncadd.s32 $0xFFFFF000;
	s18 =	sadd.s32 $0x1000, s18  }
0x24d: {  	[tilespmem:s12], [sflag:$0x4] =	stream.linear.gather [spmem:s18], $0x1000, $0x38;
	[tilespmem:$0x1BE00] =	vst v63  }
0x24e: {  	s23 =	smov.u32 s10;
	s10 =	sadd.s32 $0x200, s10;
	_ =	swait.ge [sflag:s31], $0x1000  }
.Ltmp6:
0x24f: {  	[sflag:s31] =	ssyncset.done $0x0;
	(pc) =	sbr.rel @p0 .LBB2_14-.Ltmp6, $4  }
0x250: {  	s23 =	sadd.s32 s23, s25;
	[sflag:s31] =	ssyncadd.s32 $0xFFFFF000  }
0x251: {  	[hbm4b:s23+s4] =	stream.linear.scatter [tilespmem:s12], [sflag:$0x4], $0x1000, $0x38;
	[tilespmem:$0x1BE00] =	vst v63  }
0x252: {  	_ =	swait.ge [sflag:s31], $0x1000  }
0x253: {  	[sflag:s31] =	ssyncset.done $0x0  }
0x254: {  	[sflag:s31] =	ssyncadd.s32 $0xFFFFF000;
	s23 =	rddreg [dreg:$0xc]  }
0x255: {  	[tilespmem:s12], [sflag:$0x4] =	stream.linear.gather [spmem:s23], $0x800, $0x38;
	[tilespmem:$0x1BE00] =	vst v63  }
0x256: {  	_ =	swait.ge [sflag:s31], $0x800  }
0x257: {  	[sflag:s31] =	ssyncset.done $0x0  }
0x258: {  	s10 =	rddreg [dreg:$0x6];
	[sflag:s31] =	ssyncadd.s32 $0xFFFFF800  }
0x259: {  	[hbm4b:s10+s4] =	stream.linear.scatter [tilespmem:s12], [sflag:$0x4], $0x800, $0x38;
	[tilespmem:$0x1BE00] =	vst v63  }
0x25a: {  	_ =	swait.ge [sflag:s31], $0x800  }
0x25b: {  	[sflag:s31] =	ssyncset.done $0x0  }
0x25c: {  	s29 =	rddreg [dreg:$0xe];
	[sflag:s31] =	ssyncadd.s32 $0xFFFFF800  }
0x25d: {  	[tilespmem:s12], [sflag:$0x4] =	stream.linear.gather [spmem:s29], $0x800, $0x38;
	[tilespmem:$0x1BE00] =	vst v63  }
0x25e: {  	_ =	swait.ge [sflag:s31], $0x800  }
0x25f: {  	[sflag:s31] =	ssyncset.done $0x0  }
0x260: {  	s18 =	rddreg [dreg:$0x7];
	[sflag:s31] =	ssyncadd.s32 $0xFFFFF800  }
0x261: {  	[hbm4b:s18+s4] =	stream.linear.scatter [tilespmem:s12], [sflag:$0x4], $0x800, $0x38;
	[tilespmem:$0x1BE00] =	vst v63  }
0x262: {  	_ =	swait.ge [sflag:s31], $0x800  }
0x263: {  	[sflag:s31] =	ssyncset.done $0x0  }
0x264: {  	s26 =	rddreg [dreg:$0xf];
	[sflag:s31] =	ssyncadd.s32 $0xFFFFF800  }
0x265: {  	[tilespmem:s12], [sflag:$0x4] =	stream.linear.gather [spmem:s26], $0x800, $0x38;
	[tilespmem:$0x1BE00] =	vst v63  }
0x266: {  	_ =	swait.ge [sflag:s31], $0x800  }
0x267: {  	[sflag:s31] =	ssyncset.done $0x0  }
0x268: {  	s28 =	rddreg [dreg:$0x8];
	[sflag:s31] =	ssyncadd.s32 $0xFFFFF800  }
0x269: {  	[hbm4b:s28+s4] =	stream.linear.scatter [tilespmem:s12], [sflag:$0x4], $0x800, $0x38;
	[tilespmem:$0x1BE00] =	vst v63  }
0x26a: {  	_ =	swait.ge [sflag:s31], $0x800  }
0x26b: {  	[sflag:s31] =	ssyncset.done $0x0  }
0x26c: {  	s29 =	rddreg [dreg:$0x10];
	[sflag:s31] =	ssyncadd.s32 $0xFFFFF800  }
0x26d: {  	[tilespmem:s12], [sflag:$0x4] =	stream.linear.gather [spmem:s29], $0x800, $0x38;
	[tilespmem:$0x1BE00] =	vst v63  }
0x26e: {  	_ =	swait.ge [sflag:s31], $0x800  }
0x26f: {  	[sflag:s31] =	ssyncset.done $0x0  }
0x270: {  	s18 =	rddreg [dreg:$0x9];
	[sflag:s31] =	ssyncadd.s32 $0xFFFFF800  }
0x271: {  	[hbm4b:s18+s4] =	stream.linear.scatter [tilespmem:s12], [sflag:$0x4], $0x800, $0x38;
	[tilespmem:$0x1BE00] =	vst v63  }
0x272: {  	_ =	swait.ge [sflag:s31], $0x800  }
0x273: {  	[sflag:s31] =	ssyncset.done $0x0  }
0x274: {  	s26 =	rddreg [dreg:$0x11];
	[sflag:s31] =	ssyncadd.s32 $0xFFFFF800  }
0x275: {  	[tilespmem:s12], [sflag:$0x4] =	stream.linear.gather [spmem:s26], $0x800, $0x38;
	[tilespmem:$0x1BE00] =	vst v63  }
0x276: {  	_ =	swait.ge [sflag:s31], $0x800  }
0x277: {  	[sflag:s31] =	ssyncset.done $0x0  }
0x278: {  	s28 =	rddreg [dreg:$0xa];
	[sflag:s31] =	ssyncadd.s32 $0xFFFFF800  }
0x279: {  	[hbm4b:s28+s4] =	stream.linear.scatter [tilespmem:s12], [sflag:$0x4], $0x800, $0x38;
	[tilespmem:$0x1BE00] =	vst v63  }
0x27a: {  	_ =	swait.ge [sflag:s31], $0x800  }
0x27b: {  	s18 =	sld [smem:$0x7F5];
	_ =	sdelay $0x2  }
0x27c: {  	s29 =	rddreg [dreg:$0xd];
	s18 =	sadd.s32 $0x1, s18  }
0x27d: {  	p0 =	sne.s32 s18, s29  }
.Ltmp7:
0x27e: {  	_ = 	snop;
	(pc) =	sbr.rel @p0 .LBB2_1-.Ltmp7, $3  }
0x27f: {  	_ =	sdelay $0x1  }
0x280: {  	[sflag:s31] =	ssyncset.done $0x0  }
0x281: {  	[sflag:s31] =	ssyncadd.s32 $0xFFFFF800  }
0x282: {  	_ =	sfence.sel $0x180000  }
0x283: {  	[bflag:$0x0] =	sbarrier.arrive $0xFFFF  }
0x284: {  	_ =	strace $0x90000047  }
0x285: {  	s0 =	stileid.u32;
	[bflag:$0x2] =	sbarrier.arrive $0xFFFF  }
0x286: {  	p0 =	sne.s32 s0, $0x0;
	s0 =	rddreg [dreg:$0x4]  }
0x287: {  	s0 =	sadd.s32 @!p0 $0x100000, s0  }
0x288: {  	[sflag:s0] =	ssyncadd.tile.s32 @!p0 $0x1;
	_ =	shalt  }
.Lfunc_end2:
_tile_overlayer_lowered:
.L_overlay_start_2:
0x289: {  	(tag) =	ssettag $0x2  }
0x28a: {  	s0 =	rddreg [dreg:$0x0];
	s2 =	stileid.u32  }
0x28b: {  	s1 =	rddreg [dreg:$0x1];
	p0 =	sne.s32 s2, $0x0  }
0x28c: {  	s3 =	rddreg [dreg:$0x2];
	[bflag:$0x3] =	sbarrier.arrive $0xFFFF;
	s2 =	simm.s32 @!p0 $0x1C04  }
0x28d: {  	[timem:s3], [sflag:s2] =	dma.local @!p0 [hbm:s0], s1  }
0x28e: {  	s0 =	simm.s32 @!p0 $0x4  }
0x28f: {  	_ =	swait.ge @!p0 [sflag:s0], s1  }
0x290: {  	s1 =	ssub.s32 @!p0 $0x0, s1;
	[sflag:s0] =	ssyncset.done @!p0 $0x0  }
0x291: {  	[sflag:s0] =	ssyncadd.s32 @!p0 s1  }
0x292: {  	[bflag:$0x3] =	sbarrier.arrive $0xFFFF  }
0x293: {  	_ =	shalt  }

</sc_bundles>
